<compile_context>
chip_gen: v7x
topology: tpu7x:2x2x1
jax: 0.10.2.dev20260603
libtpu: 0.0.44.dev20260713+nightly
codegen_flags: <defaults>
</compile_context>

<pallas_src>
import functools

import jax
import jax.numpy as jnp
from jax import lax
from jax.experimental import pallas as pl
from jax.experimental.pallas import tpu as pltpu
from jax.experimental.pallas import tpu_sc as plsc

_N = 10000
_E = 320000
_NSUB = 16
_NW = 32
_EPW = _E // _NW
_ROWS_PT = 624
_NDPAD = 10240
_DPT = _NDPAD // _NSUB


def _sc_mesh():
    return plsc.VectorSubcoreMesh(core_axis_name="c", subcore_axis_name="s")



def _make_deg():
    EC = 2000

    @functools.partial(
        pl.kernel,
        out_type=jax.ShapeDtypeStruct((2 * _NDPAD,), jnp.float32),
        mesh=_sc_mesh(),
        scratch_types=[
            pltpu.VMEM((EC,), jnp.int32),
            pltpu.VMEM((EC,), jnp.float32),
            pltpu.VMEM_SHARED((_NDPAD,), jnp.float32),
            pltpu.SemaphoreType.DMA,
        ],
    )
    def deg_kernel(dst_hbm, out_hbm, didx_v, ones_v, acc_sh, sem):
        cid = lax.axis_index("c")
        sid = lax.axis_index("s")
        wid = cid * _NSUB + sid
        one16 = jnp.ones((16,), jnp.float32)

        def fill(i, carry):
            ones_v[pl.ds(i * 16, 16)] = one16
            return carry

        lax.fori_loop(0, EC // 16, fill, 0)
        r0 = pl.multiple_of(sid * _DPT, 8)
        pltpu.sync_copy(ones_v.at[pl.ds(0, _DPT)], acc_sh.at[pl.ds(r0, _DPT)])
        plsc.subcore_barrier()
        for k in range(_EPW // EC):
            base = pl.multiple_of(wid * _EPW + k * EC, 8)
            pltpu.sync_copy(dst_hbm.at[pl.ds(base, EC)], didx_v)
            pltpu.sync_copy(ones_v, acc_sh.at[didx_v], add=True)
        plsc.subcore_barrier()
        o0 = pl.multiple_of(cid * _NDPAD + sid * _DPT, 8)
        pltpu.sync_copy(acc_sh.at[pl.ds(r0, _DPT)], out_hbm.at[pl.ds(o0, _DPT)])

    return deg_kernel


def _make_spmm(width):
    EC = 1000 if width == 32 else 2000
    NCH = _EPW // EC

    @functools.partial(
        pl.kernel,
        out_type=jax.ShapeDtypeStruct((2 * _N, width), jnp.float32),
        mesh=_sc_mesh(),
        compiler_params=pltpu.CompilerParams(use_tc_tiling_on_sc=False),
        scratch_types=[
            pltpu.VMEM((_EPW,), jnp.int32),
            pltpu.VMEM((EC,), jnp.int32),
            pltpu.VMEM((EC,), jnp.int32),
            pltpu.VMEM((EC, width), jnp.float32),
            pltpu.VMEM((EC, width), jnp.float32),
            pltpu.VMEM_SHARED((_N, width), jnp.float32),
            pltpu.SemaphoreType.DMA,
            pltpu.SemaphoreType.DMA,
        ],
    )
    def spmm_kernel(g_hbm, src_hbm, dst_hbm, out_hbm,
                    sidx_all, didx0, didx1, rows0, rows1, acc_sh, sem0, sem1):
        cid = lax.axis_index("c")
        sid = lax.axis_index("s")
        wid = cid * _NSUB + sid
        ebase = pl.multiple_of(wid * _EPW, 8)
        pltpu.sync_copy(src_hbm.at[pl.ds(ebase, _EPW)], sidx_all)
        bufs = [(didx0, rows0, sem0), (didx1, rows1, sem1)]
        handles = {}

        def fire(k):
            didx, rows, sem = bufs[k % 2]
            base = pl.multiple_of(wid * _EPW + k * EC, 8)
            pltpu.sync_copy(dst_hbm.at[pl.ds(base, EC)], didx)
            handles[k] = pltpu.async_copy(
                g_hbm.at[sidx_all.at[pl.ds(k * EC, EC)]], rows, sem)

        fire(0)
        r0 = pl.multiple_of(sid * _ROWS_PT, 8)
        rem = _NSUB * _ROWS_PT
        pltpu.sync_copy(g_hbm.at[pl.ds(r0, _ROWS_PT)], acc_sh.at[pl.ds(r0, _ROWS_PT)])

        @pl.when(sid == _NSUB - 1)
        def _():
            pltpu.sync_copy(g_hbm.at[pl.ds(rem, _N - rem)],
                            acc_sh.at[pl.ds(rem, _N - rem)])

        plsc.subcore_barrier()
        for k in range(NCH):
            if k + 1 < NCH:
                fire(k + 1)
            handles[k].wait()
            didx, rows, _ = bufs[k % 2]
            pltpu.sync_copy(rows, acc_sh.at[didx], add=True)
        plsc.subcore_barrier()
        o0 = pl.multiple_of(cid * _N + sid * _ROWS_PT, 8)
        pltpu.sync_copy(acc_sh.at[pl.ds(r0, _ROWS_PT)], out_hbm.at[pl.ds(o0, _ROWS_PT)])

        @pl.when(sid == _NSUB - 1)
        def _():
            ob = pl.multiple_of(cid * _N + rem, 8)
            pltpu.sync_copy(acc_sh.at[pl.ds(rem, _N - rem)],
                            out_hbm.at[pl.ds(ob, _N - rem)])

    return spmm_kernel



_R = 1000
_GRID = (_N // _R,)


def _row_spec(w):
    return pl.BlockSpec((_R, w), lambda i: (i, 0))


def _full_spec(r, c):
    return pl.BlockSpec((r, c), lambda i: (0, 0))


def _dinv(d0_ref, d1_ref):
    return 1.0 / jnp.sqrt(d0_ref[...] + d1_ref[...] - 1.0)


def _bf16_dot(a, b):
    return jnp.dot(a.astype(jnp.bfloat16), b.astype(jnp.bfloat16),
                   preferred_element_type=jnp.float32)


def _tc_first_fused(x, W0, d0, d1):
    def body(x_ref, w_ref, d0_ref, d1_ref, o_ref, wpad_ref):
        wpad_ref[...] = jnp.zeros(wpad_ref.shape, jnp.float32)
        wpad_ref[:, 0:30] = w_ref[...]
        dinv = _dinv(d0_ref, d1_ref)
        o_ref[...] = dinv * _bf16_dot(x_ref[...], wpad_ref[...])

    return pl.pallas_call(
        body,
        grid=_GRID,
        in_specs=[_row_spec(128), _full_spec(128, 30), _row_spec(1), _row_spec(1)],
        out_specs=_row_spec(32),
        out_shape=jax.ShapeDtypeStruct((_N, 32), jnp.float32),
        scratch_shapes=[pltpu.VMEM((128, 32), jnp.float32)],
    )(x, W0, d0, d1)


def _u_specs():
    return (pl.BlockSpec((_R, 32), lambda i: (i, 0)),
            pl.BlockSpec((_R, 32), lambda i: (i + _N // _R, 0)))


def _tc_mid(u, g, d0, d1, b, w):
    def body(ua_ref, ub_ref, g_ref, d0_ref, d1_ref, b_ref, w_ref, o_ref,
             wpad_ref, bpad_ref):
        wpad_ref[...] = jnp.zeros(wpad_ref.shape, jnp.float32)
        wpad_ref[0:30, 0:30] = w_ref[...]
        bpad_ref[...] = jnp.zeros(bpad_ref.shape, jnp.float32)
        bpad_ref[0:1, 0:30] = b_ref[...].reshape(1, 30)
        dinv = _dinv(d0_ref, d1_ref)
        h = jnp.maximum(
            dinv * (ua_ref[...] + ub_ref[...] - g_ref[...]) + bpad_ref[...], 0.0)
        o_ref[...] = dinv * _bf16_dot(h, wpad_ref[...])

    ua_spec, ub_spec = _u_specs()
    return pl.pallas_call(
        body,
        grid=_GRID,
        in_specs=[ua_spec, ub_spec, _row_spec(32),
                  _row_spec(1), _row_spec(1),
                  pl.BlockSpec((30,), lambda i: (0,)), _full_spec(30, 30)],
        out_specs=_row_spec(32),
        out_shape=jax.ShapeDtypeStruct((_N, 32), jnp.float32),
        scratch_shapes=[pltpu.VMEM((32, 32), jnp.float32),
                        pltpu.VMEM((1, 32), jnp.float32)],
    )(u, u, g, d0, d1, b, w)


def _tc_final(u, g, d0, d1, b3, wl, bl):
    def body(ua_ref, ub_ref, g_ref, d0_ref, d1_ref, b3_ref, wl_ref, bl_ref, o_ref,
             wlpad_ref, b3pad_ref, blpad_ref):
        wlpad_ref[...] = jnp.zeros(wlpad_ref.shape, jnp.float32)
        wlpad_ref[0:30, 0:2] = wl_ref[...]
        b3pad_ref[...] = jnp.zeros(b3pad_ref.shape, jnp.float32)
        b3pad_ref[0:1, 0:30] = b3_ref[...].reshape(1, 30)
        blpad_ref[...] = jnp.zeros(blpad_ref.shape, jnp.float32)
        blpad_ref[0:1, 0:2] = bl_ref[...].reshape(1, 2)
        dinv = _dinv(d0_ref, d1_ref)
        h4 = dinv * (ua_ref[...] + ub_ref[...] - g_ref[...]) + b3pad_ref[...]
        o_ref[...] = (_bf16_dot(h4, wlpad_ref[...]) + blpad_ref[...])[:, 0:2]

    ua_spec, ub_spec = _u_specs()
    return pl.pallas_call(
        body,
        grid=_GRID,
        in_specs=[ua_spec, ub_spec, _row_spec(32),
                  _row_spec(1), _row_spec(1),
                  pl.BlockSpec((30,), lambda i: (0,)), _full_spec(30, 2),
                  pl.BlockSpec((2,), lambda i: (0,))],
        out_specs=_row_spec(2),
        out_shape=jax.ShapeDtypeStruct((_N, 2), jnp.float32),
        scratch_shapes=[pltpu.VMEM((32, 16), jnp.float32),
                        pltpu.VMEM((1, 32), jnp.float32),
                        pltpu.VMEM((1, 16), jnp.float32)],
    )(u, u, g, d0, d1, b3, wl, bl)



def kernel(x, edge_index, batch, W0, b0, W1, b1, W2, b2, W3, b3, Wl, bl):
    del batch
    src = edge_index[0]
    dst = edge_index[1]

    d_part = _make_deg()(dst)
    d0 = d_part[:_N].reshape(_N, 1)
    d1 = d_part[_NDPAD:_NDPAD + _N].reshape(_N, 1)

    spmm32 = _make_spmm(32)
    g0 = _tc_first_fused(x, W0, d0, d1)
    u = spmm32(g0, src, dst)
    g1 = _tc_mid(u, g0, d0, d1, b0, W1)
    u = spmm32(g1, src, dst)
    g2 = _tc_mid(u, g1, d0, d1, b1, W2)
    u = spmm32(g2, src, dst)
    g3 = _tc_mid(u, g2, d0, d1, b2, W3)
    u = spmm32(g3, src, dst)
    return _tc_final(u, g3, d0, d1, b3, Wl, bl)

# --- scband reference (transcript-rebuilt; emitter-appended) ---
"""Pipeline reference for scband-mutag-gcn-26371099198070 (READ-ONLY COPY).

The authoritative reference and input builder live on the scoring server;
editing this copy changes nothing except your own understanding.
"""

import jax, jax.numpy as jnp
import numpy as np

N = 10000
E = 320000
F_IN = 128
H = 30
C = 2
B = 64


def setup_inputs(seed: int = 0) -> dict:
    key = jax.random.key(seed)
    ks = jax.random.split(key, 14)
    x = jax.random.normal(ks[0], (N, F_IN), dtype=jnp.float32)
    edge_index = jax.random.randint(ks[1], (2, E), 0, N, dtype=jnp.int32)
    batch = jnp.sort(jax.random.randint(ks[2], (N,), 0, B, dtype=jnp.int32))
    def glorot(k, fan_in, fan_out):
        s = float(np.sqrt(6.0 / (fan_in + fan_out)))
        return jax.random.uniform(k, (fan_in, fan_out), jnp.float32, -s, s)
    W0 = glorot(ks[3], F_IN, H); b0 = jnp.zeros((H,), jnp.float32)
    W1 = glorot(ks[4], H, H); b1 = jnp.zeros((H,), jnp.float32)
    W2 = glorot(ks[5], H, H); b2 = jnp.zeros((H,), jnp.float32)
    W3 = glorot(ks[6], H, H); b3 = jnp.zeros((H,), jnp.float32)
    Wl = glorot(ks[7], H, C); bl = jnp.zeros((C,), jnp.float32)
    return {"x": x, "edge_index": edge_index, "batch": batch,
            "W0": W0, "b0": b0, "W1": W1, "b1": b1,
            "W2": W2, "b2": b2, "W3": W3, "b3": b3,
            "Wl": Wl, "bl": bl}


def gcn_conv(x, src, dst, W, b, n_nodes):
    # PyG GCNConv: x' = D^{-1/2} (A + I) D^{-1/2} X W + b
    h = x @ W
    loop = jnp.arange(n_nodes, dtype=src.dtype)
    s = jnp.concatenate([src, loop])
    d = jnp.concatenate([dst, loop])
    deg = jax.ops.segment_sum(jnp.ones(d.shape[0], dtype=h.dtype), d, num_segments=n_nodes)
    dinv = jnp.where(deg > 0, 1.0 / jnp.sqrt(deg), 0.0)
    norm = dinv[s] * dinv[d]
    msg = norm[:, None] * h[s]
    out = jax.ops.segment_sum(msg, d, num_segments=n_nodes)
    return out + b


def global_mean_pool(x, batch, num_graphs):
    s = jax.ops.segment_sum(x, batch, num_segments=num_graphs)
    cnt = jax.ops.segment_sum(jnp.ones(x.shape[0], dtype=x.dtype), batch, num_segments=num_graphs)
    return s / jnp.clip(cnt, 1.0)[:, None]


def reference(x, edge_index, batch, W0, b0, W1, b1, W2, b2, W3, b3, Wl, bl):
    src, dst = edge_index[0], edge_index[1]
    h = gcn_conv(x, src, dst, W0, b0, N)
    h = jax.nn.relu(h)
    _ = global_mean_pool(h, batch, B)
    h = gcn_conv(h, src, dst, W1, b1, N)
    h = jax.nn.relu(h)
    _ = global_mean_pool(h, batch, B)
    h = gcn_conv(h, src, dst, W2, b2, N)
    h = jax.nn.relu(h)
    _ = global_mean_pool(h, batch, B)
    h = gcn_conv(h, src, dst, W3, b3, N)
    _ = global_mean_pool(h, batch, B)
    out = h @ Wl + bl
    return out

if __name__ == "__main__":
    import jax
    _d = setup_inputs()
    print(jax.jit(kernel)(*tuple(_d.values())))

</pallas_src>

<mosaic_0001>
#map = affine_map<(d0, d1) -> (0, 0)>
#map1 = affine_map<(d0, d1) -> (0)>
module attributes {stable_mosaic.version = 14 : i64} {
  func.func @spmm_kernel(%arg0: i32, %arg1: i32, %arg2: memref<10000x32xf32, #tpu.memory_space<hbm>>, %arg3: memref<320000xi32, #tpu.memory_space<hbm>>, %arg4: memref<320000xi32, #tpu.memory_space<hbm>>, %arg5: memref<20000x32xf32, #tpu.memory_space<hbm>>, %arg6: memref<10000xi32, #tpu.memory_space<vmem>>, %arg7: memref<1000xi32, #tpu.memory_space<vmem>>, %arg8: memref<1000xi32, #tpu.memory_space<vmem>>, %arg9: memref<1000x32xf32, #tpu.memory_space<vmem>>, %arg10: memref<1000x32xf32, #tpu.memory_space<vmem>>, %arg11: memref<10000x32xf32, #tpu.memory_space<vmem_shared>>, %arg12: memref<!tpu.dma_semaphore, #tpu.memory_space<semaphore_mem>>, %arg13: memref<!tpu.dma_semaphore, #tpu.memory_space<semaphore_mem>>) attributes {dimension_semantics = [#tpu.dimension_semantics<core_parallel>, #tpu.dimension_semantics<subcore_parallel>], iteration_bounds = array<i64: 2, 16>, scalar_prefetch = 0 : i64, scratch_operands = 8 : i64, tpu.core_type = #tpu.core_type<sc_vector_subcore>, window_params = [{transform_indices = #map}, {transform_indices = #map1}, {transform_indices = #map1}, {transform_indices = #map}]} {
    %mul3A = arith.constant 16 : i32
    %mul3A_0 = arith.muli %arg0, %mul3A : i32
    %add3A = arith.addi %mul3A_0, %arg1 : i32
    %mul3A_1 = arith.constant 10000 : i32
    %mul3A_2 = arith.muli %add3A, %mul3A_1 : i32
    %multiple_of3A = tpu.assume_multiple %mul3A_2, 8 : i32
    "tpu.region"() ({
      %run_scoped3A = tpu.sem_alloc : memref<!tpu.dma_semaphore, #tpu.memory_space<semaphore_mem>>
      %dma_start3A_168 = tpu.memref_slice %arg3[%multiple_of3A] : memref<320000xi32, #tpu.memory_space<hbm>> -> memref<10000xi32, #tpu.memory_space<hbm>>
      %dma_start3A_169 = tpu.memref_slice %arg3[%multiple_of3A] : memref<320000xi32, #tpu.memory_space<hbm>> -> memref<10000xi32, #tpu.memory_space<hbm>>
      tpu.enqueue_dma source(%dma_start3A_169 : memref<10000xi32, #tpu.memory_space<hbm>>) target(%arg6 : memref<10000xi32, #tpu.memory_space<vmem>>) target_semaphore(%run_scoped3A : memref<!tpu.dma_semaphore, #tpu.memory_space<semaphore_mem>>)
      %dma_wait3A_170 = tpu.memref_slice %arg3[%multiple_of3A] : memref<320000xi32, #tpu.memory_space<hbm>> -> memref<10000xi32, #tpu.memory_space<hbm>>
      %dma_wait3A_171 = tpu.memref_slice %arg3[%multiple_of3A] : memref<320000xi32, #tpu.memory_space<hbm>> -> memref<10000xi32, #tpu.memory_space<hbm>>
      tpu.wait_dma2 semaphore(%run_scoped3A : memref<!tpu.dma_semaphore, #tpu.memory_space<semaphore_mem>>) src(%dma_wait3A_171 : memref<10000xi32, #tpu.memory_space<hbm>>) dst(%arg6 : memref<10000xi32, #tpu.memory_space<vmem>>)
      tpu.yield
    }) : () -> ()
    %mul3A_3 = arith.constant 10000 : i32
    %mul3A_4 = arith.muli %add3A, %mul3A_3 : i32
    %add3A_5 = arith.constant 0 : i32
    %add3A_6 = arith.addi %mul3A_4, %add3A_5 : i32
    %multiple_of3A_7 = tpu.assume_multiple %add3A_6, 8 : i32
    "tpu.region"() ({
      %run_scoped3A = tpu.sem_alloc : memref<!tpu.dma_semaphore, #tpu.memory_space<semaphore_mem>>
      %dma_start3A_168 = tpu.memref_slice %arg4[%multiple_of3A_7] : memref<320000xi32, #tpu.memory_space<hbm>> -> memref<1000xi32, #tpu.memory_space<hbm>>
      %dma_start3A_169 = tpu.memref_slice %arg4[%multiple_of3A_7] : memref<320000xi32, #tpu.memory_space<hbm>> -> memref<1000xi32, #tpu.memory_space<hbm>>
      tpu.enqueue_dma source(%dma_start3A_169 : memref<1000xi32, #tpu.memory_space<hbm>>) target(%arg7 : memref<1000xi32, #tpu.memory_space<vmem>>) target_semaphore(%run_scoped3A : memref<!tpu.dma_semaphore, #tpu.memory_space<semaphore_mem>>)
      %dma_wait3A_170 = tpu.memref_slice %arg4[%multiple_of3A_7] : memref<320000xi32, #tpu.memory_space<hbm>> -> memref<1000xi32, #tpu.memory_space<hbm>>
      %dma_wait3A_171 = tpu.memref_slice %arg4[%multiple_of3A_7] : memref<320000xi32, #tpu.memory_space<hbm>> -> memref<1000xi32, #tpu.memory_space<hbm>>
      tpu.wait_dma2 semaphore(%run_scoped3A : memref<!tpu.dma_semaphore, #tpu.memory_space<semaphore_mem>>) src(%dma_wait3A_171 : memref<1000xi32, #tpu.memory_space<hbm>>) dst(%arg7 : memref<1000xi32, #tpu.memory_space<vmem>>)
      tpu.yield
    }) : () -> ()
    %dma_start3A = arith.constant 0 : i32
    %dma_start3A_8 = tpu.memref_slice %arg6[%dma_start3A] : memref<10000xi32, #tpu.memory_space<vmem>> -> memref<1000xi32, #tpu.memory_space<vmem>>
    %dma_start3A_9 = arith.constant 0 : i32
    %dma_start3A_10 = arith.constant 0 : i32
    %dma_start3A_11 = tpu.memref_slice %arg2[%dma_start3A_9, %dma_start3A_10] : memref<10000x32xf32, #tpu.memory_space<hbm>> -> memref<10000x32xf32, #tpu.memory_space<hbm>>
    tpu.enqueue_indirect_dma source(%dma_start3A_11 : memref<10000x32xf32, #tpu.memory_space<hbm>>) target(%arg9 : memref<1000x32xf32, #tpu.memory_space<vmem>>) offsets(%dma_start3A_8 : memref<1000xi32, #tpu.memory_space<vmem>>) semaphore(%arg12 : memref<!tpu.dma_semaphore, #tpu.memory_space<semaphore_mem>>)
    %mul3A_12 = arith.constant 624 : i32
    %mul3A_13 = arith.muli %arg1, %mul3A_12 : i32
    %multiple_of3A_14 = tpu.assume_multiple %mul3A_13, 8 : i32
    "tpu.region"() ({
      %run_scoped3A = tpu.sem_alloc : memref<!tpu.dma_semaphore, #tpu.memory_space<semaphore_mem>>
      %dma_start3A_168 = arith.constant 0 : i32
      %dma_start3A_169 = tpu.memref_slice %arg11[%multiple_of3A_14, %dma_start3A_168] : memref<10000x32xf32, #tpu.memory_space<vmem_shared>> -> memref<624x32xf32, #tpu.memory_space<vmem_shared>>
      %dma_start3A_170 = arith.constant 0 : i32
      %dma_start3A_171 = tpu.memref_slice %arg2[%multiple_of3A_14, %dma_start3A_170] : memref<10000x32xf32, #tpu.memory_space<hbm>> -> memref<624x32xf32, #tpu.memory_space<hbm>>
      tpu.enqueue_dma source(%dma_start3A_171 : memref<624x32xf32, #tpu.memory_space<hbm>>) target(%dma_start3A_169 : memref<624x32xf32, #tpu.memory_space<vmem_shared>>) target_semaphore(%run_scoped3A : memref<!tpu.dma_semaphore, #tpu.memory_space<semaphore_mem>>)
      %dma_wait3A_172 = arith.constant 0 : i32
      %dma_wait3A_173 = tpu.memref_slice %arg11[%multiple_of3A_14, %dma_wait3A_172] : memref<10000x32xf32, #tpu.memory_space<vmem_shared>> -> memref<624x32xf32, #tpu.memory_space<vmem_shared>>
      %dma_wait3A_174 = arith.constant 0 : i32
      %dma_wait3A_175 = tpu.memref_slice %arg2[%multiple_of3A_14, %dma_wait3A_174] : memref<10000x32xf32, #tpu.memory_space<hbm>> -> memref<624x32xf32, #tpu.memory_space<hbm>>
      tpu.wait_dma2 semaphore(%run_scoped3A : memref<!tpu.dma_semaphore, #tpu.memory_space<semaphore_mem>>) src(%dma_wait3A_175 : memref<624x32xf32, #tpu.memory_space<hbm>>) dst(%dma_wait3A_173 : memref<624x32xf32, #tpu.memory_space<vmem_shared>>)
      tpu.yield
    }) : () -> ()
    %eq3A = arith.constant 15 : i32
    %eq3A_15 = arith.cmpi eq, %arg1, %eq3A : i32
    %convert_element_type3A = arith.extui %eq3A_15 : i1 to i32
    %cond3A = arith.constant 0 : i32
    %cond3A_16 = arith.cmpi ne, %convert_element_type3A, %cond3A : i32
    scf.if %cond3A_16 {
      "tpu.region"() ({
        %run_scoped3A = tpu.sem_alloc : memref<!tpu.dma_semaphore, #tpu.memory_space<semaphore_mem>>
        %dma_start3A_168 = arith.constant 9984 : i32
        %dma_start3A_169 = arith.constant 0 : i32
        %dma_start3A_170 = tpu.memref_slice %arg11[%dma_start3A_168, %dma_start3A_169] : memref<10000x32xf32, #tpu.memory_space<vmem_shared>> -> memref<16x32xf32, #tpu.memory_space<vmem_shared>>
        %dma_start3A_171 = arith.constant 9984 : i32
        %dma_start3A_172 = arith.constant 0 : i32
        %dma_start3A_173 = tpu.memref_slice %arg2[%dma_start3A_171, %dma_start3A_172] : memref<10000x32xf32, #tpu.memory_space<hbm>> -> memref<16x32xf32, #tpu.memory_space<hbm>>
        tpu.enqueue_dma source(%dma_start3A_173 : memref<16x32xf32, #tpu.memory_space<hbm>>) target(%dma_start3A_170 : memref<16x32xf32, #tpu.memory_space<vmem_shared>>) target_semaphore(%run_scoped3A : memref<!tpu.dma_semaphore, #tpu.memory_space<semaphore_mem>>)
        %dma_wait3A_174 = arith.constant 9984 : i32
        %dma_wait3A_175 = arith.constant 0 : i32
        %dma_wait3A_176 = tpu.memref_slice %arg11[%dma_wait3A_174, %dma_wait3A_175] : memref<10000x32xf32, #tpu.memory_space<vmem_shared>> -> memref<16x32xf32, #tpu.memory_space<vmem_shared>>
        %dma_wait3A_177 = arith.constant 9984 : i32
        %dma_wait3A_178 = arith.constant 0 : i32
        %dma_wait3A_179 = tpu.memref_slice %arg2[%dma_wait3A_177, %dma_wait3A_178] : memref<10000x32xf32, #tpu.memory_space<hbm>> -> memref<16x32xf32, #tpu.memory_space<hbm>>
        tpu.wait_dma2 semaphore(%run_scoped3A : memref<!tpu.dma_semaphore, #tpu.memory_space<semaphore_mem>>) src(%dma_wait3A_179 : memref<16x32xf32, #tpu.memory_space<hbm>>) dst(%dma_wait3A_176 : memref<16x32xf32, #tpu.memory_space<vmem_shared>>)
        tpu.yield
      }) : () -> ()
    } else {
    }
    %barrier3A = arith.constant 0 : index
    tpu.barrier barrier_id(%barrier3A)
    %mul3A_17 = arith.constant 10000 : i32
    %mul3A_18 = arith.muli %add3A, %mul3A_17 : i32
    %add3A_19 = arith.constant 1000 : i32
    %add3A_20 = arith.addi %mul3A_18, %add3A_19 : i32
    %multiple_of3A_21 = tpu.assume_multiple %add3A_20, 8 : i32
    "tpu.region"() ({
      %run_scoped3A = tpu.sem_alloc : memref<!tpu.dma_semaphore, #tpu.memory_space<semaphore_mem>>
      %dma_start3A_168 = tpu.memref_slice %arg4[%multiple_of3A_21] : memref<320000xi32, #tpu.memory_space<hbm>> -> memref<1000xi32, #tpu.memory_space<hbm>>
      %dma_start3A_169 = tpu.memref_slice %arg4[%multiple_of3A_21] : memref<320000xi32, #tpu.memory_space<hbm>> -> memref<1000xi32, #tpu.memory_space<hbm>>
      tpu.enqueue_dma source(%dma_start3A_169 : memref<1000xi32, #tpu.memory_space<hbm>>) target(%arg8 : memref<1000xi32, #tpu.memory_space<vmem>>) target_semaphore(%run_scoped3A : memref<!tpu.dma_semaphore, #tpu.memory_space<semaphore_mem>>)
      %dma_wait3A_170 = tpu.memref_slice %arg4[%multiple_of3A_21] : memref<320000xi32, #tpu.memory_space<hbm>> -> memref<1000xi32, #tpu.memory_space<hbm>>
      %dma_wait3A_171 = tpu.memref_slice %arg4[%multiple_of3A_21] : memref<320000xi32, #tpu.memory_space<hbm>> -> memref<1000xi32, #tpu.memory_space<hbm>>
      tpu.wait_dma2 semaphore(%run_scoped3A : memref<!tpu.dma_semaphore, #tpu.memory_space<semaphore_mem>>) src(%dma_wait3A_171 : memref<1000xi32, #tpu.memory_space<hbm>>) dst(%arg8 : memref<1000xi32, #tpu.memory_space<vmem>>)
      tpu.yield
    }) : () -> ()
    %dma_start3A_22 = arith.constant 1000 : i32
    %dma_start3A_23 = tpu.memref_slice %arg6[%dma_start3A_22] : memref<10000xi32, #tpu.memory_space<vmem>> -> memref<1000xi32, #tpu.memory_space<vmem>>
    %dma_start3A_24 = arith.constant 0 : i32
    %dma_start3A_25 = arith.constant 0 : i32
    %dma_start3A_26 = tpu.memref_slice %arg2[%dma_start3A_24, %dma_start3A_25] : memref<10000x32xf32, #tpu.memory_space<hbm>> -> memref<10000x32xf32, #tpu.memory_space<hbm>>
    tpu.enqueue_indirect_dma source(%dma_start3A_26 : memref<10000x32xf32, #tpu.memory_space<hbm>>) target(%arg10 : memref<1000x32xf32, #tpu.memory_space<vmem>>) offsets(%dma_start3A_23 : memref<1000xi32, #tpu.memory_space<vmem>>) semaphore(%arg13 : memref<!tpu.dma_semaphore, #tpu.memory_space<semaphore_mem>>)
    %dma_wait3A = arith.constant 0 : i32
    %dma_wait3A_27 = tpu.memref_slice %arg6[%dma_wait3A] : memref<10000xi32, #tpu.memory_space<vmem>> -> memref<1000xi32, #tpu.memory_space<vmem>>
    %dma_wait3A_28 = arith.constant 0 : i32
    %dma_wait3A_29 = arith.constant 0 : i32
    %dma_wait3A_30 = tpu.memref_slice %arg2[%dma_wait3A_28, %dma_wait3A_29] : memref<10000x32xf32, #tpu.memory_space<hbm>> -> memref<10000x32xf32, #tpu.memory_space<hbm>>
    tpu.wait_indirect_dma semaphore(%arg12 : memref<!tpu.dma_semaphore, #tpu.memory_space<semaphore_mem>>) src(%dma_wait3A_30 : memref<10000x32xf32, #tpu.memory_space<hbm>>) dst(%arg9 : memref<1000x32xf32, #tpu.memory_space<vmem>>)
    "tpu.region"() ({
      %run_scoped3A = tpu.sem_alloc : memref<!tpu.dma_semaphore, #tpu.memory_space<semaphore_mem>>
      %dma_start3A_168 = arith.constant 0 : i32
      %dma_start3A_169 = arith.constant 0 : i32
      %dma_start3A_170 = tpu.memref_slice %arg11[%dma_start3A_168, %dma_start3A_169] : memref<10000x32xf32, #tpu.memory_space<vmem_shared>> -> memref<10000x32xf32, #tpu.memory_space<vmem_shared>>
      tpu.enqueue_indirect_dma source(%arg9 : memref<1000x32xf32, #tpu.memory_space<vmem>>) target(%dma_start3A_170 : memref<10000x32xf32, #tpu.memory_space<vmem_shared>>) offsets(%arg7 : memref<1000xi32, #tpu.memory_space<vmem>>) semaphore(%run_scoped3A : memref<!tpu.dma_semaphore, #tpu.memory_space<semaphore_mem>>) {add = true}
      %dma_wait3A_171 = arith.constant 0 : i32
      %dma_wait3A_172 = arith.constant 0 : i32
      %dma_wait3A_173 = tpu.memref_slice %arg11[%dma_wait3A_171, %dma_wait3A_172] : memref<10000x32xf32, #tpu.memory_space<vmem_shared>> -> memref<10000x32xf32, #tpu.memory_space<vmem_shared>>
      tpu.wait_indirect_dma semaphore(%run_scoped3A : memref<!tpu.dma_semaphore, #tpu.memory_space<semaphore_mem>>) src(%arg9 : memref<1000x32xf32, #tpu.memory_space<vmem>>) dst(%dma_wait3A_173 : memref<10000x32xf32, #tpu.memory_space<vmem_shared>>)
      tpu.yield
    }) : () -> ()
    %mul3A_31 = arith.constant 10000 : i32
    %mul3A_32 = arith.muli %add3A, %mul3A_31 : i32
    %add3A_33 = arith.constant 2000 : i32
    %add3A_34 = arith.addi %mul3A_32, %add3A_33 : i32
    %multiple_of3A_35 = tpu.assume_multiple %add3A_34, 8 : i32
    "tpu.region"() ({
      %run_scoped3A = tpu.sem_alloc : memref<!tpu.dma_semaphore, #tpu.memory_space<semaphore_mem>>
      %dma_start3A_168 = tpu.memref_slice %arg4[%multiple_of3A_35] : memref<320000xi32, #tpu.memory_space<hbm>> -> memref<1000xi32, #tpu.memory_space<hbm>>
      %dma_start3A_169 = tpu.memref_slice %arg4[%multiple_of3A_35] : memref<320000xi32, #tpu.memory_space<hbm>> -> memref<1000xi32, #tpu.memory_space<hbm>>
      tpu.enqueue_dma source(%dma_start3A_169 : memref<1000xi32, #tpu.memory_space<hbm>>) target(%arg7 : memref<1000xi32, #tpu.memory_space<vmem>>) target_semaphore(%run_scoped3A : memref<!tpu.dma_semaphore, #tpu.memory_space<semaphore_mem>>)
      %dma_wait3A_170 = tpu.memref_slice %arg4[%multiple_of3A_35] : memref<320000xi32, #tpu.memory_space<hbm>> -> memref<1000xi32, #tpu.memory_space<hbm>>
      %dma_wait3A_171 = tpu.memref_slice %arg4[%multiple_of3A_35] : memref<320000xi32, #tpu.memory_space<hbm>> -> memref<1000xi32, #tpu.memory_space<hbm>>
      tpu.wait_dma2 semaphore(%run_scoped3A : memref<!tpu.dma_semaphore, #tpu.memory_space<semaphore_mem>>) src(%dma_wait3A_171 : memref<1000xi32, #tpu.memory_space<hbm>>) dst(%arg7 : memref<1000xi32, #tpu.memory_space<vmem>>)
      tpu.yield
    }) : () -> ()
    %dma_start3A_36 = arith.constant 2000 : i32
    %dma_start3A_37 = tpu.memref_slice %arg6[%dma_start3A_36] : memref<10000xi32, #tpu.memory_space<vmem>> -> memref<1000xi32, #tpu.memory_space<vmem>>
    %dma_start3A_38 = arith.constant 0 : i32
    %dma_start3A_39 = arith.constant 0 : i32
    %dma_start3A_40 = tpu.memref_slice %arg2[%dma_start3A_38, %dma_start3A_39] : memref<10000x32xf32, #tpu.memory_space<hbm>> -> memref<10000x32xf32, #tpu.memory_space<hbm>>
    tpu.enqueue_indirect_dma source(%dma_start3A_40 : memref<10000x32xf32, #tpu.memory_space<hbm>>) target(%arg9 : memref<1000x32xf32, #tpu.memory_space<vmem>>) offsets(%dma_start3A_37 : memref<1000xi32, #tpu.memory_space<vmem>>) semaphore(%arg12 : memref<!tpu.dma_semaphore, #tpu.memory_space<semaphore_mem>>)
    %dma_wait3A_41 = arith.constant 1000 : i32
    %dma_wait3A_42 = tpu.memref_slice %arg6[%dma_wait3A_41] : memref<10000xi32, #tpu.memory_space<vmem>> -> memref<1000xi32, #tpu.memory_space<vmem>>
    %dma_wait3A_43 = arith.constant 0 : i32
    %dma_wait3A_44 = arith.constant 0 : i32
    %dma_wait3A_45 = tpu.memref_slice %arg2[%dma_wait3A_43, %dma_wait3A_44] : memref<10000x32xf32, #tpu.memory_space<hbm>> -> memref<10000x32xf32, #tpu.memory_space<hbm>>
    tpu.wait_indirect_dma semaphore(%arg13 : memref<!tpu.dma_semaphore, #tpu.memory_space<semaphore_mem>>) src(%dma_wait3A_45 : memref<10000x32xf32, #tpu.memory_space<hbm>>) dst(%arg10 : memref<1000x32xf32, #tpu.memory_space<vmem>>)
    "tpu.region"() ({
      %run_scoped3A = tpu.sem_alloc : memref<!tpu.dma_semaphore, #tpu.memory_space<semaphore_mem>>
      %dma_start3A_168 = arith.constant 0 : i32
      %dma_start3A_169 = arith.constant 0 : i32
      %dma_start3A_170 = tpu.memref_slice %arg11[%dma_start3A_168, %dma_start3A_169] : memref<10000x32xf32, #tpu.memory_space<vmem_shared>> -> memref<10000x32xf32, #tpu.memory_space<vmem_shared>>
      tpu.enqueue_indirect_dma source(%arg10 : memref<1000x32xf32, #tpu.memory_space<vmem>>) target(%dma_start3A_170 : memref<10000x32xf32, #tpu.memory_space<vmem_shared>>) offsets(%arg8 : memref<1000xi32, #tpu.memory_space<vmem>>) semaphore(%run_scoped3A : memref<!tpu.dma_semaphore, #tpu.memory_space<semaphore_mem>>) {add = true}
      %dma_wait3A_171 = arith.constant 0 : i32
      %dma_wait3A_172 = arith.constant 0 : i32
      %dma_wait3A_173 = tpu.memref_slice %arg11[%dma_wait3A_171, %dma_wait3A_172] : memref<10000x32xf32, #tpu.memory_space<vmem_shared>> -> memref<10000x32xf32, #tpu.memory_space<vmem_shared>>
      tpu.wait_indirect_dma semaphore(%run_scoped3A : memref<!tpu.dma_semaphore, #tpu.memory_space<semaphore_mem>>) src(%arg10 : memref<1000x32xf32, #tpu.memory_space<vmem>>) dst(%dma_wait3A_173 : memref<10000x32xf32, #tpu.memory_space<vmem_shared>>)
      tpu.yield
    }) : () -> ()
    %mul3A_46 = arith.constant 10000 : i32
    %mul3A_47 = arith.muli %add3A, %mul3A_46 : i32
    %add3A_48 = arith.constant 3000 : i32
    %add3A_49 = arith.addi %mul3A_47, %add3A_48 : i32
    %multiple_of3A_50 = tpu.assume_multiple %add3A_49, 8 : i32
    "tpu.region"() ({
      %run_scoped3A = tpu.sem_alloc : memref<!tpu.dma_semaphore, #tpu.memory_space<semaphore_mem>>
      %dma_start3A_168 = tpu.memref_slice %arg4[%multiple_of3A_50] : memref<320000xi32, #tpu.memory_space<hbm>> -> memref<1000xi32, #tpu.memory_space<hbm>>
      %dma_start3A_169 = tpu.memref_slice %arg4[%multiple_of3A_50] : memref<320000xi32, #tpu.memory_space<hbm>> -> memref<1000xi32, #tpu.memory_space<hbm>>
      tpu.enqueue_dma source(%dma_start3A_169 : memref<1000xi32, #tpu.memory_space<hbm>>) target(%arg8 : memref<1000xi32, #tpu.memory_space<vmem>>) target_semaphore(%run_scoped3A : memref<!tpu.dma_semaphore, #tpu.memory_space<semaphore_mem>>)
      %dma_wait3A_170 = tpu.memref_slice %arg4[%multiple_of3A_50] : memref<320000xi32, #tpu.memory_space<hbm>> -> memref<1000xi32, #tpu.memory_space<hbm>>
      %dma_wait3A_171 = tpu.memref_slice %arg4[%multiple_of3A_50] : memref<320000xi32, #tpu.memory_space<hbm>> -> memref<1000xi32, #tpu.memory_space<hbm>>
      tpu.wait_dma2 semaphore(%run_scoped3A : memref<!tpu.dma_semaphore, #tpu.memory_space<semaphore_mem>>) src(%dma_wait3A_171 : memref<1000xi32, #tpu.memory_space<hbm>>) dst(%arg8 : memref<1000xi32, #tpu.memory_space<vmem>>)
      tpu.yield
    }) : () -> ()
    %dma_start3A_51 = arith.constant 3000 : i32
    %dma_start3A_52 = tpu.memref_slice %arg6[%dma_start3A_51] : memref<10000xi32, #tpu.memory_space<vmem>> -> memref<1000xi32, #tpu.memory_space<vmem>>
    %dma_start3A_53 = arith.constant 0 : i32
    %dma_start3A_54 = arith.constant 0 : i32
    %dma_start3A_55 = tpu.memref_slice %arg2[%dma_start3A_53, %dma_start3A_54] : memref<10000x32xf32, #tpu.memory_space<hbm>> -> memref<10000x32xf32, #tpu.memory_space<hbm>>
    tpu.enqueue_indirect_dma source(%dma_start3A_55 : memref<10000x32xf32, #tpu.memory_space<hbm>>) target(%arg10 : memref<1000x32xf32, #tpu.memory_space<vmem>>) offsets(%dma_start3A_52 : memref<1000xi32, #tpu.memory_space<vmem>>) semaphore(%arg13 : memref<!tpu.dma_semaphore, #tpu.memory_space<semaphore_mem>>)
    %dma_wait3A_56 = arith.constant 2000 : i32
    %dma_wait3A_57 = tpu.memref_slice %arg6[%dma_wait3A_56] : memref<10000xi32, #tpu.memory_space<vmem>> -> memref<1000xi32, #tpu.memory_space<vmem>>
    %dma_wait3A_58 = arith.constant 0 : i32
    %dma_wait3A_59 = arith.constant 0 : i32
    %dma_wait3A_60 = tpu.memref_slice %arg2[%dma_wait3A_58, %dma_wait3A_59] : memref<10000x32xf32, #tpu.memory_space<hbm>> -> memref<10000x32xf32, #tpu.memory_space<hbm>>
    tpu.wait_indirect_dma semaphore(%arg12 : memref<!tpu.dma_semaphore, #tpu.memory_space<semaphore_mem>>) src(%dma_wait3A_60 : memref<10000x32xf32, #tpu.memory_space<hbm>>) dst(%arg9 : memref<1000x32xf32, #tpu.memory_space<vmem>>)
    "tpu.region"() ({
      %run_scoped3A = tpu.sem_alloc : memref<!tpu.dma_semaphore, #tpu.memory_space<semaphore_mem>>
      %dma_start3A_168 = arith.constant 0 : i32
      %dma_start3A_169 = arith.constant 0 : i32
      %dma_start3A_170 = tpu.memref_slice %arg11[%dma_start3A_168, %dma_start3A_169] : memref<10000x32xf32, #tpu.memory_space<vmem_shared>> -> memref<10000x32xf32, #tpu.memory_space<vmem_shared>>
      tpu.enqueue_indirect_dma source(%arg9 : memref<1000x32xf32, #tpu.memory_space<vmem>>) target(%dma_start3A_170 : memref<10000x32xf32, #tpu.memory_space<vmem_shared>>) offsets(%arg7 : memref<1000xi32, #tpu.memory_space<vmem>>) semaphore(%run_scoped3A : memref<!tpu.dma_semaphore, #tpu.memory_space<semaphore_mem>>) {add = true}
      %dma_wait3A_171 = arith.constant 0 : i32
      %dma_wait3A_172 = arith.constant 0 : i32
      %dma_wait3A_173 = tpu.memref_slice %arg11[%dma_wait3A_171, %dma_wait3A_172] : memref<10000x32xf32, #tpu.memory_space<vmem_shared>> -> memref<10000x32xf32, #tpu.memory_space<vmem_shared>>
      tpu.wait_indirect_dma semaphore(%run_scoped3A : memref<!tpu.dma_semaphore, #tpu.memory_space<semaphore_mem>>) src(%arg9 : memref<1000x32xf32, #tpu.memory_space<vmem>>) dst(%dma_wait3A_173 : memref<10000x32xf32, #tpu.memory_space<vmem_shared>>)
      tpu.yield
    }) : () -> ()
    %mul3A_61 = arith.constant 10000 : i32
    %mul3A_62 = arith.muli %add3A, %mul3A_61 : i32
    %add3A_63 = arith.constant 4000 : i32
    %add3A_64 = arith.addi %mul3A_62, %add3A_63 : i32
    %multiple_of3A_65 = tpu.assume_multiple %add3A_64, 8 : i32
    "tpu.region"() ({
      %run_scoped3A = tpu.sem_alloc : memref<!tpu.dma_semaphore, #tpu.memory_space<semaphore_mem>>
      %dma_start3A_168 = tpu.memref_slice %arg4[%multiple_of3A_65] : memref<320000xi32, #tpu.memory_space<hbm>> -> memref<1000xi32, #tpu.memory_space<hbm>>
      %dma_start3A_169 = tpu.memref_slice %arg4[%multiple_of3A_65] : memref<320000xi32, #tpu.memory_space<hbm>> -> memref<1000xi32, #tpu.memory_space<hbm>>
      tpu.enqueue_dma source(%dma_start3A_169 : memref<1000xi32, #tpu.memory_space<hbm>>) target(%arg7 : memref<1000xi32, #tpu.memory_space<vmem>>) target_semaphore(%run_scoped3A : memref<!tpu.dma_semaphore, #tpu.memory_space<semaphore_mem>>)
      %dma_wait3A_170 = tpu.memref_slice %arg4[%multiple_of3A_65] : memref<320000xi32, #tpu.memory_space<hbm>> -> memref<1000xi32, #tpu.memory_space<hbm>>
      %dma_wait3A_171 = tpu.memref_slice %arg4[%multiple_of3A_65] : memref<320000xi32, #tpu.memory_space<hbm>> -> memref<1000xi32, #tpu.memory_space<hbm>>
      tpu.wait_dma2 semaphore(%run_scoped3A : memref<!tpu.dma_semaphore, #tpu.memory_space<semaphore_mem>>) src(%dma_wait3A_171 : memref<1000xi32, #tpu.memory_space<hbm>>) dst(%arg7 : memref<1000xi32, #tpu.memory_space<vmem>>)
      tpu.yield
    }) : () -> ()
    %dma_start3A_66 = arith.constant 4000 : i32
    %dma_start3A_67 = tpu.memref_slice %arg6[%dma_start3A_66] : memref<10000xi32, #tpu.memory_space<vmem>> -> memref<1000xi32, #tpu.memory_space<vmem>>
    %dma_start3A_68 = arith.constant 0 : i32
    %dma_start3A_69 = arith.constant 0 : i32
    %dma_start3A_70 = tpu.memref_slice %arg2[%dma_start3A_68, %dma_start3A_69] : memref<10000x32xf32, #tpu.memory_space<hbm>> -> memref<10000x32xf32, #tpu.memory_space<hbm>>
    tpu.enqueue_indirect_dma source(%dma_start3A_70 : memref<10000x32xf32, #tpu.memory_space<hbm>>) target(%arg9 : memref<1000x32xf32, #tpu.memory_space<vmem>>) offsets(%dma_start3A_67 : memref<1000xi32, #tpu.memory_space<vmem>>) semaphore(%arg12 : memref<!tpu.dma_semaphore, #tpu.memory_space<semaphore_mem>>)
    %dma_wait3A_71 = arith.constant 3000 : i32
    %dma_wait3A_72 = tpu.memref_slice %arg6[%dma_wait3A_71] : memref<10000xi32, #tpu.memory_space<vmem>> -> memref<1000xi32, #tpu.memory_space<vmem>>
    %dma_wait3A_73 = arith.constant 0 : i32
    %dma_wait3A_74 = arith.constant 0 : i32
    %dma_wait3A_75 = tpu.memref_slice %arg2[%dma_wait3A_73, %dma_wait3A_74] : memref<10000x32xf32, #tpu.memory_space<hbm>> -> memref<10000x32xf32, #tpu.memory_space<hbm>>
    tpu.wait_indirect_dma semaphore(%arg13 : memref<!tpu.dma_semaphore, #tpu.memory_space<semaphore_mem>>) src(%dma_wait3A_75 : memref<10000x32xf32, #tpu.memory_space<hbm>>) dst(%arg10 : memref<1000x32xf32, #tpu.memory_space<vmem>>)
    "tpu.region"() ({
      %run_scoped3A = tpu.sem_alloc : memref<!tpu.dma_semaphore, #tpu.memory_space<semaphore_mem>>
      %dma_start3A_168 = arith.constant 0 : i32
      %dma_start3A_169 = arith.constant 0 : i32
      %dma_start3A_170 = tpu.memref_slice %arg11[%dma_start3A_168, %dma_start3A_169] : memref<10000x32xf32, #tpu.memory_space<vmem_shared>> -> memref<10000x32xf32, #tpu.memory_space<vmem_shared>>
      tpu.enqueue_indirect_dma source(%arg10 : memref<1000x32xf32, #tpu.memory_space<vmem>>) target(%dma_start3A_170 : memref<10000x32xf32, #tpu.memory_space<vmem_shared>>) offsets(%arg8 : memref<1000xi32, #tpu.memory_space<vmem>>) semaphore(%run_scoped3A : memref<!tpu.dma_semaphore, #tpu.memory_space<semaphore_mem>>) {add = true}
      %dma_wait3A_171 = arith.constant 0 : i32
      %dma_wait3A_172 = arith.constant 0 : i32
      %dma_wait3A_173 = tpu.memref_slice %arg11[%dma_wait3A_171, %dma_wait3A_172] : memref<10000x32xf32, #tpu.memory_space<vmem_shared>> -> memref<10000x32xf32, #tpu.memory_space<vmem_shared>>
      tpu.wait_indirect_dma semaphore(%run_scoped3A : memref<!tpu.dma_semaphore, #tpu.memory_space<semaphore_mem>>) src(%arg10 : memref<1000x32xf32, #tpu.memory_space<vmem>>) dst(%dma_wait3A_173 : memref<10000x32xf32, #tpu.memory_space<vmem_shared>>)
      tpu.yield
    }) : () -> ()
    %mul3A_76 = arith.constant 10000 : i32
    %mul3A_77 = arith.muli %add3A, %mul3A_76 : i32
    %add3A_78 = arith.constant 5000 : i32
    %add3A_79 = arith.addi %mul3A_77, %add3A_78 : i32
    %multiple_of3A_80 = tpu.assume_multiple %add3A_79, 8 : i32
    "tpu.region"() ({
      %run_scoped3A = tpu.sem_alloc : memref<!tpu.dma_semaphore, #tpu.memory_space<semaphore_mem>>
      %dma_start3A_168 = tpu.memref_slice %arg4[%multiple_of3A_80] : memref<320000xi32, #tpu.memory_space<hbm>> -> memref<1000xi32, #tpu.memory_space<hbm>>
      %dma_start3A_169 = tpu.memref_slice %arg4[%multiple_of3A_80] : memref<320000xi32, #tpu.memory_space<hbm>> -> memref<1000xi32, #tpu.memory_space<hbm>>
      tpu.enqueue_dma source(%dma_start3A_169 : memref<1000xi32, #tpu.memory_space<hbm>>) target(%arg8 : memref<1000xi32, #tpu.memory_space<vmem>>) target_semaphore(%run_scoped3A : memref<!tpu.dma_semaphore, #tpu.memory_space<semaphore_mem>>)
      %dma_wait3A_170 = tpu.memref_slice %arg4[%multiple_of3A_80] : memref<320000xi32, #tpu.memory_space<hbm>> -> memref<1000xi32, #tpu.memory_space<hbm>>
      %dma_wait3A_171 = tpu.memref_slice %arg4[%multiple_of3A_80] : memref<320000xi32, #tpu.memory_space<hbm>> -> memref<1000xi32, #tpu.memory_space<hbm>>
      tpu.wait_dma2 semaphore(%run_scoped3A : memref<!tpu.dma_semaphore, #tpu.memory_space<semaphore_mem>>) src(%dma_wait3A_171 : memref<1000xi32, #tpu.memory_space<hbm>>) dst(%arg8 : memref<1000xi32, #tpu.memory_space<vmem>>)
      tpu.yield
    }) : () -> ()
    %dma_start3A_81 = arith.constant 5000 : i32
    %dma_start3A_82 = tpu.memref_slice %arg6[%dma_start3A_81] : memref<10000xi32, #tpu.memory_space<vmem>> -> memref<1000xi32, #tpu.memory_space<vmem>>
    %dma_start3A_83 = arith.constant 0 : i32
    %dma_start3A_84 = arith.constant 0 : i32
    %dma_start3A_85 = tpu.memref_slice %arg2[%dma_start3A_83, %dma_start3A_84] : memref<10000x32xf32, #tpu.memory_space<hbm>> -> memref<10000x32xf32, #tpu.memory_space<hbm>>
    tpu.enqueue_indirect_dma source(%dma_start3A_85 : memref<10000x32xf32, #tpu.memory_space<hbm>>) target(%arg10 : memref<1000x32xf32, #tpu.memory_space<vmem>>) offsets(%dma_start3A_82 : memref<1000xi32, #tpu.memory_space<vmem>>) semaphore(%arg13 : memref<!tpu.dma_semaphore, #tpu.memory_space<semaphore_mem>>)
    %dma_wait3A_86 = arith.constant 4000 : i32
    %dma_wait3A_87 = tpu.memref_slice %arg6[%dma_wait3A_86] : memref<10000xi32, #tpu.memory_space<vmem>> -> memref<1000xi32, #tpu.memory_space<vmem>>
    %dma_wait3A_88 = arith.constant 0 : i32
    %dma_wait3A_89 = arith.constant 0 : i32
    %dma_wait3A_90 = tpu.memref_slice %arg2[%dma_wait3A_88, %dma_wait3A_89] : memref<10000x32xf32, #tpu.memory_space<hbm>> -> memref<10000x32xf32, #tpu.memory_space<hbm>>
    tpu.wait_indirect_dma semaphore(%arg12 : memref<!tpu.dma_semaphore, #tpu.memory_space<semaphore_mem>>) src(%dma_wait3A_90 : memref<10000x32xf32, #tpu.memory_space<hbm>>) dst(%arg9 : memref<1000x32xf32, #tpu.memory_space<vmem>>)
    "tpu.region"() ({
      %run_scoped3A = tpu.sem_alloc : memref<!tpu.dma_semaphore, #tpu.memory_space<semaphore_mem>>
      %dma_start3A_168 = arith.constant 0 : i32
      %dma_start3A_169 = arith.constant 0 : i32
      %dma_start3A_170 = tpu.memref_slice %arg11[%dma_start3A_168, %dma_start3A_169] : memref<10000x32xf32, #tpu.memory_space<vmem_shared>> -> memref<10000x32xf32, #tpu.memory_space<vmem_shared>>
      tpu.enqueue_indirect_dma source(%arg9 : memref<1000x32xf32, #tpu.memory_space<vmem>>) target(%dma_start3A_170 : memref<10000x32xf32, #tpu.memory_space<vmem_shared>>) offsets(%arg7 : memref<1000xi32, #tpu.memory_space<vmem>>) semaphore(%run_scoped3A : memref<!tpu.dma_semaphore, #tpu.memory_space<semaphore_mem>>) {add = true}
      %dma_wait3A_171 = arith.constant 0 : i32
      %dma_wait3A_172 = arith.constant 0 : i32
      %dma_wait3A_173 = tpu.memref_slice %arg11[%dma_wait3A_171, %dma_wait3A_172] : memref<10000x32xf32, #tpu.memory_space<vmem_shared>> -> memref<10000x32xf32, #tpu.memory_space<vmem_shared>>
      tpu.wait_indirect_dma semaphore(%run_scoped3A : memref<!tpu.dma_semaphore, #tpu.memory_space<semaphore_mem>>) src(%arg9 : memref<1000x32xf32, #tpu.memory_space<vmem>>) dst(%dma_wait3A_173 : memref<10000x32xf32, #tpu.memory_space<vmem_shared>>)
      tpu.yield
    }) : () -> ()
    %mul3A_91 = arith.constant 10000 : i32
    %mul3A_92 = arith.muli %add3A, %mul3A_91 : i32
    %add3A_93 = arith.constant 6000 : i32
    %add3A_94 = arith.addi %mul3A_92, %add3A_93 : i32
    %multiple_of3A_95 = tpu.assume_multiple %add3A_94, 8 : i32
    "tpu.region"() ({
      %run_scoped3A = tpu.sem_alloc : memref<!tpu.dma_semaphore, #tpu.memory_space<semaphore_mem>>
      %dma_start3A_168 = tpu.memref_slice %arg4[%multiple_of3A_95] : memref<320000xi32, #tpu.memory_space<hbm>> -> memref<1000xi32, #tpu.memory_space<hbm>>
      %dma_start3A_169 = tpu.memref_slice %arg4[%multiple_of3A_95] : memref<320000xi32, #tpu.memory_space<hbm>> -> memref<1000xi32, #tpu.memory_space<hbm>>
      tpu.enqueue_dma source(%dma_start3A_169 : memref<1000xi32, #tpu.memory_space<hbm>>) target(%arg7 : memref<1000xi32, #tpu.memory_space<vmem>>) target_semaphore(%run_scoped3A : memref<!tpu.dma_semaphore, #tpu.memory_space<semaphore_mem>>)
      %dma_wait3A_170 = tpu.memref_slice %arg4[%multiple_of3A_95] : memref<320000xi32, #tpu.memory_space<hbm>> -> memref<1000xi32, #tpu.memory_space<hbm>>
      %dma_wait3A_171 = tpu.memref_slice %arg4[%multiple_of3A_95] : memref<320000xi32, #tpu.memory_space<hbm>> -> memref<1000xi32, #tpu.memory_space<hbm>>
      tpu.wait_dma2 semaphore(%run_scoped3A : memref<!tpu.dma_semaphore, #tpu.memory_space<semaphore_mem>>) src(%dma_wait3A_171 : memref<1000xi32, #tpu.memory_space<hbm>>) dst(%arg7 : memref<1000xi32, #tpu.memory_space<vmem>>)
      tpu.yield
    }) : () -> ()
    %dma_start3A_96 = arith.constant 6000 : i32
    %dma_start3A_97 = tpu.memref_slice %arg6[%dma_start3A_96] : memref<10000xi32, #tpu.memory_space<vmem>> -> memref<1000xi32, #tpu.memory_space<vmem>>
    %dma_start3A_98 = arith.constant 0 : i32
    %dma_start3A_99 = arith.constant 0 : i32
    %dma_start3A_100 = tpu.memref_slice %arg2[%dma_start3A_98, %dma_start3A_99] : memref<10000x32xf32, #tpu.memory_space<hbm>> -> memref<10000x32xf32, #tpu.memory_space<hbm>>
    tpu.enqueue_indirect_dma source(%dma_start3A_100 : memref<10000x32xf32, #tpu.memory_space<hbm>>) target(%arg9 : memref<1000x32xf32, #tpu.memory_space<vmem>>) offsets(%dma_start3A_97 : memref<1000xi32, #tpu.memory_space<vmem>>) semaphore(%arg12 : memref<!tpu.dma_semaphore, #tpu.memory_space<semaphore_mem>>)
    %dma_wait3A_101 = arith.constant 5000 : i32
    %dma_wait3A_102 = tpu.memref_slice %arg6[%dma_wait3A_101] : memref<10000xi32, #tpu.memory_space<vmem>> -> memref<1000xi32, #tpu.memory_space<vmem>>
    %dma_wait3A_103 = arith.constant 0 : i32
    %dma_wait3A_104 = arith.constant 0 : i32
    %dma_wait3A_105 = tpu.memref_slice %arg2[%dma_wait3A_103, %dma_wait3A_104] : memref<10000x32xf32, #tpu.memory_space<hbm>> -> memref<10000x32xf32, #tpu.memory_space<hbm>>
    tpu.wait_indirect_dma semaphore(%arg13 : memref<!tpu.dma_semaphore, #tpu.memory_space<semaphore_mem>>) src(%dma_wait3A_105 : memref<10000x32xf32, #tpu.memory_space<hbm>>) dst(%arg10 : memref<1000x32xf32, #tpu.memory_space<vmem>>)
    "tpu.region"() ({
      %run_scoped3A = tpu.sem_alloc : memref<!tpu.dma_semaphore, #tpu.memory_space<semaphore_mem>>
      %dma_start3A_168 = arith.constant 0 : i32
      %dma_start3A_169 = arith.constant 0 : i32
      %dma_start3A_170 = tpu.memref_slice %arg11[%dma_start3A_168, %dma_start3A_169] : memref<10000x32xf32, #tpu.memory_space<vmem_shared>> -> memref<10000x32xf32, #tpu.memory_space<vmem_shared>>
      tpu.enqueue_indirect_dma source(%arg10 : memref<1000x32xf32, #tpu.memory_space<vmem>>) target(%dma_start3A_170 : memref<10000x32xf32, #tpu.memory_space<vmem_shared>>) offsets(%arg8 : memref<1000xi32, #tpu.memory_space<vmem>>) semaphore(%run_scoped3A : memref<!tpu.dma_semaphore, #tpu.memory_space<semaphore_mem>>) {add = true}
      %dma_wait3A_171 = arith.constant 0 : i32
      %dma_wait3A_172 = arith.constant 0 : i32
      %dma_wait3A_173 = tpu.memref_slice %arg11[%dma_wait3A_171, %dma_wait3A_172] : memref<10000x32xf32, #tpu.memory_space<vmem_shared>> -> memref<10000x32xf32, #tpu.memory_space<vmem_shared>>
      tpu.wait_indirect_dma semaphore(%run_scoped3A : memref<!tpu.dma_semaphore, #tpu.memory_space<semaphore_mem>>) src(%arg10 : memref<1000x32xf32, #tpu.memory_space<vmem>>) dst(%dma_wait3A_173 : memref<10000x32xf32, #tpu.memory_space<vmem_shared>>)
      tpu.yield
    }) : () -> ()
    %mul3A_106 = arith.constant 10000 : i32
    %mul3A_107 = arith.muli %add3A, %mul3A_106 : i32
    %add3A_108 = arith.constant 7000 : i32
    %add3A_109 = arith.addi %mul3A_107, %add3A_108 : i32
    %multiple_of3A_110 = tpu.assume_multiple %add3A_109, 8 : i32
    "tpu.region"() ({
      %run_scoped3A = tpu.sem_alloc : memref<!tpu.dma_semaphore, #tpu.memory_space<semaphore_mem>>
      %dma_start3A_168 = tpu.memref_slice %arg4[%multiple_of3A_110] : memref<320000xi32, #tpu.memory_space<hbm>> -> memref<1000xi32, #tpu.memory_space<hbm>>
      %dma_start3A_169 = tpu.memref_slice %arg4[%multiple_of3A_110] : memref<320000xi32, #tpu.memory_space<hbm>> -> memref<1000xi32, #tpu.memory_space<hbm>>
      tpu.enqueue_dma source(%dma_start3A_169 : memref<1000xi32, #tpu.memory_space<hbm>>) target(%arg8 : memref<1000xi32, #tpu.memory_space<vmem>>) target_semaphore(%run_scoped3A : memref<!tpu.dma_semaphore, #tpu.memory_space<semaphore_mem>>)
      %dma_wait3A_170 = tpu.memref_slice %arg4[%multiple_of3A_110] : memref<320000xi32, #tpu.memory_space<hbm>> -> memref<1000xi32, #tpu.memory_space<hbm>>
      %dma_wait3A_171 = tpu.memref_slice %arg4[%multiple_of3A_110] : memref<320000xi32, #tpu.memory_space<hbm>> -> memref<1000xi32, #tpu.memory_space<hbm>>
      tpu.wait_dma2 semaphore(%run_scoped3A : memref<!tpu.dma_semaphore, #tpu.memory_space<semaphore_mem>>) src(%dma_wait3A_171 : memref<1000xi32, #tpu.memory_space<hbm>>) dst(%arg8 : memref<1000xi32, #tpu.memory_space<vmem>>)
      tpu.yield
    }) : () -> ()
    %dma_start3A_111 = arith.constant 7000 : i32
    %dma_start3A_112 = tpu.memref_slice %arg6[%dma_start3A_111] : memref<10000xi32, #tpu.memory_space<vmem>> -> memref<1000xi32, #tpu.memory_space<vmem>>
    %dma_start3A_113 = arith.constant 0 : i32
    %dma_start3A_114 = arith.constant 0 : i32
    %dma_start3A_115 = tpu.memref_slice %arg2[%dma_start3A_113, %dma_start3A_114] : memref<10000x32xf32, #tpu.memory_space<hbm>> -> memref<10000x32xf32, #tpu.memory_space<hbm>>
    tpu.enqueue_indirect_dma source(%dma_start3A_115 : memref<10000x32xf32, #tpu.memory_space<hbm>>) target(%arg10 : memref<1000x32xf32, #tpu.memory_space<vmem>>) offsets(%dma_start3A_112 : memref<1000xi32, #tpu.memory_space<vmem>>) semaphore(%arg13 : memref<!tpu.dma_semaphore, #tpu.memory_space<semaphore_mem>>)
    %dma_wait3A_116 = arith.constant 6000 : i32
    %dma_wait3A_117 = tpu.memref_slice %arg6[%dma_wait3A_116] : memref<10000xi32, #tpu.memory_space<vmem>> -> memref<1000xi32, #tpu.memory_space<vmem>>
    %dma_wait3A_118 = arith.constant 0 : i32
    %dma_wait3A_119 = arith.constant 0 : i32
    %dma_wait3A_120 = tpu.memref_slice %arg2[%dma_wait3A_118, %dma_wait3A_119] : memref<10000x32xf32, #tpu.memory_space<hbm>> -> memref<10000x32xf32, #tpu.memory_space<hbm>>
    tpu.wait_indirect_dma semaphore(%arg12 : memref<!tpu.dma_semaphore, #tpu.memory_space<semaphore_mem>>) src(%dma_wait3A_120 : memref<10000x32xf32, #tpu.memory_space<hbm>>) dst(%arg9 : memref<1000x32xf32, #tpu.memory_space<vmem>>)
    "tpu.region"() ({
      %run_scoped3A = tpu.sem_alloc : memref<!tpu.dma_semaphore, #tpu.memory_space<semaphore_mem>>
      %dma_start3A_168 = arith.constant 0 : i32
      %dma_start3A_169 = arith.constant 0 : i32
      %dma_start3A_170 = tpu.memref_slice %arg11[%dma_start3A_168, %dma_start3A_169] : memref<10000x32xf32, #tpu.memory_space<vmem_shared>> -> memref<10000x32xf32, #tpu.memory_space<vmem_shared>>
      tpu.enqueue_indirect_dma source(%arg9 : memref<1000x32xf32, #tpu.memory_space<vmem>>) target(%dma_start3A_170 : memref<10000x32xf32, #tpu.memory_space<vmem_shared>>) offsets(%arg7 : memref<1000xi32, #tpu.memory_space<vmem>>) semaphore(%run_scoped3A : memref<!tpu.dma_semaphore, #tpu.memory_space<semaphore_mem>>) {add = true}
      %dma_wait3A_171 = arith.constant 0 : i32
      %dma_wait3A_172 = arith.constant 0 : i32
      %dma_wait3A_173 = tpu.memref_slice %arg11[%dma_wait3A_171, %dma_wait3A_172] : memref<10000x32xf32, #tpu.memory_space<vmem_shared>> -> memref<10000x32xf32, #tpu.memory_space<vmem_shared>>
      tpu.wait_indirect_dma semaphore(%run_scoped3A : memref<!tpu.dma_semaphore, #tpu.memory_space<semaphore_mem>>) src(%arg9 : memref<1000x32xf32, #tpu.memory_space<vmem>>) dst(%dma_wait3A_173 : memref<10000x32xf32, #tpu.memory_space<vmem_shared>>)
      tpu.yield
    }) : () -> ()
    %mul3A_121 = arith.constant 10000 : i32
    %mul3A_122 = arith.muli %add3A, %mul3A_121 : i32
    %add3A_123 = arith.constant 8000 : i32
    %add3A_124 = arith.addi %mul3A_122, %add3A_123 : i32
    %multiple_of3A_125 = tpu.assume_multiple %add3A_124, 8 : i32
    "tpu.region"() ({
      %run_scoped3A = tpu.sem_alloc : memref<!tpu.dma_semaphore, #tpu.memory_space<semaphore_mem>>
      %dma_start3A_168 = tpu.memref_slice %arg4[%multiple_of3A_125] : memref<320000xi32, #tpu.memory_space<hbm>> -> memref<1000xi32, #tpu.memory_space<hbm>>
      %dma_start3A_169 = tpu.memref_slice %arg4[%multiple_of3A_125] : memref<320000xi32, #tpu.memory_space<hbm>> -> memref<1000xi32, #tpu.memory_space<hbm>>
      tpu.enqueue_dma source(%dma_start3A_169 : memref<1000xi32, #tpu.memory_space<hbm>>) target(%arg7 : memref<1000xi32, #tpu.memory_space<vmem>>) target_semaphore(%run_scoped3A : memref<!tpu.dma_semaphore, #tpu.memory_space<semaphore_mem>>)
      %dma_wait3A_170 = tpu.memref_slice %arg4[%multiple_of3A_125] : memref<320000xi32, #tpu.memory_space<hbm>> -> memref<1000xi32, #tpu.memory_space<hbm>>
      %dma_wait3A_171 = tpu.memref_slice %arg4[%multiple_of3A_125] : memref<320000xi32, #tpu.memory_space<hbm>> -> memref<1000xi32, #tpu.memory_space<hbm>>
      tpu.wait_dma2 semaphore(%run_scoped3A : memref<!tpu.dma_semaphore, #tpu.memory_space<semaphore_mem>>) src(%dma_wait3A_171 : memref<1000xi32, #tpu.memory_space<hbm>>) dst(%arg7 : memref<1000xi32, #tpu.memory_space<vmem>>)
      tpu.yield
    }) : () -> ()
    %dma_start3A_126 = arith.constant 8000 : i32
    %dma_start3A_127 = tpu.memref_slice %arg6[%dma_start3A_126] : memref<10000xi32, #tpu.memory_space<vmem>> -> memref<1000xi32, #tpu.memory_space<vmem>>
    %dma_start3A_128 = arith.constant 0 : i32
    %dma_start3A_129 = arith.constant 0 : i32
    %dma_start3A_130 = tpu.memref_slice %arg2[%dma_start3A_128, %dma_start3A_129] : memref<10000x32xf32, #tpu.memory_space<hbm>> -> memref<10000x32xf32, #tpu.memory_space<hbm>>
    tpu.enqueue_indirect_dma source(%dma_start3A_130 : memref<10000x32xf32, #tpu.memory_space<hbm>>) target(%arg9 : memref<1000x32xf32, #tpu.memory_space<vmem>>) offsets(%dma_start3A_127 : memref<1000xi32, #tpu.memory_space<vmem>>) semaphore(%arg12 : memref<!tpu.dma_semaphore, #tpu.memory_space<semaphore_mem>>)
    %dma_wait3A_131 = arith.constant 7000 : i32
    %dma_wait3A_132 = tpu.memref_slice %arg6[%dma_wait3A_131] : memref<10000xi32, #tpu.memory_space<vmem>> -> memref<1000xi32, #tpu.memory_space<vmem>>
    %dma_wait3A_133 = arith.constant 0 : i32
    %dma_wait3A_134 = arith.constant 0 : i32
    %dma_wait3A_135 = tpu.memref_slice %arg2[%dma_wait3A_133, %dma_wait3A_134] : memref<10000x32xf32, #tpu.memory_space<hbm>> -> memref<10000x32xf32, #tpu.memory_space<hbm>>
    tpu.wait_indirect_dma semaphore(%arg13 : memref<!tpu.dma_semaphore, #tpu.memory_space<semaphore_mem>>) src(%dma_wait3A_135 : memref<10000x32xf32, #tpu.memory_space<hbm>>) dst(%arg10 : memref<1000x32xf32, #tpu.memory_space<vmem>>)
    "tpu.region"() ({
      %run_scoped3A = tpu.sem_alloc : memref<!tpu.dma_semaphore, #tpu.memory_space<semaphore_mem>>
      %dma_start3A_168 = arith.constant 0 : i32
      %dma_start3A_169 = arith.constant 0 : i32
      %dma_start3A_170 = tpu.memref_slice %arg11[%dma_start3A_168, %dma_start3A_169] : memref<10000x32xf32, #tpu.memory_space<vmem_shared>> -> memref<10000x32xf32, #tpu.memory_space<vmem_shared>>
      tpu.enqueue_indirect_dma source(%arg10 : memref<1000x32xf32, #tpu.memory_space<vmem>>) target(%dma_start3A_170 : memref<10000x32xf32, #tpu.memory_space<vmem_shared>>) offsets(%arg8 : memref<1000xi32, #tpu.memory_space<vmem>>) semaphore(%run_scoped3A : memref<!tpu.dma_semaphore, #tpu.memory_space<semaphore_mem>>) {add = true}
      %dma_wait3A_171 = arith.constant 0 : i32
      %dma_wait3A_172 = arith.constant 0 : i32
      %dma_wait3A_173 = tpu.memref_slice %arg11[%dma_wait3A_171, %dma_wait3A_172] : memref<10000x32xf32, #tpu.memory_space<vmem_shared>> -> memref<10000x32xf32, #tpu.memory_space<vmem_shared>>
      tpu.wait_indirect_dma semaphore(%run_scoped3A : memref<!tpu.dma_semaphore, #tpu.memory_space<semaphore_mem>>) src(%arg10 : memref<1000x32xf32, #tpu.memory_space<vmem>>) dst(%dma_wait3A_173 : memref<10000x32xf32, #tpu.memory_space<vmem_shared>>)
      tpu.yield
    }) : () -> ()
    %mul3A_136 = arith.constant 10000 : i32
    %mul3A_137 = arith.muli %add3A, %mul3A_136 : i32
    %add3A_138 = arith.constant 9000 : i32
    %add3A_139 = arith.addi %mul3A_137, %add3A_138 : i32
    %multiple_of3A_140 = tpu.assume_multiple %add3A_139, 8 : i32
    "tpu.region"() ({
      %run_scoped3A = tpu.sem_alloc : memref<!tpu.dma_semaphore, #tpu.memory_space<semaphore_mem>>
      %dma_start3A_168 = tpu.memref_slice %arg4[%multiple_of3A_140] : memref<320000xi32, #tpu.memory_space<hbm>> -> memref<1000xi32, #tpu.memory_space<hbm>>
      %dma_start3A_169 = tpu.memref_slice %arg4[%multiple_of3A_140] : memref<320000xi32, #tpu.memory_space<hbm>> -> memref<1000xi32, #tpu.memory_space<hbm>>
      tpu.enqueue_dma source(%dma_start3A_169 : memref<1000xi32, #tpu.memory_space<hbm>>) target(%arg8 : memref<1000xi32, #tpu.memory_space<vmem>>) target_semaphore(%run_scoped3A : memref<!tpu.dma_semaphore, #tpu.memory_space<semaphore_mem>>)
      %dma_wait3A_170 = tpu.memref_slice %arg4[%multiple_of3A_140] : memref<320000xi32, #tpu.memory_space<hbm>> -> memref<1000xi32, #tpu.memory_space<hbm>>
      %dma_wait3A_171 = tpu.memref_slice %arg4[%multiple_of3A_140] : memref<320000xi32, #tpu.memory_space<hbm>> -> memref<1000xi32, #tpu.memory_space<hbm>>
      tpu.wait_dma2 semaphore(%run_scoped3A : memref<!tpu.dma_semaphore, #tpu.memory_space<semaphore_mem>>) src(%dma_wait3A_171 : memref<1000xi32, #tpu.memory_space<hbm>>) dst(%arg8 : memref<1000xi32, #tpu.memory_space<vmem>>)
      tpu.yield
    }) : () -> ()
    %dma_start3A_141 = arith.constant 9000 : i32
    %dma_start3A_142 = tpu.memref_slice %arg6[%dma_start3A_141] : memref<10000xi32, #tpu.memory_space<vmem>> -> memref<1000xi32, #tpu.memory_space<vmem>>
    %dma_start3A_143 = arith.constant 0 : i32
    %dma_start3A_144 = arith.constant 0 : i32
    %dma_start3A_145 = tpu.memref_slice %arg2[%dma_start3A_143, %dma_start3A_144] : memref<10000x32xf32, #tpu.memory_space<hbm>> -> memref<10000x32xf32, #tpu.memory_space<hbm>>
    tpu.enqueue_indirect_dma source(%dma_start3A_145 : memref<10000x32xf32, #tpu.memory_space<hbm>>) target(%arg10 : memref<1000x32xf32, #tpu.memory_space<vmem>>) offsets(%dma_start3A_142 : memref<1000xi32, #tpu.memory_space<vmem>>) semaphore(%arg13 : memref<!tpu.dma_semaphore, #tpu.memory_space<semaphore_mem>>)
    %dma_wait3A_146 = arith.constant 8000 : i32
    %dma_wait3A_147 = tpu.memref_slice %arg6[%dma_wait3A_146] : memref<10000xi32, #tpu.memory_space<vmem>> -> memref<1000xi32, #tpu.memory_space<vmem>>
    %dma_wait3A_148 = arith.constant 0 : i32
    %dma_wait3A_149 = arith.constant 0 : i32
    %dma_wait3A_150 = tpu.memref_slice %arg2[%dma_wait3A_148, %dma_wait3A_149] : memref<10000x32xf32, #tpu.memory_space<hbm>> -> memref<10000x32xf32, #tpu.memory_space<hbm>>
    tpu.wait_indirect_dma semaphore(%arg12 : memref<!tpu.dma_semaphore, #tpu.memory_space<semaphore_mem>>) src(%dma_wait3A_150 : memref<10000x32xf32, #tpu.memory_space<hbm>>) dst(%arg9 : memref<1000x32xf32, #tpu.memory_space<vmem>>)
    "tpu.region"() ({
      %run_scoped3A = tpu.sem_alloc : memref<!tpu.dma_semaphore, #tpu.memory_space<semaphore_mem>>
      %dma_start3A_168 = arith.constant 0 : i32
      %dma_start3A_169 = arith.constant 0 : i32
      %dma_start3A_170 = tpu.memref_slice %arg11[%dma_start3A_168, %dma_start3A_169] : memref<10000x32xf32, #tpu.memory_space<vmem_shared>> -> memref<10000x32xf32, #tpu.memory_space<vmem_shared>>
      tpu.enqueue_indirect_dma source(%arg9 : memref<1000x32xf32, #tpu.memory_space<vmem>>) target(%dma_start3A_170 : memref<10000x32xf32, #tpu.memory_space<vmem_shared>>) offsets(%arg7 : memref<1000xi32, #tpu.memory_space<vmem>>) semaphore(%run_scoped3A : memref<!tpu.dma_semaphore, #tpu.memory_space<semaphore_mem>>) {add = true}
      %dma_wait3A_171 = arith.constant 0 : i32
      %dma_wait3A_172 = arith.constant 0 : i32
      %dma_wait3A_173 = tpu.memref_slice %arg11[%dma_wait3A_171, %dma_wait3A_172] : memref<10000x32xf32, #tpu.memory_space<vmem_shared>> -> memref<10000x32xf32, #tpu.memory_space<vmem_shared>>
      tpu.wait_indirect_dma semaphore(%run_scoped3A : memref<!tpu.dma_semaphore, #tpu.memory_space<semaphore_mem>>) src(%arg9 : memref<1000x32xf32, #tpu.memory_space<vmem>>) dst(%dma_wait3A_173 : memref<10000x32xf32, #tpu.memory_space<vmem_shared>>)
      tpu.yield
    }) : () -> ()
    %dma_wait3A_151 = arith.constant 9000 : i32
    %dma_wait3A_152 = tpu.memref_slice %arg6[%dma_wait3A_151] : memref<10000xi32, #tpu.memory_space<vmem>> -> memref<1000xi32, #tpu.memory_space<vmem>>
    %dma_wait3A_153 = arith.constant 0 : i32
    %dma_wait3A_154 = arith.constant 0 : i32
    %dma_wait3A_155 = tpu.memref_slice %arg2[%dma_wait3A_153, %dma_wait3A_154] : memref<10000x32xf32, #tpu.memory_space<hbm>> -> memref<10000x32xf32, #tpu.memory_space<hbm>>
    tpu.wait_indirect_dma semaphore(%arg13 : memref<!tpu.dma_semaphore, #tpu.memory_space<semaphore_mem>>) src(%dma_wait3A_155 : memref<10000x32xf32, #tpu.memory_space<hbm>>) dst(%arg10 : memref<1000x32xf32, #tpu.memory_space<vmem>>)
    "tpu.region"() ({
      %run_scoped3A = tpu.sem_alloc : memref<!tpu.dma_semaphore, #tpu.memory_space<semaphore_mem>>
      %dma_start3A_168 = arith.constant 0 : i32
      %dma_start3A_169 = arith.constant 0 : i32
      %dma_start3A_170 = tpu.memref_slice %arg11[%dma_start3A_168, %dma_start3A_169] : memref<10000x32xf32, #tpu.memory_space<vmem_shared>> -> memref<10000x32xf32, #tpu.memory_space<vmem_shared>>
      tpu.enqueue_indirect_dma source(%arg10 : memref<1000x32xf32, #tpu.memory_space<vmem>>) target(%dma_start3A_170 : memref<10000x32xf32, #tpu.memory_space<vmem_shared>>) offsets(%arg8 : memref<1000xi32, #tpu.memory_space<vmem>>) semaphore(%run_scoped3A : memref<!tpu.dma_semaphore, #tpu.memory_space<semaphore_mem>>) {add = true}
      %dma_wait3A_171 = arith.constant 0 : i32
      %dma_wait3A_172 = arith.constant 0 : i32
      %dma_wait3A_173 = tpu.memref_slice %arg11[%dma_wait3A_171, %dma_wait3A_172] : memref<10000x32xf32, #tpu.memory_space<vmem_shared>> -> memref<10000x32xf32, #tpu.memory_space<vmem_shared>>
      tpu.wait_indirect_dma semaphore(%run_scoped3A : memref<!tpu.dma_semaphore, #tpu.memory_space<semaphore_mem>>) src(%arg10 : memref<1000x32xf32, #tpu.memory_space<vmem>>) dst(%dma_wait3A_173 : memref<10000x32xf32, #tpu.memory_space<vmem_shared>>)
      tpu.yield
    }) : () -> ()
    %barrier3A_156 = arith.constant 0 : index
    tpu.barrier barrier_id(%barrier3A_156)
    %mul3A_157 = arith.constant 10000 : i32
    %mul3A_158 = arith.muli %arg0, %mul3A_157 : i32
    %mul3A_159 = arith.constant 624 : i32
    %mul3A_160 = arith.muli %arg1, %mul3A_159 : i32
    %add3A_161 = arith.addi %mul3A_158, %mul3A_160 : i32
    %multiple_of3A_162 = tpu.assume_multiple %add3A_161, 8 : i32
    "tpu.region"() ({
      %run_scoped3A = tpu.sem_alloc : memref<!tpu.dma_semaphore, #tpu.memory_space<semaphore_mem>>
      %dma_start3A_168 = arith.constant 0 : i32
      %dma_start3A_169 = tpu.memref_slice %arg5[%multiple_of3A_162, %dma_start3A_168] : memref<20000x32xf32, #tpu.memory_space<hbm>> -> memref<624x32xf32, #tpu.memory_space<hbm>>
      %dma_start3A_170 = arith.constant 0 : i32
      %dma_start3A_171 = tpu.memref_slice %arg11[%multiple_of3A_14, %dma_start3A_170] : memref<10000x32xf32, #tpu.memory_space<vmem_shared>> -> memref<624x32xf32, #tpu.memory_space<vmem_shared>>
      tpu.enqueue_dma source(%dma_start3A_171 : memref<624x32xf32, #tpu.memory_space<vmem_shared>>) target(%dma_start3A_169 : memref<624x32xf32, #tpu.memory_space<hbm>>) target_semaphore(%run_scoped3A : memref<!tpu.dma_semaphore, #tpu.memory_space<semaphore_mem>>)
      %dma_wait3A_172 = arith.constant 0 : i32
      %dma_wait3A_173 = tpu.memref_slice %arg5[%multiple_of3A_162, %dma_wait3A_172] : memref<20000x32xf32, #tpu.memory_space<hbm>> -> memref<624x32xf32, #tpu.memory_space<hbm>>
      %dma_wait3A_174 = arith.constant 0 : i32
      %dma_wait3A_175 = tpu.memref_slice %arg11[%multiple_of3A_14, %dma_wait3A_174] : memref<10000x32xf32, #tpu.memory_space<vmem_shared>> -> memref<624x32xf32, #tpu.memory_space<vmem_shared>>
      tpu.wait_dma2 semaphore(%run_scoped3A : memref<!tpu.dma_semaphore, #tpu.memory_space<semaphore_mem>>) src(%dma_wait3A_175 : memref<624x32xf32, #tpu.memory_space<vmem_shared>>) dst(%dma_wait3A_173 : memref<624x32xf32, #tpu.memory_space<hbm>>)
      tpu.yield
    }) : () -> ()
    %eq3A_163 = arith.constant 15 : i32
    %eq3A_164 = arith.cmpi eq, %arg1, %eq3A_163 : i32
    %convert_element_type3A_165 = arith.extui %eq3A_164 : i1 to i32
    %cond3A_166 = arith.constant 0 : i32
    %cond3A_167 = arith.cmpi ne, %convert_element_type3A_165, %cond3A_166 : i32
    scf.if %cond3A_167 {
      %mul3A_168 = arith.constant 10000 : i32
      %mul3A_169 = arith.muli %arg0, %mul3A_168 : i32
      %add3A_170 = arith.constant 9984 : i32
      %add3A_171 = arith.addi %mul3A_169, %add3A_170 : i32
      %multiple_of3A_172 = tpu.assume_multiple %add3A_171, 8 : i32
      "tpu.region"() ({
        %run_scoped3A = tpu.sem_alloc : memref<!tpu.dma_semaphore, #tpu.memory_space<semaphore_mem>>
        %dma_start3A_173 = arith.constant 0 : i32
        %dma_start3A_174 = tpu.memref_slice %arg5[%multiple_of3A_172, %dma_start3A_173] : memref<20000x32xf32, #tpu.memory_space<hbm>> -> memref<16x32xf32, #tpu.memory_space<hbm>>
        %dma_start3A_175 = arith.constant 9984 : i32
        %dma_start3A_176 = arith.constant 0 : i32
        %dma_start3A_177 = tpu.memref_slice %arg11[%dma_start3A_175, %dma_start3A_176] : memref<10000x32xf32, #tpu.memory_space<vmem_shared>> -> memref<16x32xf32, #tpu.memory_space<vmem_shared>>
        tpu.enqueue_dma source(%dma_start3A_177 : memref<16x32xf32, #tpu.memory_space<vmem_shared>>) target(%dma_start3A_174 : memref<16x32xf32, #tpu.memory_space<hbm>>) target_semaphore(%run_scoped3A : memref<!tpu.dma_semaphore, #tpu.memory_space<semaphore_mem>>)
        %dma_wait3A_178 = arith.constant 0 : i32
        %dma_wait3A_179 = tpu.memref_slice %arg5[%multiple_of3A_172, %dma_wait3A_178] : memref<20000x32xf32, #tpu.memory_space<hbm>> -> memref<16x32xf32, #tpu.memory_space<hbm>>
        %dma_wait3A_180 = arith.constant 9984 : i32
        %dma_wait3A_181 = arith.constant 0 : i32
        %dma_wait3A_182 = tpu.memref_slice %arg11[%dma_wait3A_180, %dma_wait3A_181] : memref<10000x32xf32, #tpu.memory_space<vmem_shared>> -> memref<16x32xf32, #tpu.memory_space<vmem_shared>>
        tpu.wait_dma2 semaphore(%run_scoped3A : memref<!tpu.dma_semaphore, #tpu.memory_space<semaphore_mem>>) src(%dma_wait3A_182 : memref<16x32xf32, #tpu.memory_space<vmem_shared>>) dst(%dma_wait3A_179 : memref<16x32xf32, #tpu.memory_space<hbm>>)
        tpu.yield
      }) : () -> ()
    } else {
    }
    return
  }
}

#map = affine_map<(d0, d1) -> (0, 0)>
#map1 = affine_map<(d0, d1) -> (0)>
module attributes {stable_mosaic.version = 14 : i64} {
  func.func @spmm_kernel(%arg0: i32, %arg1: i32, %arg2: memref<10000x32xf32, #tpu.memory_space<hbm>>, %arg3: memref<320000xi32, #tpu.memory_space<hbm>>, %arg4: memref<320000xi32, #tpu.memory_space<hbm>>, %arg5: memref<20000x32xf32, #tpu.memory_space<hbm>>, %arg6: memref<10000xi32, #tpu.memory_space<vmem>>, %arg7: memref<1000xi32, #tpu.memory_space<vmem>>, %arg8: memref<1000xi32, #tpu.memory_space<vmem>>, %arg9: memref<1000x32xf32, #tpu.memory_space<vmem>>, %arg10: memref<1000x32xf32, #tpu.memory_space<vmem>>, %arg11: memref<10000x32xf32, #tpu.memory_space<vmem_shared>>, %arg12: memref<!tpu.dma_semaphore, #tpu.memory_space<semaphore_mem>>, %arg13: memref<!tpu.dma_semaphore, #tpu.memory_space<semaphore_mem>>) attributes {dimension_semantics = [#tpu.dimension_semantics<core_parallel>, #tpu.dimension_semantics<subcore_parallel>], iteration_bounds = array<i64: 2, 16>, scalar_prefetch = 0 : i64, scratch_operands = 8 : i64, tpu.core_type = #tpu.core_type<sc_vector_subcore>, window_params = [{transform_indices = #map}, {transform_indices = #map1}, {transform_indices = #map1}, {transform_indices = #map}]} {
    %mul3A = arith.constant 16 : i32
    %mul3A_0 = arith.muli %arg0, %mul3A : i32
    %add3A = arith.addi %mul3A_0, %arg1 : i32
    %mul3A_1 = arith.constant 10000 : i32
    %mul3A_2 = arith.muli %add3A, %mul3A_1 : i32
    %multiple_of3A = tpu.assume_multiple %mul3A_2, 8 : i32
    "tpu.region"() ({
      %run_scoped3A = tpu.sem_alloc : memref<!tpu.dma_semaphore, #tpu.memory_space<semaphore_mem>>
      %dma_start3A_168 = tpu.memref_slice %arg3[%multiple_of3A] : memref<320000xi32, #tpu.memory_space<hbm>> -> memref<10000xi32, #tpu.memory_space<hbm>>
      %dma_start3A_169 = tpu.memref_slice %arg3[%multiple_of3A] : memref<320000xi32, #tpu.memory_space<hbm>> -> memref<10000xi32, #tpu.memory_space<hbm>>
      tpu.enqueue_dma source(%dma_start3A_169 : memref<10000xi32, #tpu.memory_space<hbm>>) target(%arg6 : memref<10000xi32, #tpu.memory_space<vmem>>) target_semaphore(%run_scoped3A : memref<!tpu.dma_semaphore, #tpu.memory_space<semaphore_mem>>)
      %dma_wait3A_170 = tpu.memref_slice %arg3[%multiple_of3A] : memref<320000xi32, #tpu.memory_space<hbm>> -> memref<10000xi32, #tpu.memory_space<hbm>>
      %dma_wait3A_171 = tpu.memref_slice %arg3[%multiple_of3A] : memref<320000xi32, #tpu.memory_space<hbm>> -> memref<10000xi32, #tpu.memory_space<hbm>>
      tpu.wait_dma2 semaphore(%run_scoped3A : memref<!tpu.dma_semaphore, #tpu.memory_space<semaphore_mem>>) src(%dma_wait3A_171 : memref<10000xi32, #tpu.memory_space<hbm>>) dst(%arg6 : memref<10000xi32, #tpu.memory_space<vmem>>)
      tpu.yield
    }) : () -> ()
    %mul3A_3 = arith.constant 10000 : i32
    %mul3A_4 = arith.muli %add3A, %mul3A_3 : i32
    %add3A_5 = arith.constant 0 : i32
    %add3A_6 = arith.addi %mul3A_4, %add3A_5 : i32
    %multiple_of3A_7 = tpu.assume_multiple %add3A_6, 8 : i32
    "tpu.region"() ({
      %run_scoped3A = tpu.sem_alloc : memref<!tpu.dma_semaphore, #tpu.memory_space<semaphore_mem>>
      %dma_start3A_168 = tpu.memref_slice %arg4[%multiple_of3A_7] : memref<320000xi32, #tpu.memory_space<hbm>> -> memref<1000xi32, #tpu.memory_space<hbm>>
      %dma_start3A_169 = tpu.memref_slice %arg4[%multiple_of3A_7] : memref<320000xi32, #tpu.memory_space<hbm>> -> memref<1000xi32, #tpu.memory_space<hbm>>
      tpu.enqueue_dma source(%dma_start3A_169 : memref<1000xi32, #tpu.memory_space<hbm>>) target(%arg7 : memref<1000xi32, #tpu.memory_space<vmem>>) target_semaphore(%run_scoped3A : memref<!tpu.dma_semaphore, #tpu.memory_space<semaphore_mem>>)
      %dma_wait3A_170 = tpu.memref_slice %arg4[%multiple_of3A_7] : memref<320000xi32, #tpu.memory_space<hbm>> -> memref<1000xi32, #tpu.memory_space<hbm>>
      %dma_wait3A_171 = tpu.memref_slice %arg4[%multiple_of3A_7] : memref<320000xi32, #tpu.memory_space<hbm>> -> memref<1000xi32, #tpu.memory_space<hbm>>
      tpu.wait_dma2 semaphore(%run_scoped3A : memref<!tpu.dma_semaphore, #tpu.memory_space<semaphore_mem>>) src(%dma_wait3A_171 : memref<1000xi32, #tpu.memory_space<hbm>>) dst(%arg7 : memref<1000xi32, #tpu.memory_space<vmem>>)
      tpu.yield
    }) : () -> ()
    %dma_start3A = arith.constant 0 : i32
    %dma_start3A_8 = tpu.memref_slice %arg6[%dma_start3A] : memref<10000xi32, #tpu.memory_space<vmem>> -> memref<1000xi32, #tpu.memory_space<vmem>>
    %dma_start3A_9 = arith.constant 0 : i32
    %dma_start3A_10 = arith.constant 0 : i32
    %dma_start3A_11 = tpu.memref_slice %arg2[%dma_start3A_9, %dma_start3A_10] : memref<10000x32xf32, #tpu.memory_space<hbm>> -> memref<10000x32xf32, #tpu.memory_space<hbm>>
    tpu.enqueue_indirect_dma source(%dma_start3A_11 : memref<10000x32xf32, #tpu.memory_space<hbm>>) target(%arg9 : memref<1000x32xf32, #tpu.memory_space<vmem>>) offsets(%dma_start3A_8 : memref<1000xi32, #tpu.memory_space<vmem>>) semaphore(%arg12 : memref<!tpu.dma_semaphore, #tpu.memory_space<semaphore_mem>>)
    %mul3A_12 = arith.constant 624 : i32
    %mul3A_13 = arith.muli %arg1, %mul3A_12 : i32
    %multiple_of3A_14 = tpu.assume_multiple %mul3A_13, 8 : i32
    "tpu.region"() ({
      %run_scoped3A = tpu.sem_alloc : memref<!tpu.dma_semaphore, #tpu.memory_space<semaphore_mem>>
      %dma_start3A_168 = arith.constant 0 : i32
      %dma_start3A_169 = tpu.memref_slice %arg11[%multiple_of3A_14, %dma_start3A_168] : memref<10000x32xf32, #tpu.memory_space<vmem_shared>> -> memref<624x32xf32, #tpu.memory_space<vmem_shared>>
      %dma_start3A_170 = arith.constant 0 : i32
      %dma_start3A_171 = tpu.memref_slice %arg2[%multiple_of3A_14, %dma_start3A_170] : memref<10000x32xf32, #tpu.memory_space<hbm>> -> memref<624x32xf32, #tpu.memory_space<hbm>>
      tpu.enqueue_dma source(%dma_start3A_171 : memref<624x32xf32, #tpu.memory_space<hbm>>) target(%dma_start3A_169 : memref<624x32xf32, #tpu.memory_space<vmem_shared>>) target_semaphore(%run_scoped3A : memref<!tpu.dma_semaphore, #tpu.memory_space<semaphore_mem>>)
      %dma_wait3A_172 = arith.constant 0 : i32
      %dma_wait3A_173 = tpu.memref_slice %arg11[%multiple_of3A_14, %dma_wait3A_172] : memref<10000x32xf32, #tpu.memory_space<vmem_shared>> -> memref<624x32xf32, #tpu.memory_space<vmem_shared>>
      %dma_wait3A_174 = arith.constant 0 : i32
      %dma_wait3A_175 = tpu.memref_slice %arg2[%multiple_of3A_14, %dma_wait3A_174] : memref<10000x32xf32, #tpu.memory_space<hbm>> -> memref<624x32xf32, #tpu.memory_space<hbm>>
      tpu.wait_dma2 semaphore(%run_scoped3A : memref<!tpu.dma_semaphore, #tpu.memory_space<semaphore_mem>>) src(%dma_wait3A_175 : memref<624x32xf32, #tpu.memory_space<hbm>>) dst(%dma_wait3A_173 : memref<624x32xf32, #tpu.memory_space<vmem_shared>>)
      tpu.yield
    }) : () -> ()
    %eq3A = arith.constant 15 : i32
    %eq3A_15 = arith.cmpi eq, %arg1, %eq3A : i32
    %convert_element_type3A = arith.extui %eq3A_15 : i1 to i32
    %cond3A = arith.constant 0 : i32
    %cond3A_16 = arith.cmpi ne, %convert_element_type3A, %cond3A : i32
    scf.if %cond3A_16 {
      "tpu.region"() ({
        %run_scoped3A = tpu.sem_alloc : memref<!tpu.dma_semaphore, #tpu.memory_space<semaphore_mem>>
        %dma_start3A_168 = arith.constant 9984 : i32
        %dma_start3A_169 = arith.constant 0 : i32
        %dma_start3A_170 = tpu.memref_slice %arg11[%dma_start3A_168, %dma_start3A_169] : memref<10000x32xf32, #tpu.memory_space<vmem_shared>> -> memref<16x32xf32, #tpu.memory_space<vmem_shared>>
        %dma_start3A_171 = arith.constant 9984 : i32
        %dma_start3A_172 = arith.constant 0 : i32
        %dma_start3A_173 = tpu.memref_slice %arg2[%dma_start3A_171, %dma_start3A_172] : memref<10000x32xf32, #tpu.memory_space<hbm>> -> memref<16x32xf32, #tpu.memory_space<hbm>>
        tpu.enqueue_dma source(%dma_start3A_173 : memref<16x32xf32, #tpu.memory_space<hbm>>) target(%dma_start3A_170 : memref<16x32xf32, #tpu.memory_space<vmem_shared>>) target_semaphore(%run_scoped3A : memref<!tpu.dma_semaphore, #tpu.memory_space<semaphore_mem>>)
        %dma_wait3A_174 = arith.constant 9984 : i32
        %dma_wait3A_175 = arith.constant 0 : i32
        %dma_wait3A_176 = tpu.memref_slice %arg11[%dma_wait3A_174, %dma_wait3A_175] : memref<10000x32xf32, #tpu.memory_space<vmem_shared>> -> memref<16x32xf32, #tpu.memory_space<vmem_shared>>
        %dma_wait3A_177 = arith.constant 9984 : i32
        %dma_wait3A_178 = arith.constant 0 : i32
        %dma_wait3A_179 = tpu.memref_slice %arg2[%dma_wait3A_177, %dma_wait3A_178] : memref<10000x32xf32, #tpu.memory_space<hbm>> -> memref<16x32xf32, #tpu.memory_space<hbm>>
        tpu.wait_dma2 semaphore(%run_scoped3A : memref<!tpu.dma_semaphore, #tpu.memory_space<semaphore_mem>>) src(%dma_wait3A_179 : memref<16x32xf32, #tpu.memory_space<hbm>>) dst(%dma_wait3A_176 : memref<16x32xf32, #tpu.memory_space<vmem_shared>>)
        tpu.yield
      }) : () -> ()
    } else {
    }
    %barrier3A = arith.constant 0 : index
    tpu.barrier barrier_id(%barrier3A)
    %mul3A_17 = arith.constant 10000 : i32
    %mul3A_18 = arith.muli %add3A, %mul3A_17 : i32
    %add3A_19 = arith.constant 1000 : i32
    %add3A_20 = arith.addi %mul3A_18, %add3A_19 : i32
    %multiple_of3A_21 = tpu.assume_multiple %add3A_20, 8 : i32
    "tpu.region"() ({
      %run_scoped3A = tpu.sem_alloc : memref<!tpu.dma_semaphore, #tpu.memory_space<semaphore_mem>>
      %dma_start3A_168 = tpu.memref_slice %arg4[%multiple_of3A_21] : memref<320000xi32, #tpu.memory_space<hbm>> -> memref<1000xi32, #tpu.memory_space<hbm>>
      %dma_start3A_169 = tpu.memref_slice %arg4[%multiple_of3A_21] : memref<320000xi32, #tpu.memory_space<hbm>> -> memref<1000xi32, #tpu.memory_space<hbm>>
      tpu.enqueue_dma source(%dma_start3A_169 : memref<1000xi32, #tpu.memory_space<hbm>>) target(%arg8 : memref<1000xi32, #tpu.memory_space<vmem>>) target_semaphore(%run_scoped3A : memref<!tpu.dma_semaphore, #tpu.memory_space<semaphore_mem>>)
      %dma_wait3A_170 = tpu.memref_slice %arg4[%multiple_of3A_21] : memref<320000xi32, #tpu.memory_space<hbm>> -> memref<1000xi32, #tpu.memory_space<hbm>>
      %dma_wait3A_171 = tpu.memref_slice %arg4[%multiple_of3A_21] : memref<320000xi32, #tpu.memory_space<hbm>> -> memref<1000xi32, #tpu.memory_space<hbm>>
      tpu.wait_dma2 semaphore(%run_scoped3A : memref<!tpu.dma_semaphore, #tpu.memory_space<semaphore_mem>>) src(%dma_wait3A_171 : memref<1000xi32, #tpu.memory_space<hbm>>) dst(%arg8 : memref<1000xi32, #tpu.memory_space<vmem>>)
      tpu.yield
    }) : () -> ()
    %dma_start3A_22 = arith.constant 1000 : i32
    %dma_start3A_23 = tpu.memref_slice %arg6[%dma_start3A_22] : memref<10000xi32, #tpu.memory_space<vmem>> -> memref<1000xi32, #tpu.memory_space<vmem>>
    %dma_start3A_24 = arith.constant 0 : i32
    %dma_start3A_25 = arith.constant 0 : i32
    %dma_start3A_26 = tpu.memref_slice %arg2[%dma_start3A_24, %dma_start3A_25] : memref<10000x32xf32, #tpu.memory_space<hbm>> -> memref<10000x32xf32, #tpu.memory_space<hbm>>
    tpu.enqueue_indirect_dma source(%dma_start3A_26 : memref<10000x32xf32, #tpu.memory_space<hbm>>) target(%arg10 : memref<1000x32xf32, #tpu.memory_space<vmem>>) offsets(%dma_start3A_23 : memref<1000xi32, #tpu.memory_space<vmem>>) semaphore(%arg13 : memref<!tpu.dma_semaphore, #tpu.memory_space<semaphore_mem>>)
    %dma_wait3A = arith.constant 0 : i32
    %dma_wait3A_27 = tpu.memref_slice %arg6[%dma_wait3A] : memref<10000xi32, #tpu.memory_space<vmem>> -> memref<1000xi32, #tpu.memory_space<vmem>>
    %dma_wait3A_28 = arith.constant 0 : i32
    %dma_wait3A_29 = arith.constant 0 : i32
    %dma_wait3A_30 = tpu.memref_slice %arg2[%dma_wait3A_28, %dma_wait3A_29] : memref<10000x32xf32, #tpu.memory_space<hbm>> -> memref<10000x32xf32, #tpu.memory_space<hbm>>
    tpu.wait_indirect_dma semaphore(%arg12 : memref<!tpu.dma_semaphore, #tpu.memory_space<semaphore_mem>>) src(%dma_wait3A_30 : memref<10000x32xf32, #tpu.memory_space<hbm>>) dst(%arg9 : memref<1000x32xf32, #tpu.memory_space<vmem>>)
    "tpu.region"() ({
      %run_scoped3A = tpu.sem_alloc : memref<!tpu.dma_semaphore, #tpu.memory_space<semaphore_mem>>
      %dma_start3A_168 = arith.constant 0 : i32
      %dma_start3A_169 = arith.constant 0 : i32
      %dma_start3A_170 = tpu.memref_slice %arg11[%dma_start3A_168, %dma_start3A_169] : memref<10000x32xf32, #tpu.memory_space<vmem_shared>> -> memref<10000x32xf32, #tpu.memory_space<vmem_shared>>
      tpu.enqueue_indirect_dma source(%arg9 : memref<1000x32xf32, #tpu.memory_space<vmem>>) target(%dma_start3A_170 : memref<10000x32xf32, #tpu.memory_space<vmem_shared>>) offsets(%arg7 : memref<1000xi32, #tpu.memory_space<vmem>>) semaphore(%run_scoped3A : memref<!tpu.dma_semaphore, #tpu.memory_space<semaphore_mem>>) {add = true}
      %dma_wait3A_171 = arith.constant 0 : i32
      %dma_wait3A_172 = arith.constant 0 : i32
      %dma_wait3A_173 = tpu.memref_slice %arg11[%dma_wait3A_171, %dma_wait3A_172] : memref<10000x32xf32, #tpu.memory_space<vmem_shared>> -> memref<10000x32xf32, #tpu.memory_space<vmem_shared>>
      tpu.wait_indirect_dma semaphore(%run_scoped3A : memref<!tpu.dma_semaphore, #tpu.memory_space<semaphore_mem>>) src(%arg9 : memref<1000x32xf32, #tpu.memory_space<vmem>>) dst(%dma_wait3A_173 : memref<10000x32xf32, #tpu.memory_space<vmem_shared>>)
      tpu.yield
    }) : () -> ()
    %mul3A_31 = arith.constant 10000 : i32
    %mul3A_32 = arith.muli %add3A, %mul3A_31 : i32
    %add3A_33 = arith.constant 2000 : i32
    %add3A_34 = arith.addi %mul3A_32, %add3A_33 : i32
    %multiple_of3A_35 = tpu.assume_multiple %add3A_34, 8 : i32
    "tpu.region"() ({
      %run_scoped3A = tpu.sem_alloc : memref<!tpu.dma_semaphore, #tpu.memory_space<semaphore_mem>>
      %dma_start3A_168 = tpu.memref_slice %arg4[%multiple_of3A_35] : memref<320000xi32, #tpu.memory_space<hbm>> -> memref<1000xi32, #tpu.memory_space<hbm>>
      %dma_start3A_169 = tpu.memref_slice %arg4[%multiple_of3A_35] : memref<320000xi32, #tpu.memory_space<hbm>> -> memref<1000xi32, #tpu.memory_space<hbm>>
      tpu.enqueue_dma source(%dma_start3A_169 : memref<1000xi32, #tpu.memory_space<hbm>>) target(%arg7 : memref<1000xi32, #tpu.memory_space<vmem>>) target_semaphore(%run_scoped3A : memref<!tpu.dma_semaphore, #tpu.memory_space<semaphore_mem>>)
      %dma_wait3A_170 = tpu.memref_slice %arg4[%multiple_of3A_35] : memref<320000xi32, #tpu.memory_space<hbm>> -> memref<1000xi32, #tpu.memory_space<hbm>>
      %dma_wait3A_171 = tpu.memref_slice %arg4[%multiple_of3A_35] : memref<320000xi32, #tpu.memory_space<hbm>> -> memref<1000xi32, #tpu.memory_space<hbm>>
      tpu.wait_dma2 semaphore(%run_scoped3A : memref<!tpu.dma_semaphore, #tpu.memory_space<semaphore_mem>>) src(%dma_wait3A_171 : memref<1000xi32, #tpu.memory_space<hbm>>) dst(%arg7 : memref<1000xi32, #tpu.memory_space<vmem>>)
      tpu.yield
    }) : () -> ()
    %dma_start3A_36 = arith.constant 2000 : i32
    %dma_start3A_37 = tpu.memref_slice %arg6[%dma_start3A_36] : memref<10000xi32, #tpu.memory_space<vmem>> -> memref<1000xi32, #tpu.memory_space<vmem>>
    %dma_start3A_38 = arith.constant 0 : i32
    %dma_start3A_39 = arith.constant 0 : i32
    %dma_start3A_40 = tpu.memref_slice %arg2[%dma_start3A_38, %dma_start3A_39] : memref<10000x32xf32, #tpu.memory_space<hbm>> -> memref<10000x32xf32, #tpu.memory_space<hbm>>
    tpu.enqueue_indirect_dma source(%dma_start3A_40 : memref<10000x32xf32, #tpu.memory_space<hbm>>) target(%arg9 : memref<1000x32xf32, #tpu.memory_space<vmem>>) offsets(%dma_start3A_37 : memref<1000xi32, #tpu.memory_space<vmem>>) semaphore(%arg12 : memref<!tpu.dma_semaphore, #tpu.memory_space<semaphore_mem>>)
    %dma_wait3A_41 = arith.constant 1000 : i32
    %dma_wait3A_42 = tpu.memref_slice %arg6[%dma_wait3A_41] : memref<10000xi32, #tpu.memory_space<vmem>> -> memref<1000xi32, #tpu.memory_space<vmem>>
    %dma_wait3A_43 = arith.constant 0 : i32
    %dma_wait3A_44 = arith.constant 0 : i32
    %dma_wait3A_45 = tpu.memref_slice %arg2[%dma_wait3A_43, %dma_wait3A_44] : memref<10000x32xf32, #tpu.memory_space<hbm>> -> memref<10000x32xf32, #tpu.memory_space<hbm>>
    tpu.wait_indirect_dma semaphore(%arg13 : memref<!tpu.dma_semaphore, #tpu.memory_space<semaphore_mem>>) src(%dma_wait3A_45 : memref<10000x32xf32, #tpu.memory_space<hbm>>) dst(%arg10 : memref<1000x32xf32, #tpu.memory_space<vmem>>)
    "tpu.region"() ({
      %run_scoped3A = tpu.sem_alloc : memref<!tpu.dma_semaphore, #tpu.memory_space<semaphore_mem>>
      %dma_start3A_168 = arith.constant 0 : i32
      %dma_start3A_169 = arith.constant 0 : i32
      %dma_start3A_170 = tpu.memref_slice %arg11[%dma_start3A_168, %dma_start3A_169] : memref<10000x32xf32, #tpu.memory_space<vmem_shared>> -> memref<10000x32xf32, #tpu.memory_space<vmem_shared>>
      tpu.enqueue_indirect_dma source(%arg10 : memref<1000x32xf32, #tpu.memory_space<vmem>>) target(%dma_start3A_170 : memref<10000x32xf32, #tpu.memory_space<vmem_shared>>) offsets(%arg8 : memref<1000xi32, #tpu.memory_space<vmem>>) semaphore(%run_scoped3A : memref<!tpu.dma_semaphore, #tpu.memory_space<semaphore_mem>>) {add = true}
      %dma_wait3A_171 = arith.constant 0 : i32
      %dma_wait3A_172 = arith.constant 0 : i32
      %dma_wait3A_173 = tpu.memref_slice %arg11[%dma_wait3A_171, %dma_wait3A_172] : memref<10000x32xf32, #tpu.memory_space<vmem_shared>> -> memref<10000x32xf32, #tpu.memory_space<vmem_shared>>
      tpu.wait_indirect_dma semaphore(%run_scoped3A : memref<!tpu.dma_semaphore, #tpu.memory_space<semaphore_mem>>) src(%arg10 : memref<1000x32xf32, #tpu.memory_space<vmem>>) dst(%dma_wait3A_173 : memref<10000x32xf32, #tpu.memory_space<vmem_shared>>)
      tpu.yield
    }) : () -> ()
    %mul3A_46 = arith.constant 10000 : i32
    %mul3A_47 = arith.muli %add3A, %mul3A_46 : i32
    %add3A_48 = arith.constant 3000 : i32
    %add3A_49 = arith.addi %mul3A_47, %add3A_48 : i32
    %multiple_of3A_50 = tpu.assume_multiple %add3A_49, 8 : i32
    "tpu.region"() ({
      %run_scoped3A = tpu.sem_alloc : memref<!tpu.dma_semaphore, #tpu.memory_space<semaphore_mem>>
      %dma_start3A_168 = tpu.memref_slice %arg4[%multiple_of3A_50] : memref<320000xi32, #tpu.memory_space<hbm>> -> memref<1000xi32, #tpu.memory_space<hbm>>
      %dma_start3A_169 = tpu.memref_slice %arg4[%multiple_of3A_50] : memref<320000xi32, #tpu.memory_space<hbm>> -> memref<1000xi32, #tpu.memory_space<hbm>>
      tpu.enqueue_dma source(%dma_start3A_169 : memref<1000xi32, #tpu.memory_space<hbm>>) target(%arg8 : memref<1000xi32, #tpu.memory_space<vmem>>) target_semaphore(%run_scoped3A : memref<!tpu.dma_semaphore, #tpu.memory_space<semaphore_mem>>)
      %dma_wait3A_170 = tpu.memref_slice %arg4[%multiple_of3A_50] : memref<320000xi32, #tpu.memory_space<hbm>> -> memref<1000xi32, #tpu.memory_space<hbm>>
      %dma_wait3A_171 = tpu.memref_slice %arg4[%multiple_of3A_50] : memref<320000xi32, #tpu.memory_space<hbm>> -> memref<1000xi32, #tpu.memory_space<hbm>>
      tpu.wait_dma2 semaphore(%run_scoped3A : memref<!tpu.dma_semaphore, #tpu.memory_space<semaphore_mem>>) src(%dma_wait3A_171 : memref<1000xi32, #tpu.memory_space<hbm>>) dst(%arg8 : memref<1000xi32, #tpu.memory_space<vmem>>)
      tpu.yield
    }) : () -> ()
    %dma_start3A_51 = arith.constant 3000 : i32
    %dma_start3A_52 = tpu.memref_slice %arg6[%dma_start3A_51] : memref<10000xi32, #tpu.memory_space<vmem>> -> memref<1000xi32, #tpu.memory_space<vmem>>
    %dma_start3A_53 = arith.constant 0 : i32
    %dma_start3A_54 = arith.constant 0 : i32
    %dma_start3A_55 = tpu.memref_slice %arg2[%dma_start3A_53, %dma_start3A_54] : memref<10000x32xf32, #tpu.memory_space<hbm>> -> memref<10000x32xf32, #tpu.memory_space<hbm>>
    tpu.enqueue_indirect_dma source(%dma_start3A_55 : memref<10000x32xf32, #tpu.memory_space<hbm>>) target(%arg10 : memref<1000x32xf32, #tpu.memory_space<vmem>>) offsets(%dma_start3A_52 : memref<1000xi32, #tpu.memory_space<vmem>>) semaphore(%arg13 : memref<!tpu.dma_semaphore, #tpu.memory_space<semaphore_mem>>)
    %dma_wait3A_56 = arith.constant 2000 : i32
    %dma_wait3A_57 = tpu.memref_slice %arg6[%dma_wait3A_56] : memref<10000xi32, #tpu.memory_space<vmem>> -> memref<1000xi32, #tpu.memory_space<vmem>>
    %dma_wait3A_58 = arith.constant 0 : i32
    %dma_wait3A_59 = arith.constant 0 : i32
    %dma_wait3A_60 = tpu.memref_slice %arg2[%dma_wait3A_58, %dma_wait3A_59] : memref<10000x32xf32, #tpu.memory_space<hbm>> -> memref<10000x32xf32, #tpu.memory_space<hbm>>
    tpu.wait_indirect_dma semaphore(%arg12 : memref<!tpu.dma_semaphore, #tpu.memory_space<semaphore_mem>>) src(%dma_wait3A_60 : memref<10000x32xf32, #tpu.memory_space<hbm>>) dst(%arg9 : memref<1000x32xf32, #tpu.memory_space<vmem>>)
    "tpu.region"() ({
      %run_scoped3A = tpu.sem_alloc : memref<!tpu.dma_semaphore, #tpu.memory_space<semaphore_mem>>
      %dma_start3A_168 = arith.constant 0 : i32
      %dma_start3A_169 = arith.constant 0 : i32
      %dma_start3A_170 = tpu.memref_slice %arg11[%dma_start3A_168, %dma_start3A_169] : memref<10000x32xf32, #tpu.memory_space<vmem_shared>> -> memref<10000x32xf32, #tpu.memory_space<vmem_shared>>
      tpu.enqueue_indirect_dma source(%arg9 : memref<1000x32xf32, #tpu.memory_space<vmem>>) target(%dma_start3A_170 : memref<10000x32xf32, #tpu.memory_space<vmem_shared>>) offsets(%arg7 : memref<1000xi32, #tpu.memory_space<vmem>>) semaphore(%run_scoped3A : memref<!tpu.dma_semaphore, #tpu.memory_space<semaphore_mem>>) {add = true}
      %dma_wait3A_171 = arith.constant 0 : i32
      %dma_wait3A_172 = arith.constant 0 : i32
      %dma_wait3A_173 = tpu.memref_slice %arg11[%dma_wait3A_171, %dma_wait3A_172] : memref<10000x32xf32, #tpu.memory_space<vmem_shared>> -> memref<10000x32xf32, #tpu.memory_space<vmem_shared>>
      tpu.wait_indirect_dma semaphore(%run_scoped3A : memref<!tpu.dma_semaphore, #tpu.memory_space<semaphore_mem>>) src(%arg9 : memref<1000x32xf32, #tpu.memory_space<vmem>>) dst(%dma_wait3A_173 : memref<10000x32xf32, #tpu.memory_space<vmem_shared>>)
      tpu.yield
    }) : () -> ()
    %mul3A_61 = arith.constant 10000 : i32
    %mul3A_62 = arith.muli %add3A, %mul3A_61 : i32
    %add3A_63 = arith.constant 4000 : i32
    %add3A_64 = arith.addi %mul3A_62, %add3A_63 : i32
    %multiple_of3A_65 = tpu.assume_multiple %add3A_64, 8 : i32
    "tpu.region"() ({
      %run_scoped3A = tpu.sem_alloc : memref<!tpu.dma_semaphore, #tpu.memory_space<semaphore_mem>>
      %dma_start3A_168 = tpu.memref_slice %arg4[%multiple_of3A_65] : memref<320000xi32, #tpu.memory_space<hbm>> -> memref<1000xi32, #tpu.memory_space<hbm>>
      %dma_start3A_169 = tpu.memref_slice %arg4[%multiple_of3A_65] : memref<320000xi32, #tpu.memory_space<hbm>> -> memref<1000xi32, #tpu.memory_space<hbm>>
      tpu.enqueue_dma source(%dma_start3A_169 : memref<1000xi32, #tpu.memory_space<hbm>>) target(%arg7 : memref<1000xi32, #tpu.memory_space<vmem>>) target_semaphore(%run_scoped3A : memref<!tpu.dma_semaphore, #tpu.memory_space<semaphore_mem>>)
      %dma_wait3A_170 = tpu.memref_slice %arg4[%multiple_of3A_65] : memref<320000xi32, #tpu.memory_space<hbm>> -> memref<1000xi32, #tpu.memory_space<hbm>>
      %dma_wait3A_171 = tpu.memref_slice %arg4[%multiple_of3A_65] : memref<320000xi32, #tpu.memory_space<hbm>> -> memref<1000xi32, #tpu.memory_space<hbm>>
      tpu.wait_dma2 semaphore(%run_scoped3A : memref<!tpu.dma_semaphore, #tpu.memory_space<semaphore_mem>>) src(%dma_wait3A_171 : memref<1000xi32, #tpu.memory_space<hbm>>) dst(%arg7 : memref<1000xi32, #tpu.memory_space<vmem>>)
      tpu.yield
    }) : () -> ()
    %dma_start3A_66 = arith.constant 4000 : i32
    %dma_start3A_67 = tpu.memref_slice %arg6[%dma_start3A_66] : memref<10000xi32, #tpu.memory_space<vmem>> -> memref<1000xi32, #tpu.memory_space<vmem>>
    %dma_start3A_68 = arith.constant 0 : i32
    %dma_start3A_69 = arith.constant 0 : i32
    %dma_start3A_70 = tpu.memref_slice %arg2[%dma_start3A_68, %dma_start3A_69] : memref<10000x32xf32, #tpu.memory_space<hbm>> -> memref<10000x32xf32, #tpu.memory_space<hbm>>
    tpu.enqueue_indirect_dma source(%dma_start3A_70 : memref<10000x32xf32, #tpu.memory_space<hbm>>) target(%arg9 : memref<1000x32xf32, #tpu.memory_space<vmem>>) offsets(%dma_start3A_67 : memref<1000xi32, #tpu.memory_space<vmem>>) semaphore(%arg12 : memref<!tpu.dma_semaphore, #tpu.memory_space<semaphore_mem>>)
    %dma_wait3A_71 = arith.constant 3000 : i32
    %dma_wait3A_72 = tpu.memref_slice %arg6[%dma_wait3A_71] : memref<10000xi32, #tpu.memory_space<vmem>> -> memref<1000xi32, #tpu.memory_space<vmem>>
    %dma_wait3A_73 = arith.constant 0 : i32
    %dma_wait3A_74 = arith.constant 0 : i32
    %dma_wait3A_75 = tpu.memref_slice %arg2[%dma_wait3A_73, %dma_wait3A_74] : memref<10000x32xf32, #tpu.memory_space<hbm>> -> memref<10000x32xf32, #tpu.memory_space<hbm>>
    tpu.wait_indirect_dma semaphore(%arg13 : memref<!tpu.dma_semaphore, #tpu.memory_space<semaphore_mem>>) src(%dma_wait3A_75 : memref<10000x32xf32, #tpu.memory_space<hbm>>) dst(%arg10 : memref<1000x32xf32, #tpu.memory_space<vmem>>)
    "tpu.region"() ({
      %run_scoped3A = tpu.sem_alloc : memref<!tpu.dma_semaphore, #tpu.memory_space<semaphore_mem>>
      %dma_start3A_168 = arith.constant 0 : i32
      %dma_start3A_169 = arith.constant 0 : i32
      %dma_start3A_170 = tpu.memref_slice %arg11[%dma_start3A_168, %dma_start3A_169] : memref<10000x32xf32, #tpu.memory_space<vmem_shared>> -> memref<10000x32xf32, #tpu.memory_space<vmem_shared>>
      tpu.enqueue_indirect_dma source(%arg10 : memref<1000x32xf32, #tpu.memory_space<vmem>>) target(%dma_start3A_170 : memref<10000x32xf32, #tpu.memory_space<vmem_shared>>) offsets(%arg8 : memref<1000xi32, #tpu.memory_space<vmem>>) semaphore(%run_scoped3A : memref<!tpu.dma_semaphore, #tpu.memory_space<semaphore_mem>>) {add = true}
      %dma_wait3A_171 = arith.constant 0 : i32
      %dma_wait3A_172 = arith.constant 0 : i32
      %dma_wait3A_173 = tpu.memref_slice %arg11[%dma_wait3A_171, %dma_wait3A_172] : memref<10000x32xf32, #tpu.memory_space<vmem_shared>> -> memref<10000x32xf32, #tpu.memory_space<vmem_shared>>
      tpu.wait_indirect_dma semaphore(%run_scoped3A : memref<!tpu.dma_semaphore, #tpu.memory_space<semaphore_mem>>) src(%arg10 : memref<1000x32xf32, #tpu.memory_space<vmem>>) dst(%dma_wait3A_173 : memref<10000x32xf32, #tpu.memory_space<vmem_shared>>)
      tpu.yield
    }) : () -> ()
    %mul3A_76 = arith.constant 10000 : i32
    %mul3A_77 = arith.muli %add3A, %mul3A_76 : i32
    %add3A_78 = arith.constant 5000 : i32
    %add3A_79 = arith.addi %mul3A_77, %add3A_78 : i32
    %multiple_of3A_80 = tpu.assume_multiple %add3A_79, 8 : i32
    "tpu.region"() ({
      %run_scoped3A = tpu.sem_alloc : memref<!tpu.dma_semaphore, #tpu.memory_space<semaphore_mem>>
      %dma_start3A_168 = tpu.memref_slice %arg4[%multiple_of3A_80] : memref<320000xi32, #tpu.memory_space<hbm>> -> memref<1000xi32, #tpu.memory_space<hbm>>
      %dma_start3A_169 = tpu.memref_slice %arg4[%multiple_of3A_80] : memref<320000xi32, #tpu.memory_space<hbm>> -> memref<1000xi32, #tpu.memory_space<hbm>>
      tpu.enqueue_dma source(%dma_start3A_169 : memref<1000xi32, #tpu.memory_space<hbm>>) target(%arg8 : memref<1000xi32, #tpu.memory_space<vmem>>) target_semaphore(%run_scoped3A : memref<!tpu.dma_semaphore, #tpu.memory_space<semaphore_mem>>)
      %dma_wait3A_170 = tpu.memref_slice %arg4[%multiple_of3A_80] : memref<320000xi32, #tpu.memory_space<hbm>> -> memref<1000xi32, #tpu.memory_space<hbm>>
      %dma_wait3A_171 = tpu.memref_slice %arg4[%multiple_of3A_80] : memref<320000xi32, #tpu.memory_space<hbm>> -> memref<1000xi32, #tpu.memory_space<hbm>>
      tpu.wait_dma2 semaphore(%run_scoped3A : memref<!tpu.dma_semaphore, #tpu.memory_space<semaphore_mem>>) src(%dma_wait3A_171 : memref<1000xi32, #tpu.memory_space<hbm>>) dst(%arg8 : memref<1000xi32, #tpu.memory_space<vmem>>)
      tpu.yield
    }) : () -> ()
    %dma_start3A_81 = arith.constant 5000 : i32
    %dma_start3A_82 = tpu.memref_slice %arg6[%dma_start3A_81] : memref<10000xi32, #tpu.memory_space<vmem>> -> memref<1000xi32, #tpu.memory_space<vmem>>
    %dma_start3A_83 = arith.constant 0 : i32
    %dma_start3A_84 = arith.constant 0 : i32
    %dma_start3A_85 = tpu.memref_slice %arg2[%dma_start3A_83, %dma_start3A_84] : memref<10000x32xf32, #tpu.memory_space<hbm>> -> memref<10000x32xf32, #tpu.memory_space<hbm>>
    tpu.enqueue_indirect_dma source(%dma_start3A_85 : memref<10000x32xf32, #tpu.memory_space<hbm>>) target(%arg10 : memref<1000x32xf32, #tpu.memory_space<vmem>>) offsets(%dma_start3A_82 : memref<1000xi32, #tpu.memory_space<vmem>>) semaphore(%arg13 : memref<!tpu.dma_semaphore, #tpu.memory_space<semaphore_mem>>)
    %dma_wait3A_86 = arith.constant 4000 : i32
    %dma_wait3A_87 = tpu.memref_slice %arg6[%dma_wait3A_86] : memref<10000xi32, #tpu.memory_space<vmem>> -> memref<1000xi32, #tpu.memory_space<vmem>>
    %dma_wait3A_88 = arith.constant 0 : i32
    %dma_wait3A_89 = arith.constant 0 : i32
    %dma_wait3A_90 = tpu.memref_slice %arg2[%dma_wait3A_88, %dma_wait3A_89] : memref<10000x32xf32, #tpu.memory_space<hbm>> -> memref<10000x32xf32, #tpu.memory_space<hbm>>
    tpu.wait_indirect_dma semaphore(%arg12 : memref<!tpu.dma_semaphore, #tpu.memory_space<semaphore_mem>>) src(%dma_wait3A_90 : memref<10000x32xf32, #tpu.memory_space<hbm>>) dst(%arg9 : memref<1000x32xf32, #tpu.memory_space<vmem>>)
    "tpu.region"() ({
      %run_scoped3A = tpu.sem_alloc : memref<!tpu.dma_semaphore, #tpu.memory_space<semaphore_mem>>
      %dma_start3A_168 = arith.constant 0 : i32
      %dma_start3A_169 = arith.constant 0 : i32
      %dma_start3A_170 = tpu.memref_slice %arg11[%dma_start3A_168, %dma_start3A_169] : memref<10000x32xf32, #tpu.memory_space<vmem_shared>> -> memref<10000x32xf32, #tpu.memory_space<vmem_shared>>
      tpu.enqueue_indirect_dma source(%arg9 : memref<1000x32xf32, #tpu.memory_space<vmem>>) target(%dma_start3A_170 : memref<10000x32xf32, #tpu.memory_space<vmem_shared>>) offsets(%arg7 : memref<1000xi32, #tpu.memory_space<vmem>>) semaphore(%run_scoped3A : memref<!tpu.dma_semaphore, #tpu.memory_space<semaphore_mem>>) {add = true}
      %dma_wait3A_171 = arith.constant 0 : i32
      %dma_wait3A_172 = arith.constant 0 : i32
      %dma_wait3A_173 = tpu.memref_slice %arg11[%dma_wait3A_171, %dma_wait3A_172] : memref<10000x32xf32, #tpu.memory_space<vmem_shared>> -> memref<10000x32xf32, #tpu.memory_space<vmem_shared>>
      tpu.wait_indirect_dma semaphore(%run_scoped3A : memref<!tpu.dma_semaphore, #tpu.memory_space<semaphore_mem>>) src(%arg9 : memref<1000x32xf32, #tpu.memory_space<vmem>>) dst(%dma_wait3A_173 : memref<10000x32xf32, #tpu.memory_space<vmem_shared>>)
      tpu.yield
    }) : () -> ()
    %mul3A_91 = arith.constant 10000 : i32
    %mul3A_92 = arith.muli %add3A, %mul3A_91 : i32
    %add3A_93 = arith.constant 6000 : i32
    %add3A_94 = arith.addi %mul3A_92, %add3A_93 : i32
    %multiple_of3A_95 = tpu.assume_multiple %add3A_94, 8 : i32
    "tpu.region"() ({
      %run_scoped3A = tpu.sem_alloc : memref<!tpu.dma_semaphore, #tpu.memory_space<semaphore_mem>>
      %dma_start3A_168 = tpu.memref_slice %arg4[%multiple_of3A_95] : memref<320000xi32, #tpu.memory_space<hbm>> -> memref<1000xi32, #tpu.memory_space<hbm>>
      %dma_start3A_169 = tpu.memref_slice %arg4[%multiple_of3A_95] : memref<320000xi32, #tpu.memory_space<hbm>> -> memref<1000xi32, #tpu.memory_space<hbm>>
      tpu.enqueue_dma source(%dma_start3A_169 : memref<1000xi32, #tpu.memory_space<hbm>>) target(%arg7 : memref<1000xi32, #tpu.memory_space<vmem>>) target_semaphore(%run_scoped3A : memref<!tpu.dma_semaphore, #tpu.memory_space<semaphore_mem>>)
      %dma_wait3A_170 = tpu.memref_slice %arg4[%multiple_of3A_95] : memref<320000xi32, #tpu.memory_space<hbm>> -> memref<1000xi32, #tpu.memory_space<hbm>>
      %dma_wait3A_171 = tpu.memref_slice %arg4[%multiple_of3A_95] : memref<320000xi32, #tpu.memory_space<hbm>> -> memref<1000xi32, #tpu.memory_space<hbm>>
      tpu.wait_dma2 semaphore(%run_scoped3A : memref<!tpu.dma_semaphore, #tpu.memory_space<semaphore_mem>>) src(%dma_wait3A_171 : memref<1000xi32, #tpu.memory_space<hbm>>) dst(%arg7 : memref<1000xi32, #tpu.memory_space<vmem>>)
      tpu.yield
    }) : () -> ()
    %dma_start3A_96 = arith.constant 6000 : i32
    %dma_start3A_97 = tpu.memref_slice %arg6[%dma_start3A_96] : memref<10000xi32, #tpu.memory_space<vmem>> -> memref<1000xi32, #tpu.memory_space<vmem>>
    %dma_start3A_98 = arith.constant 0 : i32
    %dma_start3A_99 = arith.constant 0 : i32
    %dma_start3A_100 = tpu.memref_slice %arg2[%dma_start3A_98, %dma_start3A_99] : memref<10000x32xf32, #tpu.memory_space<hbm>> -> memref<10000x32xf32, #tpu.memory_space<hbm>>
    tpu.enqueue_indirect_dma source(%dma_start3A_100 : memref<10000x32xf32, #tpu.memory_space<hbm>>) target(%arg9 : memref<1000x32xf32, #tpu.memory_space<vmem>>) offsets(%dma_start3A_97 : memref<1000xi32, #tpu.memory_space<vmem>>) semaphore(%arg12 : memref<!tpu.dma_semaphore, #tpu.memory_space<semaphore_mem>>)
    %dma_wait3A_101 = arith.constant 5000 : i32
    %dma_wait3A_102 = tpu.memref_slice %arg6[%dma_wait3A_101] : memref<10000xi32, #tpu.memory_space<vmem>> -> memref<1000xi32, #tpu.memory_space<vmem>>
    %dma_wait3A_103 = arith.constant 0 : i32
    %dma_wait3A_104 = arith.constant 0 : i32
    %dma_wait3A_105 = tpu.memref_slice %arg2[%dma_wait3A_103, %dma_wait3A_104] : memref<10000x32xf32, #tpu.memory_space<hbm>> -> memref<10000x32xf32, #tpu.memory_space<hbm>>
    tpu.wait_indirect_dma semaphore(%arg13 : memref<!tpu.dma_semaphore, #tpu.memory_space<semaphore_mem>>) src(%dma_wait3A_105 : memref<10000x32xf32, #tpu.memory_space<hbm>>) dst(%arg10 : memref<1000x32xf32, #tpu.memory_space<vmem>>)
    "tpu.region"() ({
      %run_scoped3A = tpu.sem_alloc : memref<!tpu.dma_semaphore, #tpu.memory_space<semaphore_mem>>
      %dma_start3A_168 = arith.constant 0 : i32
      %dma_start3A_169 = arith.constant 0 : i32
      %dma_start3A_170 = tpu.memref_slice %arg11[%dma_start3A_168, %dma_start3A_169] : memref<10000x32xf32, #tpu.memory_space<vmem_shared>> -> memref<10000x32xf32, #tpu.memory_space<vmem_shared>>
      tpu.enqueue_indirect_dma source(%arg10 : memref<1000x32xf32, #tpu.memory_space<vmem>>) target(%dma_start3A_170 : memref<10000x32xf32, #tpu.memory_space<vmem_shared>>) offsets(%arg8 : memref<1000xi32, #tpu.memory_space<vmem>>) semaphore(%run_scoped3A : memref<!tpu.dma_semaphore, #tpu.memory_space<semaphore_mem>>) {add = true}
      %dma_wait3A_171 = arith.constant 0 : i32
      %dma_wait3A_172 = arith.constant 0 : i32
      %dma_wait3A_173 = tpu.memref_slice %arg11[%dma_wait3A_171, %dma_wait3A_172] : memref<10000x32xf32, #tpu.memory_space<vmem_shared>> -> memref<10000x32xf32, #tpu.memory_space<vmem_shared>>
      tpu.wait_indirect_dma semaphore(%run_scoped3A : memref<!tpu.dma_semaphore, #tpu.memory_space<semaphore_mem>>) src(%arg10 : memref<1000x32xf32, #tpu.memory_space<vmem>>) dst(%dma_wait3A_173 : memref<10000x32xf32, #tpu.memory_space<vmem_shared>>)
      tpu.yield
    }) : () -> ()
    %mul3A_106 = arith.constant 10000 : i32
    %mul3A_107 = arith.muli %add3A, %mul3A_106 : i32
    %add3A_108 = arith.constant 7000 : i32
    %add3A_109 = arith.addi %mul3A_107, %add3A_108 : i32
    %multiple_of3A_110 = tpu.assume_multiple %add3A_109, 8 : i32
    "tpu.region"() ({
      %run_scoped3A = tpu.sem_alloc : memref<!tpu.dma_semaphore, #tpu.memory_space<semaphore_mem>>
      %dma_start3A_168 = tpu.memref_slice %arg4[%multiple_of3A_110] : memref<320000xi32, #tpu.memory_space<hbm>> -> memref<1000xi32, #tpu.memory_space<hbm>>
      %dma_start3A_169 = tpu.memref_slice %arg4[%multiple_of3A_110] : memref<320000xi32, #tpu.memory_space<hbm>> -> memref<1000xi32, #tpu.memory_space<hbm>>
      tpu.enqueue_dma source(%dma_start3A_169 : memref<1000xi32, #tpu.memory_space<hbm>>) target(%arg8 : memref<1000xi32, #tpu.memory_space<vmem>>) target_semaphore(%run_scoped3A : memref<!tpu.dma_semaphore, #tpu.memory_space<semaphore_mem>>)
      %dma_wait3A_170 = tpu.memref_slice %arg4[%multiple_of3A_110] : memref<320000xi32, #tpu.memory_space<hbm>> -> memref<1000xi32, #tpu.memory_space<hbm>>
      %dma_wait3A_171 = tpu.memref_slice %arg4[%multiple_of3A_110] : memref<320000xi32, #tpu.memory_space<hbm>> -> memref<1000xi32, #tpu.memory_space<hbm>>
      tpu.wait_dma2 semaphore(%run_scoped3A : memref<!tpu.dma_semaphore, #tpu.memory_space<semaphore_mem>>) src(%dma_wait3A_171 : memref<1000xi32, #tpu.memory_space<hbm>>) dst(%arg8 : memref<1000xi32, #tpu.memory_space<vmem>>)
      tpu.yield
    }) : () -> ()
    %dma_start3A_111 = arith.constant 7000 : i32
    %dma_start3A_112 = tpu.memref_slice %arg6[%dma_start3A_111] : memref<10000xi32, #tpu.memory_space<vmem>> -> memref<1000xi32, #tpu.memory_space<vmem>>
    %dma_start3A_113 = arith.constant 0 : i32
    %dma_start3A_114 = arith.constant 0 : i32
    %dma_start3A_115 = tpu.memref_slice %arg2[%dma_start3A_113, %dma_start3A_114] : memref<10000x32xf32, #tpu.memory_space<hbm>> -> memref<10000x32xf32, #tpu.memory_space<hbm>>
    tpu.enqueue_indirect_dma source(%dma_start3A_115 : memref<10000x32xf32, #tpu.memory_space<hbm>>) target(%arg10 : memref<1000x32xf32, #tpu.memory_space<vmem>>) offsets(%dma_start3A_112 : memref<1000xi32, #tpu.memory_space<vmem>>) semaphore(%arg13 : memref<!tpu.dma_semaphore, #tpu.memory_space<semaphore_mem>>)
    %dma_wait3A_116 = arith.constant 6000 : i32
    %dma_wait3A_117 = tpu.memref_slice %arg6[%dma_wait3A_116] : memref<10000xi32, #tpu.memory_space<vmem>> -> memref<1000xi32, #tpu.memory_space<vmem>>
    %dma_wait3A_118 = arith.constant 0 : i32
    %dma_wait3A_119 = arith.constant 0 : i32
    %dma_wait3A_120 = tpu.memref_slice %arg2[%dma_wait3A_118, %dma_wait3A_119] : memref<10000x32xf32, #tpu.memory_space<hbm>> -> memref<10000x32xf32, #tpu.memory_space<hbm>>
    tpu.wait_indirect_dma semaphore(%arg12 : memref<!tpu.dma_semaphore, #tpu.memory_space<semaphore_mem>>) src(%dma_wait3A_120 : memref<10000x32xf32, #tpu.memory_space<hbm>>) dst(%arg9 : memref<1000x32xf32, #tpu.memory_space<vmem>>)
    "tpu.region"() ({
      %run_scoped3A = tpu.sem_alloc : memref<!tpu.dma_semaphore, #tpu.memory_space<semaphore_mem>>
      %dma_start3A_168 = arith.constant 0 : i32
      %dma_start3A_169 = arith.constant 0 : i32
      %dma_start3A_170 = tpu.memref_slice %arg11[%dma_start3A_168, %dma_start3A_169] : memref<10000x32xf32, #tpu.memory_space<vmem_shared>> -> memref<10000x32xf32, #tpu.memory_space<vmem_shared>>
      tpu.enqueue_indirect_dma source(%arg9 : memref<1000x32xf32, #tpu.memory_space<vmem>>) target(%dma_start3A_170 : memref<10000x32xf32, #tpu.memory_space<vmem_shared>>) offsets(%arg7 : memref<1000xi32, #tpu.memory_space<vmem>>) semaphore(%run_scoped3A : memref<!tpu.dma_semaphore, #tpu.memory_space<semaphore_mem>>) {add = true}
      %dma_wait3A_171 = arith.constant 0 : i32
      %dma_wait3A_172 = arith.constant 0 : i32
      %dma_wait3A_173 = tpu.memref_slice %arg11[%dma_wait3A_171, %dma_wait3A_172] : memref<10000x32xf32, #tpu.memory_space<vmem_shared>> -> memref<10000x32xf32, #tpu.memory_space<vmem_shared>>
      tpu.wait_indirect_dma semaphore(%run_scoped3A : memref<!tpu.dma_semaphore, #tpu.memory_space<semaphore_mem>>) src(%arg9 : memref<1000x32xf32, #tpu.memory_space<vmem>>) dst(%dma_wait3A_173 : memref<10000x32xf32, #tpu.memory_space<vmem_shared>>)
      tpu.yield
    }) : () -> ()
    %mul3A_121 = arith.constant 10000 : i32
    %mul3A_122 = arith.muli %add3A, %mul3A_121 : i32
    %add3A_123 = arith.constant 8000 : i32
    %add3A_124 = arith.addi %mul3A_122, %add3A_123 : i32
    %multiple_of3A_125 = tpu.assume_multiple %add3A_124, 8 : i32
    "tpu.region"() ({
      %run_scoped3A = tpu.sem_alloc : memref<!tpu.dma_semaphore, #tpu.memory_space<semaphore_mem>>
      %dma_start3A_168 = tpu.memref_slice %arg4[%multiple_of3A_125] : memref<320000xi32, #tpu.memory_space<hbm>> -> memref<1000xi32, #tpu.memory_space<hbm>>
      %dma_start3A_169 = tpu.memref_slice %arg4[%multiple_of3A_125] : memref<320000xi32, #tpu.memory_space<hbm>> -> memref<1000xi32, #tpu.memory_space<hbm>>
      tpu.enqueue_dma source(%dma_start3A_169 : memref<1000xi32, #tpu.memory_space<hbm>>) target(%arg7 : memref<1000xi32, #tpu.memory_space<vmem>>) target_semaphore(%run_scoped3A : memref<!tpu.dma_semaphore, #tpu.memory_space<semaphore_mem>>)
      %dma_wait3A_170 = tpu.memref_slice %arg4[%multiple_of3A_125] : memref<320000xi32, #tpu.memory_space<hbm>> -> memref<1000xi32, #tpu.memory_space<hbm>>
      %dma_wait3A_171 = tpu.memref_slice %arg4[%multiple_of3A_125] : memref<320000xi32, #tpu.memory_space<hbm>> -> memref<1000xi32, #tpu.memory_space<hbm>>
      tpu.wait_dma2 semaphore(%run_scoped3A : memref<!tpu.dma_semaphore, #tpu.memory_space<semaphore_mem>>) src(%dma_wait3A_171 : memref<1000xi32, #tpu.memory_space<hbm>>) dst(%arg7 : memref<1000xi32, #tpu.memory_space<vmem>>)
      tpu.yield
    }) : () -> ()
    %dma_start3A_126 = arith.constant 8000 : i32
    %dma_start3A_127 = tpu.memref_slice %arg6[%dma_start3A_126] : memref<10000xi32, #tpu.memory_space<vmem>> -> memref<1000xi32, #tpu.memory_space<vmem>>
    %dma_start3A_128 = arith.constant 0 : i32
    %dma_start3A_129 = arith.constant 0 : i32
    %dma_start3A_130 = tpu.memref_slice %arg2[%dma_start3A_128, %dma_start3A_129] : memref<10000x32xf32, #tpu.memory_space<hbm>> -> memref<10000x32xf32, #tpu.memory_space<hbm>>
    tpu.enqueue_indirect_dma source(%dma_start3A_130 : memref<10000x32xf32, #tpu.memory_space<hbm>>) target(%arg9 : memref<1000x32xf32, #tpu.memory_space<vmem>>) offsets(%dma_start3A_127 : memref<1000xi32, #tpu.memory_space<vmem>>) semaphore(%arg12 : memref<!tpu.dma_semaphore, #tpu.memory_space<semaphore_mem>>)
    %dma_wait3A_131 = arith.constant 7000 : i32
    %dma_wait3A_132 = tpu.memref_slice %arg6[%dma_wait3A_131] : memref<10000xi32, #tpu.memory_space<vmem>> -> memref<1000xi32, #tpu.memory_space<vmem>>
    %dma_wait3A_133 = arith.constant 0 : i32
    %dma_wait3A_134 = arith.constant 0 : i32
    %dma_wait3A_135 = tpu.memref_slice %arg2[%dma_wait3A_133, %dma_wait3A_134] : memref<10000x32xf32, #tpu.memory_space<hbm>> -> memref<10000x32xf32, #tpu.memory_space<hbm>>
    tpu.wait_indirect_dma semaphore(%arg13 : memref<!tpu.dma_semaphore, #tpu.memory_space<semaphore_mem>>) src(%dma_wait3A_135 : memref<10000x32xf32, #tpu.memory_space<hbm>>) dst(%arg10 : memref<1000x32xf32, #tpu.memory_space<vmem>>)
    "tpu.region"() ({
      %run_scoped3A = tpu.sem_alloc : memref<!tpu.dma_semaphore, #tpu.memory_space<semaphore_mem>>
      %dma_start3A_168 = arith.constant 0 : i32
      %dma_start3A_169 = arith.constant 0 : i32
      %dma_start3A_170 = tpu.memref_slice %arg11[%dma_start3A_168, %dma_start3A_169] : memref<10000x32xf32, #tpu.memory_space<vmem_shared>> -> memref<10000x32xf32, #tpu.memory_space<vmem_shared>>
      tpu.enqueue_indirect_dma source(%arg10 : memref<1000x32xf32, #tpu.memory_space<vmem>>) target(%dma_start3A_170 : memref<10000x32xf32, #tpu.memory_space<vmem_shared>>) offsets(%arg8 : memref<1000xi32, #tpu.memory_space<vmem>>) semaphore(%run_scoped3A : memref<!tpu.dma_semaphore, #tpu.memory_space<semaphore_mem>>) {add = true}
      %dma_wait3A_171 = arith.constant 0 : i32
      %dma_wait3A_172 = arith.constant 0 : i32
      %dma_wait3A_173 = tpu.memref_slice %arg11[%dma_wait3A_171, %dma_wait3A_172] : memref<10000x32xf32, #tpu.memory_space<vmem_shared>> -> memref<10000x32xf32, #tpu.memory_space<vmem_shared>>
      tpu.wait_indirect_dma semaphore(%run_scoped3A : memref<!tpu.dma_semaphore, #tpu.memory_space<semaphore_mem>>) src(%arg10 : memref<1000x32xf32, #tpu.memory_space<vmem>>) dst(%dma_wait3A_173 : memref<10000x32xf32, #tpu.memory_space<vmem_shared>>)
      tpu.yield
    }) : () -> ()
    %mul3A_136 = arith.constant 10000 : i32
    %mul3A_137 = arith.muli %add3A, %mul3A_136 : i32
    %add3A_138 = arith.constant 9000 : i32
    %add3A_139 = arith.addi %mul3A_137, %add3A_138 : i32
    %multiple_of3A_140 = tpu.assume_multiple %add3A_139, 8 : i32
    "tpu.region"() ({
      %run_scoped3A = tpu.sem_alloc : memref<!tpu.dma_semaphore, #tpu.memory_space<semaphore_mem>>
      %dma_start3A_168 = tpu.memref_slice %arg4[%multiple_of3A_140] : memref<320000xi32, #tpu.memory_space<hbm>> -> memref<1000xi32, #tpu.memory_space<hbm>>
      %dma_start3A_169 = tpu.memref_slice %arg4[%multiple_of3A_140] : memref<320000xi32, #tpu.memory_space<hbm>> -> memref<1000xi32, #tpu.memory_space<hbm>>
      tpu.enqueue_dma source(%dma_start3A_169 : memref<1000xi32, #tpu.memory_space<hbm>>) target(%arg8 : memref<1000xi32, #tpu.memory_space<vmem>>) target_semaphore(%run_scoped3A : memref<!tpu.dma_semaphore, #tpu.memory_space<semaphore_mem>>)
      %dma_wait3A_170 = tpu.memref_slice %arg4[%multiple_of3A_140] : memref<320000xi32, #tpu.memory_space<hbm>> -> memref<1000xi32, #tpu.memory_space<hbm>>
      %dma_wait3A_171 = tpu.memref_slice %arg4[%multiple_of3A_140] : memref<320000xi32, #tpu.memory_space<hbm>> -> memref<1000xi32, #tpu.memory_space<hbm>>
      tpu.wait_dma2 semaphore(%run_scoped3A : memref<!tpu.dma_semaphore, #tpu.memory_space<semaphore_mem>>) src(%dma_wait3A_171 : memref<1000xi32, #tpu.memory_space<hbm>>) dst(%arg8 : memref<1000xi32, #tpu.memory_space<vmem>>)
      tpu.yield
    }) : () -> ()
    %dma_start3A_141 = arith.constant 9000 : i32
    %dma_start3A_142 = tpu.memref_slice %arg6[%dma_start3A_141] : memref<10000xi32, #tpu.memory_space<vmem>> -> memref<1000xi32, #tpu.memory_space<vmem>>
    %dma_start3A_143 = arith.constant 0 : i32
    %dma_start3A_144 = arith.constant 0 : i32
    %dma_start3A_145 = tpu.memref_slice %arg2[%dma_start3A_143, %dma_start3A_144] : memref<10000x32xf32, #tpu.memory_space<hbm>> -> memref<10000x32xf32, #tpu.memory_space<hbm>>
    tpu.enqueue_indirect_dma source(%dma_start3A_145 : memref<10000x32xf32, #tpu.memory_space<hbm>>) target(%arg10 : memref<1000x32xf32, #tpu.memory_space<vmem>>) offsets(%dma_start3A_142 : memref<1000xi32, #tpu.memory_space<vmem>>) semaphore(%arg13 : memref<!tpu.dma_semaphore, #tpu.memory_space<semaphore_mem>>)
    %dma_wait3A_146 = arith.constant 8000 : i32
    %dma_wait3A_147 = tpu.memref_slice %arg6[%dma_wait3A_146] : memref<10000xi32, #tpu.memory_space<vmem>> -> memref<1000xi32, #tpu.memory_space<vmem>>
    %dma_wait3A_148 = arith.constant 0 : i32
    %dma_wait3A_149 = arith.constant 0 : i32
    %dma_wait3A_150 = tpu.memref_slice %arg2[%dma_wait3A_148, %dma_wait3A_149] : memref<10000x32xf32, #tpu.memory_space<hbm>> -> memref<10000x32xf32, #tpu.memory_space<hbm>>
    tpu.wait_indirect_dma semaphore(%arg12 : memref<!tpu.dma_semaphore, #tpu.memory_space<semaphore_mem>>) src(%dma_wait3A_150 : memref<10000x32xf32, #tpu.memory_space<hbm>>) dst(%arg9 : memref<1000x32xf32, #tpu.memory_space<vmem>>)
    "tpu.region"() ({
      %run_scoped3A = tpu.sem_alloc : memref<!tpu.dma_semaphore, #tpu.memory_space<semaphore_mem>>
      %dma_start3A_168 = arith.constant 0 : i32
      %dma_start3A_169 = arith.constant 0 : i32
      %dma_start3A_170 = tpu.memref_slice %arg11[%dma_start3A_168, %dma_start3A_169] : memref<10000x32xf32, #tpu.memory_space<vmem_shared>> -> memref<10000x32xf32, #tpu.memory_space<vmem_shared>>
      tpu.enqueue_indirect_dma source(%arg9 : memref<1000x32xf32, #tpu.memory_space<vmem>>) target(%dma_start3A_170 : memref<10000x32xf32, #tpu.memory_space<vmem_shared>>) offsets(%arg7 : memref<1000xi32, #tpu.memory_space<vmem>>) semaphore(%run_scoped3A : memref<!tpu.dma_semaphore, #tpu.memory_space<semaphore_mem>>) {add = true}
      %dma_wait3A_171 = arith.constant 0 : i32
      %dma_wait3A_172 = arith.constant 0 : i32
      %dma_wait3A_173 = tpu.memref_slice %arg11[%dma_wait3A_171, %dma_wait3A_172] : memref<10000x32xf32, #tpu.memory_space<vmem_shared>> -> memref<10000x32xf32, #tpu.memory_space<vmem_shared>>
      tpu.wait_indirect_dma semaphore(%run_scoped3A : memref<!tpu.dma_semaphore, #tpu.memory_space<semaphore_mem>>) src(%arg9 : memref<1000x32xf32, #tpu.memory_space<vmem>>) dst(%dma_wait3A_173 : memref<10000x32xf32, #tpu.memory_space<vmem_shared>>)
      tpu.yield
    }) : () -> ()
    %dma_wait3A_151 = arith.constant 9000 : i32
    %dma_wait3A_152 = tpu.memref_slice %arg6[%dma_wait3A_151] : memref<10000xi32, #tpu.memory_space<vmem>> -> memref<1000xi32, #tpu.memory_space<vmem>>
    %dma_wait3A_153 = arith.constant 0 : i32
    %dma_wait3A_154 = arith.constant 0 : i32
    %dma_wait3A_155 = tpu.memref_slice %arg2[%dma_wait3A_153, %dma_wait3A_154] : memref<10000x32xf32, #tpu.memory_space<hbm>> -> memref<10000x32xf32, #tpu.memory_space<hbm>>
    tpu.wait_indirect_dma semaphore(%arg13 : memref<!tpu.dma_semaphore, #tpu.memory_space<semaphore_mem>>) src(%dma_wait3A_155 : memref<10000x32xf32, #tpu.memory_space<hbm>>) dst(%arg10 : memref<1000x32xf32, #tpu.memory_space<vmem>>)
    "tpu.region"() ({
      %run_scoped3A = tpu.sem_alloc : memref<!tpu.dma_semaphore, #tpu.memory_space<semaphore_mem>>
      %dma_start3A_168 = arith.constant 0 : i32
      %dma_start3A_169 = arith.constant 0 : i32
      %dma_start3A_170 = tpu.memref_slice %arg11[%dma_start3A_168, %dma_start3A_169] : memref<10000x32xf32, #tpu.memory_space<vmem_shared>> -> memref<10000x32xf32, #tpu.memory_space<vmem_shared>>
      tpu.enqueue_indirect_dma source(%arg10 : memref<1000x32xf32, #tpu.memory_space<vmem>>) target(%dma_start3A_170 : memref<10000x32xf32, #tpu.memory_space<vmem_shared>>) offsets(%arg8 : memref<1000xi32, #tpu.memory_space<vmem>>) semaphore(%run_scoped3A : memref<!tpu.dma_semaphore, #tpu.memory_space<semaphore_mem>>) {add = true}
      %dma_wait3A_171 = arith.constant 0 : i32
      %dma_wait3A_172 = arith.constant 0 : i32
      %dma_wait3A_173 = tpu.memref_slice %arg11[%dma_wait3A_171, %dma_wait3A_172] : memref<10000x32xf32, #tpu.memory_space<vmem_shared>> -> memref<10000x32xf32, #tpu.memory_space<vmem_shared>>
      tpu.wait_indirect_dma semaphore(%run_scoped3A : memref<!tpu.dma_semaphore, #tpu.memory_space<semaphore_mem>>) src(%arg10 : memref<1000x32xf32, #tpu.memory_space<vmem>>) dst(%dma_wait3A_173 : memref<10000x32xf32, #tpu.memory_space<vmem_shared>>)
      tpu.yield
    }) : () -> ()
    %barrier3A_156 = arith.constant 0 : index
    tpu.barrier barrier_id(%barrier3A_156)
    %mul3A_157 = arith.constant 10000 : i32
    %mul3A_158 = arith.muli %arg0, %mul3A_157 : i32
    %mul3A_159 = arith.constant 624 : i32
    %mul3A_160 = arith.muli %arg1, %mul3A_159 : i32
    %add3A_161 = arith.addi %mul3A_158, %mul3A_160 : i32
    %multiple_of3A_162 = tpu.assume_multiple %add3A_161, 8 : i32
    "tpu.region"() ({
      %run_scoped3A = tpu.sem_alloc : memref<!tpu.dma_semaphore, #tpu.memory_space<semaphore_mem>>
      %dma_start3A_168 = arith.constant 0 : i32
      %dma_start3A_169 = tpu.memref_slice %arg5[%multiple_of3A_162, %dma_start3A_168] : memref<20000x32xf32, #tpu.memory_space<hbm>> -> memref<624x32xf32, #tpu.memory_space<hbm>>
      %dma_start3A_170 = arith.constant 0 : i32
      %dma_start3A_171 = tpu.memref_slice %arg11[%multiple_of3A_14, %dma_start3A_170] : memref<10000x32xf32, #tpu.memory_space<vmem_shared>> -> memref<624x32xf32, #tpu.memory_space<vmem_shared>>
      tpu.enqueue_dma source(%dma_start3A_171 : memref<624x32xf32, #tpu.memory_space<vmem_shared>>) target(%dma_start3A_169 : memref<624x32xf32, #tpu.memory_space<hbm>>) target_semaphore(%run_scoped3A : memref<!tpu.dma_semaphore, #tpu.memory_space<semaphore_mem>>)
      %dma_wait3A_172 = arith.constant 0 : i32
      %dma_wait3A_173 = tpu.memref_slice %arg5[%multiple_of3A_162, %dma_wait3A_172] : memref<20000x32xf32, #tpu.memory_space<hbm>> -> memref<624x32xf32, #tpu.memory_space<hbm>>
      %dma_wait3A_174 = arith.constant 0 : i32
      %dma_wait3A_175 = tpu.memref_slice %arg11[%multiple_of3A_14, %dma_wait3A_174] : memref<10000x32xf32, #tpu.memory_space<vmem_shared>> -> memref<624x32xf32, #tpu.memory_space<vmem_shared>>
      tpu.wait_dma2 semaphore(%run_scoped3A : memref<!tpu.dma_semaphore, #tpu.memory_space<semaphore_mem>>) src(%dma_wait3A_175 : memref<624x32xf32, #tpu.memory_space<vmem_shared>>) dst(%dma_wait3A_173 : memref<624x32xf32, #tpu.memory_space<hbm>>)
      tpu.yield
    }) : () -> ()
    %eq3A_163 = arith.constant 15 : i32
    %eq3A_164 = arith.cmpi eq, %arg1, %eq3A_163 : i32
    %convert_element_type3A_165 = arith.extui %eq3A_164 : i1 to i32
    %cond3A_166 = arith.constant 0 : i32
    %cond3A_167 = arith.cmpi ne, %convert_element_type3A_165, %cond3A_166 : i32
    scf.if %cond3A_167 {
      %mul3A_168 = arith.constant 10000 : i32
      %mul3A_169 = arith.muli %arg0, %mul3A_168 : i32
      %add3A_170 = arith.constant 9984 : i32
      %add3A_171 = arith.addi %mul3A_169, %add3A_170 : i32
      %multiple_of3A_172 = tpu.assume_multiple %add3A_171, 8 : i32
      "tpu.region"() ({
        %run_scoped3A = tpu.sem_alloc : memref<!tpu.dma_semaphore, #tpu.memory_space<semaphore_mem>>
        %dma_start3A_173 = arith.constant 0 : i32
        %dma_start3A_174 = tpu.memref_slice %arg5[%multiple_of3A_172, %dma_start3A_173] : memref<20000x32xf32, #tpu.memory_space<hbm>> -> memref<16x32xf32, #tpu.memory_space<hbm>>
        %dma_start3A_175 = arith.constant 9984 : i32
        %dma_start3A_176 = arith.constant 0 : i32
        %dma_start3A_177 = tpu.memref_slice %arg11[%dma_start3A_175, %dma_start3A_176] : memref<10000x32xf32, #tpu.memory_space<vmem_shared>> -> memref<16x32xf32, #tpu.memory_space<vmem_shared>>
        tpu.enqueue_dma source(%dma_start3A_177 : memref<16x32xf32, #tpu.memory_space<vmem_shared>>) target(%dma_start3A_174 : memref<16x32xf32, #tpu.memory_space<hbm>>) target_semaphore(%run_scoped3A : memref<!tpu.dma_semaphore, #tpu.memory_space<semaphore_mem>>)
        %dma_wait3A_178 = arith.constant 0 : i32
        %dma_wait3A_179 = tpu.memref_slice %arg5[%multiple_of3A_172, %dma_wait3A_178] : memref<20000x32xf32, #tpu.memory_space<hbm>> -> memref<16x32xf32, #tpu.memory_space<hbm>>
        %dma_wait3A_180 = arith.constant 9984 : i32
        %dma_wait3A_181 = arith.constant 0 : i32
        %dma_wait3A_182 = tpu.memref_slice %arg11[%dma_wait3A_180, %dma_wait3A_181] : memref<10000x32xf32, #tpu.memory_space<vmem_shared>> -> memref<16x32xf32, #tpu.memory_space<vmem_shared>>
        tpu.wait_dma2 semaphore(%run_scoped3A : memref<!tpu.dma_semaphore, #tpu.memory_space<semaphore_mem>>) src(%dma_wait3A_182 : memref<16x32xf32, #tpu.memory_space<vmem_shared>>) dst(%dma_wait3A_179 : memref<16x32xf32, #tpu.memory_space<hbm>>)
        tpu.yield
      }) : () -> ()
    } else {
    }
    return
  }
}

#map = affine_map<(d0, d1) -> (0)>
module attributes {stable_mosaic.version = 14 : i64} {
  func.func @deg_kernel(%arg0: i32, %arg1: i32, %arg2: memref<320000xi32, #tpu.memory_space<hbm>>, %arg3: memref<20480xf32, #tpu.memory_space<hbm>>, %arg4: memref<2000xi32, #tpu.memory_space<vmem>>, %arg5: memref<2000xf32, #tpu.memory_space<vmem>>, %arg6: memref<10240xf32, #tpu.memory_space<vmem_shared>>, %arg7: memref<!tpu.dma_semaphore, #tpu.memory_space<semaphore_mem>>) attributes {dimension_semantics = [#tpu.dimension_semantics<core_parallel>, #tpu.dimension_semantics<subcore_parallel>], iteration_bounds = array<i64: 2, 16>, scalar_prefetch = 0 : i64, scratch_operands = 4 : i64, tpu.core_type = #tpu.core_type<sc_vector_subcore>, window_params = [{transform_indices = #map}, {transform_indices = #map}]} {
    %mul3A = arith.constant 16 : i32
    %mul3A_0 = arith.muli %arg0, %mul3A : i32
    %add3A = arith.addi %mul3A_0, %arg1 : i32
    %broadcast_in_dim3A = arith.constant 1.000000e+00 : f32
    %broadcast_in_dim3A_1 = vector.broadcast %broadcast_in_dim3A : f32 to vector<16xf32>
    %scan3A = arith.constant 0 : i32
    %scan3A_2 = arith.constant 0 : i32
    %scan3A_3 = arith.constant 125 : i32
    %scan3A_4 = arith.addi %scan3A_2, %scan3A_3 : i32
    %scan3A_5 = arith.constant 1 : i32
    scf.for %scan3A_41 = %scan3A_2 to %scan3A_4 step %scan3A_5  : i32 {
      %mul3A_42 = arith.constant 16 : i32
      %mul3A_43 = arith.muli %scan3A_41, %mul3A_42 : i32
      %swap3A = arith.index_cast %mul3A_43 : i32 to index
      %swap3A_44 = tpu.vector_load %arg5[%swap3A] {strides = array<i32>} : memref<2000xf32, #tpu.memory_space<vmem>>, vector<16xf32>,
      %swap3A_45 = vector.shape_cast %swap3A_44 : vector<16xf32> to vector<16xf32>
      %swap3A_46 = vector.shape_cast %broadcast_in_dim3A_1 : vector<16xf32> to vector<16xf32>
      tpu.vector_store %arg5[%swap3A], %swap3A_46 {strides = array<i32>} : memref<2000xf32, #tpu.memory_space<vmem>>, vector<16xf32>,
    }
    %scan3A_6 = arith.constant 125 : i32
    %mul3A_7 = arith.constant 640 : i32
    %mul3A_8 = arith.muli %arg1, %mul3A_7 : i32
    %multiple_of3A = tpu.assume_multiple %mul3A_8, 8 : i32
    "tpu.region"() ({
      %run_scoped3A = tpu.sem_alloc : memref<!tpu.dma_semaphore, #tpu.memory_space<semaphore_mem>>
      %dma_start3A = arith.constant 0 : i32
      %dma_start3A_41 = tpu.memref_slice %arg5[%dma_start3A] : memref<2000xf32, #tpu.memory_space<vmem>> -> memref<640xf32, #tpu.memory_space<vmem>>
      %dma_start3A_42 = tpu.memref_slice %arg6[%multiple_of3A] : memref<10240xf32, #tpu.memory_space<vmem_shared>> -> memref<640xf32, #tpu.memory_space<vmem_shared>>
      %dma_start3A_43 = tpu.memref_slice %arg6[%multiple_of3A] : memref<10240xf32, #tpu.memory_space<vmem_shared>> -> memref<640xf32, #tpu.memory_space<vmem_shared>>
      %dma_start3A_44 = arith.constant 0 : i32
      %dma_start3A_45 = tpu.memref_slice %arg5[%dma_start3A_44] : memref<2000xf32, #tpu.memory_space<vmem>> -> memref<640xf32, #tpu.memory_space<vmem>>
      tpu.enqueue_dma source(%dma_start3A_45 : memref<640xf32, #tpu.memory_space<vmem>>) target(%dma_start3A_43 : memref<640xf32, #tpu.memory_space<vmem_shared>>) target_semaphore(%run_scoped3A : memref<!tpu.dma_semaphore, #tpu.memory_space<semaphore_mem>>)
      %dma_wait3A = arith.constant 0 : i32
      %dma_wait3A_46 = tpu.memref_slice %arg5[%dma_wait3A] : memref<2000xf32, #tpu.memory_space<vmem>> -> memref<640xf32, #tpu.memory_space<vmem>>
      %dma_wait3A_47 = tpu.memref_slice %arg6[%multiple_of3A] : memref<10240xf32, #tpu.memory_space<vmem_shared>> -> memref<640xf32, #tpu.memory_space<vmem_shared>>
      %dma_wait3A_48 = tpu.memref_slice %arg6[%multiple_of3A] : memref<10240xf32, #tpu.memory_space<vmem_shared>> -> memref<640xf32, #tpu.memory_space<vmem_shared>>
      %dma_wait3A_49 = arith.constant 0 : i32
      %dma_wait3A_50 = tpu.memref_slice %arg5[%dma_wait3A_49] : memref<2000xf32, #tpu.memory_space<vmem>> -> memref<640xf32, #tpu.memory_space<vmem>>
      tpu.wait_dma2 semaphore(%run_scoped3A : memref<!tpu.dma_semaphore, #tpu.memory_space<semaphore_mem>>) src(%dma_wait3A_50 : memref<640xf32, #tpu.memory_space<vmem>>) dst(%dma_wait3A_48 : memref<640xf32, #tpu.memory_space<vmem_shared>>)
      tpu.yield
    }) : () -> ()
    %barrier3A = arith.constant 0 : index
    tpu.barrier barrier_id(%barrier3A)
    %mul3A_9 = arith.constant 10000 : i32
    %mul3A_10 = arith.muli %add3A, %mul3A_9 : i32
    %add3A_11 = arith.constant 0 : i32
    %add3A_12 = arith.addi %mul3A_10, %add3A_11 : i32
    %multiple_of3A_13 = tpu.assume_multiple %add3A_12, 8 : i32
    "tpu.region"() ({
      %run_scoped3A = tpu.sem_alloc : memref<!tpu.dma_semaphore, #tpu.memory_space<semaphore_mem>>
      %dma_start3A = tpu.memref_slice %arg2[%multiple_of3A_13] : memref<320000xi32, #tpu.memory_space<hbm>> -> memref<2000xi32, #tpu.memory_space<hbm>>
      %dma_start3A_41 = tpu.memref_slice %arg2[%multiple_of3A_13] : memref<320000xi32, #tpu.memory_space<hbm>> -> memref<2000xi32, #tpu.memory_space<hbm>>
      tpu.enqueue_dma source(%dma_start3A_41 : memref<2000xi32, #tpu.memory_space<hbm>>) target(%arg4 : memref<2000xi32, #tpu.memory_space<vmem>>) target_semaphore(%run_scoped3A : memref<!tpu.dma_semaphore, #tpu.memory_space<semaphore_mem>>)
      %dma_wait3A = tpu.memref_slice %arg2[%multiple_of3A_13] : memref<320000xi32, #tpu.memory_space<hbm>> -> memref<2000xi32, #tpu.memory_space<hbm>>
      %dma_wait3A_42 = tpu.memref_slice %arg2[%multiple_of3A_13] : memref<320000xi32, #tpu.memory_space<hbm>> -> memref<2000xi32, #tpu.memory_space<hbm>>
      tpu.wait_dma2 semaphore(%run_scoped3A : memref<!tpu.dma_semaphore, #tpu.memory_space<semaphore_mem>>) src(%dma_wait3A_42 : memref<2000xi32, #tpu.memory_space<hbm>>) dst(%arg4 : memref<2000xi32, #tpu.memory_space<vmem>>)
      tpu.yield
    }) : () -> ()
    "tpu.region"() ({
      %run_scoped3A = tpu.sem_alloc : memref<!tpu.dma_semaphore, #tpu.memory_space<semaphore_mem>>
      %dma_start3A = arith.constant 0 : i32
      %dma_start3A_41 = tpu.memref_slice %arg6[%dma_start3A] : memref<10240xf32, #tpu.memory_space<vmem_shared>> -> memref<10240xf32, #tpu.memory_space<vmem_shared>>
      tpu.enqueue_indirect_dma source(%arg5 : memref<2000xf32, #tpu.memory_space<vmem>>) target(%dma_start3A_41 : memref<10240xf32, #tpu.memory_space<vmem_shared>>) offsets(%arg4 : memref<2000xi32, #tpu.memory_space<vmem>>) semaphore(%run_scoped3A : memref<!tpu.dma_semaphore, #tpu.memory_space<semaphore_mem>>) {add = true}
      %dma_wait3A = arith.constant 0 : i32
      %dma_wait3A_42 = tpu.memref_slice %arg6[%dma_wait3A] : memref<10240xf32, #tpu.memory_space<vmem_shared>> -> memref<10240xf32, #tpu.memory_space<vmem_shared>>
      tpu.wait_indirect_dma semaphore(%run_scoped3A : memref<!tpu.dma_semaphore, #tpu.memory_space<semaphore_mem>>) src(%arg5 : memref<2000xf32, #tpu.memory_space<vmem>>) dst(%dma_wait3A_42 : memref<10240xf32, #tpu.memory_space<vmem_shared>>)
      tpu.yield
    }) : () -> ()
    %mul3A_14 = arith.constant 10000 : i32
    %mul3A_15 = arith.muli %add3A, %mul3A_14 : i32
    %add3A_16 = arith.constant 2000 : i32
    %add3A_17 = arith.addi %mul3A_15, %add3A_16 : i32
    %multiple_of3A_18 = tpu.assume_multiple %add3A_17, 8 : i32
    "tpu.region"() ({
      %run_scoped3A = tpu.sem_alloc : memref<!tpu.dma_semaphore, #tpu.memory_space<semaphore_mem>>
      %dma_start3A = tpu.memref_slice %arg2[%multiple_of3A_18] : memref<320000xi32, #tpu.memory_space<hbm>> -> memref<2000xi32, #tpu.memory_space<hbm>>
      %dma_start3A_41 = tpu.memref_slice %arg2[%multiple_of3A_18] : memref<320000xi32, #tpu.memory_space<hbm>> -> memref<2000xi32, #tpu.memory_space<hbm>>
      tpu.enqueue_dma source(%dma_start3A_41 : memref<2000xi32, #tpu.memory_space<hbm>>) target(%arg4 : memref<2000xi32, #tpu.memory_space<vmem>>) target_semaphore(%run_scoped3A : memref<!tpu.dma_semaphore, #tpu.memory_space<semaphore_mem>>)
      %dma_wait3A = tpu.memref_slice %arg2[%multiple_of3A_18] : memref<320000xi32, #tpu.memory_space<hbm>> -> memref<2000xi32, #tpu.memory_space<hbm>>
      %dma_wait3A_42 = tpu.memref_slice %arg2[%multiple_of3A_18] : memref<320000xi32, #tpu.memory_space<hbm>> -> memref<2000xi32, #tpu.memory_space<hbm>>
      tpu.wait_dma2 semaphore(%run_scoped3A : memref<!tpu.dma_semaphore, #tpu.memory_space<semaphore_mem>>) src(%dma_wait3A_42 : memref<2000xi32, #tpu.memory_space<hbm>>) dst(%arg4 : memref<2000xi32, #tpu.memory_space<vmem>>)
      tpu.yield
    }) : () -> ()
    "tpu.region"() ({
      %run_scoped3A = tpu.sem_alloc : memref<!tpu.dma_semaphore, #tpu.memory_space<semaphore_mem>>
      %dma_start3A = arith.constant 0 : i32
      %dma_start3A_41 = tpu.memref_slice %arg6[%dma_start3A] : memref<10240xf32, #tpu.memory_space<vmem_shared>> -> memref<10240xf32, #tpu.memory_space<vmem_shared>>
      tpu.enqueue_indirect_dma source(%arg5 : memref<2000xf32, #tpu.memory_space<vmem>>) target(%dma_start3A_41 : memref<10240xf32, #tpu.memory_space<vmem_shared>>) offsets(%arg4 : memref<2000xi32, #tpu.memory_space<vmem>>) semaphore(%run_scoped3A : memref<!tpu.dma_semaphore, #tpu.memory_space<semaphore_mem>>) {add = true}
      %dma_wait3A = arith.constant 0 : i32
      %dma_wait3A_42 = tpu.memref_slice %arg6[%dma_wait3A] : memref<10240xf32, #tpu.memory_space<vmem_shared>> -> memref<10240xf32, #tpu.memory_space<vmem_shared>>
      tpu.wait_indirect_dma semaphore(%run_scoped3A : memref<!tpu.dma_semaphore, #tpu.memory_space<semaphore_mem>>) src(%arg5 : memref<2000xf32, #tpu.memory_space<vmem>>) dst(%dma_wait3A_42 : memref<10240xf32, #tpu.memory_space<vmem_shared>>)
      tpu.yield
    }) : () -> ()
    %mul3A_19 = arith.constant 10000 : i32
    %mul3A_20 = arith.muli %add3A, %mul3A_19 : i32
    %add3A_21 = arith.constant 4000 : i32
    %add3A_22 = arith.addi %mul3A_20, %add3A_21 : i32
    %multiple_of3A_23 = tpu.assume_multiple %add3A_22, 8 : i32
    "tpu.region"() ({
      %run_scoped3A = tpu.sem_alloc : memref<!tpu.dma_semaphore, #tpu.memory_space<semaphore_mem>>
      %dma_start3A = tpu.memref_slice %arg2[%multiple_of3A_23] : memref<320000xi32, #tpu.memory_space<hbm>> -> memref<2000xi32, #tpu.memory_space<hbm>>
      %dma_start3A_41 = tpu.memref_slice %arg2[%multiple_of3A_23] : memref<320000xi32, #tpu.memory_space<hbm>> -> memref<2000xi32, #tpu.memory_space<hbm>>
      tpu.enqueue_dma source(%dma_start3A_41 : memref<2000xi32, #tpu.memory_space<hbm>>) target(%arg4 : memref<2000xi32, #tpu.memory_space<vmem>>) target_semaphore(%run_scoped3A : memref<!tpu.dma_semaphore, #tpu.memory_space<semaphore_mem>>)
      %dma_wait3A = tpu.memref_slice %arg2[%multiple_of3A_23] : memref<320000xi32, #tpu.memory_space<hbm>> -> memref<2000xi32, #tpu.memory_space<hbm>>
      %dma_wait3A_42 = tpu.memref_slice %arg2[%multiple_of3A_23] : memref<320000xi32, #tpu.memory_space<hbm>> -> memref<2000xi32, #tpu.memory_space<hbm>>
      tpu.wait_dma2 semaphore(%run_scoped3A : memref<!tpu.dma_semaphore, #tpu.memory_space<semaphore_mem>>) src(%dma_wait3A_42 : memref<2000xi32, #tpu.memory_space<hbm>>) dst(%arg4 : memref<2000xi32, #tpu.memory_space<vmem>>)
      tpu.yield
    }) : () -> ()
    "tpu.region"() ({
      %run_scoped3A = tpu.sem_alloc : memref<!tpu.dma_semaphore, #tpu.memory_space<semaphore_mem>>
      %dma_start3A = arith.constant 0 : i32
      %dma_start3A_41 = tpu.memref_slice %arg6[%dma_start3A] : memref<10240xf32, #tpu.memory_space<vmem_shared>> -> memref<10240xf32, #tpu.memory_space<vmem_shared>>
      tpu.enqueue_indirect_dma source(%arg5 : memref<2000xf32, #tpu.memory_space<vmem>>) target(%dma_start3A_41 : memref<10240xf32, #tpu.memory_space<vmem_shared>>) offsets(%arg4 : memref<2000xi32, #tpu.memory_space<vmem>>) semaphore(%run_scoped3A : memref<!tpu.dma_semaphore, #tpu.memory_space<semaphore_mem>>) {add = true}
      %dma_wait3A = arith.constant 0 : i32
      %dma_wait3A_42 = tpu.memref_slice %arg6[%dma_wait3A] : memref<10240xf32, #tpu.memory_space<vmem_shared>> -> memref<10240xf32, #tpu.memory_space<vmem_shared>>
      tpu.wait_indirect_dma semaphore(%run_scoped3A : memref<!tpu.dma_semaphore, #tpu.memory_space<semaphore_mem>>) src(%arg5 : memref<2000xf32, #tpu.memory_space<vmem>>) dst(%dma_wait3A_42 : memref<10240xf32, #tpu.memory_space<vmem_shared>>)
      tpu.yield
    }) : () -> ()
    %mul3A_24 = arith.constant 10000 : i32
    %mul3A_25 = arith.muli %add3A, %mul3A_24 : i32
    %add3A_26 = arith.constant 6000 : i32
    %add3A_27 = arith.addi %mul3A_25, %add3A_26 : i32
    %multiple_of3A_28 = tpu.assume_multiple %add3A_27, 8 : i32
    "tpu.region"() ({
      %run_scoped3A = tpu.sem_alloc : memref<!tpu.dma_semaphore, #tpu.memory_space<semaphore_mem>>
      %dma_start3A = tpu.memref_slice %arg2[%multiple_of3A_28] : memref<320000xi32, #tpu.memory_space<hbm>> -> memref<2000xi32, #tpu.memory_space<hbm>>
      %dma_start3A_41 = tpu.memref_slice %arg2[%multiple_of3A_28] : memref<320000xi32, #tpu.memory_space<hbm>> -> memref<2000xi32, #tpu.memory_space<hbm>>
      tpu.enqueue_dma source(%dma_start3A_41 : memref<2000xi32, #tpu.memory_space<hbm>>) target(%arg4 : memref<2000xi32, #tpu.memory_space<vmem>>) target_semaphore(%run_scoped3A : memref<!tpu.dma_semaphore, #tpu.memory_space<semaphore_mem>>)
      %dma_wait3A = tpu.memref_slice %arg2[%multiple_of3A_28] : memref<320000xi32, #tpu.memory_space<hbm>> -> memref<2000xi32, #tpu.memory_space<hbm>>
      %dma_wait3A_42 = tpu.memref_slice %arg2[%multiple_of3A_28] : memref<320000xi32, #tpu.memory_space<hbm>> -> memref<2000xi32, #tpu.memory_space<hbm>>
      tpu.wait_dma2 semaphore(%run_scoped3A : memref<!tpu.dma_semaphore, #tpu.memory_space<semaphore_mem>>) src(%dma_wait3A_42 : memref<2000xi32, #tpu.memory_space<hbm>>) dst(%arg4 : memref<2000xi32, #tpu.memory_space<vmem>>)
      tpu.yield
    }) : () -> ()
    "tpu.region"() ({
      %run_scoped3A = tpu.sem_alloc : memref<!tpu.dma_semaphore, #tpu.memory_space<semaphore_mem>>
      %dma_start3A = arith.constant 0 : i32
      %dma_start3A_41 = tpu.memref_slice %arg6[%dma_start3A] : memref<10240xf32, #tpu.memory_space<vmem_shared>> -> memref<10240xf32, #tpu.memory_space<vmem_shared>>
      tpu.enqueue_indirect_dma source(%arg5 : memref<2000xf32, #tpu.memory_space<vmem>>) target(%dma_start3A_41 : memref<10240xf32, #tpu.memory_space<vmem_shared>>) offsets(%arg4 : memref<2000xi32, #tpu.memory_space<vmem>>) semaphore(%run_scoped3A : memref<!tpu.dma_semaphore, #tpu.memory_space<semaphore_mem>>) {add = true}
      %dma_wait3A = arith.constant 0 : i32
      %dma_wait3A_42 = tpu.memref_slice %arg6[%dma_wait3A] : memref<10240xf32, #tpu.memory_space<vmem_shared>> -> memref<10240xf32, #tpu.memory_space<vmem_shared>>
      tpu.wait_indirect_dma semaphore(%run_scoped3A : memref<!tpu.dma_semaphore, #tpu.memory_space<semaphore_mem>>) src(%arg5 : memref<2000xf32, #tpu.memory_space<vmem>>) dst(%dma_wait3A_42 : memref<10240xf32, #tpu.memory_space<vmem_shared>>)
      tpu.yield
    }) : () -> ()
    %mul3A_29 = arith.constant 10000 : i32
    %mul3A_30 = arith.muli %add3A, %mul3A_29 : i32
    %add3A_31 = arith.constant 8000 : i32
    %add3A_32 = arith.addi %mul3A_30, %add3A_31 : i32
    %multiple_of3A_33 = tpu.assume_multiple %add3A_32, 8 : i32
    "tpu.region"() ({
      %run_scoped3A = tpu.sem_alloc : memref<!tpu.dma_semaphore, #tpu.memory_space<semaphore_mem>>
      %dma_start3A = tpu.memref_slice %arg2[%multiple_of3A_33] : memref<320000xi32, #tpu.memory_space<hbm>> -> memref<2000xi32, #tpu.memory_space<hbm>>
      %dma_start3A_41 = tpu.memref_slice %arg2[%multiple_of3A_33] : memref<320000xi32, #tpu.memory_space<hbm>> -> memref<2000xi32, #tpu.memory_space<hbm>>
      tpu.enqueue_dma source(%dma_start3A_41 : memref<2000xi32, #tpu.memory_space<hbm>>) target(%arg4 : memref<2000xi32, #tpu.memory_space<vmem>>) target_semaphore(%run_scoped3A : memref<!tpu.dma_semaphore, #tpu.memory_space<semaphore_mem>>)
      %dma_wait3A = tpu.memref_slice %arg2[%multiple_of3A_33] : memref<320000xi32, #tpu.memory_space<hbm>> -> memref<2000xi32, #tpu.memory_space<hbm>>
      %dma_wait3A_42 = tpu.memref_slice %arg2[%multiple_of3A_33] : memref<320000xi32, #tpu.memory_space<hbm>> -> memref<2000xi32, #tpu.memory_space<hbm>>
      tpu.wait_dma2 semaphore(%run_scoped3A : memref<!tpu.dma_semaphore, #tpu.memory_space<semaphore_mem>>) src(%dma_wait3A_42 : memref<2000xi32, #tpu.memory_space<hbm>>) dst(%arg4 : memref<2000xi32, #tpu.memory_space<vmem>>)
      tpu.yield
    }) : () -> ()
    "tpu.region"() ({
      %run_scoped3A = tpu.sem_alloc : memref<!tpu.dma_semaphore, #tpu.memory_space<semaphore_mem>>
      %dma_start3A = arith.constant 0 : i32
      %dma_start3A_41 = tpu.memref_slice %arg6[%dma_start3A] : memref<10240xf32, #tpu.memory_space<vmem_shared>> -> memref<10240xf32, #tpu.memory_space<vmem_shared>>
      tpu.enqueue_indirect_dma source(%arg5 : memref<2000xf32, #tpu.memory_space<vmem>>) target(%dma_start3A_41 : memref<10240xf32, #tpu.memory_space<vmem_shared>>) offsets(%arg4 : memref<2000xi32, #tpu.memory_space<vmem>>) semaphore(%run_scoped3A : memref<!tpu.dma_semaphore, #tpu.memory_space<semaphore_mem>>) {add = true}
      %dma_wait3A = arith.constant 0 : i32
      %dma_wait3A_42 = tpu.memref_slice %arg6[%dma_wait3A] : memref<10240xf32, #tpu.memory_space<vmem_shared>> -> memref<10240xf32, #tpu.memory_space<vmem_shared>>
      tpu.wait_indirect_dma semaphore(%run_scoped3A : memref<!tpu.dma_semaphore, #tpu.memory_space<semaphore_mem>>) src(%arg5 : memref<2000xf32, #tpu.memory_space<vmem>>) dst(%dma_wait3A_42 : memref<10240xf32, #tpu.memory_space<vmem_shared>>)
      tpu.yield
    }) : () -> ()
    %barrier3A_34 = arith.constant 0 : index
    tpu.barrier barrier_id(%barrier3A_34)
    %mul3A_35 = arith.constant 10240 : i32
    %mul3A_36 = arith.muli %arg0, %mul3A_35 : i32
    %mul3A_37 = arith.constant 640 : i32
    %mul3A_38 = arith.muli %arg1, %mul3A_37 : i32
    %add3A_39 = arith.addi %mul3A_36, %mul3A_38 : i32
    %multiple_of3A_40 = tpu.assume_multiple %add3A_39, 8 : i32
    "tpu.region"() ({
      %run_scoped3A = tpu.sem_alloc : memref<!tpu.dma_semaphore, #tpu.memory_space<semaphore_mem>>
      %dma_start3A = tpu.memref_slice %arg3[%multiple_of3A_40] : memref<20480xf32, #tpu.memory_space<hbm>> -> memref<640xf32, #tpu.memory_space<hbm>>
      %dma_start3A_41 = tpu.memref_slice %arg6[%multiple_of3A] : memref<10240xf32, #tpu.memory_space<vmem_shared>> -> memref<640xf32, #tpu.memory_space<vmem_shared>>
      tpu.enqueue_dma source(%dma_start3A_41 : memref<640xf32, #tpu.memory_space<vmem_shared>>) target(%dma_start3A : memref<640xf32, #tpu.memory_space<hbm>>) target_semaphore(%run_scoped3A : memref<!tpu.dma_semaphore, #tpu.memory_space<semaphore_mem>>)
      %dma_wait3A = tpu.memref_slice %arg3[%multiple_of3A_40] : memref<20480xf32, #tpu.memory_space<hbm>> -> memref<640xf32, #tpu.memory_space<hbm>>
      %dma_wait3A_42 = tpu.memref_slice %arg6[%multiple_of3A] : memref<10240xf32, #tpu.memory_space<vmem_shared>> -> memref<640xf32, #tpu.memory_space<vmem_shared>>
      tpu.wait_dma2 semaphore(%run_scoped3A : memref<!tpu.dma_semaphore, #tpu.memory_space<semaphore_mem>>) src(%dma_wait3A_42 : memref<640xf32, #tpu.memory_space<vmem_shared>>) dst(%dma_wait3A : memref<640xf32, #tpu.memory_space<hbm>>)
      tpu.yield
    }) : () -> ()
    return
  }
}

#map = affine_map<(d0, d1) -> (0, 0)>
#map1 = affine_map<(d0, d1) -> (0)>
module attributes {stable_mosaic.version = 14 : i64} {
  func.func @spmm_kernel(%arg0: i32, %arg1: i32, %arg2: memref<10000x32xf32, #tpu.memory_space<hbm>>, %arg3: memref<320000xi32, #tpu.memory_space<hbm>>, %arg4: memref<320000xi32, #tpu.memory_space<hbm>>, %arg5: memref<20000x32xf32, #tpu.memory_space<hbm>>, %arg6: memref<10000xi32, #tpu.memory_space<vmem>>, %arg7: memref<1000xi32, #tpu.memory_space<vmem>>, %arg8: memref<1000xi32, #tpu.memory_space<vmem>>, %arg9: memref<1000x32xf32, #tpu.memory_space<vmem>>, %arg10: memref<1000x32xf32, #tpu.memory_space<vmem>>, %arg11: memref<10000x32xf32, #tpu.memory_space<vmem_shared>>, %arg12: memref<!tpu.dma_semaphore, #tpu.memory_space<semaphore_mem>>, %arg13: memref<!tpu.dma_semaphore, #tpu.memory_space<semaphore_mem>>) attributes {dimension_semantics = [#tpu.dimension_semantics<core_parallel>, #tpu.dimension_semantics<subcore_parallel>], iteration_bounds = array<i64: 2, 16>, scalar_prefetch = 0 : i64, scratch_operands = 8 : i64, tpu.core_type = #tpu.core_type<sc_vector_subcore>, window_params = [{transform_indices = #map}, {transform_indices = #map1}, {transform_indices = #map1}, {transform_indices = #map}]} {
    %mul3A = arith.constant 16 : i32
    %mul3A_0 = arith.muli %arg0, %mul3A : i32
    %add3A = arith.addi %mul3A_0, %arg1 : i32
    %mul3A_1 = arith.constant 10000 : i32
    %mul3A_2 = arith.muli %add3A, %mul3A_1 : i32
    %multiple_of3A = tpu.assume_multiple %mul3A_2, 8 : i32
    "tpu.region"() ({
      %run_scoped3A = tpu.sem_alloc : memref<!tpu.dma_semaphore, #tpu.memory_space<semaphore_mem>>
      %dma_start3A_168 = tpu.memref_slice %arg3[%multiple_of3A] : memref<320000xi32, #tpu.memory_space<hbm>> -> memref<10000xi32, #tpu.memory_space<hbm>>
      %dma_start3A_169 = tpu.memref_slice %arg3[%multiple_of3A] : memref<320000xi32, #tpu.memory_space<hbm>> -> memref<10000xi32, #tpu.memory_space<hbm>>
      tpu.enqueue_dma source(%dma_start3A_169 : memref<10000xi32, #tpu.memory_space<hbm>>) target(%arg6 : memref<10000xi32, #tpu.memory_space<vmem>>) target_semaphore(%run_scoped3A : memref<!tpu.dma_semaphore, #tpu.memory_space<semaphore_mem>>)
      %dma_wait3A_170 = tpu.memref_slice %arg3[%multiple_of3A] : memref<320000xi32, #tpu.memory_space<hbm>> -> memref<10000xi32, #tpu.memory_space<hbm>>
      %dma_wait3A_171 = tpu.memref_slice %arg3[%multiple_of3A] : memref<320000xi32, #tpu.memory_space<hbm>> -> memref<10000xi32, #tpu.memory_space<hbm>>
      tpu.wait_dma2 semaphore(%run_scoped3A : memref<!tpu.dma_semaphore, #tpu.memory_space<semaphore_mem>>) src(%dma_wait3A_171 : memref<10000xi32, #tpu.memory_space<hbm>>) dst(%arg6 : memref<10000xi32, #tpu.memory_space<vmem>>)
      tpu.yield
    }) : () -> ()
    %mul3A_3 = arith.constant 10000 : i32
    %mul3A_4 = arith.muli %add3A, %mul3A_3 : i32
    %add3A_5 = arith.constant 0 : i32
    %add3A_6 = arith.addi %mul3A_4, %add3A_5 : i32
    %multiple_of3A_7 = tpu.assume_multiple %add3A_6, 8 : i32
    "tpu.region"() ({
      %run_scoped3A = tpu.sem_alloc : memref<!tpu.dma_semaphore, #tpu.memory_space<semaphore_mem>>
      %dma_start3A_168 = tpu.memref_slice %arg4[%multiple_of3A_7] : memref<320000xi32, #tpu.memory_space<hbm>> -> memref<1000xi32, #tpu.memory_space<hbm>>
      %dma_start3A_169 = tpu.memref_slice %arg4[%multiple_of3A_7] : memref<320000xi32, #tpu.memory_space<hbm>> -> memref<1000xi32, #tpu.memory_space<hbm>>
      tpu.enqueue_dma source(%dma_start3A_169 : memref<1000xi32, #tpu.memory_space<hbm>>) target(%arg7 : memref<1000xi32, #tpu.memory_space<vmem>>) target_semaphore(%run_scoped3A : memref<!tpu.dma_semaphore, #tpu.memory_space<semaphore_mem>>)
      %dma_wait3A_170 = tpu.memref_slice %arg4[%multiple_of3A_7] : memref<320000xi32, #tpu.memory_space<hbm>> -> memref<1000xi32, #tpu.memory_space<hbm>>
      %dma_wait3A_171 = tpu.memref_slice %arg4[%multiple_of3A_7] : memref<320000xi32, #tpu.memory_space<hbm>> -> memref<1000xi32, #tpu.memory_space<hbm>>
      tpu.wait_dma2 semaphore(%run_scoped3A : memref<!tpu.dma_semaphore, #tpu.memory_space<semaphore_mem>>) src(%dma_wait3A_171 : memref<1000xi32, #tpu.memory_space<hbm>>) dst(%arg7 : memref<1000xi32, #tpu.memory_space<vmem>>)
      tpu.yield
    }) : () -> ()
    %dma_start3A = arith.constant 0 : i32
    %dma_start3A_8 = tpu.memref_slice %arg6[%dma_start3A] : memref<10000xi32, #tpu.memory_space<vmem>> -> memref<1000xi32, #tpu.memory_space<vmem>>
    %dma_start3A_9 = arith.constant 0 : i32
    %dma_start3A_10 = arith.constant 0 : i32
    %dma_start3A_11 = tpu.memref_slice %arg2[%dma_start3A_9, %dma_start3A_10] : memref<10000x32xf32, #tpu.memory_space<hbm>> -> memref<10000x32xf32, #tpu.memory_space<hbm>>
    tpu.enqueue_indirect_dma source(%dma_start3A_11 : memref<10000x32xf32, #tpu.memory_space<hbm>>) target(%arg9 : memref<1000x32xf32, #tpu.memory_space<vmem>>) offsets(%dma_start3A_8 : memref<1000xi32, #tpu.memory_space<vmem>>) semaphore(%arg12 : memref<!tpu.dma_semaphore, #tpu.memory_space<semaphore_mem>>)
    %mul3A_12 = arith.constant 624 : i32
    %mul3A_13 = arith.muli %arg1, %mul3A_12 : i32
    %multiple_of3A_14 = tpu.assume_multiple %mul3A_13, 8 : i32
    "tpu.region"() ({
      %run_scoped3A = tpu.sem_alloc : memref<!tpu.dma_semaphore, #tpu.memory_space<semaphore_mem>>
      %dma_start3A_168 = arith.constant 0 : i32
      %dma_start3A_169 = tpu.memref_slice %arg11[%multiple_of3A_14, %dma_start3A_168] : memref<10000x32xf32, #tpu.memory_space<vmem_shared>> -> memref<624x32xf32, #tpu.memory_space<vmem_shared>>
      %dma_start3A_170 = arith.constant 0 : i32
      %dma_start3A_171 = tpu.memref_slice %arg2[%multiple_of3A_14, %dma_start3A_170] : memref<10000x32xf32, #tpu.memory_space<hbm>> -> memref<624x32xf32, #tpu.memory_space<hbm>>
      tpu.enqueue_dma source(%dma_start3A_171 : memref<624x32xf32, #tpu.memory_space<hbm>>) target(%dma_start3A_169 : memref<624x32xf32, #tpu.memory_space<vmem_shared>>) target_semaphore(%run_scoped3A : memref<!tpu.dma_semaphore, #tpu.memory_space<semaphore_mem>>)
      %dma_wait3A_172 = arith.constant 0 : i32
      %dma_wait3A_173 = tpu.memref_slice %arg11[%multiple_of3A_14, %dma_wait3A_172] : memref<10000x32xf32, #tpu.memory_space<vmem_shared>> -> memref<624x32xf32, #tpu.memory_space<vmem_shared>>
      %dma_wait3A_174 = arith.constant 0 : i32
      %dma_wait3A_175 = tpu.memref_slice %arg2[%multiple_of3A_14, %dma_wait3A_174] : memref<10000x32xf32, #tpu.memory_space<hbm>> -> memref<624x32xf32, #tpu.memory_space<hbm>>
      tpu.wait_dma2 semaphore(%run_scoped3A : memref<!tpu.dma_semaphore, #tpu.memory_space<semaphore_mem>>) src(%dma_wait3A_175 : memref<624x32xf32, #tpu.memory_space<hbm>>) dst(%dma_wait3A_173 : memref<624x32xf32, #tpu.memory_space<vmem_shared>>)
      tpu.yield
    }) : () -> ()
    %eq3A = arith.constant 15 : i32
    %eq3A_15 = arith.cmpi eq, %arg1, %eq3A : i32
    %convert_element_type3A = arith.extui %eq3A_15 : i1 to i32
    %cond3A = arith.constant 0 : i32
    %cond3A_16 = arith.cmpi ne, %convert_element_type3A, %cond3A : i32
    scf.if %cond3A_16 {
      "tpu.region"() ({
        %run_scoped3A = tpu.sem_alloc : memref<!tpu.dma_semaphore, #tpu.memory_space<semaphore_mem>>
        %dma_start3A_168 = arith.constant 9984 : i32
        %dma_start3A_169 = arith.constant 0 : i32
        %dma_start3A_170 = tpu.memref_slice %arg11[%dma_start3A_168, %dma_start3A_169] : memref<10000x32xf32, #tpu.memory_space<vmem_shared>> -> memref<16x32xf32, #tpu.memory_space<vmem_shared>>
        %dma_start3A_171 = arith.constant 9984 : i32
        %dma_start3A_172 = arith.constant 0 : i32
        %dma_start3A_173 = tpu.memref_slice %arg2[%dma_start3A_171, %dma_start3A_172] : memref<10000x32xf32, #tpu.memory_space<hbm>> -> memref<16x32xf32, #tpu.memory_space<hbm>>
        tpu.enqueue_dma source(%dma_start3A_173 : memref<16x32xf32, #tpu.memory_space<hbm>>) target(%dma_start3A_170 : memref<16x32xf32, #tpu.memory_space<vmem_shared>>) target_semaphore(%run_scoped3A : memref<!tpu.dma_semaphore, #tpu.memory_space<semaphore_mem>>)
        %dma_wait3A_174 = arith.constant 9984 : i32
        %dma_wait3A_175 = arith.constant 0 : i32
        %dma_wait3A_176 = tpu.memref_slice %arg11[%dma_wait3A_174, %dma_wait3A_175] : memref<10000x32xf32, #tpu.memory_space<vmem_shared>> -> memref<16x32xf32, #tpu.memory_space<vmem_shared>>
        %dma_wait3A_177 = arith.constant 9984 : i32
        %dma_wait3A_178 = arith.constant 0 : i32
        %dma_wait3A_179 = tpu.memref_slice %arg2[%dma_wait3A_177, %dma_wait3A_178] : memref<10000x32xf32, #tpu.memory_space<hbm>> -> memref<16x32xf32, #tpu.memory_space<hbm>>
        tpu.wait_dma2 semaphore(%run_scoped3A : memref<!tpu.dma_semaphore, #tpu.memory_space<semaphore_mem>>) src(%dma_wait3A_179 : memref<16x32xf32, #tpu.memory_space<hbm>>) dst(%dma_wait3A_176 : memref<16x32xf32, #tpu.memory_space<vmem_shared>>)
        tpu.yield
      }) : () -> ()
    } else {
    }
    %barrier3A = arith.constant 0 : index
    tpu.barrier barrier_id(%barrier3A)
    %mul3A_17 = arith.constant 10000 : i32
    %mul3A_18 = arith.muli %add3A, %mul3A_17 : i32
    %add3A_19 = arith.constant 1000 : i32
    %add3A_20 = arith.addi %mul3A_18, %add3A_19 : i32
    %multiple_of3A_21 = tpu.assume_multiple %add3A_20, 8 : i32
    "tpu.region"() ({
      %run_scoped3A = tpu.sem_alloc : memref<!tpu.dma_semaphore, #tpu.memory_space<semaphore_mem>>
      %dma_start3A_168 = tpu.memref_slice %arg4[%multiple_of3A_21] : memref<320000xi32, #tpu.memory_space<hbm>> -> memref<1000xi32, #tpu.memory_space<hbm>>
      %dma_start3A_169 = tpu.memref_slice %arg4[%multiple_of3A_21] : memref<320000xi32, #tpu.memory_space<hbm>> -> memref<1000xi32, #tpu.memory_space<hbm>>
      tpu.enqueue_dma source(%dma_start3A_169 : memref<1000xi32, #tpu.memory_space<hbm>>) target(%arg8 : memref<1000xi32, #tpu.memory_space<vmem>>) target_semaphore(%run_scoped3A : memref<!tpu.dma_semaphore, #tpu.memory_space<semaphore_mem>>)
      %dma_wait3A_170 = tpu.memref_slice %arg4[%multiple_of3A_21] : memref<320000xi32, #tpu.memory_space<hbm>> -> memref<1000xi32, #tpu.memory_space<hbm>>
      %dma_wait3A_171 = tpu.memref_slice %arg4[%multiple_of3A_21] : memref<320000xi32, #tpu.memory_space<hbm>> -> memref<1000xi32, #tpu.memory_space<hbm>>
      tpu.wait_dma2 semaphore(%run_scoped3A : memref<!tpu.dma_semaphore, #tpu.memory_space<semaphore_mem>>) src(%dma_wait3A_171 : memref<1000xi32, #tpu.memory_space<hbm>>) dst(%arg8 : memref<1000xi32, #tpu.memory_space<vmem>>)
      tpu.yield
    }) : () -> ()
    %dma_start3A_22 = arith.constant 1000 : i32
    %dma_start3A_23 = tpu.memref_slice %arg6[%dma_start3A_22] : memref<10000xi32, #tpu.memory_space<vmem>> -> memref<1000xi32, #tpu.memory_space<vmem>>
    %dma_start3A_24 = arith.constant 0 : i32
    %dma_start3A_25 = arith.constant 0 : i32
    %dma_start3A_26 = tpu.memref_slice %arg2[%dma_start3A_24, %dma_start3A_25] : memref<10000x32xf32, #tpu.memory_space<hbm>> -> memref<10000x32xf32, #tpu.memory_space<hbm>>
    tpu.enqueue_indirect_dma source(%dma_start3A_26 : memref<10000x32xf32, #tpu.memory_space<hbm>>) target(%arg10 : memref<1000x32xf32, #tpu.memory_space<vmem>>) offsets(%dma_start3A_23 : memref<1000xi32, #tpu.memory_space<vmem>>) semaphore(%arg13 : memref<!tpu.dma_semaphore, #tpu.memory_space<semaphore_mem>>)
    %dma_wait3A = arith.constant 0 : i32
    %dma_wait3A_27 = tpu.memref_slice %arg6[%dma_wait3A] : memref<10000xi32, #tpu.memory_space<vmem>> -> memref<1000xi32, #tpu.memory_space<vmem>>
    %dma_wait3A_28 = arith.constant 0 : i32
    %dma_wait3A_29 = arith.constant 0 : i32
    %dma_wait3A_30 = tpu.memref_slice %arg2[%dma_wait3A_28, %dma_wait3A_29] : memref<10000x32xf32, #tpu.memory_space<hbm>> -> memref<10000x32xf32, #tpu.memory_space<hbm>>
    tpu.wait_indirect_dma semaphore(%arg12 : memref<!tpu.dma_semaphore, #tpu.memory_space<semaphore_mem>>) src(%dma_wait3A_30 : memref<10000x32xf32, #tpu.memory_space<hbm>>) dst(%arg9 : memref<1000x32xf32, #tpu.memory_space<vmem>>)
    "tpu.region"() ({
      %run_scoped3A = tpu.sem_alloc : memref<!tpu.dma_semaphore, #tpu.memory_space<semaphore_mem>>
      %dma_start3A_168 = arith.constant 0 : i32
      %dma_start3A_169 = arith.constant 0 : i32
      %dma_start3A_170 = tpu.memref_slice %arg11[%dma_start3A_168, %dma_start3A_169] : memref<10000x32xf32, #tpu.memory_space<vmem_shared>> -> memref<10000x32xf32, #tpu.memory_space<vmem_shared>>
      tpu.enqueue_indirect_dma source(%arg9 : memref<1000x32xf32, #tpu.memory_space<vmem>>) target(%dma_start3A_170 : memref<10000x32xf32, #tpu.memory_space<vmem_shared>>) offsets(%arg7 : memref<1000xi32, #tpu.memory_space<vmem>>) semaphore(%run_scoped3A : memref<!tpu.dma_semaphore, #tpu.memory_space<semaphore_mem>>) {add = true}
      %dma_wait3A_171 = arith.constant 0 : i32
      %dma_wait3A_172 = arith.constant 0 : i32
      %dma_wait3A_173 = tpu.memref_slice %arg11[%dma_wait3A_171, %dma_wait3A_172] : memref<10000x32xf32, #tpu.memory_space<vmem_shared>> -> memref<10000x32xf32, #tpu.memory_space<vmem_shared>>
      tpu.wait_indirect_dma semaphore(%run_scoped3A : memref<!tpu.dma_semaphore, #tpu.memory_space<semaphore_mem>>) src(%arg9 : memref<1000x32xf32, #tpu.memory_space<vmem>>) dst(%dma_wait3A_173 : memref<10000x32xf32, #tpu.memory_space<vmem_shared>>)
      tpu.yield
    }) : () -> ()
    %mul3A_31 = arith.constant 10000 : i32
    %mul3A_32 = arith.muli %add3A, %mul3A_31 : i32
    %add3A_33 = arith.constant 2000 : i32
    %add3A_34 = arith.addi %mul3A_32, %add3A_33 : i32
    %multiple_of3A_35 = tpu.assume_multiple %add3A_34, 8 : i32
    "tpu.region"() ({
      %run_scoped3A = tpu.sem_alloc : memref<!tpu.dma_semaphore, #tpu.memory_space<semaphore_mem>>
      %dma_start3A_168 = tpu.memref_slice %arg4[%multiple_of3A_35] : memref<320000xi32, #tpu.memory_space<hbm>> -> memref<1000xi32, #tpu.memory_space<hbm>>
      %dma_start3A_169 = tpu.memref_slice %arg4[%multiple_of3A_35] : memref<320000xi32, #tpu.memory_space<hbm>> -> memref<1000xi32, #tpu.memory_space<hbm>>
      tpu.enqueue_dma source(%dma_start3A_169 : memref<1000xi32, #tpu.memory_space<hbm>>) target(%arg7 : memref<1000xi32, #tpu.memory_space<vmem>>) target_semaphore(%run_scoped3A : memref<!tpu.dma_semaphore, #tpu.memory_space<semaphore_mem>>)
      %dma_wait3A_170 = tpu.memref_slice %arg4[%multiple_of3A_35] : memref<320000xi32, #tpu.memory_space<hbm>> -> memref<1000xi32, #tpu.memory_space<hbm>>
      %dma_wait3A_171 = tpu.memref_slice %arg4[%multiple_of3A_35] : memref<320000xi32, #tpu.memory_space<hbm>> -> memref<1000xi32, #tpu.memory_space<hbm>>
      tpu.wait_dma2 semaphore(%run_scoped3A : memref<!tpu.dma_semaphore, #tpu.memory_space<semaphore_mem>>) src(%dma_wait3A_171 : memref<1000xi32, #tpu.memory_space<hbm>>) dst(%arg7 : memref<1000xi32, #tpu.memory_space<vmem>>)
      tpu.yield
    }) : () -> ()
    %dma_start3A_36 = arith.constant 2000 : i32
    %dma_start3A_37 = tpu.memref_slice %arg6[%dma_start3A_36] : memref<10000xi32, #tpu.memory_space<vmem>> -> memref<1000xi32, #tpu.memory_space<vmem>>
    %dma_start3A_38 = arith.constant 0 : i32
    %dma_start3A_39 = arith.constant 0 : i32
    %dma_start3A_40 = tpu.memref_slice %arg2[%dma_start3A_38, %dma_start3A_39] : memref<10000x32xf32, #tpu.memory_space<hbm>> -> memref<10000x32xf32, #tpu.memory_space<hbm>>
    tpu.enqueue_indirect_dma source(%dma_start3A_40 : memref<10000x32xf32, #tpu.memory_space<hbm>>) target(%arg9 : memref<1000x32xf32, #tpu.memory_space<vmem>>) offsets(%dma_start3A_37 : memref<1000xi32, #tpu.memory_space<vmem>>) semaphore(%arg12 : memref<!tpu.dma_semaphore, #tpu.memory_space<semaphore_mem>>)
    %dma_wait3A_41 = arith.constant 1000 : i32
    %dma_wait3A_42 = tpu.memref_slice %arg6[%dma_wait3A_41] : memref<10000xi32, #tpu.memory_space<vmem>> -> memref<1000xi32, #tpu.memory_space<vmem>>
    %dma_wait3A_43 = arith.constant 0 : i32
    %dma_wait3A_44 = arith.constant 0 : i32
    %dma_wait3A_45 = tpu.memref_slice %arg2[%dma_wait3A_43, %dma_wait3A_44] : memref<10000x32xf32, #tpu.memory_space<hbm>> -> memref<10000x32xf32, #tpu.memory_space<hbm>>
    tpu.wait_indirect_dma semaphore(%arg13 : memref<!tpu.dma_semaphore, #tpu.memory_space<semaphore_mem>>) src(%dma_wait3A_45 : memref<10000x32xf32, #tpu.memory_space<hbm>>) dst(%arg10 : memref<1000x32xf32, #tpu.memory_space<vmem>>)
    "tpu.region"() ({
      %run_scoped3A = tpu.sem_alloc : memref<!tpu.dma_semaphore, #tpu.memory_space<semaphore_mem>>
      %dma_start3A_168 = arith.constant 0 : i32
      %dma_start3A_169 = arith.constant 0 : i32
      %dma_start3A_170 = tpu.memref_slice %arg11[%dma_start3A_168, %dma_start3A_169] : memref<10000x32xf32, #tpu.memory_space<vmem_shared>> -> memref<10000x32xf32, #tpu.memory_space<vmem_shared>>
      tpu.enqueue_indirect_dma source(%arg10 : memref<1000x32xf32, #tpu.memory_space<vmem>>) target(%dma_start3A_170 : memref<10000x32xf32, #tpu.memory_space<vmem_shared>>) offsets(%arg8 : memref<1000xi32, #tpu.memory_space<vmem>>) semaphore(%run_scoped3A : memref<!tpu.dma_semaphore, #tpu.memory_space<semaphore_mem>>) {add = true}
      %dma_wait3A_171 = arith.constant 0 : i32
      %dma_wait3A_172 = arith.constant 0 : i32
      %dma_wait3A_173 = tpu.memref_slice %arg11[%dma_wait3A_171, %dma_wait3A_172] : memref<10000x32xf32, #tpu.memory_space<vmem_shared>> -> memref<10000x32xf32, #tpu.memory_space<vmem_shared>>
      tpu.wait_indirect_dma semaphore(%run_scoped3A : memref<!tpu.dma_semaphore, #tpu.memory_space<semaphore_mem>>) src(%arg10 : memref<1000x32xf32, #tpu.memory_space<vmem>>) dst(%dma_wait3A_173 : memref<10000x32xf32, #tpu.memory_space<vmem_shared>>)
      tpu.yield
    }) : () -> ()
    %mul3A_46 = arith.constant 10000 : i32
    %mul3A_47 = arith.muli %add3A, %mul3A_46 : i32
    %add3A_48 = arith.constant 3000 : i32
    %add3A_49 = arith.addi %mul3A_47, %add3A_48 : i32
    %multiple_of3A_50 = tpu.assume_multiple %add3A_49, 8 : i32
    "tpu.region"() ({
      %run_scoped3A = tpu.sem_alloc : memref<!tpu.dma_semaphore, #tpu.memory_space<semaphore_mem>>
      %dma_start3A_168 = tpu.memref_slice %arg4[%multiple_of3A_50] : memref<320000xi32, #tpu.memory_space<hbm>> -> memref<1000xi32, #tpu.memory_space<hbm>>
      %dma_start3A_169 = tpu.memref_slice %arg4[%multiple_of3A_50] : memref<320000xi32, #tpu.memory_space<hbm>> -> memref<1000xi32, #tpu.memory_space<hbm>>
      tpu.enqueue_dma source(%dma_start3A_169 : memref<1000xi32, #tpu.memory_space<hbm>>) target(%arg8 : memref<1000xi32, #tpu.memory_space<vmem>>) target_semaphore(%run_scoped3A : memref<!tpu.dma_semaphore, #tpu.memory_space<semaphore_mem>>)
      %dma_wait3A_170 = tpu.memref_slice %arg4[%multiple_of3A_50] : memref<320000xi32, #tpu.memory_space<hbm>> -> memref<1000xi32, #tpu.memory_space<hbm>>
      %dma_wait3A_171 = tpu.memref_slice %arg4[%multiple_of3A_50] : memref<320000xi32, #tpu.memory_space<hbm>> -> memref<1000xi32, #tpu.memory_space<hbm>>
      tpu.wait_dma2 semaphore(%run_scoped3A : memref<!tpu.dma_semaphore, #tpu.memory_space<semaphore_mem>>) src(%dma_wait3A_171 : memref<1000xi32, #tpu.memory_space<hbm>>) dst(%arg8 : memref<1000xi32, #tpu.memory_space<vmem>>)
      tpu.yield
    }) : () -> ()
    %dma_start3A_51 = arith.constant 3000 : i32
    %dma_start3A_52 = tpu.memref_slice %arg6[%dma_start3A_51] : memref<10000xi32, #tpu.memory_space<vmem>> -> memref<1000xi32, #tpu.memory_space<vmem>>
    %dma_start3A_53 = arith.constant 0 : i32
    %dma_start3A_54 = arith.constant 0 : i32
    %dma_start3A_55 = tpu.memref_slice %arg2[%dma_start3A_53, %dma_start3A_54] : memref<10000x32xf32, #tpu.memory_space<hbm>> -> memref<10000x32xf32, #tpu.memory_space<hbm>>
    tpu.enqueue_indirect_dma source(%dma_start3A_55 : memref<10000x32xf32, #tpu.memory_space<hbm>>) target(%arg10 : memref<1000x32xf32, #tpu.memory_space<vmem>>) offsets(%dma_start3A_52 : memref<1000xi32, #tpu.memory_space<vmem>>) semaphore(%arg13 : memref<!tpu.dma_semaphore, #tpu.memory_space<semaphore_mem>>)
    %dma_wait3A_56 = arith.constant 2000 : i32
    %dma_wait3A_57 = tpu.memref_slice %arg6[%dma_wait3A_56] : memref<10000xi32, #tpu.memory_space<vmem>> -> memref<1000xi32, #tpu.memory_space<vmem>>
    %dma_wait3A_58 = arith.constant 0 : i32
    %dma_wait3A_59 = arith.constant 0 : i32
    %dma_wait3A_60 = tpu.memref_slice %arg2[%dma_wait3A_58, %dma_wait3A_59] : memref<10000x32xf32, #tpu.memory_space<hbm>> -> memref<10000x32xf32, #tpu.memory_space<hbm>>
    tpu.wait_indirect_dma semaphore(%arg12 : memref<!tpu.dma_semaphore, #tpu.memory_space<semaphore_mem>>) src(%dma_wait3A_60 : memref<10000x32xf32, #tpu.memory_space<hbm>>) dst(%arg9 : memref<1000x32xf32, #tpu.memory_space<vmem>>)
    "tpu.region"() ({
      %run_scoped3A = tpu.sem_alloc : memref<!tpu.dma_semaphore, #tpu.memory_space<semaphore_mem>>
      %dma_start3A_168 = arith.constant 0 : i32
      %dma_start3A_169 = arith.constant 0 : i32
      %dma_start3A_170 = tpu.memref_slice %arg11[%dma_start3A_168, %dma_start3A_169] : memref<10000x32xf32, #tpu.memory_space<vmem_shared>> -> memref<10000x32xf32, #tpu.memory_space<vmem_shared>>
      tpu.enqueue_indirect_dma source(%arg9 : memref<1000x32xf32, #tpu.memory_space<vmem>>) target(%dma_start3A_170 : memref<10000x32xf32, #tpu.memory_space<vmem_shared>>) offsets(%arg7 : memref<1000xi32, #tpu.memory_space<vmem>>) semaphore(%run_scoped3A : memref<!tpu.dma_semaphore, #tpu.memory_space<semaphore_mem>>) {add = true}
      %dma_wait3A_171 = arith.constant 0 : i32
      %dma_wait3A_172 = arith.constant 0 : i32
      %dma_wait3A_173 = tpu.memref_slice %arg11[%dma_wait3A_171, %dma_wait3A_172] : memref<10000x32xf32, #tpu.memory_space<vmem_shared>> -> memref<10000x32xf32, #tpu.memory_space<vmem_shared>>
      tpu.wait_indirect_dma semaphore(%run_scoped3A : memref<!tpu.dma_semaphore, #tpu.memory_space<semaphore_mem>>) src(%arg9 : memref<1000x32xf32, #tpu.memory_space<vmem>>) dst(%dma_wait3A_173 : memref<10000x32xf32, #tpu.memory_space<vmem_shared>>)
      tpu.yield
    }) : () -> ()
    %mul3A_61 = arith.constant 10000 : i32
    %mul3A_62 = arith.muli %add3A, %mul3A_61 : i32
    %add3A_63 = arith.constant 4000 : i32
    %add3A_64 = arith.addi %mul3A_62, %add3A_63 : i32
    %multiple_of3A_65 = tpu.assume_multiple %add3A_64, 8 : i32
    "tpu.region"() ({
      %run_scoped3A = tpu.sem_alloc : memref<!tpu.dma_semaphore, #tpu.memory_space<semaphore_mem>>
      %dma_start3A_168 = tpu.memref_slice %arg4[%multiple_of3A_65] : memref<320000xi32, #tpu.memory_space<hbm>> -> memref<1000xi32, #tpu.memory_space<hbm>>
      %dma_start3A_169 = tpu.memref_slice %arg4[%multiple_of3A_65] : memref<320000xi32, #tpu.memory_space<hbm>> -> memref<1000xi32, #tpu.memory_space<hbm>>
      tpu.enqueue_dma source(%dma_start3A_169 : memref<1000xi32, #tpu.memory_space<hbm>>) target(%arg7 : memref<1000xi32, #tpu.memory_space<vmem>>) target_semaphore(%run_scoped3A : memref<!tpu.dma_semaphore, #tpu.memory_space<semaphore_mem>>)
      %dma_wait3A_170 = tpu.memref_slice %arg4[%multiple_of3A_65] : memref<320000xi32, #tpu.memory_space<hbm>> -> memref<1000xi32, #tpu.memory_space<hbm>>
      %dma_wait3A_171 = tpu.memref_slice %arg4[%multiple_of3A_65] : memref<320000xi32, #tpu.memory_space<hbm>> -> memref<1000xi32, #tpu.memory_space<hbm>>
      tpu.wait_dma2 semaphore(%run_scoped3A : memref<!tpu.dma_semaphore, #tpu.memory_space<semaphore_mem>>) src(%dma_wait3A_171 : memref<1000xi32, #tpu.memory_space<hbm>>) dst(%arg7 : memref<1000xi32, #tpu.memory_space<vmem>>)
      tpu.yield
    }) : () -> ()
    %dma_start3A_66 = arith.constant 4000 : i32
    %dma_start3A_67 = tpu.memref_slice %arg6[%dma_start3A_66] : memref<10000xi32, #tpu.memory_space<vmem>> -> memref<1000xi32, #tpu.memory_space<vmem>>
    %dma_start3A_68 = arith.constant 0 : i32
    %dma_start3A_69 = arith.constant 0 : i32
    %dma_start3A_70 = tpu.memref_slice %arg2[%dma_start3A_68, %dma_start3A_69] : memref<10000x32xf32, #tpu.memory_space<hbm>> -> memref<10000x32xf32, #tpu.memory_space<hbm>>
    tpu.enqueue_indirect_dma source(%dma_start3A_70 : memref<10000x32xf32, #tpu.memory_space<hbm>>) target(%arg9 : memref<1000x32xf32, #tpu.memory_space<vmem>>) offsets(%dma_start3A_67 : memref<1000xi32, #tpu.memory_space<vmem>>) semaphore(%arg12 : memref<!tpu.dma_semaphore, #tpu.memory_space<semaphore_mem>>)
    %dma_wait3A_71 = arith.constant 3000 : i32
    %dma_wait3A_72 = tpu.memref_slice %arg6[%dma_wait3A_71] : memref<10000xi32, #tpu.memory_space<vmem>> -> memref<1000xi32, #tpu.memory_space<vmem>>
    %dma_wait3A_73 = arith.constant 0 : i32
    %dma_wait3A_74 = arith.constant 0 : i32
    %dma_wait3A_75 = tpu.memref_slice %arg2[%dma_wait3A_73, %dma_wait3A_74] : memref<10000x32xf32, #tpu.memory_space<hbm>> -> memref<10000x32xf32, #tpu.memory_space<hbm>>
    tpu.wait_indirect_dma semaphore(%arg13 : memref<!tpu.dma_semaphore, #tpu.memory_space<semaphore_mem>>) src(%dma_wait3A_75 : memref<10000x32xf32, #tpu.memory_space<hbm>>) dst(%arg10 : memref<1000x32xf32, #tpu.memory_space<vmem>>)
    "tpu.region"() ({
      %run_scoped3A = tpu.sem_alloc : memref<!tpu.dma_semaphore, #tpu.memory_space<semaphore_mem>>
      %dma_start3A_168 = arith.constant 0 : i32
      %dma_start3A_169 = arith.constant 0 : i32
      %dma_start3A_170 = tpu.memref_slice %arg11[%dma_start3A_168, %dma_start3A_169] : memref<10000x32xf32, #tpu.memory_space<vmem_shared>> -> memref<10000x32xf32, #tpu.memory_space<vmem_shared>>
      tpu.enqueue_indirect_dma source(%arg10 : memref<1000x32xf32, #tpu.memory_space<vmem>>) target(%dma_start3A_170 : memref<10000x32xf32, #tpu.memory_space<vmem_shared>>) offsets(%arg8 : memref<1000xi32, #tpu.memory_space<vmem>>) semaphore(%run_scoped3A : memref<!tpu.dma_semaphore, #tpu.memory_space<semaphore_mem>>) {add = true}
      %dma_wait3A_171 = arith.constant 0 : i32
      %dma_wait3A_172 = arith.constant 0 : i32
      %dma_wait3A_173 = tpu.memref_slice %arg11[%dma_wait3A_171, %dma_wait3A_172] : memref<10000x32xf32, #tpu.memory_space<vmem_shared>> -> memref<10000x32xf32, #tpu.memory_space<vmem_shared>>
      tpu.wait_indirect_dma semaphore(%run_scoped3A : memref<!tpu.dma_semaphore, #tpu.memory_space<semaphore_mem>>) src(%arg10 : memref<1000x32xf32, #tpu.memory_space<vmem>>) dst(%dma_wait3A_173 : memref<10000x32xf32, #tpu.memory_space<vmem_shared>>)
      tpu.yield
    }) : () -> ()
    %mul3A_76 = arith.constant 10000 : i32
    %mul3A_77 = arith.muli %add3A, %mul3A_76 : i32
    %add3A_78 = arith.constant 5000 : i32
    %add3A_79 = arith.addi %mul3A_77, %add3A_78 : i32
    %multiple_of3A_80 = tpu.assume_multiple %add3A_79, 8 : i32
    "tpu.region"() ({
      %run_scoped3A = tpu.sem_alloc : memref<!tpu.dma_semaphore, #tpu.memory_space<semaphore_mem>>
      %dma_start3A_168 = tpu.memref_slice %arg4[%multiple_of3A_80] : memref<320000xi32, #tpu.memory_space<hbm>> -> memref<1000xi32, #tpu.memory_space<hbm>>
      %dma_start3A_169 = tpu.memref_slice %arg4[%multiple_of3A_80] : memref<320000xi32, #tpu.memory_space<hbm>> -> memref<1000xi32, #tpu.memory_space<hbm>>
      tpu.enqueue_dma source(%dma_start3A_169 : memref<1000xi32, #tpu.memory_space<hbm>>) target(%arg8 : memref<1000xi32, #tpu.memory_space<vmem>>) target_semaphore(%run_scoped3A : memref<!tpu.dma_semaphore, #tpu.memory_space<semaphore_mem>>)
      %dma_wait3A_170 = tpu.memref_slice %arg4[%multiple_of3A_80] : memref<320000xi32, #tpu.memory_space<hbm>> -> memref<1000xi32, #tpu.memory_space<hbm>>
      %dma_wait3A_171 = tpu.memref_slice %arg4[%multiple_of3A_80] : memref<320000xi32, #tpu.memory_space<hbm>> -> memref<1000xi32, #tpu.memory_space<hbm>>
      tpu.wait_dma2 semaphore(%run_scoped3A : memref<!tpu.dma_semaphore, #tpu.memory_space<semaphore_mem>>) src(%dma_wait3A_171 : memref<1000xi32, #tpu.memory_space<hbm>>) dst(%arg8 : memref<1000xi32, #tpu.memory_space<vmem>>)
      tpu.yield
    }) : () -> ()
    %dma_start3A_81 = arith.constant 5000 : i32
    %dma_start3A_82 = tpu.memref_slice %arg6[%dma_start3A_81] : memref<10000xi32, #tpu.memory_space<vmem>> -> memref<1000xi32, #tpu.memory_space<vmem>>
    %dma_start3A_83 = arith.constant 0 : i32
    %dma_start3A_84 = arith.constant 0 : i32
    %dma_start3A_85 = tpu.memref_slice %arg2[%dma_start3A_83, %dma_start3A_84] : memref<10000x32xf32, #tpu.memory_space<hbm>> -> memref<10000x32xf32, #tpu.memory_space<hbm>>
    tpu.enqueue_indirect_dma source(%dma_start3A_85 : memref<10000x32xf32, #tpu.memory_space<hbm>>) target(%arg10 : memref<1000x32xf32, #tpu.memory_space<vmem>>) offsets(%dma_start3A_82 : memref<1000xi32, #tpu.memory_space<vmem>>) semaphore(%arg13 : memref<!tpu.dma_semaphore, #tpu.memory_space<semaphore_mem>>)
    %dma_wait3A_86 = arith.constant 4000 : i32
    %dma_wait3A_87 = tpu.memref_slice %arg6[%dma_wait3A_86] : memref<10000xi32, #tpu.memory_space<vmem>> -> memref<1000xi32, #tpu.memory_space<vmem>>
    %dma_wait3A_88 = arith.constant 0 : i32
    %dma_wait3A_89 = arith.constant 0 : i32
    %dma_wait3A_90 = tpu.memref_slice %arg2[%dma_wait3A_88, %dma_wait3A_89] : memref<10000x32xf32, #tpu.memory_space<hbm>> -> memref<10000x32xf32, #tpu.memory_space<hbm>>
    tpu.wait_indirect_dma semaphore(%arg12 : memref<!tpu.dma_semaphore, #tpu.memory_space<semaphore_mem>>) src(%dma_wait3A_90 : memref<10000x32xf32, #tpu.memory_space<hbm>>) dst(%arg9 : memref<1000x32xf32, #tpu.memory_space<vmem>>)
    "tpu.region"() ({
      %run_scoped3A = tpu.sem_alloc : memref<!tpu.dma_semaphore, #tpu.memory_space<semaphore_mem>>
      %dma_start3A_168 = arith.constant 0 : i32
      %dma_start3A_169 = arith.constant 0 : i32
      %dma_start3A_170 = tpu.memref_slice %arg11[%dma_start3A_168, %dma_start3A_169] : memref<10000x32xf32, #tpu.memory_space<vmem_shared>> -> memref<10000x32xf32, #tpu.memory_space<vmem_shared>>
      tpu.enqueue_indirect_dma source(%arg9 : memref<1000x32xf32, #tpu.memory_space<vmem>>) target(%dma_start3A_170 : memref<10000x32xf32, #tpu.memory_space<vmem_shared>>) offsets(%arg7 : memref<1000xi32, #tpu.memory_space<vmem>>) semaphore(%run_scoped3A : memref<!tpu.dma_semaphore, #tpu.memory_space<semaphore_mem>>) {add = true}
      %dma_wait3A_171 = arith.constant 0 : i32
      %dma_wait3A_172 = arith.constant 0 : i32
      %dma_wait3A_173 = tpu.memref_slice %arg11[%dma_wait3A_171, %dma_wait3A_172] : memref<10000x32xf32, #tpu.memory_space<vmem_shared>> -> memref<10000x32xf32, #tpu.memory_space<vmem_shared>>
      tpu.wait_indirect_dma semaphore(%run_scoped3A : memref<!tpu.dma_semaphore, #tpu.memory_space<semaphore_mem>>) src(%arg9 : memref<1000x32xf32, #tpu.memory_space<vmem>>) dst(%dma_wait3A_173 : memref<10000x32xf32, #tpu.memory_space<vmem_shared>>)
      tpu.yield
    }) : () -> ()
    %mul3A_91 = arith.constant 10000 : i32
    %mul3A_92 = arith.muli %add3A, %mul3A_91 : i32
    %add3A_93 = arith.constant 6000 : i32
    %add3A_94 = arith.addi %mul3A_92, %add3A_93 : i32
    %multiple_of3A_95 = tpu.assume_multiple %add3A_94, 8 : i32
    "tpu.region"() ({
      %run_scoped3A = tpu.sem_alloc : memref<!tpu.dma_semaphore, #tpu.memory_space<semaphore_mem>>
      %dma_start3A_168 = tpu.memref_slice %arg4[%multiple_of3A_95] : memref<320000xi32, #tpu.memory_space<hbm>> -> memref<1000xi32, #tpu.memory_space<hbm>>
      %dma_start3A_169 = tpu.memref_slice %arg4[%multiple_of3A_95] : memref<320000xi32, #tpu.memory_space<hbm>> -> memref<1000xi32, #tpu.memory_space<hbm>>
      tpu.enqueue_dma source(%dma_start3A_169 : memref<1000xi32, #tpu.memory_space<hbm>>) target(%arg7 : memref<1000xi32, #tpu.memory_space<vmem>>) target_semaphore(%run_scoped3A : memref<!tpu.dma_semaphore, #tpu.memory_space<semaphore_mem>>)
      %dma_wait3A_170 = tpu.memref_slice %arg4[%multiple_of3A_95] : memref<320000xi32, #tpu.memory_space<hbm>> -> memref<1000xi32, #tpu.memory_space<hbm>>
      %dma_wait3A_171 = tpu.memref_slice %arg4[%multiple_of3A_95] : memref<320000xi32, #tpu.memory_space<hbm>> -> memref<1000xi32, #tpu.memory_space<hbm>>
      tpu.wait_dma2 semaphore(%run_scoped3A : memref<!tpu.dma_semaphore, #tpu.memory_space<semaphore_mem>>) src(%dma_wait3A_171 : memref<1000xi32, #tpu.memory_space<hbm>>) dst(%arg7 : memref<1000xi32, #tpu.memory_space<vmem>>)
      tpu.yield
    }) : () -> ()
    %dma_start3A_96 = arith.constant 6000 : i32
    %dma_start3A_97 = tpu.memref_slice %arg6[%dma_start3A_96] : memref<10000xi32, #tpu.memory_space<vmem>> -> memref<1000xi32, #tpu.memory_space<vmem>>
    %dma_start3A_98 = arith.constant 0 : i32
    %dma_start3A_99 = arith.constant 0 : i32
    %dma_start3A_100 = tpu.memref_slice %arg2[%dma_start3A_98, %dma_start3A_99] : memref<10000x32xf32, #tpu.memory_space<hbm>> -> memref<10000x32xf32, #tpu.memory_space<hbm>>
    tpu.enqueue_indirect_dma source(%dma_start3A_100 : memref<10000x32xf32, #tpu.memory_space<hbm>>) target(%arg9 : memref<1000x32xf32, #tpu.memory_space<vmem>>) offsets(%dma_start3A_97 : memref<1000xi32, #tpu.memory_space<vmem>>) semaphore(%arg12 : memref<!tpu.dma_semaphore, #tpu.memory_space<semaphore_mem>>)
    %dma_wait3A_101 = arith.constant 5000 : i32
    %dma_wait3A_102 = tpu.memref_slice %arg6[%dma_wait3A_101] : memref<10000xi32, #tpu.memory_space<vmem>> -> memref<1000xi32, #tpu.memory_space<vmem>>
    %dma_wait3A_103 = arith.constant 0 : i32
    %dma_wait3A_104 = arith.constant 0 : i32
    %dma_wait3A_105 = tpu.memref_slice %arg2[%dma_wait3A_103, %dma_wait3A_104] : memref<10000x32xf32, #tpu.memory_space<hbm>> -> memref<10000x32xf32, #tpu.memory_space<hbm>>
    tpu.wait_indirect_dma semaphore(%arg13 : memref<!tpu.dma_semaphore, #tpu.memory_space<semaphore_mem>>) src(%dma_wait3A_105 : memref<10000x32xf32, #tpu.memory_space<hbm>>) dst(%arg10 : memref<1000x32xf32, #tpu.memory_space<vmem>>)
    "tpu.region"() ({
      %run_scoped3A = tpu.sem_alloc : memref<!tpu.dma_semaphore, #tpu.memory_space<semaphore_mem>>
      %dma_start3A_168 = arith.constant 0 : i32
      %dma_start3A_169 = arith.constant 0 : i32
      %dma_start3A_170 = tpu.memref_slice %arg11[%dma_start3A_168, %dma_start3A_169] : memref<10000x32xf32, #tpu.memory_space<vmem_shared>> -> memref<10000x32xf32, #tpu.memory_space<vmem_shared>>
      tpu.enqueue_indirect_dma source(%arg10 : memref<1000x32xf32, #tpu.memory_space<vmem>>) target(%dma_start3A_170 : memref<10000x32xf32, #tpu.memory_space<vmem_shared>>) offsets(%arg8 : memref<1000xi32, #tpu.memory_space<vmem>>) semaphore(%run_scoped3A : memref<!tpu.dma_semaphore, #tpu.memory_space<semaphore_mem>>) {add = true}
      %dma_wait3A_171 = arith.constant 0 : i32
      %dma_wait3A_172 = arith.constant 0 : i32
      %dma_wait3A_173 = tpu.memref_slice %arg11[%dma_wait3A_171, %dma_wait3A_172] : memref<10000x32xf32, #tpu.memory_space<vmem_shared>> -> memref<10000x32xf32, #tpu.memory_space<vmem_shared>>
      tpu.wait_indirect_dma semaphore(%run_scoped3A : memref<!tpu.dma_semaphore, #tpu.memory_space<semaphore_mem>>) src(%arg10 : memref<1000x32xf32, #tpu.memory_space<vmem>>) dst(%dma_wait3A_173 : memref<10000x32xf32, #tpu.memory_space<vmem_shared>>)
      tpu.yield
    }) : () -> ()
    %mul3A_106 = arith.constant 10000 : i32
    %mul3A_107 = arith.muli %add3A, %mul3A_106 : i32
    %add3A_108 = arith.constant 7000 : i32
    %add3A_109 = arith.addi %mul3A_107, %add3A_108 : i32
    %multiple_of3A_110 = tpu.assume_multiple %add3A_109, 8 : i32
    "tpu.region"() ({
      %run_scoped3A = tpu.sem_alloc : memref<!tpu.dma_semaphore, #tpu.memory_space<semaphore_mem>>
      %dma_start3A_168 = tpu.memref_slice %arg4[%multiple_of3A_110] : memref<320000xi32, #tpu.memory_space<hbm>> -> memref<1000xi32, #tpu.memory_space<hbm>>
      %dma_start3A_169 = tpu.memref_slice %arg4[%multiple_of3A_110] : memref<320000xi32, #tpu.memory_space<hbm>> -> memref<1000xi32, #tpu.memory_space<hbm>>
      tpu.enqueue_dma source(%dma_start3A_169 : memref<1000xi32, #tpu.memory_space<hbm>>) target(%arg8 : memref<1000xi32, #tpu.memory_space<vmem>>) target_semaphore(%run_scoped3A : memref<!tpu.dma_semaphore, #tpu.memory_space<semaphore_mem>>)
      %dma_wait3A_170 = tpu.memref_slice %arg4[%multiple_of3A_110] : memref<320000xi32, #tpu.memory_space<hbm>> -> memref<1000xi32, #tpu.memory_space<hbm>>
      %dma_wait3A_171 = tpu.memref_slice %arg4[%multiple_of3A_110] : memref<320000xi32, #tpu.memory_space<hbm>> -> memref<1000xi32, #tpu.memory_space<hbm>>
      tpu.wait_dma2 semaphore(%run_scoped3A : memref<!tpu.dma_semaphore, #tpu.memory_space<semaphore_mem>>) src(%dma_wait3A_171 : memref<1000xi32, #tpu.memory_space<hbm>>) dst(%arg8 : memref<1000xi32, #tpu.memory_space<vmem>>)
      tpu.yield
    }) : () -> ()
    %dma_start3A_111 = arith.constant 7000 : i32
    %dma_start3A_112 = tpu.memref_slice %arg6[%dma_start3A_111] : memref<10000xi32, #tpu.memory_space<vmem>> -> memref<1000xi32, #tpu.memory_space<vmem>>
    %dma_start3A_113 = arith.constant 0 : i32
    %dma_start3A_114 = arith.constant 0 : i32
    %dma_start3A_115 = tpu.memref_slice %arg2[%dma_start3A_113, %dma_start3A_114] : memref<10000x32xf32, #tpu.memory_space<hbm>> -> memref<10000x32xf32, #tpu.memory_space<hbm>>
    tpu.enqueue_indirect_dma source(%dma_start3A_115 : memref<10000x32xf32, #tpu.memory_space<hbm>>) target(%arg10 : memref<1000x32xf32, #tpu.memory_space<vmem>>) offsets(%dma_start3A_112 : memref<1000xi32, #tpu.memory_space<vmem>>) semaphore(%arg13 : memref<!tpu.dma_semaphore, #tpu.memory_space<semaphore_mem>>)
    %dma_wait3A_116 = arith.constant 6000 : i32
    %dma_wait3A_117 = tpu.memref_slice %arg6[%dma_wait3A_116] : memref<10000xi32, #tpu.memory_space<vmem>> -> memref<1000xi32, #tpu.memory_space<vmem>>
    %dma_wait3A_118 = arith.constant 0 : i32
    %dma_wait3A_119 = arith.constant 0 : i32
    %dma_wait3A_120 = tpu.memref_slice %arg2[%dma_wait3A_118, %dma_wait3A_119] : memref<10000x32xf32, #tpu.memory_space<hbm>> -> memref<10000x32xf32, #tpu.memory_space<hbm>>
    tpu.wait_indirect_dma semaphore(%arg12 : memref<!tpu.dma_semaphore, #tpu.memory_space<semaphore_mem>>) src(%dma_wait3A_120 : memref<10000x32xf32, #tpu.memory_space<hbm>>) dst(%arg9 : memref<1000x32xf32, #tpu.memory_space<vmem>>)
    "tpu.region"() ({
      %run_scoped3A = tpu.sem_alloc : memref<!tpu.dma_semaphore, #tpu.memory_space<semaphore_mem>>
      %dma_start3A_168 = arith.constant 0 : i32
      %dma_start3A_169 = arith.constant 0 : i32
      %dma_start3A_170 = tpu.memref_slice %arg11[%dma_start3A_168, %dma_start3A_169] : memref<10000x32xf32, #tpu.memory_space<vmem_shared>> -> memref<10000x32xf32, #tpu.memory_space<vmem_shared>>
      tpu.enqueue_indirect_dma source(%arg9 : memref<1000x32xf32, #tpu.memory_space<vmem>>) target(%dma_start3A_170 : memref<10000x32xf32, #tpu.memory_space<vmem_shared>>) offsets(%arg7 : memref<1000xi32, #tpu.memory_space<vmem>>) semaphore(%run_scoped3A : memref<!tpu.dma_semaphore, #tpu.memory_space<semaphore_mem>>) {add = true}
      %dma_wait3A_171 = arith.constant 0 : i32
      %dma_wait3A_172 = arith.constant 0 : i32
      %dma_wait3A_173 = tpu.memref_slice %arg11[%dma_wait3A_171, %dma_wait3A_172] : memref<10000x32xf32, #tpu.memory_space<vmem_shared>> -> memref<10000x32xf32, #tpu.memory_space<vmem_shared>>
      tpu.wait_indirect_dma semaphore(%run_scoped3A : memref<!tpu.dma_semaphore, #tpu.memory_space<semaphore_mem>>) src(%arg9 : memref<1000x32xf32, #tpu.memory_space<vmem>>) dst(%dma_wait3A_173 : memref<10000x32xf32, #tpu.memory_space<vmem_shared>>)
      tpu.yield
    }) : () -> ()
    %mul3A_121 = arith.constant 10000 : i32
    %mul3A_122 = arith.muli %add3A, %mul3A_121 : i32
    %add3A_123 = arith.constant 8000 : i32
    %add3A_124 = arith.addi %mul3A_122, %add3A_123 : i32
    %multiple_of3A_125 = tpu.assume_multiple %add3A_124, 8 : i32
    "tpu.region"() ({
      %run_scoped3A = tpu.sem_alloc : memref<!tpu.dma_semaphore, #tpu.memory_space<semaphore_mem>>
      %dma_start3A_168 = tpu.memref_slice %arg4[%multiple_of3A_125] : memref<320000xi32, #tpu.memory_space<hbm>> -> memref<1000xi32, #tpu.memory_space<hbm>>
      %dma_start3A_169 = tpu.memref_slice %arg4[%multiple_of3A_125] : memref<320000xi32, #tpu.memory_space<hbm>> -> memref<1000xi32, #tpu.memory_space<hbm>>
      tpu.enqueue_dma source(%dma_start3A_169 : memref<1000xi32, #tpu.memory_space<hbm>>) target(%arg7 : memref<1000xi32, #tpu.memory_space<vmem>>) target_semaphore(%run_scoped3A : memref<!tpu.dma_semaphore, #tpu.memory_space<semaphore_mem>>)
      %dma_wait3A_170 = tpu.memref_slice %arg4[%multiple_of3A_125] : memref<320000xi32, #tpu.memory_space<hbm>> -> memref<1000xi32, #tpu.memory_space<hbm>>
      %dma_wait3A_171 = tpu.memref_slice %arg4[%multiple_of3A_125] : memref<320000xi32, #tpu.memory_space<hbm>> -> memref<1000xi32, #tpu.memory_space<hbm>>
      tpu.wait_dma2 semaphore(%run_scoped3A : memref<!tpu.dma_semaphore, #tpu.memory_space<semaphore_mem>>) src(%dma_wait3A_171 : memref<1000xi32, #tpu.memory_space<hbm>>) dst(%arg7 : memref<1000xi32, #tpu.memory_space<vmem>>)
      tpu.yield
    }) : () -> ()
    %dma_start3A_126 = arith.constant 8000 : i32
    %dma_start3A_127 = tpu.memref_slice %arg6[%dma_start3A_126] : memref<10000xi32, #tpu.memory_space<vmem>> -> memref<1000xi32, #tpu.memory_space<vmem>>
    %dma_start3A_128 = arith.constant 0 : i32
    %dma_start3A_129 = arith.constant 0 : i32
    %dma_start3A_130 = tpu.memref_slice %arg2[%dma_start3A_128, %dma_start3A_129] : memref<10000x32xf32, #tpu.memory_space<hbm>> -> memref<10000x32xf32, #tpu.memory_space<hbm>>
    tpu.enqueue_indirect_dma source(%dma_start3A_130 : memref<10000x32xf32, #tpu.memory_space<hbm>>) target(%arg9 : memref<1000x32xf32, #tpu.memory_space<vmem>>) offsets(%dma_start3A_127 : memref<1000xi32, #tpu.memory_space<vmem>>) semaphore(%arg12 : memref<!tpu.dma_semaphore, #tpu.memory_space<semaphore_mem>>)
    %dma_wait3A_131 = arith.constant 7000 : i32
    %dma_wait3A_132 = tpu.memref_slice %arg6[%dma_wait3A_131] : memref<10000xi32, #tpu.memory_space<vmem>> -> memref<1000xi32, #tpu.memory_space<vmem>>
    %dma_wait3A_133 = arith.constant 0 : i32
    %dma_wait3A_134 = arith.constant 0 : i32
    %dma_wait3A_135 = tpu.memref_slice %arg2[%dma_wait3A_133, %dma_wait3A_134] : memref<10000x32xf32, #tpu.memory_space<hbm>> -> memref<10000x32xf32, #tpu.memory_space<hbm>>
    tpu.wait_indirect_dma semaphore(%arg13 : memref<!tpu.dma_semaphore, #tpu.memory_space<semaphore_mem>>) src(%dma_wait3A_135 : memref<10000x32xf32, #tpu.memory_space<hbm>>) dst(%arg10 : memref<1000x32xf32, #tpu.memory_space<vmem>>)
    "tpu.region"() ({
      %run_scoped3A = tpu.sem_alloc : memref<!tpu.dma_semaphore, #tpu.memory_space<semaphore_mem>>
      %dma_start3A_168 = arith.constant 0 : i32
      %dma_start3A_169 = arith.constant 0 : i32
      %dma_start3A_170 = tpu.memref_slice %arg11[%dma_start3A_168, %dma_start3A_169] : memref<10000x32xf32, #tpu.memory_space<vmem_shared>> -> memref<10000x32xf32, #tpu.memory_space<vmem_shared>>
      tpu.enqueue_indirect_dma source(%arg10 : memref<1000x32xf32, #tpu.memory_space<vmem>>) target(%dma_start3A_170 : memref<10000x32xf32, #tpu.memory_space<vmem_shared>>) offsets(%arg8 : memref<1000xi32, #tpu.memory_space<vmem>>) semaphore(%run_scoped3A : memref<!tpu.dma_semaphore, #tpu.memory_space<semaphore_mem>>) {add = true}
      %dma_wait3A_171 = arith.constant 0 : i32
      %dma_wait3A_172 = arith.constant 0 : i32
      %dma_wait3A_173 = tpu.memref_slice %arg11[%dma_wait3A_171, %dma_wait3A_172] : memref<10000x32xf32, #tpu.memory_space<vmem_shared>> -> memref<10000x32xf32, #tpu.memory_space<vmem_shared>>
      tpu.wait_indirect_dma semaphore(%run_scoped3A : memref<!tpu.dma_semaphore, #tpu.memory_space<semaphore_mem>>) src(%arg10 : memref<1000x32xf32, #tpu.memory_space<vmem>>) dst(%dma_wait3A_173 : memref<10000x32xf32, #tpu.memory_space<vmem_shared>>)
      tpu.yield
    }) : () -> ()
    %mul3A_136 = arith.constant 10000 : i32
    %mul3A_137 = arith.muli %add3A, %mul3A_136 : i32
    %add3A_138 = arith.constant 9000 : i32
    %add3A_139 = arith.addi %mul3A_137, %add3A_138 : i32
    %multiple_of3A_140 = tpu.assume_multiple %add3A_139, 8 : i32
    "tpu.region"() ({
      %run_scoped3A = tpu.sem_alloc : memref<!tpu.dma_semaphore, #tpu.memory_space<semaphore_mem>>
      %dma_start3A_168 = tpu.memref_slice %arg4[%multiple_of3A_140] : memref<320000xi32, #tpu.memory_space<hbm>> -> memref<1000xi32, #tpu.memory_space<hbm>>
      %dma_start3A_169 = tpu.memref_slice %arg4[%multiple_of3A_140] : memref<320000xi32, #tpu.memory_space<hbm>> -> memref<1000xi32, #tpu.memory_space<hbm>>
      tpu.enqueue_dma source(%dma_start3A_169 : memref<1000xi32, #tpu.memory_space<hbm>>) target(%arg8 : memref<1000xi32, #tpu.memory_space<vmem>>) target_semaphore(%run_scoped3A : memref<!tpu.dma_semaphore, #tpu.memory_space<semaphore_mem>>)
      %dma_wait3A_170 = tpu.memref_slice %arg4[%multiple_of3A_140] : memref<320000xi32, #tpu.memory_space<hbm>> -> memref<1000xi32, #tpu.memory_space<hbm>>
      %dma_wait3A_171 = tpu.memref_slice %arg4[%multiple_of3A_140] : memref<320000xi32, #tpu.memory_space<hbm>> -> memref<1000xi32, #tpu.memory_space<hbm>>
      tpu.wait_dma2 semaphore(%run_scoped3A : memref<!tpu.dma_semaphore, #tpu.memory_space<semaphore_mem>>) src(%dma_wait3A_171 : memref<1000xi32, #tpu.memory_space<hbm>>) dst(%arg8 : memref<1000xi32, #tpu.memory_space<vmem>>)
      tpu.yield
    }) : () -> ()
    %dma_start3A_141 = arith.constant 9000 : i32
    %dma_start3A_142 = tpu.memref_slice %arg6[%dma_start3A_141] : memref<10000xi32, #tpu.memory_space<vmem>> -> memref<1000xi32, #tpu.memory_space<vmem>>
    %dma_start3A_143 = arith.constant 0 : i32
    %dma_start3A_144 = arith.constant 0 : i32
    %dma_start3A_145 = tpu.memref_slice %arg2[%dma_start3A_143, %dma_start3A_144] : memref<10000x32xf32, #tpu.memory_space<hbm>> -> memref<10000x32xf32, #tpu.memory_space<hbm>>
    tpu.enqueue_indirect_dma source(%dma_start3A_145 : memref<10000x32xf32, #tpu.memory_space<hbm>>) target(%arg10 : memref<1000x32xf32, #tpu.memory_space<vmem>>) offsets(%dma_start3A_142 : memref<1000xi32, #tpu.memory_space<vmem>>) semaphore(%arg13 : memref<!tpu.dma_semaphore, #tpu.memory_space<semaphore_mem>>)
    %dma_wait3A_146 = arith.constant 8000 : i32
    %dma_wait3A_147 = tpu.memref_slice %arg6[%dma_wait3A_146] : memref<10000xi32, #tpu.memory_space<vmem>> -> memref<1000xi32, #tpu.memory_space<vmem>>
    %dma_wait3A_148 = arith.constant 0 : i32
    %dma_wait3A_149 = arith.constant 0 : i32
    %dma_wait3A_150 = tpu.memref_slice %arg2[%dma_wait3A_148, %dma_wait3A_149] : memref<10000x32xf32, #tpu.memory_space<hbm>> -> memref<10000x32xf32, #tpu.memory_space<hbm>>
    tpu.wait_indirect_dma semaphore(%arg12 : memref<!tpu.dma_semaphore, #tpu.memory_space<semaphore_mem>>) src(%dma_wait3A_150 : memref<10000x32xf32, #tpu.memory_space<hbm>>) dst(%arg9 : memref<1000x32xf32, #tpu.memory_space<vmem>>)
    "tpu.region"() ({
      %run_scoped3A = tpu.sem_alloc : memref<!tpu.dma_semaphore, #tpu.memory_space<semaphore_mem>>
      %dma_start3A_168 = arith.constant 0 : i32
      %dma_start3A_169 = arith.constant 0 : i32
      %dma_start3A_170 = tpu.memref_slice %arg11[%dma_start3A_168, %dma_start3A_169] : memref<10000x32xf32, #tpu.memory_space<vmem_shared>> -> memref<10000x32xf32, #tpu.memory_space<vmem_shared>>
      tpu.enqueue_indirect_dma source(%arg9 : memref<1000x32xf32, #tpu.memory_space<vmem>>) target(%dma_start3A_170 : memref<10000x32xf32, #tpu.memory_space<vmem_shared>>) offsets(%arg7 : memref<1000xi32, #tpu.memory_space<vmem>>) semaphore(%run_scoped3A : memref<!tpu.dma_semaphore, #tpu.memory_space<semaphore_mem>>) {add = true}
      %dma_wait3A_171 = arith.constant 0 : i32
      %dma_wait3A_172 = arith.constant 0 : i32
      %dma_wait3A_173 = tpu.memref_slice %arg11[%dma_wait3A_171, %dma_wait3A_172] : memref<10000x32xf32, #tpu.memory_space<vmem_shared>> -> memref<10000x32xf32, #tpu.memory_space<vmem_shared>>
      tpu.wait_indirect_dma semaphore(%run_scoped3A : memref<!tpu.dma_semaphore, #tpu.memory_space<semaphore_mem>>) src(%arg9 : memref<1000x32xf32, #tpu.memory_space<vmem>>) dst(%dma_wait3A_173 : memref<10000x32xf32, #tpu.memory_space<vmem_shared>>)
      tpu.yield
    }) : () -> ()
    %dma_wait3A_151 = arith.constant 9000 : i32
    %dma_wait3A_152 = tpu.memref_slice %arg6[%dma_wait3A_151] : memref<10000xi32, #tpu.memory_space<vmem>> -> memref<1000xi32, #tpu.memory_space<vmem>>
    %dma_wait3A_153 = arith.constant 0 : i32
    %dma_wait3A_154 = arith.constant 0 : i32
    %dma_wait3A_155 = tpu.memref_slice %arg2[%dma_wait3A_153, %dma_wait3A_154] : memref<10000x32xf32, #tpu.memory_space<hbm>> -> memref<10000x32xf32, #tpu.memory_space<hbm>>
    tpu.wait_indirect_dma semaphore(%arg13 : memref<!tpu.dma_semaphore, #tpu.memory_space<semaphore_mem>>) src(%dma_wait3A_155 : memref<10000x32xf32, #tpu.memory_space<hbm>>) dst(%arg10 : memref<1000x32xf32, #tpu.memory_space<vmem>>)
    "tpu.region"() ({
      %run_scoped3A = tpu.sem_alloc : memref<!tpu.dma_semaphore, #tpu.memory_space<semaphore_mem>>
      %dma_start3A_168 = arith.constant 0 : i32
      %dma_start3A_169 = arith.constant 0 : i32
      %dma_start3A_170 = tpu.memref_slice %arg11[%dma_start3A_168, %dma_start3A_169] : memref<10000x32xf32, #tpu.memory_space<vmem_shared>> -> memref<10000x32xf32, #tpu.memory_space<vmem_shared>>
      tpu.enqueue_indirect_dma source(%arg10 : memref<1000x32xf32, #tpu.memory_space<vmem>>) target(%dma_start3A_170 : memref<10000x32xf32, #tpu.memory_space<vmem_shared>>) offsets(%arg8 : memref<1000xi32, #tpu.memory_space<vmem>>) semaphore(%run_scoped3A : memref<!tpu.dma_semaphore, #tpu.memory_space<semaphore_mem>>) {add = true}
      %dma_wait3A_171 = arith.constant 0 : i32
      %dma_wait3A_172 = arith.constant 0 : i32
      %dma_wait3A_173 = tpu.memref_slice %arg11[%dma_wait3A_171, %dma_wait3A_172] : memref<10000x32xf32, #tpu.memory_space<vmem_shared>> -> memref<10000x32xf32, #tpu.memory_space<vmem_shared>>
      tpu.wait_indirect_dma semaphore(%run_scoped3A : memref<!tpu.dma_semaphore, #tpu.memory_space<semaphore_mem>>) src(%arg10 : memref<1000x32xf32, #tpu.memory_space<vmem>>) dst(%dma_wait3A_173 : memref<10000x32xf32, #tpu.memory_space<vmem_shared>>)
      tpu.yield
    }) : () -> ()
    %barrier3A_156 = arith.constant 0 : index
    tpu.barrier barrier_id(%barrier3A_156)
    %mul3A_157 = arith.constant 10000 : i32
    %mul3A_158 = arith.muli %arg0, %mul3A_157 : i32
    %mul3A_159 = arith.constant 624 : i32
    %mul3A_160 = arith.muli %arg1, %mul3A_159 : i32
    %add3A_161 = arith.addi %mul3A_158, %mul3A_160 : i32
    %multiple_of3A_162 = tpu.assume_multiple %add3A_161, 8 : i32
    "tpu.region"() ({
      %run_scoped3A = tpu.sem_alloc : memref<!tpu.dma_semaphore, #tpu.memory_space<semaphore_mem>>
      %dma_start3A_168 = arith.constant 0 : i32
      %dma_start3A_169 = tpu.memref_slice %arg5[%multiple_of3A_162, %dma_start3A_168] : memref<20000x32xf32, #tpu.memory_space<hbm>> -> memref<624x32xf32, #tpu.memory_space<hbm>>
      %dma_start3A_170 = arith.constant 0 : i32
      %dma_start3A_171 = tpu.memref_slice %arg11[%multiple_of3A_14, %dma_start3A_170] : memref<10000x32xf32, #tpu.memory_space<vmem_shared>> -> memref<624x32xf32, #tpu.memory_space<vmem_shared>>
      tpu.enqueue_dma source(%dma_start3A_171 : memref<624x32xf32, #tpu.memory_space<vmem_shared>>) target(%dma_start3A_169 : memref<624x32xf32, #tpu.memory_space<hbm>>) target_semaphore(%run_scoped3A : memref<!tpu.dma_semaphore, #tpu.memory_space<semaphore_mem>>)
      %dma_wait3A_172 = arith.constant 0 : i32
      %dma_wait3A_173 = tpu.memref_slice %arg5[%multiple_of3A_162, %dma_wait3A_172] : memref<20000x32xf32, #tpu.memory_space<hbm>> -> memref<624x32xf32, #tpu.memory_space<hbm>>
      %dma_wait3A_174 = arith.constant 0 : i32
      %dma_wait3A_175 = tpu.memref_slice %arg11[%multiple_of3A_14, %dma_wait3A_174] : memref<10000x32xf32, #tpu.memory_space<vmem_shared>> -> memref<624x32xf32, #tpu.memory_space<vmem_shared>>
      tpu.wait_dma2 semaphore(%run_scoped3A : memref<!tpu.dma_semaphore, #tpu.memory_space<semaphore_mem>>) src(%dma_wait3A_175 : memref<624x32xf32, #tpu.memory_space<vmem_shared>>) dst(%dma_wait3A_173 : memref<624x32xf32, #tpu.memory_space<hbm>>)
      tpu.yield
    }) : () -> ()
    %eq3A_163 = arith.constant 15 : i32
    %eq3A_164 = arith.cmpi eq, %arg1, %eq3A_163 : i32
    %convert_element_type3A_165 = arith.extui %eq3A_164 : i1 to i32
    %cond3A_166 = arith.constant 0 : i32
    %cond3A_167 = arith.cmpi ne, %convert_element_type3A_165, %cond3A_166 : i32
    scf.if %cond3A_167 {
      %mul3A_168 = arith.constant 10000 : i32
      %mul3A_169 = arith.muli %arg0, %mul3A_168 : i32
      %add3A_170 = arith.constant 9984 : i32
      %add3A_171 = arith.addi %mul3A_169, %add3A_170 : i32
      %multiple_of3A_172 = tpu.assume_multiple %add3A_171, 8 : i32
      "tpu.region"() ({
        %run_scoped3A = tpu.sem_alloc : memref<!tpu.dma_semaphore, #tpu.memory_space<semaphore_mem>>
        %dma_start3A_173 = arith.constant 0 : i32
        %dma_start3A_174 = tpu.memref_slice %arg5[%multiple_of3A_172, %dma_start3A_173] : memref<20000x32xf32, #tpu.memory_space<hbm>> -> memref<16x32xf32, #tpu.memory_space<hbm>>
        %dma_start3A_175 = arith.constant 9984 : i32
        %dma_start3A_176 = arith.constant 0 : i32
        %dma_start3A_177 = tpu.memref_slice %arg11[%dma_start3A_175, %dma_start3A_176] : memref<10000x32xf32, #tpu.memory_space<vmem_shared>> -> memref<16x32xf32, #tpu.memory_space<vmem_shared>>
        tpu.enqueue_dma source(%dma_start3A_177 : memref<16x32xf32, #tpu.memory_space<vmem_shared>>) target(%dma_start3A_174 : memref<16x32xf32, #tpu.memory_space<hbm>>) target_semaphore(%run_scoped3A : memref<!tpu.dma_semaphore, #tpu.memory_space<semaphore_mem>>)
        %dma_wait3A_178 = arith.constant 0 : i32
        %dma_wait3A_179 = tpu.memref_slice %arg5[%multiple_of3A_172, %dma_wait3A_178] : memref<20000x32xf32, #tpu.memory_space<hbm>> -> memref<16x32xf32, #tpu.memory_space<hbm>>
        %dma_wait3A_180 = arith.constant 9984 : i32
        %dma_wait3A_181 = arith.constant 0 : i32
        %dma_wait3A_182 = tpu.memref_slice %arg11[%dma_wait3A_180, %dma_wait3A_181] : memref<10000x32xf32, #tpu.memory_space<vmem_shared>> -> memref<16x32xf32, #tpu.memory_space<vmem_shared>>
        tpu.wait_dma2 semaphore(%run_scoped3A : memref<!tpu.dma_semaphore, #tpu.memory_space<semaphore_mem>>) src(%dma_wait3A_182 : memref<16x32xf32, #tpu.memory_space<vmem_shared>>) dst(%dma_wait3A_179 : memref<16x32xf32, #tpu.memory_space<hbm>>)
        tpu.yield
      }) : () -> ()
    } else {
    }
    return
  }
}

#map = affine_map<(d0, d1) -> (0, 0)>
#map1 = affine_map<(d0, d1) -> (0)>
module attributes {stable_mosaic.version = 14 : i64} {
  func.func @spmm_kernel(%arg0: i32, %arg1: i32, %arg2: memref<10000x32xf32, #tpu.memory_space<hbm>>, %arg3: memref<320000xi32, #tpu.memory_space<hbm>>, %arg4: memref<320000xi32, #tpu.memory_space<hbm>>, %arg5: memref<20000x32xf32, #tpu.memory_space<hbm>>, %arg6: memref<10000xi32, #tpu.memory_space<vmem>>, %arg7: memref<1000xi32, #tpu.memory_space<vmem>>, %arg8: memref<1000xi32, #tpu.memory_space<vmem>>, %arg9: memref<1000x32xf32, #tpu.memory_space<vmem>>, %arg10: memref<1000x32xf32, #tpu.memory_space<vmem>>, %arg11: memref<10000x32xf32, #tpu.memory_space<vmem_shared>>, %arg12: memref<!tpu.dma_semaphore, #tpu.memory_space<semaphore_mem>>, %arg13: memref<!tpu.dma_semaphore, #tpu.memory_space<semaphore_mem>>) attributes {dimension_semantics = [#tpu.dimension_semantics<core_parallel>, #tpu.dimension_semantics<subcore_parallel>], iteration_bounds = array<i64: 2, 16>, scalar_prefetch = 0 : i64, scratch_operands = 8 : i64, tpu.core_type = #tpu.core_type<sc_vector_subcore>, window_params = [{transform_indices = #map}, {transform_indices = #map1}, {transform_indices = #map1}, {transform_indices = #map}]} {
    %mul3A = arith.constant 16 : i32
    %mul3A_0 = arith.muli %arg0, %mul3A : i32
    %add3A = arith.addi %mul3A_0, %arg1 : i32
    %mul3A_1 = arith.constant 10000 : i32
    %mul3A_2 = arith.muli %add3A, %mul3A_1 : i32
    %multiple_of3A = tpu.assume_multiple %mul3A_2, 8 : i32
    "tpu.region"() ({
      %run_scoped3A = tpu.sem_alloc : memref<!tpu.dma_semaphore, #tpu.memory_space<semaphore_mem>>
      %dma_start3A_168 = tpu.memref_slice %arg3[%multiple_of3A] : memref<320000xi32, #tpu.memory_space<hbm>> -> memref<10000xi32, #tpu.memory_space<hbm>>
      %dma_start3A_169 = tpu.memref_slice %arg3[%multiple_of3A] : memref<320000xi32, #tpu.memory_space<hbm>> -> memref<10000xi32, #tpu.memory_space<hbm>>
      tpu.enqueue_dma source(%dma_start3A_169 : memref<10000xi32, #tpu.memory_space<hbm>>) target(%arg6 : memref<10000xi32, #tpu.memory_space<vmem>>) target_semaphore(%run_scoped3A : memref<!tpu.dma_semaphore, #tpu.memory_space<semaphore_mem>>)
      %dma_wait3A_170 = tpu.memref_slice %arg3[%multiple_of3A] : memref<320000xi32, #tpu.memory_space<hbm>> -> memref<10000xi32, #tpu.memory_space<hbm>>
      %dma_wait3A_171 = tpu.memref_slice %arg3[%multiple_of3A] : memref<320000xi32, #tpu.memory_space<hbm>> -> memref<10000xi32, #tpu.memory_space<hbm>>
      tpu.wait_dma2 semaphore(%run_scoped3A : memref<!tpu.dma_semaphore, #tpu.memory_space<semaphore_mem>>) src(%dma_wait3A_171 : memref<10000xi32, #tpu.memory_space<hbm>>) dst(%arg6 : memref<10000xi32, #tpu.memory_space<vmem>>)
      tpu.yield
    }) : () -> ()
    %mul3A_3 = arith.constant 10000 : i32
    %mul3A_4 = arith.muli %add3A, %mul3A_3 : i32
    %add3A_5 = arith.constant 0 : i32
    %add3A_6 = arith.addi %mul3A_4, %add3A_5 : i32
    %multiple_of3A_7 = tpu.assume_multiple %add3A_6, 8 : i32
    "tpu.region"() ({
      %run_scoped3A = tpu.sem_alloc : memref<!tpu.dma_semaphore, #tpu.memory_space<semaphore_mem>>
      %dma_start3A_168 = tpu.memref_slice %arg4[%multiple_of3A_7] : memref<320000xi32, #tpu.memory_space<hbm>> -> memref<1000xi32, #tpu.memory_space<hbm>>
      %dma_start3A_169 = tpu.memref_slice %arg4[%multiple_of3A_7] : memref<320000xi32, #tpu.memory_space<hbm>> -> memref<1000xi32, #tpu.memory_space<hbm>>
      tpu.enqueue_dma source(%dma_start3A_169 : memref<1000xi32, #tpu.memory_space<hbm>>) target(%arg7 : memref<1000xi32, #tpu.memory_space<vmem>>) target_semaphore(%run_scoped3A : memref<!tpu.dma_semaphore, #tpu.memory_space<semaphore_mem>>)
      %dma_wait3A_170 = tpu.memref_slice %arg4[%multiple_of3A_7] : memref<320000xi32, #tpu.memory_space<hbm>> -> memref<1000xi32, #tpu.memory_space<hbm>>
      %dma_wait3A_171 = tpu.memref_slice %arg4[%multiple_of3A_7] : memref<320000xi32, #tpu.memory_space<hbm>> -> memref<1000xi32, #tpu.memory_space<hbm>>
      tpu.wait_dma2 semaphore(%run_scoped3A : memref<!tpu.dma_semaphore, #tpu.memory_space<semaphore_mem>>) src(%dma_wait3A_171 : memref<1000xi32, #tpu.memory_space<hbm>>) dst(%arg7 : memref<1000xi32, #tpu.memory_space<vmem>>)
      tpu.yield
    }) : () -> ()
    %dma_start3A = arith.constant 0 : i32
    %dma_start3A_8 = tpu.memref_slice %arg6[%dma_start3A] : memref<10000xi32, #tpu.memory_space<vmem>> -> memref<1000xi32, #tpu.memory_space<vmem>>
    %dma_start3A_9 = arith.constant 0 : i32
    %dma_start3A_10 = arith.constant 0 : i32
    %dma_start3A_11 = tpu.memref_slice %arg2[%dma_start3A_9, %dma_start3A_10] : memref<10000x32xf32, #tpu.memory_space<hbm>> -> memref<10000x32xf32, #tpu.memory_space<hbm>>
    tpu.enqueue_indirect_dma source(%dma_start3A_11 : memref<10000x32xf32, #tpu.memory_space<hbm>>) target(%arg9 : memref<1000x32xf32, #tpu.memory_space<vmem>>) offsets(%dma_start3A_8 : memref<1000xi32, #tpu.memory_space<vmem>>) semaphore(%arg12 : memref<!tpu.dma_semaphore, #tpu.memory_space<semaphore_mem>>)
    %mul3A_12 = arith.constant 624 : i32
    %mul3A_13 = arith.muli %arg1, %mul3A_12 : i32
    %multiple_of3A_14 = tpu.assume_multiple %mul3A_13, 8 : i32
    "tpu.region"() ({
      %run_scoped3A = tpu.sem_alloc : memref<!tpu.dma_semaphore, #tpu.memory_space<semaphore_mem>>
      %dma_start3A_168 = arith.constant 0 : i32
      %dma_start3A_169 = tpu.memref_slice %arg11[%multiple_of3A_14, %dma_start3A_168] : memref<10000x32xf32, #tpu.memory_space<vmem_shared>> -> memref<624x32xf32, #tpu.memory_space<vmem_shared>>
      %dma_start3A_170 = arith.constant 0 : i32
      %dma_start3A_171 = tpu.memref_slice %arg2[%multiple_of3A_14, %dma_start3A_170] : memref<10000x32xf32, #tpu.memory_space<hbm>> -> memref<624x32xf32, #tpu.memory_space<hbm>>
      tpu.enqueue_dma source(%dma_start3A_171 : memref<624x32xf32, #tpu.memory_space<hbm>>) target(%dma_start3A_169 : memref<624x32xf32, #tpu.memory_space<vmem_shared>>) target_semaphore(%run_scoped3A : memref<!tpu.dma_semaphore, #tpu.memory_space<semaphore_mem>>)
      %dma_wait3A_172 = arith.constant 0 : i32
      %dma_wait3A_173 = tpu.memref_slice %arg11[%multiple_of3A_14, %dma_wait3A_172] : memref<10000x32xf32, #tpu.memory_space<vmem_shared>> -> memref<624x32xf32, #tpu.memory_space<vmem_shared>>
      %dma_wait3A_174 = arith.constant 0 : i32
      %dma_wait3A_175 = tpu.memref_slice %arg2[%multiple_of3A_14, %dma_wait3A_174] : memref<10000x32xf32, #tpu.memory_space<hbm>> -> memref<624x32xf32, #tpu.memory_space<hbm>>
      tpu.wait_dma2 semaphore(%run_scoped3A : memref<!tpu.dma_semaphore, #tpu.memory_space<semaphore_mem>>) src(%dma_wait3A_175 : memref<624x32xf32, #tpu.memory_space<hbm>>) dst(%dma_wait3A_173 : memref<624x32xf32, #tpu.memory_space<vmem_shared>>)
      tpu.yield
    }) : () -> ()
    %eq3A = arith.constant 15 : i32
    %eq3A_15 = arith.cmpi eq, %arg1, %eq3A : i32
    %convert_element_type3A = arith.extui %eq3A_15 : i1 to i32
    %cond3A = arith.constant 0 : i32
    %cond3A_16 = arith.cmpi ne, %convert_element_type3A, %cond3A : i32
    scf.if %cond3A_16 {
      "tpu.region"() ({
        %run_scoped3A = tpu.sem_alloc : memref<!tpu.dma_semaphore, #tpu.memory_space<semaphore_mem>>
        %dma_start3A_168 = arith.constant 9984 : i32
        %dma_start3A_169 = arith.constant 0 : i32
        %dma_start3A_170 = tpu.memref_slice %arg11[%dma_start3A_168, %dma_start3A_169] : memref<10000x32xf32, #tpu.memory_space<vmem_shared>> -> memref<16x32xf32, #tpu.memory_space<vmem_shared>>
        %dma_start3A_171 = arith.constant 9984 : i32
        %dma_start3A_172 = arith.constant 0 : i32
        %dma_start3A_173 = tpu.memref_slice %arg2[%dma_start3A_171, %dma_start3A_172] : memref<10000x32xf32, #tpu.memory_space<hbm>> -> memref<16x32xf32, #tpu.memory_space<hbm>>
        tpu.enqueue_dma source(%dma_start3A_173 : memref<16x32xf32, #tpu.memory_space<hbm>>) target(%dma_start3A_170 : memref<16x32xf32, #tpu.memory_space<vmem_shared>>) target_semaphore(%run_scoped3A : memref<!tpu.dma_semaphore, #tpu.memory_space<semaphore_mem>>)
        %dma_wait3A_174 = arith.constant 9984 : i32
        %dma_wait3A_175 = arith.constant 0 : i32
        %dma_wait3A_176 = tpu.memref_slice %arg11[%dma_wait3A_174, %dma_wait3A_175] : memref<10000x32xf32, #tpu.memory_space<vmem_shared>> -> memref<16x32xf32, #tpu.memory_space<vmem_shared>>
        %dma_wait3A_177 = arith.constant 9984 : i32
        %dma_wait3A_178 = arith.constant 0 : i32
        %dma_wait3A_179 = tpu.memref_slice %arg2[%dma_wait3A_177, %dma_wait3A_178] : memref<10000x32xf32, #tpu.memory_space<hbm>> -> memref<16x32xf32, #tpu.memory_space<hbm>>
        tpu.wait_dma2 semaphore(%run_scoped3A : memref<!tpu.dma_semaphore, #tpu.memory_space<semaphore_mem>>) src(%dma_wait3A_179 : memref<16x32xf32, #tpu.memory_space<hbm>>) dst(%dma_wait3A_176 : memref<16x32xf32, #tpu.memory_space<vmem_shared>>)
        tpu.yield
      }) : () -> ()
    } else {
    }
    %barrier3A = arith.constant 0 : index
    tpu.barrier barrier_id(%barrier3A)
    %mul3A_17 = arith.constant 10000 : i32
    %mul3A_18 = arith.muli %add3A, %mul3A_17 : i32
    %add3A_19 = arith.constant 1000 : i32
    %add3A_20 = arith.addi %mul3A_18, %add3A_19 : i32
    %multiple_of3A_21 = tpu.assume_multiple %add3A_20, 8 : i32
    "tpu.region"() ({
      %run_scoped3A = tpu.sem_alloc : memref<!tpu.dma_semaphore, #tpu.memory_space<semaphore_mem>>
      %dma_start3A_168 = tpu.memref_slice %arg4[%multiple_of3A_21] : memref<320000xi32, #tpu.memory_space<hbm>> -> memref<1000xi32, #tpu.memory_space<hbm>>
      %dma_start3A_169 = tpu.memref_slice %arg4[%multiple_of3A_21] : memref<320000xi32, #tpu.memory_space<hbm>> -> memref<1000xi32, #tpu.memory_space<hbm>>
      tpu.enqueue_dma source(%dma_start3A_169 : memref<1000xi32, #tpu.memory_space<hbm>>) target(%arg8 : memref<1000xi32, #tpu.memory_space<vmem>>) target_semaphore(%run_scoped3A : memref<!tpu.dma_semaphore, #tpu.memory_space<semaphore_mem>>)
      %dma_wait3A_170 = tpu.memref_slice %arg4[%multiple_of3A_21] : memref<320000xi32, #tpu.memory_space<hbm>> -> memref<1000xi32, #tpu.memory_space<hbm>>
      %dma_wait3A_171 = tpu.memref_slice %arg4[%multiple_of3A_21] : memref<320000xi32, #tpu.memory_space<hbm>> -> memref<1000xi32, #tpu.memory_space<hbm>>
      tpu.wait_dma2 semaphore(%run_scoped3A : memref<!tpu.dma_semaphore, #tpu.memory_space<semaphore_mem>>) src(%dma_wait3A_171 : memref<1000xi32, #tpu.memory_space<hbm>>) dst(%arg8 : memref<1000xi32, #tpu.memory_space<vmem>>)
      tpu.yield
    }) : () -> ()
    %dma_start3A_22 = arith.constant 1000 : i32
    %dma_start3A_23 = tpu.memref_slice %arg6[%dma_start3A_22] : memref<10000xi32, #tpu.memory_space<vmem>> -> memref<1000xi32, #tpu.memory_space<vmem>>
    %dma_start3A_24 = arith.constant 0 : i32
    %dma_start3A_25 = arith.constant 0 : i32
    %dma_start3A_26 = tpu.memref_slice %arg2[%dma_start3A_24, %dma_start3A_25] : memref<10000x32xf32, #tpu.memory_space<hbm>> -> memref<10000x32xf32, #tpu.memory_space<hbm>>
    tpu.enqueue_indirect_dma source(%dma_start3A_26 : memref<10000x32xf32, #tpu.memory_space<hbm>>) target(%arg10 : memref<1000x32xf32, #tpu.memory_space<vmem>>) offsets(%dma_start3A_23 : memref<1000xi32, #tpu.memory_space<vmem>>) semaphore(%arg13 : memref<!tpu.dma_semaphore, #tpu.memory_space<semaphore_mem>>)
    %dma_wait3A = arith.constant 0 : i32
    %dma_wait3A_27 = tpu.memref_slice %arg6[%dma_wait3A] : memref<10000xi32, #tpu.memory_space<vmem>> -> memref<1000xi32, #tpu.memory_space<vmem>>
    %dma_wait3A_28 = arith.constant 0 : i32
    %dma_wait3A_29 = arith.constant 0 : i32
    %dma_wait3A_30 = tpu.memref_slice %arg2[%dma_wait3A_28, %dma_wait3A_29] : memref<10000x32xf32, #tpu.memory_space<hbm>> -> memref<10000x32xf32, #tpu.memory_space<hbm>>
    tpu.wait_indirect_dma semaphore(%arg12 : memref<!tpu.dma_semaphore, #tpu.memory_space<semaphore_mem>>) src(%dma_wait3A_30 : memref<10000x32xf32, #tpu.memory_space<hbm>>) dst(%arg9 : memref<1000x32xf32, #tpu.memory_space<vmem>>)
    "tpu.region"() ({
      %run_scoped3A = tpu.sem_alloc : memref<!tpu.dma_semaphore, #tpu.memory_space<semaphore_mem>>
      %dma_start3A_168 = arith.constant 0 : i32
      %dma_start3A_169 = arith.constant 0 : i32
      %dma_start3A_170 = tpu.memref_slice %arg11[%dma_start3A_168, %dma_start3A_169] : memref<10000x32xf32, #tpu.memory_space<vmem_shared>> -> memref<10000x32xf32, #tpu.memory_space<vmem_shared>>
      tpu.enqueue_indirect_dma source(%arg9 : memref<1000x32xf32, #tpu.memory_space<vmem>>) target(%dma_start3A_170 : memref<10000x32xf32, #tpu.memory_space<vmem_shared>>) offsets(%arg7 : memref<1000xi32, #tpu.memory_space<vmem>>) semaphore(%run_scoped3A : memref<!tpu.dma_semaphore, #tpu.memory_space<semaphore_mem>>) {add = true}
      %dma_wait3A_171 = arith.constant 0 : i32
      %dma_wait3A_172 = arith.constant 0 : i32
      %dma_wait3A_173 = tpu.memref_slice %arg11[%dma_wait3A_171, %dma_wait3A_172] : memref<10000x32xf32, #tpu.memory_space<vmem_shared>> -> memref<10000x32xf32, #tpu.memory_space<vmem_shared>>
      tpu.wait_indirect_dma semaphore(%run_scoped3A : memref<!tpu.dma_semaphore, #tpu.memory_space<semaphore_mem>>) src(%arg9 : memref<1000x32xf32, #tpu.memory_space<vmem>>) dst(%dma_wait3A_173 : memref<10000x32xf32, #tpu.memory_space<vmem_shared>>)
      tpu.yield
    }) : () -> ()
    %mul3A_31 = arith.constant 10000 : i32
    %mul3A_32 = arith.muli %add3A, %mul3A_31 : i32
    %add3A_33 = arith.constant 2000 : i32
    %add3A_34 = arith.addi %mul3A_32, %add3A_33 : i32
    %multiple_of3A_35 = tpu.assume_multiple %add3A_34, 8 : i32
    "tpu.region"() ({
      %run_scoped3A = tpu.sem_alloc : memref<!tpu.dma_semaphore, #tpu.memory_space<semaphore_mem>>
      %dma_start3A_168 = tpu.memref_slice %arg4[%multiple_of3A_35] : memref<320000xi32, #tpu.memory_space<hbm>> -> memref<1000xi32, #tpu.memory_space<hbm>>
      %dma_start3A_169 = tpu.memref_slice %arg4[%multiple_of3A_35] : memref<320000xi32, #tpu.memory_space<hbm>> -> memref<1000xi32, #tpu.memory_space<hbm>>
      tpu.enqueue_dma source(%dma_start3A_169 : memref<1000xi32, #tpu.memory_space<hbm>>) target(%arg7 : memref<1000xi32, #tpu.memory_space<vmem>>) target_semaphore(%run_scoped3A : memref<!tpu.dma_semaphore, #tpu.memory_space<semaphore_mem>>)
      %dma_wait3A_170 = tpu.memref_slice %arg4[%multiple_of3A_35] : memref<320000xi32, #tpu.memory_space<hbm>> -> memref<1000xi32, #tpu.memory_space<hbm>>
      %dma_wait3A_171 = tpu.memref_slice %arg4[%multiple_of3A_35] : memref<320000xi32, #tpu.memory_space<hbm>> -> memref<1000xi32, #tpu.memory_space<hbm>>
      tpu.wait_dma2 semaphore(%run_scoped3A : memref<!tpu.dma_semaphore, #tpu.memory_space<semaphore_mem>>) src(%dma_wait3A_171 : memref<1000xi32, #tpu.memory_space<hbm>>) dst(%arg7 : memref<1000xi32, #tpu.memory_space<vmem>>)
      tpu.yield
    }) : () -> ()
    %dma_start3A_36 = arith.constant 2000 : i32
    %dma_start3A_37 = tpu.memref_slice %arg6[%dma_start3A_36] : memref<10000xi32, #tpu.memory_space<vmem>> -> memref<1000xi32, #tpu.memory_space<vmem>>
    %dma_start3A_38 = arith.constant 0 : i32
    %dma_start3A_39 = arith.constant 0 : i32
    %dma_start3A_40 = tpu.memref_slice %arg2[%dma_start3A_38, %dma_start3A_39] : memref<10000x32xf32, #tpu.memory_space<hbm>> -> memref<10000x32xf32, #tpu.memory_space<hbm>>
    tpu.enqueue_indirect_dma source(%dma_start3A_40 : memref<10000x32xf32, #tpu.memory_space<hbm>>) target(%arg9 : memref<1000x32xf32, #tpu.memory_space<vmem>>) offsets(%dma_start3A_37 : memref<1000xi32, #tpu.memory_space<vmem>>) semaphore(%arg12 : memref<!tpu.dma_semaphore, #tpu.memory_space<semaphore_mem>>)
    %dma_wait3A_41 = arith.constant 1000 : i32
    %dma_wait3A_42 = tpu.memref_slice %arg6[%dma_wait3A_41] : memref<10000xi32, #tpu.memory_space<vmem>> -> memref<1000xi32, #tpu.memory_space<vmem>>
    %dma_wait3A_43 = arith.constant 0 : i32
    %dma_wait3A_44 = arith.constant 0 : i32
    %dma_wait3A_45 = tpu.memref_slice %arg2[%dma_wait3A_43, %dma_wait3A_44] : memref<10000x32xf32, #tpu.memory_space<hbm>> -> memref<10000x32xf32, #tpu.memory_space<hbm>>
    tpu.wait_indirect_dma semaphore(%arg13 : memref<!tpu.dma_semaphore, #tpu.memory_space<semaphore_mem>>) src(%dma_wait3A_45 : memref<10000x32xf32, #tpu.memory_space<hbm>>) dst(%arg10 : memref<1000x32xf32, #tpu.memory_space<vmem>>)
    "tpu.region"() ({
      %run_scoped3A = tpu.sem_alloc : memref<!tpu.dma_semaphore, #tpu.memory_space<semaphore_mem>>
      %dma_start3A_168 = arith.constant 0 : i32
      %dma_start3A_169 = arith.constant 0 : i32
      %dma_start3A_170 = tpu.memref_slice %arg11[%dma_start3A_168, %dma_start3A_169] : memref<10000x32xf32, #tpu.memory_space<vmem_shared>> -> memref<10000x32xf32, #tpu.memory_space<vmem_shared>>
      tpu.enqueue_indirect_dma source(%arg10 : memref<1000x32xf32, #tpu.memory_space<vmem>>) target(%dma_start3A_170 : memref<10000x32xf32, #tpu.memory_space<vmem_shared>>) offsets(%arg8 : memref<1000xi32, #tpu.memory_space<vmem>>) semaphore(%run_scoped3A : memref<!tpu.dma_semaphore, #tpu.memory_space<semaphore_mem>>) {add = true}
      %dma_wait3A_171 = arith.constant 0 : i32
      %dma_wait3A_172 = arith.constant 0 : i32
      %dma_wait3A_173 = tpu.memref_slice %arg11[%dma_wait3A_171, %dma_wait3A_172] : memref<10000x32xf32, #tpu.memory_space<vmem_shared>> -> memref<10000x32xf32, #tpu.memory_space<vmem_shared>>
      tpu.wait_indirect_dma semaphore(%run_scoped3A : memref<!tpu.dma_semaphore, #tpu.memory_space<semaphore_mem>>) src(%arg10 : memref<1000x32xf32, #tpu.memory_space<vmem>>) dst(%dma_wait3A_173 : memref<10000x32xf32, #tpu.memory_space<vmem_shared>>)
      tpu.yield
    }) : () -> ()
    %mul3A_46 = arith.constant 10000 : i32
    %mul3A_47 = arith.muli %add3A, %mul3A_46 : i32
    %add3A_48 = arith.constant 3000 : i32
    %add3A_49 = arith.addi %mul3A_47, %add3A_48 : i32
    %multiple_of3A_50 = tpu.assume_multiple %add3A_49, 8 : i32
    "tpu.region"() ({
      %run_scoped3A = tpu.sem_alloc : memref<!tpu.dma_semaphore, #tpu.memory_space<semaphore_mem>>
      %dma_start3A_168 = tpu.memref_slice %arg4[%multiple_of3A_50] : memref<320000xi32, #tpu.memory_space<hbm>> -> memref<1000xi32, #tpu.memory_space<hbm>>
      %dma_start3A_169 = tpu.memref_slice %arg4[%multiple_of3A_50] : memref<320000xi32, #tpu.memory_space<hbm>> -> memref<1000xi32, #tpu.memory_space<hbm>>
      tpu.enqueue_dma source(%dma_start3A_169 : memref<1000xi32, #tpu.memory_space<hbm>>) target(%arg8 : memref<1000xi32, #tpu.memory_space<vmem>>) target_semaphore(%run_scoped3A : memref<!tpu.dma_semaphore, #tpu.memory_space<semaphore_mem>>)
      %dma_wait3A_170 = tpu.memref_slice %arg4[%multiple_of3A_50] : memref<320000xi32, #tpu.memory_space<hbm>> -> memref<1000xi32, #tpu.memory_space<hbm>>
      %dma_wait3A_171 = tpu.memref_slice %arg4[%multiple_of3A_50] : memref<320000xi32, #tpu.memory_space<hbm>> -> memref<1000xi32, #tpu.memory_space<hbm>>
      tpu.wait_dma2 semaphore(%run_scoped3A : memref<!tpu.dma_semaphore, #tpu.memory_space<semaphore_mem>>) src(%dma_wait3A_171 : memref<1000xi32, #tpu.memory_space<hbm>>) dst(%arg8 : memref<1000xi32, #tpu.memory_space<vmem>>)
      tpu.yield
    }) : () -> ()
    %dma_start3A_51 = arith.constant 3000 : i32
    %dma_start3A_52 = tpu.memref_slice %arg6[%dma_start3A_51] : memref<10000xi32, #tpu.memory_space<vmem>> -> memref<1000xi32, #tpu.memory_space<vmem>>
    %dma_start3A_53 = arith.constant 0 : i32
    %dma_start3A_54 = arith.constant 0 : i32
    %dma_start3A_55 = tpu.memref_slice %arg2[%dma_start3A_53, %dma_start3A_54] : memref<10000x32xf32, #tpu.memory_space<hbm>> -> memref<10000x32xf32, #tpu.memory_space<hbm>>
    tpu.enqueue_indirect_dma source(%dma_start3A_55 : memref<10000x32xf32, #tpu.memory_space<hbm>>) target(%arg10 : memref<1000x32xf32, #tpu.memory_space<vmem>>) offsets(%dma_start3A_52 : memref<1000xi32, #tpu.memory_space<vmem>>) semaphore(%arg13 : memref<!tpu.dma_semaphore, #tpu.memory_space<semaphore_mem>>)
    %dma_wait3A_56 = arith.constant 2000 : i32
    %dma_wait3A_57 = tpu.memref_slice %arg6[%dma_wait3A_56] : memref<10000xi32, #tpu.memory_space<vmem>> -> memref<1000xi32, #tpu.memory_space<vmem>>
    %dma_wait3A_58 = arith.constant 0 : i32
    %dma_wait3A_59 = arith.constant 0 : i32
    %dma_wait3A_60 = tpu.memref_slice %arg2[%dma_wait3A_58, %dma_wait3A_59] : memref<10000x32xf32, #tpu.memory_space<hbm>> -> memref<10000x32xf32, #tpu.memory_space<hbm>>
    tpu.wait_indirect_dma semaphore(%arg12 : memref<!tpu.dma_semaphore, #tpu.memory_space<semaphore_mem>>) src(%dma_wait3A_60 : memref<10000x32xf32, #tpu.memory_space<hbm>>) dst(%arg9 : memref<1000x32xf32, #tpu.memory_space<vmem>>)
    "tpu.region"() ({
      %run_scoped3A = tpu.sem_alloc : memref<!tpu.dma_semaphore, #tpu.memory_space<semaphore_mem>>
      %dma_start3A_168 = arith.constant 0 : i32
      %dma_start3A_169 = arith.constant 0 : i32
      %dma_start3A_170 = tpu.memref_slice %arg11[%dma_start3A_168, %dma_start3A_169] : memref<10000x32xf32, #tpu.memory_space<vmem_shared>> -> memref<10000x32xf32, #tpu.memory_space<vmem_shared>>
      tpu.enqueue_indirect_dma source(%arg9 : memref<1000x32xf32, #tpu.memory_space<vmem>>) target(%dma_start3A_170 : memref<10000x32xf32, #tpu.memory_space<vmem_shared>>) offsets(%arg7 : memref<1000xi32, #tpu.memory_space<vmem>>) semaphore(%run_scoped3A : memref<!tpu.dma_semaphore, #tpu.memory_space<semaphore_mem>>) {add = true}
      %dma_wait3A_171 = arith.constant 0 : i32
      %dma_wait3A_172 = arith.constant 0 : i32
      %dma_wait3A_173 = tpu.memref_slice %arg11[%dma_wait3A_171, %dma_wait3A_172] : memref<10000x32xf32, #tpu.memory_space<vmem_shared>> -> memref<10000x32xf32, #tpu.memory_space<vmem_shared>>
      tpu.wait_indirect_dma semaphore(%run_scoped3A : memref<!tpu.dma_semaphore, #tpu.memory_space<semaphore_mem>>) src(%arg9 : memref<1000x32xf32, #tpu.memory_space<vmem>>) dst(%dma_wait3A_173 : memref<10000x32xf32, #tpu.memory_space<vmem_shared>>)
      tpu.yield
    }) : () -> ()
    %mul3A_61 = arith.constant 10000 : i32
    %mul3A_62 = arith.muli %add3A, %mul3A_61 : i32
    %add3A_63 = arith.constant 4000 : i32
    %add3A_64 = arith.addi %mul3A_62, %add3A_63 : i32
    %multiple_of3A_65 = tpu.assume_multiple %add3A_64, 8 : i32
    "tpu.region"() ({
      %run_scoped3A = tpu.sem_alloc : memref<!tpu.dma_semaphore, #tpu.memory_space<semaphore_mem>>
      %dma_start3A_168 = tpu.memref_slice %arg4[%multiple_of3A_65] : memref<320000xi32, #tpu.memory_space<hbm>> -> memref<1000xi32, #tpu.memory_space<hbm>>
      %dma_start3A_169 = tpu.memref_slice %arg4[%multiple_of3A_65] : memref<320000xi32, #tpu.memory_space<hbm>> -> memref<1000xi32, #tpu.memory_space<hbm>>
      tpu.enqueue_dma source(%dma_start3A_169 : memref<1000xi32, #tpu.memory_space<hbm>>) target(%arg7 : memref<1000xi32, #tpu.memory_space<vmem>>) target_semaphore(%run_scoped3A : memref<!tpu.dma_semaphore, #tpu.memory_space<semaphore_mem>>)
      %dma_wait3A_170 = tpu.memref_slice %arg4[%multiple_of3A_65] : memref<320000xi32, #tpu.memory_space<hbm>> -> memref<1000xi32, #tpu.memory_space<hbm>>
      %dma_wait3A_171 = tpu.memref_slice %arg4[%multiple_of3A_65] : memref<320000xi32, #tpu.memory_space<hbm>> -> memref<1000xi32, #tpu.memory_space<hbm>>
      tpu.wait_dma2 semaphore(%run_scoped3A : memref<!tpu.dma_semaphore, #tpu.memory_space<semaphore_mem>>) src(%dma_wait3A_171 : memref<1000xi32, #tpu.memory_space<hbm>>) dst(%arg7 : memref<1000xi32, #tpu.memory_space<vmem>>)
      tpu.yield
    }) : () -> ()
    %dma_start3A_66 = arith.constant 4000 : i32
    %dma_start3A_67 = tpu.memref_slice %arg6[%dma_start3A_66] : memref<10000xi32, #tpu.memory_space<vmem>> -> memref<1000xi32, #tpu.memory_space<vmem>>
    %dma_start3A_68 = arith.constant 0 : i32
    %dma_start3A_69 = arith.constant 0 : i32
    %dma_start3A_70 = tpu.memref_slice %arg2[%dma_start3A_68, %dma_start3A_69] : memref<10000x32xf32, #tpu.memory_space<hbm>> -> memref<10000x32xf32, #tpu.memory_space<hbm>>
    tpu.enqueue_indirect_dma source(%dma_start3A_70 : memref<10000x32xf32, #tpu.memory_space<hbm>>) target(%arg9 : memref<1000x32xf32, #tpu.memory_space<vmem>>) offsets(%dma_start3A_67 : memref<1000xi32, #tpu.memory_space<vmem>>) semaphore(%arg12 : memref<!tpu.dma_semaphore, #tpu.memory_space<semaphore_mem>>)
    %dma_wait3A_71 = arith.constant 3000 : i32
    %dma_wait3A_72 = tpu.memref_slice %arg6[%dma_wait3A_71] : memref<10000xi32, #tpu.memory_space<vmem>> -> memref<1000xi32, #tpu.memory_space<vmem>>
    %dma_wait3A_73 = arith.constant 0 : i32
    %dma_wait3A_74 = arith.constant 0 : i32
    %dma_wait3A_75 = tpu.memref_slice %arg2[%dma_wait3A_73, %dma_wait3A_74] : memref<10000x32xf32, #tpu.memory_space<hbm>> -> memref<10000x32xf32, #tpu.memory_space<hbm>>
    tpu.wait_indirect_dma semaphore(%arg13 : memref<!tpu.dma_semaphore, #tpu.memory_space<semaphore_mem>>) src(%dma_wait3A_75 : memref<10000x32xf32, #tpu.memory_space<hbm>>) dst(%arg10 : memref<1000x32xf32, #tpu.memory_space<vmem>>)
    "tpu.region"() ({
      %run_scoped3A = tpu.sem_alloc : memref<!tpu.dma_semaphore, #tpu.memory_space<semaphore_mem>>
      %dma_start3A_168 = arith.constant 0 : i32
      %dma_start3A_169 = arith.constant 0 : i32
      %dma_start3A_170 = tpu.memref_slice %arg11[%dma_start3A_168, %dma_start3A_169] : memref<10000x32xf32, #tpu.memory_space<vmem_shared>> -> memref<10000x32xf32, #tpu.memory_space<vmem_shared>>
      tpu.enqueue_indirect_dma source(%arg10 : memref<1000x32xf32, #tpu.memory_space<vmem>>) target(%dma_start3A_170 : memref<10000x32xf32, #tpu.memory_space<vmem_shared>>) offsets(%arg8 : memref<1000xi32, #tpu.memory_space<vmem>>) semaphore(%run_scoped3A : memref<!tpu.dma_semaphore, #tpu.memory_space<semaphore_mem>>) {add = true}
      %dma_wait3A_171 = arith.constant 0 : i32
      %dma_wait3A_172 = arith.constant 0 : i32
      %dma_wait3A_173 = tpu.memref_slice %arg11[%dma_wait3A_171, %dma_wait3A_172] : memref<10000x32xf32, #tpu.memory_space<vmem_shared>> -> memref<10000x32xf32, #tpu.memory_space<vmem_shared>>
      tpu.wait_indirect_dma semaphore(%run_scoped3A : memref<!tpu.dma_semaphore, #tpu.memory_space<semaphore_mem>>) src(%arg10 : memref<1000x32xf32, #tpu.memory_space<vmem>>) dst(%dma_wait3A_173 : memref<10000x32xf32, #tpu.memory_space<vmem_shared>>)
      tpu.yield
    }) : () -> ()
    %mul3A_76 = arith.constant 10000 : i32
    %mul3A_77 = arith.muli %add3A, %mul3A_76 : i32
    %add3A_78 = arith.constant 5000 : i32
    %add3A_79 = arith.addi %mul3A_77, %add3A_78 : i32
    %multiple_of3A_80 = tpu.assume_multiple %add3A_79, 8 : i32
    "tpu.region"() ({
      %run_scoped3A = tpu.sem_alloc : memref<!tpu.dma_semaphore, #tpu.memory_space<semaphore_mem>>
      %dma_start3A_168 = tpu.memref_slice %arg4[%multiple_of3A_80] : memref<320000xi32, #tpu.memory_space<hbm>> -> memref<1000xi32, #tpu.memory_space<hbm>>
      %dma_start3A_169 = tpu.memref_slice %arg4[%multiple_of3A_80] : memref<320000xi32, #tpu.memory_space<hbm>> -> memref<1000xi32, #tpu.memory_space<hbm>>
      tpu.enqueue_dma source(%dma_start3A_169 : memref<1000xi32, #tpu.memory_space<hbm>>) target(%arg8 : memref<1000xi32, #tpu.memory_space<vmem>>) target_semaphore(%run_scoped3A : memref<!tpu.dma_semaphore, #tpu.memory_space<semaphore_mem>>)
      %dma_wait3A_170 = tpu.memref_slice %arg4[%multiple_of3A_80] : memref<320000xi32, #tpu.memory_space<hbm>> -> memref<1000xi32, #tpu.memory_space<hbm>>
      %dma_wait3A_171 = tpu.memref_slice %arg4[%multiple_of3A_80] : memref<320000xi32, #tpu.memory_space<hbm>> -> memref<1000xi32, #tpu.memory_space<hbm>>
      tpu.wait_dma2 semaphore(%run_scoped3A : memref<!tpu.dma_semaphore, #tpu.memory_space<semaphore_mem>>) src(%dma_wait3A_171 : memref<1000xi32, #tpu.memory_space<hbm>>) dst(%arg8 : memref<1000xi32, #tpu.memory_space<vmem>>)
      tpu.yield
    }) : () -> ()
    %dma_start3A_81 = arith.constant 5000 : i32
    %dma_start3A_82 = tpu.memref_slice %arg6[%dma_start3A_81] : memref<10000xi32, #tpu.memory_space<vmem>> -> memref<1000xi32, #tpu.memory_space<vmem>>
    %dma_start3A_83 = arith.constant 0 : i32
    %dma_start3A_84 = arith.constant 0 : i32
    %dma_start3A_85 = tpu.memref_slice %arg2[%dma_start3A_83, %dma_start3A_84] : memref<10000x32xf32, #tpu.memory_space<hbm>> -> memref<10000x32xf32, #tpu.memory_space<hbm>>
    tpu.enqueue_indirect_dma source(%dma_start3A_85 : memref<10000x32xf32, #tpu.memory_space<hbm>>) target(%arg10 : memref<1000x32xf32, #tpu.memory_space<vmem>>) offsets(%dma_start3A_82 : memref<1000xi32, #tpu.memory_space<vmem>>) semaphore(%arg13 : memref<!tpu.dma_semaphore, #tpu.memory_space<semaphore_mem>>)
    %dma_wait3A_86 = arith.constant 4000 : i32
    %dma_wait3A_87 = tpu.memref_slice %arg6[%dma_wait3A_86] : memref<10000xi32, #tpu.memory_space<vmem>> -> memref<1000xi32, #tpu.memory_space<vmem>>
    %dma_wait3A_88 = arith.constant 0 : i32
    %dma_wait3A_89 = arith.constant 0 : i32
    %dma_wait3A_90 = tpu.memref_slice %arg2[%dma_wait3A_88, %dma_wait3A_89] : memref<10000x32xf32, #tpu.memory_space<hbm>> -> memref<10000x32xf32, #tpu.memory_space<hbm>>
    tpu.wait_indirect_dma semaphore(%arg12 : memref<!tpu.dma_semaphore, #tpu.memory_space<semaphore_mem>>) src(%dma_wait3A_90 : memref<10000x32xf32, #tpu.memory_space<hbm>>) dst(%arg9 : memref<1000x32xf32, #tpu.memory_space<vmem>>)
    "tpu.region"() ({
      %run_scoped3A = tpu.sem_alloc : memref<!tpu.dma_semaphore, #tpu.memory_space<semaphore_mem>>
      %dma_start3A_168 = arith.constant 0 : i32
      %dma_start3A_169 = arith.constant 0 : i32
      %dma_start3A_170 = tpu.memref_slice %arg11[%dma_start3A_168, %dma_start3A_169] : memref<10000x32xf32, #tpu.memory_space<vmem_shared>> -> memref<10000x32xf32, #tpu.memory_space<vmem_shared>>
      tpu.enqueue_indirect_dma source(%arg9 : memref<1000x32xf32, #tpu.memory_space<vmem>>) target(%dma_start3A_170 : memref<10000x32xf32, #tpu.memory_space<vmem_shared>>) offsets(%arg7 : memref<1000xi32, #tpu.memory_space<vmem>>) semaphore(%run_scoped3A : memref<!tpu.dma_semaphore, #tpu.memory_space<semaphore_mem>>) {add = true}
      %dma_wait3A_171 = arith.constant 0 : i32
      %dma_wait3A_172 = arith.constant 0 : i32
      %dma_wait3A_173 = tpu.memref_slice %arg11[%dma_wait3A_171, %dma_wait3A_172] : memref<10000x32xf32, #tpu.memory_space<vmem_shared>> -> memref<10000x32xf32, #tpu.memory_space<vmem_shared>>
      tpu.wait_indirect_dma semaphore(%run_scoped3A : memref<!tpu.dma_semaphore, #tpu.memory_space<semaphore_mem>>) src(%arg9 : memref<1000x32xf32, #tpu.memory_space<vmem>>) dst(%dma_wait3A_173 : memref<10000x32xf32, #tpu.memory_space<vmem_shared>>)
      tpu.yield
    }) : () -> ()
    %mul3A_91 = arith.constant 10000 : i32
    %mul3A_92 = arith.muli %add3A, %mul3A_91 : i32
    %add3A_93 = arith.constant 6000 : i32
    %add3A_94 = arith.addi %mul3A_92, %add3A_93 : i32
    %multiple_of3A_95 = tpu.assume_multiple %add3A_94, 8 : i32
    "tpu.region"() ({
      %run_scoped3A = tpu.sem_alloc : memref<!tpu.dma_semaphore, #tpu.memory_space<semaphore_mem>>
      %dma_start3A_168 = tpu.memref_slice %arg4[%multiple_of3A_95] : memref<320000xi32, #tpu.memory_space<hbm>> -> memref<1000xi32, #tpu.memory_space<hbm>>
      %dma_start3A_169 = tpu.memref_slice %arg4[%multiple_of3A_95] : memref<320000xi32, #tpu.memory_space<hbm>> -> memref<1000xi32, #tpu.memory_space<hbm>>
      tpu.enqueue_dma source(%dma_start3A_169 : memref<1000xi32, #tpu.memory_space<hbm>>) target(%arg7 : memref<1000xi32, #tpu.memory_space<vmem>>) target_semaphore(%run_scoped3A : memref<!tpu.dma_semaphore, #tpu.memory_space<semaphore_mem>>)
      %dma_wait3A_170 = tpu.memref_slice %arg4[%multiple_of3A_95] : memref<320000xi32, #tpu.memory_space<hbm>> -> memref<1000xi32, #tpu.memory_space<hbm>>
      %dma_wait3A_171 = tpu.memref_slice %arg4[%multiple_of3A_95] : memref<320000xi32, #tpu.memory_space<hbm>> -> memref<1000xi32, #tpu.memory_space<hbm>>
      tpu.wait_dma2 semaphore(%run_scoped3A : memref<!tpu.dma_semaphore, #tpu.memory_space<semaphore_mem>>) src(%dma_wait3A_171 : memref<1000xi32, #tpu.memory_space<hbm>>) dst(%arg7 : memref<1000xi32, #tpu.memory_space<vmem>>)
      tpu.yield
    }) : () -> ()
    %dma_start3A_96 = arith.constant 6000 : i32
    %dma_start3A_97 = tpu.memref_slice %arg6[%dma_start3A_96] : memref<10000xi32, #tpu.memory_space<vmem>> -> memref<1000xi32, #tpu.memory_space<vmem>>
    %dma_start3A_98 = arith.constant 0 : i32
    %dma_start3A_99 = arith.constant 0 : i32
    %dma_start3A_100 = tpu.memref_slice %arg2[%dma_start3A_98, %dma_start3A_99] : memref<10000x32xf32, #tpu.memory_space<hbm>> -> memref<10000x32xf32, #tpu.memory_space<hbm>>
    tpu.enqueue_indirect_dma source(%dma_start3A_100 : memref<10000x32xf32, #tpu.memory_space<hbm>>) target(%arg9 : memref<1000x32xf32, #tpu.memory_space<vmem>>) offsets(%dma_start3A_97 : memref<1000xi32, #tpu.memory_space<vmem>>) semaphore(%arg12 : memref<!tpu.dma_semaphore, #tpu.memory_space<semaphore_mem>>)
    %dma_wait3A_101 = arith.constant 5000 : i32
    %dma_wait3A_102 = tpu.memref_slice %arg6[%dma_wait3A_101] : memref<10000xi32, #tpu.memory_space<vmem>> -> memref<1000xi32, #tpu.memory_space<vmem>>
    %dma_wait3A_103 = arith.constant 0 : i32
    %dma_wait3A_104 = arith.constant 0 : i32
    %dma_wait3A_105 = tpu.memref_slice %arg2[%dma_wait3A_103, %dma_wait3A_104] : memref<10000x32xf32, #tpu.memory_space<hbm>> -> memref<10000x32xf32, #tpu.memory_space<hbm>>
    tpu.wait_indirect_dma semaphore(%arg13 : memref<!tpu.dma_semaphore, #tpu.memory_space<semaphore_mem>>) src(%dma_wait3A_105 : memref<10000x32xf32, #tpu.memory_space<hbm>>) dst(%arg10 : memref<1000x32xf32, #tpu.memory_space<vmem>>)
    "tpu.region"() ({
      %run_scoped3A = tpu.sem_alloc : memref<!tpu.dma_semaphore, #tpu.memory_space<semaphore_mem>>
      %dma_start3A_168 = arith.constant 0 : i32
      %dma_start3A_169 = arith.constant 0 : i32
      %dma_start3A_170 = tpu.memref_slice %arg11[%dma_start3A_168, %dma_start3A_169] : memref<10000x32xf32, #tpu.memory_space<vmem_shared>> -> memref<10000x32xf32, #tpu.memory_space<vmem_shared>>
      tpu.enqueue_indirect_dma source(%arg10 : memref<1000x32xf32, #tpu.memory_space<vmem>>) target(%dma_start3A_170 : memref<10000x32xf32, #tpu.memory_space<vmem_shared>>) offsets(%arg8 : memref<1000xi32, #tpu.memory_space<vmem>>) semaphore(%run_scoped3A : memref<!tpu.dma_semaphore, #tpu.memory_space<semaphore_mem>>) {add = true}
      %dma_wait3A_171 = arith.constant 0 : i32
      %dma_wait3A_172 = arith.constant 0 : i32
      %dma_wait3A_173 = tpu.memref_slice %arg11[%dma_wait3A_171, %dma_wait3A_172] : memref<10000x32xf32, #tpu.memory_space<vmem_shared>> -> memref<10000x32xf32, #tpu.memory_space<vmem_shared>>
      tpu.wait_indirect_dma semaphore(%run_scoped3A : memref<!tpu.dma_semaphore, #tpu.memory_space<semaphore_mem>>) src(%arg10 : memref<1000x32xf32, #tpu.memory_space<vmem>>) dst(%dma_wait3A_173 : memref<10000x32xf32, #tpu.memory_space<vmem_shared>>)
      tpu.yield
    }) : () -> ()
    %mul3A_106 = arith.constant 10000 : i32
    %mul3A_107 = arith.muli %add3A, %mul3A_106 : i32
    %add3A_108 = arith.constant 7000 : i32
    %add3A_109 = arith.addi %mul3A_107, %add3A_108 : i32
    %multiple_of3A_110 = tpu.assume_multiple %add3A_109, 8 : i32
    "tpu.region"() ({
      %run_scoped3A = tpu.sem_alloc : memref<!tpu.dma_semaphore, #tpu.memory_space<semaphore_mem>>
      %dma_start3A_168 = tpu.memref_slice %arg4[%multiple_of3A_110] : memref<320000xi32, #tpu.memory_space<hbm>> -> memref<1000xi32, #tpu.memory_space<hbm>>
      %dma_start3A_169 = tpu.memref_slice %arg4[%multiple_of3A_110] : memref<320000xi32, #tpu.memory_space<hbm>> -> memref<1000xi32, #tpu.memory_space<hbm>>
      tpu.enqueue_dma source(%dma_start3A_169 : memref<1000xi32, #tpu.memory_space<hbm>>) target(%arg8 : memref<1000xi32, #tpu.memory_space<vmem>>) target_semaphore(%run_scoped3A : memref<!tpu.dma_semaphore, #tpu.memory_space<semaphore_mem>>)
      %dma_wait3A_170 = tpu.memref_slice %arg4[%multiple_of3A_110] : memref<320000xi32, #tpu.memory_space<hbm>> -> memref<1000xi32, #tpu.memory_space<hbm>>
      %dma_wait3A_171 = tpu.memref_slice %arg4[%multiple_of3A_110] : memref<320000xi32, #tpu.memory_space<hbm>> -> memref<1000xi32, #tpu.memory_space<hbm>>
      tpu.wait_dma2 semaphore(%run_scoped3A : memref<!tpu.dma_semaphore, #tpu.memory_space<semaphore_mem>>) src(%dma_wait3A_171 : memref<1000xi32, #tpu.memory_space<hbm>>) dst(%arg8 : memref<1000xi32, #tpu.memory_space<vmem>>)
      tpu.yield
    }) : () -> ()
    %dma_start3A_111 = arith.constant 7000 : i32
    %dma_start3A_112 = tpu.memref_slice %arg6[%dma_start3A_111] : memref<10000xi32, #tpu.memory_space<vmem>> -> memref<1000xi32, #tpu.memory_space<vmem>>
    %dma_start3A_113 = arith.constant 0 : i32
    %dma_start3A_114 = arith.constant 0 : i32
    %dma_start3A_115 = tpu.memref_slice %arg2[%dma_start3A_113, %dma_start3A_114] : memref<10000x32xf32, #tpu.memory_space<hbm>> -> memref<10000x32xf32, #tpu.memory_space<hbm>>
    tpu.enqueue_indirect_dma source(%dma_start3A_115 : memref<10000x32xf32, #tpu.memory_space<hbm>>) target(%arg10 : memref<1000x32xf32, #tpu.memory_space<vmem>>) offsets(%dma_start3A_112 : memref<1000xi32, #tpu.memory_space<vmem>>) semaphore(%arg13 : memref<!tpu.dma_semaphore, #tpu.memory_space<semaphore_mem>>)
    %dma_wait3A_116 = arith.constant 6000 : i32
    %dma_wait3A_117 = tpu.memref_slice %arg6[%dma_wait3A_116] : memref<10000xi32, #tpu.memory_space<vmem>> -> memref<1000xi32, #tpu.memory_space<vmem>>
    %dma_wait3A_118 = arith.constant 0 : i32
    %dma_wait3A_119 = arith.constant 0 : i32
    %dma_wait3A_120 = tpu.memref_slice %arg2[%dma_wait3A_118, %dma_wait3A_119] : memref<10000x32xf32, #tpu.memory_space<hbm>> -> memref<10000x32xf32, #tpu.memory_space<hbm>>
    tpu.wait_indirect_dma semaphore(%arg12 : memref<!tpu.dma_semaphore, #tpu.memory_space<semaphore_mem>>) src(%dma_wait3A_120 : memref<10000x32xf32, #tpu.memory_space<hbm>>) dst(%arg9 : memref<1000x32xf32, #tpu.memory_space<vmem>>)
    "tpu.region"() ({
      %run_scoped3A = tpu.sem_alloc : memref<!tpu.dma_semaphore, #tpu.memory_space<semaphore_mem>>
      %dma_start3A_168 = arith.constant 0 : i32
      %dma_start3A_169 = arith.constant 0 : i32
      %dma_start3A_170 = tpu.memref_slice %arg11[%dma_start3A_168, %dma_start3A_169] : memref<10000x32xf32, #tpu.memory_space<vmem_shared>> -> memref<10000x32xf32, #tpu.memory_space<vmem_shared>>
      tpu.enqueue_indirect_dma source(%arg9 : memref<1000x32xf32, #tpu.memory_space<vmem>>) target(%dma_start3A_170 : memref<10000x32xf32, #tpu.memory_space<vmem_shared>>) offsets(%arg7 : memref<1000xi32, #tpu.memory_space<vmem>>) semaphore(%run_scoped3A : memref<!tpu.dma_semaphore, #tpu.memory_space<semaphore_mem>>) {add = true}
      %dma_wait3A_171 = arith.constant 0 : i32
      %dma_wait3A_172 = arith.constant 0 : i32
      %dma_wait3A_173 = tpu.memref_slice %arg11[%dma_wait3A_171, %dma_wait3A_172] : memref<10000x32xf32, #tpu.memory_space<vmem_shared>> -> memref<10000x32xf32, #tpu.memory_space<vmem_shared>>
      tpu.wait_indirect_dma semaphore(%run_scoped3A : memref<!tpu.dma_semaphore, #tpu.memory_space<semaphore_mem>>) src(%arg9 : memref<1000x32xf32, #tpu.memory_space<vmem>>) dst(%dma_wait3A_173 : memref<10000x32xf32, #tpu.memory_space<vmem_shared>>)
      tpu.yield
    }) : () -> ()
    %mul3A_121 = arith.constant 10000 : i32
    %mul3A_122 = arith.muli %add3A, %mul3A_121 : i32
    %add3A_123 = arith.constant 8000 : i32
    %add3A_124 = arith.addi %mul3A_122, %add3A_123 : i32
    %multiple_of3A_125 = tpu.assume_multiple %add3A_124, 8 : i32
    "tpu.region"() ({
      %run_scoped3A = tpu.sem_alloc : memref<!tpu.dma_semaphore, #tpu.memory_space<semaphore_mem>>
      %dma_start3A_168 = tpu.memref_slice %arg4[%multiple_of3A_125] : memref<320000xi32, #tpu.memory_space<hbm>> -> memref<1000xi32, #tpu.memory_space<hbm>>
      %dma_start3A_169 = tpu.memref_slice %arg4[%multiple_of3A_125] : memref<320000xi32, #tpu.memory_space<hbm>> -> memref<1000xi32, #tpu.memory_space<hbm>>
      tpu.enqueue_dma source(%dma_start3A_169 : memref<1000xi32, #tpu.memory_space<hbm>>) target(%arg7 : memref<1000xi32, #tpu.memory_space<vmem>>) target_semaphore(%run_scoped3A : memref<!tpu.dma_semaphore, #tpu.memory_space<semaphore_mem>>)
      %dma_wait3A_170 = tpu.memref_slice %arg4[%multiple_of3A_125] : memref<320000xi32, #tpu.memory_space<hbm>> -> memref<1000xi32, #tpu.memory_space<hbm>>
      %dma_wait3A_171 = tpu.memref_slice %arg4[%multiple_of3A_125] : memref<320000xi32, #tpu.memory_space<hbm>> -> memref<1000xi32, #tpu.memory_space<hbm>>
      tpu.wait_dma2 semaphore(%run_scoped3A : memref<!tpu.dma_semaphore, #tpu.memory_space<semaphore_mem>>) src(%dma_wait3A_171 : memref<1000xi32, #tpu.memory_space<hbm>>) dst(%arg7 : memref<1000xi32, #tpu.memory_space<vmem>>)
      tpu.yield
    }) : () -> ()
    %dma_start3A_126 = arith.constant 8000 : i32
    %dma_start3A_127 = tpu.memref_slice %arg6[%dma_start3A_126] : memref<10000xi32, #tpu.memory_space<vmem>> -> memref<1000xi32, #tpu.memory_space<vmem>>
    %dma_start3A_128 = arith.constant 0 : i32
    %dma_start3A_129 = arith.constant 0 : i32
    %dma_start3A_130 = tpu.memref_slice %arg2[%dma_start3A_128, %dma_start3A_129] : memref<10000x32xf32, #tpu.memory_space<hbm>> -> memref<10000x32xf32, #tpu.memory_space<hbm>>
    tpu.enqueue_indirect_dma source(%dma_start3A_130 : memref<10000x32xf32, #tpu.memory_space<hbm>>) target(%arg9 : memref<1000x32xf32, #tpu.memory_space<vmem>>) offsets(%dma_start3A_127 : memref<1000xi32, #tpu.memory_space<vmem>>) semaphore(%arg12 : memref<!tpu.dma_semaphore, #tpu.memory_space<semaphore_mem>>)
    %dma_wait3A_131 = arith.constant 7000 : i32
    %dma_wait3A_132 = tpu.memref_slice %arg6[%dma_wait3A_131] : memref<10000xi32, #tpu.memory_space<vmem>> -> memref<1000xi32, #tpu.memory_space<vmem>>
    %dma_wait3A_133 = arith.constant 0 : i32
    %dma_wait3A_134 = arith.constant 0 : i32
    %dma_wait3A_135 = tpu.memref_slice %arg2[%dma_wait3A_133, %dma_wait3A_134] : memref<10000x32xf32, #tpu.memory_space<hbm>> -> memref<10000x32xf32, #tpu.memory_space<hbm>>
    tpu.wait_indirect_dma semaphore(%arg13 : memref<!tpu.dma_semaphore, #tpu.memory_space<semaphore_mem>>) src(%dma_wait3A_135 : memref<10000x32xf32, #tpu.memory_space<hbm>>) dst(%arg10 : memref<1000x32xf32, #tpu.memory_space<vmem>>)
    "tpu.region"() ({
      %run_scoped3A = tpu.sem_alloc : memref<!tpu.dma_semaphore, #tpu.memory_space<semaphore_mem>>
      %dma_start3A_168 = arith.constant 0 : i32
      %dma_start3A_169 = arith.constant 0 : i32
      %dma_start3A_170 = tpu.memref_slice %arg11[%dma_start3A_168, %dma_start3A_169] : memref<10000x32xf32, #tpu.memory_space<vmem_shared>> -> memref<10000x32xf32, #tpu.memory_space<vmem_shared>>
      tpu.enqueue_indirect_dma source(%arg10 : memref<1000x32xf32, #tpu.memory_space<vmem>>) target(%dma_start3A_170 : memref<10000x32xf32, #tpu.memory_space<vmem_shared>>) offsets(%arg8 : memref<1000xi32, #tpu.memory_space<vmem>>) semaphore(%run_scoped3A : memref<!tpu.dma_semaphore, #tpu.memory_space<semaphore_mem>>) {add = true}
      %dma_wait3A_171 = arith.constant 0 : i32
      %dma_wait3A_172 = arith.constant 0 : i32
      %dma_wait3A_173 = tpu.memref_slice %arg11[%dma_wait3A_171, %dma_wait3A_172] : memref<10000x32xf32, #tpu.memory_space<vmem_shared>> -> memref<10000x32xf32, #tpu.memory_space<vmem_shared>>
      tpu.wait_indirect_dma semaphore(%run_scoped3A : memref<!tpu.dma_semaphore, #tpu.memory_space<semaphore_mem>>) src(%arg10 : memref<1000x32xf32, #tpu.memory_space<vmem>>) dst(%dma_wait3A_173 : memref<10000x32xf32, #tpu.memory_space<vmem_shared>>)
      tpu.yield
    }) : () -> ()
    %mul3A_136 = arith.constant 10000 : i32
    %mul3A_137 = arith.muli %add3A, %mul3A_136 : i32
    %add3A_138 = arith.constant 9000 : i32
    %add3A_139 = arith.addi %mul3A_137, %add3A_138 : i32
    %multiple_of3A_140 = tpu.assume_multiple %add3A_139, 8 : i32
    "tpu.region"() ({
      %run_scoped3A = tpu.sem_alloc : memref<!tpu.dma_semaphore, #tpu.memory_space<semaphore_mem>>
      %dma_start3A_168 = tpu.memref_slice %arg4[%multiple_of3A_140] : memref<320000xi32, #tpu.memory_space<hbm>> -> memref<1000xi32, #tpu.memory_space<hbm>>
      %dma_start3A_169 = tpu.memref_slice %arg4[%multiple_of3A_140] : memref<320000xi32, #tpu.memory_space<hbm>> -> memref<1000xi32, #tpu.memory_space<hbm>>
      tpu.enqueue_dma source(%dma_start3A_169 : memref<1000xi32, #tpu.memory_space<hbm>>) target(%arg8 : memref<1000xi32, #tpu.memory_space<vmem>>) target_semaphore(%run_scoped3A : memref<!tpu.dma_semaphore, #tpu.memory_space<semaphore_mem>>)
      %dma_wait3A_170 = tpu.memref_slice %arg4[%multiple_of3A_140] : memref<320000xi32, #tpu.memory_space<hbm>> -> memref<1000xi32, #tpu.memory_space<hbm>>
      %dma_wait3A_171 = tpu.memref_slice %arg4[%multiple_of3A_140] : memref<320000xi32, #tpu.memory_space<hbm>> -> memref<1000xi32, #tpu.memory_space<hbm>>
      tpu.wait_dma2 semaphore(%run_scoped3A : memref<!tpu.dma_semaphore, #tpu.memory_space<semaphore_mem>>) src(%dma_wait3A_171 : memref<1000xi32, #tpu.memory_space<hbm>>) dst(%arg8 : memref<1000xi32, #tpu.memory_space<vmem>>)
      tpu.yield
    }) : () -> ()
    %dma_start3A_141 = arith.constant 9000 : i32
    %dma_start3A_142 = tpu.memref_slice %arg6[%dma_start3A_141] : memref<10000xi32, #tpu.memory_space<vmem>> -> memref<1000xi32, #tpu.memory_space<vmem>>
    %dma_start3A_143 = arith.constant 0 : i32
    %dma_start3A_144 = arith.constant 0 : i32
    %dma_start3A_145 = tpu.memref_slice %arg2[%dma_start3A_143, %dma_start3A_144] : memref<10000x32xf32, #tpu.memory_space<hbm>> -> memref<10000x32xf32, #tpu.memory_space<hbm>>
    tpu.enqueue_indirect_dma source(%dma_start3A_145 : memref<10000x32xf32, #tpu.memory_space<hbm>>) target(%arg10 : memref<1000x32xf32, #tpu.memory_space<vmem>>) offsets(%dma_start3A_142 : memref<1000xi32, #tpu.memory_space<vmem>>) semaphore(%arg13 : memref<!tpu.dma_semaphore, #tpu.memory_space<semaphore_mem>>)
    %dma_wait3A_146 = arith.constant 8000 : i32
    %dma_wait3A_147 = tpu.memref_slice %arg6[%dma_wait3A_146] : memref<10000xi32, #tpu.memory_space<vmem>> -> memref<1000xi32, #tpu.memory_space<vmem>>
    %dma_wait3A_148 = arith.constant 0 : i32
    %dma_wait3A_149 = arith.constant 0 : i32
    %dma_wait3A_150 = tpu.memref_slice %arg2[%dma_wait3A_148, %dma_wait3A_149] : memref<10000x32xf32, #tpu.memory_space<hbm>> -> memref<10000x32xf32, #tpu.memory_space<hbm>>
    tpu.wait_indirect_dma semaphore(%arg12 : memref<!tpu.dma_semaphore, #tpu.memory_space<semaphore_mem>>) src(%dma_wait3A_150 : memref<10000x32xf32, #tpu.memory_space<hbm>>) dst(%arg9 : memref<1000x32xf32, #tpu.memory_space<vmem>>)
    "tpu.region"() ({
      %run_scoped3A = tpu.sem_alloc : memref<!tpu.dma_semaphore, #tpu.memory_space<semaphore_mem>>
      %dma_start3A_168 = arith.constant 0 : i32
      %dma_start3A_169 = arith.constant 0 : i32
      %dma_start3A_170 = tpu.memref_slice %arg11[%dma_start3A_168, %dma_start3A_169] : memref<10000x32xf32, #tpu.memory_space<vmem_shared>> -> memref<10000x32xf32, #tpu.memory_space<vmem_shared>>
      tpu.enqueue_indirect_dma source(%arg9 : memref<1000x32xf32, #tpu.memory_space<vmem>>) target(%dma_start3A_170 : memref<10000x32xf32, #tpu.memory_space<vmem_shared>>) offsets(%arg7 : memref<1000xi32, #tpu.memory_space<vmem>>) semaphore(%run_scoped3A : memref<!tpu.dma_semaphore, #tpu.memory_space<semaphore_mem>>) {add = true}
      %dma_wait3A_171 = arith.constant 0 : i32
      %dma_wait3A_172 = arith.constant 0 : i32
      %dma_wait3A_173 = tpu.memref_slice %arg11[%dma_wait3A_171, %dma_wait3A_172] : memref<10000x32xf32, #tpu.memory_space<vmem_shared>> -> memref<10000x32xf32, #tpu.memory_space<vmem_shared>>
      tpu.wait_indirect_dma semaphore(%run_scoped3A : memref<!tpu.dma_semaphore, #tpu.memory_space<semaphore_mem>>) src(%arg9 : memref<1000x32xf32, #tpu.memory_space<vmem>>) dst(%dma_wait3A_173 : memref<10000x32xf32, #tpu.memory_space<vmem_shared>>)
      tpu.yield
    }) : () -> ()
    %dma_wait3A_151 = arith.constant 9000 : i32
    %dma_wait3A_152 = tpu.memref_slice %arg6[%dma_wait3A_151] : memref<10000xi32, #tpu.memory_space<vmem>> -> memref<1000xi32, #tpu.memory_space<vmem>>
    %dma_wait3A_153 = arith.constant 0 : i32
    %dma_wait3A_154 = arith.constant 0 : i32
    %dma_wait3A_155 = tpu.memref_slice %arg2[%dma_wait3A_153, %dma_wait3A_154] : memref<10000x32xf32, #tpu.memory_space<hbm>> -> memref<10000x32xf32, #tpu.memory_space<hbm>>
    tpu.wait_indirect_dma semaphore(%arg13 : memref<!tpu.dma_semaphore, #tpu.memory_space<semaphore_mem>>) src(%dma_wait3A_155 : memref<10000x32xf32, #tpu.memory_space<hbm>>) dst(%arg10 : memref<1000x32xf32, #tpu.memory_space<vmem>>)
    "tpu.region"() ({
      %run_scoped3A = tpu.sem_alloc : memref<!tpu.dma_semaphore, #tpu.memory_space<semaphore_mem>>
      %dma_start3A_168 = arith.constant 0 : i32
      %dma_start3A_169 = arith.constant 0 : i32
      %dma_start3A_170 = tpu.memref_slice %arg11[%dma_start3A_168, %dma_start3A_169] : memref<10000x32xf32, #tpu.memory_space<vmem_shared>> -> memref<10000x32xf32, #tpu.memory_space<vmem_shared>>
      tpu.enqueue_indirect_dma source(%arg10 : memref<1000x32xf32, #tpu.memory_space<vmem>>) target(%dma_start3A_170 : memref<10000x32xf32, #tpu.memory_space<vmem_shared>>) offsets(%arg8 : memref<1000xi32, #tpu.memory_space<vmem>>) semaphore(%run_scoped3A : memref<!tpu.dma_semaphore, #tpu.memory_space<semaphore_mem>>) {add = true}
      %dma_wait3A_171 = arith.constant 0 : i32
      %dma_wait3A_172 = arith.constant 0 : i32
      %dma_wait3A_173 = tpu.memref_slice %arg11[%dma_wait3A_171, %dma_wait3A_172] : memref<10000x32xf32, #tpu.memory_space<vmem_shared>> -> memref<10000x32xf32, #tpu.memory_space<vmem_shared>>
      tpu.wait_indirect_dma semaphore(%run_scoped3A : memref<!tpu.dma_semaphore, #tpu.memory_space<semaphore_mem>>) src(%arg10 : memref<1000x32xf32, #tpu.memory_space<vmem>>) dst(%dma_wait3A_173 : memref<10000x32xf32, #tpu.memory_space<vmem_shared>>)
      tpu.yield
    }) : () -> ()
    %barrier3A_156 = arith.constant 0 : index
    tpu.barrier barrier_id(%barrier3A_156)
    %mul3A_157 = arith.constant 10000 : i32
    %mul3A_158 = arith.muli %arg0, %mul3A_157 : i32
    %mul3A_159 = arith.constant 624 : i32
    %mul3A_160 = arith.muli %arg1, %mul3A_159 : i32
    %add3A_161 = arith.addi %mul3A_158, %mul3A_160 : i32
    %multiple_of3A_162 = tpu.assume_multiple %add3A_161, 8 : i32
    "tpu.region"() ({
      %run_scoped3A = tpu.sem_alloc : memref<!tpu.dma_semaphore, #tpu.memory_space<semaphore_mem>>
      %dma_start3A_168 = arith.constant 0 : i32
      %dma_start3A_169 = tpu.memref_slice %arg5[%multiple_of3A_162, %dma_start3A_168] : memref<20000x32xf32, #tpu.memory_space<hbm>> -> memref<624x32xf32, #tpu.memory_space<hbm>>
      %dma_start3A_170 = arith.constant 0 : i32
      %dma_start3A_171 = tpu.memref_slice %arg11[%multiple_of3A_14, %dma_start3A_170] : memref<10000x32xf32, #tpu.memory_space<vmem_shared>> -> memref<624x32xf32, #tpu.memory_space<vmem_shared>>
      tpu.enqueue_dma source(%dma_start3A_171 : memref<624x32xf32, #tpu.memory_space<vmem_shared>>) target(%dma_start3A_169 : memref<624x32xf32, #tpu.memory_space<hbm>>) target_semaphore(%run_scoped3A : memref<!tpu.dma_semaphore, #tpu.memory_space<semaphore_mem>>)
      %dma_wait3A_172 = arith.constant 0 : i32
      %dma_wait3A_173 = tpu.memref_slice %arg5[%multiple_of3A_162, %dma_wait3A_172] : memref<20000x32xf32, #tpu.memory_space<hbm>> -> memref<624x32xf32, #tpu.memory_space<hbm>>
      %dma_wait3A_174 = arith.constant 0 : i32
      %dma_wait3A_175 = tpu.memref_slice %arg11[%multiple_of3A_14, %dma_wait3A_174] : memref<10000x32xf32, #tpu.memory_space<vmem_shared>> -> memref<624x32xf32, #tpu.memory_space<vmem_shared>>
      tpu.wait_dma2 semaphore(%run_scoped3A : memref<!tpu.dma_semaphore, #tpu.memory_space<semaphore_mem>>) src(%dma_wait3A_175 : memref<624x32xf32, #tpu.memory_space<vmem_shared>>) dst(%dma_wait3A_173 : memref<624x32xf32, #tpu.memory_space<hbm>>)
      tpu.yield
    }) : () -> ()
    %eq3A_163 = arith.constant 15 : i32
    %eq3A_164 = arith.cmpi eq, %arg1, %eq3A_163 : i32
    %convert_element_type3A_165 = arith.extui %eq3A_164 : i1 to i32
    %cond3A_166 = arith.constant 0 : i32
    %cond3A_167 = arith.cmpi ne, %convert_element_type3A_165, %cond3A_166 : i32
    scf.if %cond3A_167 {
      %mul3A_168 = arith.constant 10000 : i32
      %mul3A_169 = arith.muli %arg0, %mul3A_168 : i32
      %add3A_170 = arith.constant 9984 : i32
      %add3A_171 = arith.addi %mul3A_169, %add3A_170 : i32
      %multiple_of3A_172 = tpu.assume_multiple %add3A_171, 8 : i32
      "tpu.region"() ({
        %run_scoped3A = tpu.sem_alloc : memref<!tpu.dma_semaphore, #tpu.memory_space<semaphore_mem>>
        %dma_start3A_173 = arith.constant 0 : i32
        %dma_start3A_174 = tpu.memref_slice %arg5[%multiple_of3A_172, %dma_start3A_173] : memref<20000x32xf32, #tpu.memory_space<hbm>> -> memref<16x32xf32, #tpu.memory_space<hbm>>
        %dma_start3A_175 = arith.constant 9984 : i32
        %dma_start3A_176 = arith.constant 0 : i32
        %dma_start3A_177 = tpu.memref_slice %arg11[%dma_start3A_175, %dma_start3A_176] : memref<10000x32xf32, #tpu.memory_space<vmem_shared>> -> memref<16x32xf32, #tpu.memory_space<vmem_shared>>
        tpu.enqueue_dma source(%dma_start3A_177 : memref<16x32xf32, #tpu.memory_space<vmem_shared>>) target(%dma_start3A_174 : memref<16x32xf32, #tpu.memory_space<hbm>>) target_semaphore(%run_scoped3A : memref<!tpu.dma_semaphore, #tpu.memory_space<semaphore_mem>>)
        %dma_wait3A_178 = arith.constant 0 : i32
        %dma_wait3A_179 = tpu.memref_slice %arg5[%multiple_of3A_172, %dma_wait3A_178] : memref<20000x32xf32, #tpu.memory_space<hbm>> -> memref<16x32xf32, #tpu.memory_space<hbm>>
        %dma_wait3A_180 = arith.constant 9984 : i32
        %dma_wait3A_181 = arith.constant 0 : i32
        %dma_wait3A_182 = tpu.memref_slice %arg11[%dma_wait3A_180, %dma_wait3A_181] : memref<10000x32xf32, #tpu.memory_space<vmem_shared>> -> memref<16x32xf32, #tpu.memory_space<vmem_shared>>
        tpu.wait_dma2 semaphore(%run_scoped3A : memref<!tpu.dma_semaphore, #tpu.memory_space<semaphore_mem>>) src(%dma_wait3A_182 : memref<16x32xf32, #tpu.memory_space<vmem_shared>>) dst(%dma_wait3A_179 : memref<16x32xf32, #tpu.memory_space<hbm>>)
        tpu.yield
      }) : () -> ()
    } else {
    }
    return
  }
}

module attributes {stable_mosaic.version = 14 : i64} {
  func.func @body(%arg0: i32, %arg1: memref<1000x128xf32, #tpu.memory_space<vmem>>, %arg2: memref<128x30xf32, #tpu.memory_space<vmem>>, %arg3: memref<1000x1xf32, #tpu.memory_space<vmem>>, %arg4: memref<1000x1xf32, #tpu.memory_space<vmem>>, %arg5: memref<1000x32xf32, #tpu.memory_space<vmem>>, %arg6: memref<128x32xf32, #tpu.memory_space<vmem>>) attributes {dimension_semantics = [#tpu.dimension_semantics<arbitrary>], iteration_bounds = array<i64: 10>, scalar_prefetch = 0 : i64, scratch_operands = 1 : i64, tpu.core_type = #tpu.core_type<tc>, window_params = [{transform_indices = @transform_0, window_bounds = array<i64: 1000, 128>}, {pipeline_mode = #tpu.pipeline_mode<synchronous>, transform_indices = @transform_1, window_bounds = array<i64: 128, 30>}, {transform_indices = @transform_2, window_bounds = array<i64: 1000, 1>}, {transform_indices = @transform_3, window_bounds = array<i64: 1000, 1>}, {transform_indices = @transform_4, window_bounds = array<i64: 1000, 32>}]} {
    %broadcast_in_dim3A = arith.constant 0.000000e+00 : f32
    %broadcast_in_dim3A_0 = vector.broadcast %broadcast_in_dim3A : f32 to vector<128x32xf32>
    %swap3A = arith.constant 0 : index
    %swap3A_1 = arith.constant 0 : index
    %swap3A_2 = vector.load %arg6[%swap3A, %swap3A_1] : memref<128x32xf32, #tpu.memory_space<vmem>>, vector<128x32xf32>
    tpu.vector_store %arg6[%swap3A, %swap3A_1], %broadcast_in_dim3A_0 {strides = array<i32>} : memref<128x32xf32, #tpu.memory_space<vmem>>, vector<128x32xf32>,
    %get3A = arith.constant 0 : index
    %get3A_3 = arith.constant 0 : index
    %get3A_4 = vector.load %arg2[%get3A, %get3A_3] : memref<128x30xf32, #tpu.memory_space<vmem>>, vector<128x30xf32>
    %swap3A_5 = arith.constant 0 : index
    %swap3A_6 = arith.constant 0 : index
    %swap3A_7 = vector.load %arg6[%swap3A_5, %swap3A_6] : memref<128x32xf32, #tpu.memory_space<vmem>>, vector<128x30xf32>
    tpu.vector_store %arg6[%swap3A_5, %swap3A_6], %get3A_4 {strides = array<i32>} : memref<128x32xf32, #tpu.memory_space<vmem>>, vector<128x30xf32>,
    %get3A_8 = arith.constant 0 : index
    %get3A_9 = arith.constant 0 : index
    %get3A_10 = vector.load %arg3[%get3A_8, %get3A_9] : memref<1000x1xf32, #tpu.memory_space<vmem>>, vector<1000x1xf32>
    %get3A_11 = arith.constant 0 : index
    %get3A_12 = arith.constant 0 : index
    %get3A_13 = vector.load %arg4[%get3A_11, %get3A_12] : memref<1000x1xf32, #tpu.memory_space<vmem>>, vector<1000x1xf32>
    %add3A = arith.addf %get3A_10, %get3A_13 : vector<1000x1xf32>
    %sub3A = arith.constant 1.000000e+00 : f32
    %sub3A_14 = vector.broadcast %sub3A : f32 to vector<1000x1xf32>
    %sub3A_15 = arith.subf %add3A, %sub3A_14 : vector<1000x1xf32>
    %sqrt3A = math.sqrt %sub3A_15 : vector<1000x1xf32>
    %div3A = arith.constant 1.000000e+00 : f32
    %div3A_16 = vector.broadcast %div3A : f32 to vector<1000x1xf32>
    %div3A_17 = arith.divf %div3A_16, %sqrt3A : vector<1000x1xf32>
    %get3A_18 = arith.constant 0 : index
    %get3A_19 = arith.constant 0 : index
    %get3A_20 = vector.load %arg1[%get3A_18, %get3A_19] : memref<1000x128xf32, #tpu.memory_space<vmem>>, vector<1000x128xf32>
    %get3A_21 = arith.constant 0 : index
    %get3A_22 = arith.constant 0 : index
    %get3A_23 = vector.load %arg6[%get3A_21, %get3A_22] : memref<128x32xf32, #tpu.memory_space<vmem>>, vector<128x32xf32>
    %convert_element_type3A = arith.truncf %get3A_20 : vector<1000x128xf32> to vector<1000x128xbf16>
    %convert_element_type3A_24 = arith.truncf %get3A_23 : vector<128x32xf32> to vector<128x32xbf16>
    %dot_general3A = arith.constant dense<0.000000e+00> : vector<1000x32xf32>
    %dot_general3A_25 = tpu.matmul %convert_element_type3A, %convert_element_type3A_24, %dot_general3A {dimension_numbers = #tpu.dot_dimension_numbers<[1], [0], [0], [1], [0, 0, 1, 1], [], []>, transpose_lhs_hint = false} : vector<1000x128xbf16>, vector<128x32xbf16>, vector<1000x32xf32> -> vector<1000x32xf32>
    %mul3A = vector.broadcast %div3A_17 : vector<1000x1xf32> to vector<1000x32xf32>
    %mul3A_26 = arith.mulf %mul3A, %dot_general3A_25 : vector<1000x32xf32>
    %swap3A_27 = arith.constant 0 : index
    %swap3A_28 = arith.constant 0 : index
    %swap3A_29 = vector.load %arg5[%swap3A_27, %swap3A_28] : memref<1000x32xf32, #tpu.memory_space<vmem>>, vector<1000x32xf32>
    tpu.vector_store %arg5[%swap3A_27, %swap3A_28], %mul3A_26 {strides = array<i32>} : memref<1000x32xf32, #tpu.memory_space<vmem>>, vector<1000x32xf32>,
    return
  }
  func.func @transform_0(%arg0: i32) -> (i32, i32) {
    %c0_i32 = arith.constant 0 : i32
    %c0_i32_0 = arith.constant 0 : i32
    return %arg0, %c0_i32 : i32, i32
  }
  func.func @transform_1(%arg0: i32) -> (i32, i32) {
    %c0_i32 = arith.constant 0 : i32
    %c0_i32_0 = arith.constant 0 : i32
    %c0_i32_1 = arith.constant 0 : i32
    return %c0_i32, %c0_i32_0 : i32, i32
  }
  func.func @transform_2(%arg0: i32) -> (i32, i32) {
    %c0_i32 = arith.constant 0 : i32
    %c0_i32_0 = arith.constant 0 : i32
    return %arg0, %c0_i32 : i32, i32
  }
  func.func @transform_3(%arg0: i32) -> (i32, i32) {
    %c0_i32 = arith.constant 0 : i32
    %c0_i32_0 = arith.constant 0 : i32
    return %arg0, %c0_i32 : i32, i32
  }
  func.func @transform_4(%arg0: i32) -> (i32, i32) {
    %c0_i32 = arith.constant 0 : i32
    %c0_i32_0 = arith.constant 0 : i32
    return %arg0, %c0_i32 : i32, i32
  }
}

module attributes {stable_mosaic.version = 14 : i64} {
  func.func @body(%arg0: i32, %arg1: memref<1000x32xf32, #tpu.memory_space<vmem>>, %arg2: memref<1000x32xf32, #tpu.memory_space<vmem>>, %arg3: memref<1000x32xf32, #tpu.memory_space<vmem>>, %arg4: memref<1000x1xf32, #tpu.memory_space<vmem>>, %arg5: memref<1000x1xf32, #tpu.memory_space<vmem>>, %arg6: memref<30xf32, #tpu.memory_space<vmem>>, %arg7: memref<30x30xf32, #tpu.memory_space<vmem>>, %arg8: memref<1000x32xf32, #tpu.memory_space<vmem>>, %arg9: memref<32x32xf32, #tpu.memory_space<vmem>>, %arg10: memref<1x32xf32, #tpu.memory_space<vmem>>) attributes {dimension_semantics = [#tpu.dimension_semantics<arbitrary>], iteration_bounds = array<i64: 10>, scalar_prefetch = 0 : i64, scratch_operands = 2 : i64, tpu.core_type = #tpu.core_type<tc>, window_params = [{transform_indices = @transform_0, window_bounds = array<i64: 1000, 32>}, {transform_indices = @transform_1, window_bounds = array<i64: 1000, 32>}, {transform_indices = @transform_2, window_bounds = array<i64: 1000, 32>}, {transform_indices = @transform_3, window_bounds = array<i64: 1000, 1>}, {transform_indices = @transform_4, window_bounds = array<i64: 1000, 1>}, {pipeline_mode = #tpu.pipeline_mode<synchronous>, transform_indices = @transform_5, window_bounds = array<i64: 30>}, {pipeline_mode = #tpu.pipeline_mode<synchronous>, transform_indices = @transform_6, window_bounds = array<i64: 30, 30>}, {transform_indices = @transform_7, window_bounds = array<i64: 1000, 32>}]} {
    %broadcast_in_dim3A = arith.constant 0.000000e+00 : f32
    %broadcast_in_dim3A_0 = vector.broadcast %broadcast_in_dim3A : f32 to vector<32x32xf32>
    %swap3A = arith.constant 0 : index
    %swap3A_1 = arith.constant 0 : index
    %swap3A_2 = vector.load %arg9[%swap3A, %swap3A_1] : memref<32x32xf32, #tpu.memory_space<vmem>>, vector<32x32xf32>
    tpu.vector_store %arg9[%swap3A, %swap3A_1], %broadcast_in_dim3A_0 {strides = array<i32>} : memref<32x32xf32, #tpu.memory_space<vmem>>, vector<32x32xf32>,
    %get3A = arith.constant 0 : index
    %get3A_3 = arith.constant 0 : index
    %get3A_4 = vector.load %arg7[%get3A, %get3A_3] : memref<30x30xf32, #tpu.memory_space<vmem>>, vector<30x30xf32>
    %swap3A_5 = arith.constant 0 : index
    %swap3A_6 = arith.constant 0 : index
    %swap3A_7 = vector.load %arg9[%swap3A_5, %swap3A_6] : memref<32x32xf32, #tpu.memory_space<vmem>>, vector<30x30xf32>
    tpu.vector_store %arg9[%swap3A_5, %swap3A_6], %get3A_4 {strides = array<i32>} : memref<32x32xf32, #tpu.memory_space<vmem>>, vector<30x30xf32>,
    %broadcast_in_dim3A_8 = arith.constant 0.000000e+00 : f32
    %broadcast_in_dim3A_9 = vector.broadcast %broadcast_in_dim3A_8 : f32 to vector<1x32xf32>
    %swap3A_10 = arith.constant 0 : index
    %swap3A_11 = arith.constant 0 : index
    %swap3A_12 = vector.load %arg10[%swap3A_10, %swap3A_11] : memref<1x32xf32, #tpu.memory_space<vmem>>, vector<1x32xf32>
    tpu.vector_store %arg10[%swap3A_10, %swap3A_11], %broadcast_in_dim3A_9 {strides = array<i32>} : memref<1x32xf32, #tpu.memory_space<vmem>>, vector<1x32xf32>,
    %get3A_13 = arith.constant 0 : index
    %get3A_14 = vector.load %arg6[%get3A_13] : memref<30xf32, #tpu.memory_space<vmem>>, vector<30xf32>
    %reshape3A = vector.shape_cast %get3A_14 : vector<30xf32> to vector<1x30xf32>
    %swap3A_15 = arith.constant 0 : index
    %swap3A_16 = arith.constant 0 : index
    %swap3A_17 = vector.load %arg10[%swap3A_15, %swap3A_16] : memref<1x32xf32, #tpu.memory_space<vmem>>, vector<1x30xf32>
    tpu.vector_store %arg10[%swap3A_15, %swap3A_16], %reshape3A {strides = array<i32>} : memref<1x32xf32, #tpu.memory_space<vmem>>, vector<1x30xf32>,
    %get3A_18 = arith.constant 0 : index
    %get3A_19 = arith.constant 0 : index
    %get3A_20 = vector.load %arg4[%get3A_18, %get3A_19] : memref<1000x1xf32, #tpu.memory_space<vmem>>, vector<1000x1xf32>
    %get3A_21 = arith.constant 0 : index
    %get3A_22 = arith.constant 0 : index
    %get3A_23 = vector.load %arg5[%get3A_21, %get3A_22] : memref<1000x1xf32, #tpu.memory_space<vmem>>, vector<1000x1xf32>
    %add3A = arith.addf %get3A_20, %get3A_23 : vector<1000x1xf32>
    %sub3A = arith.constant 1.000000e+00 : f32
    %sub3A_24 = vector.broadcast %sub3A : f32 to vector<1000x1xf32>
    %sub3A_25 = arith.subf %add3A, %sub3A_24 : vector<1000x1xf32>
    %sqrt3A = math.sqrt %sub3A_25 : vector<1000x1xf32>
    %div3A = arith.constant 1.000000e+00 : f32
    %div3A_26 = vector.broadcast %div3A : f32 to vector<1000x1xf32>
    %div3A_27 = arith.divf %div3A_26, %sqrt3A : vector<1000x1xf32>
    %get3A_28 = arith.constant 0 : index
    %get3A_29 = arith.constant 0 : index
    %get3A_30 = vector.load %arg1[%get3A_28, %get3A_29] : memref<1000x32xf32, #tpu.memory_space<vmem>>, vector<1000x32xf32>
    %get3A_31 = arith.constant 0 : index
    %get3A_32 = arith.constant 0 : index
    %get3A_33 = vector.load %arg2[%get3A_31, %get3A_32] : memref<1000x32xf32, #tpu.memory_space<vmem>>, vector<1000x32xf32>
    %add3A_34 = arith.addf %get3A_30, %get3A_33 : vector<1000x32xf32>
    %get3A_35 = arith.constant 0 : index
    %get3A_36 = arith.constant 0 : index
    %get3A_37 = vector.load %arg3[%get3A_35, %get3A_36] : memref<1000x32xf32, #tpu.memory_space<vmem>>, vector<1000x32xf32>
    %sub3A_38 = arith.subf %add3A_34, %get3A_37 : vector<1000x32xf32>
    %mul3A = vector.broadcast %div3A_27 : vector<1000x1xf32> to vector<1000x32xf32>
    %mul3A_39 = arith.mulf %mul3A, %sub3A_38 : vector<1000x32xf32>
    %get3A_40 = arith.constant 0 : index
    %get3A_41 = arith.constant 0 : index
    %get3A_42 = vector.load %arg10[%get3A_40, %get3A_41] : memref<1x32xf32, #tpu.memory_space<vmem>>, vector<1x32xf32>
    %add3A_43 = vector.broadcast %get3A_42 : vector<1x32xf32> to vector<1000x32xf32>
    %add3A_44 = arith.addf %mul3A_39, %add3A_43 : vector<1000x32xf32>
    %max3A = arith.constant 0.000000e+00 : f32
    %max3A_45 = vector.broadcast %max3A : f32 to vector<1000x32xf32>
    %max3A_46 = arith.maximumf %add3A_44, %max3A_45 : vector<1000x32xf32>
    %get3A_47 = arith.constant 0 : index
    %get3A_48 = arith.constant 0 : index
    %get3A_49 = vector.load %arg9[%get3A_47, %get3A_48] : memref<32x32xf32, #tpu.memory_space<vmem>>, vector<32x32xf32>
    %convert_element_type3A = arith.truncf %max3A_46 : vector<1000x32xf32> to vector<1000x32xbf16>
    %convert_element_type3A_50 = arith.truncf %get3A_49 : vector<32x32xf32> to vector<32x32xbf16>
    %dot_general3A = arith.constant dense<0.000000e+00> : vector<1000x32xf32>
    %dot_general3A_51 = tpu.matmul %convert_element_type3A, %convert_element_type3A_50, %dot_general3A {dimension_numbers = #tpu.dot_dimension_numbers<[1], [0], [0], [1], [0, 0, 1, 1], [], []>, transpose_lhs_hint = false} : vector<1000x32xbf16>, vector<32x32xbf16>, vector<1000x32xf32> -> vector<1000x32xf32>
    %mul3A_52 = vector.broadcast %div3A_27 : vector<1000x1xf32> to vector<1000x32xf32>
    %mul3A_53 = arith.mulf %mul3A_52, %dot_general3A_51 : vector<1000x32xf32>
    %swap3A_54 = arith.constant 0 : index
    %swap3A_55 = arith.constant 0 : index
    %swap3A_56 = vector.load %arg8[%swap3A_54, %swap3A_55] : memref<1000x32xf32, #tpu.memory_space<vmem>>, vector<1000x32xf32>
    tpu.vector_store %arg8[%swap3A_54, %swap3A_55], %mul3A_53 {strides = array<i32>} : memref<1000x32xf32, #tpu.memory_space<vmem>>, vector<1000x32xf32>,
    return
  }
  func.func @transform_0(%arg0: i32) -> (i32, i32) {
    %c0_i32 = arith.constant 0 : i32
    %c0_i32_0 = arith.constant 0 : i32
    return %arg0, %c0_i32 : i32, i32
  }
  func.func @transform_1(%arg0: i32) -> (i32, i32) {
    %add3A = arith.constant 10 : i32
    %add3A_0 = arith.addi %arg0, %add3A : i32
    %c0_i32 = arith.constant 0 : i32
    %c0_i32_1 = arith.constant 0 : i32
    return %add3A_0, %c0_i32 : i32, i32
  }
  func.func @transform_2(%arg0: i32) -> (i32, i32) {
    %c0_i32 = arith.constant 0 : i32
    %c0_i32_0 = arith.constant 0 : i32
    return %arg0, %c0_i32 : i32, i32
  }
  func.func @transform_3(%arg0: i32) -> (i32, i32) {
    %c0_i32 = arith.constant 0 : i32
    %c0_i32_0 = arith.constant 0 : i32
    return %arg0, %c0_i32 : i32, i32
  }
  func.func @transform_4(%arg0: i32) -> (i32, i32) {
    %c0_i32 = arith.constant 0 : i32
    %c0_i32_0 = arith.constant 0 : i32
    return %arg0, %c0_i32 : i32, i32
  }
  func.func @transform_5(%arg0: i32) -> i32 {
    %c0_i32 = arith.constant 0 : i32
    %c0_i32_0 = arith.constant 0 : i32
    return %c0_i32 : i32
  }
  func.func @transform_6(%arg0: i32) -> (i32, i32) {
    %c0_i32 = arith.constant 0 : i32
    %c0_i32_0 = arith.constant 0 : i32
    %c0_i32_1 = arith.constant 0 : i32
    return %c0_i32, %c0_i32_0 : i32, i32
  }
  func.func @transform_7(%arg0: i32) -> (i32, i32) {
    %c0_i32 = arith.constant 0 : i32
    %c0_i32_0 = arith.constant 0 : i32
    return %arg0, %c0_i32 : i32, i32
  }
}

module attributes {stable_mosaic.version = 14 : i64} {
  func.func @body(%arg0: i32, %arg1: memref<1000x32xf32, #tpu.memory_space<vmem>>, %arg2: memref<1000x32xf32, #tpu.memory_space<vmem>>, %arg3: memref<1000x32xf32, #tpu.memory_space<vmem>>, %arg4: memref<1000x1xf32, #tpu.memory_space<vmem>>, %arg5: memref<1000x1xf32, #tpu.memory_space<vmem>>, %arg6: memref<30xf32, #tpu.memory_space<vmem>>, %arg7: memref<30x2xf32, #tpu.memory_space<vmem>>, %arg8: memref<2xf32, #tpu.memory_space<vmem>>, %arg9: memref<1000x2xf32, #tpu.memory_space<vmem>>, %arg10: memref<32x16xf32, #tpu.memory_space<vmem>>, %arg11: memref<1x32xf32, #tpu.memory_space<vmem>>, %arg12: memref<1x16xf32, #tpu.memory_space<vmem>>) attributes {dimension_semantics = [#tpu.dimension_semantics<arbitrary>], iteration_bounds = array<i64: 10>, scalar_prefetch = 0 : i64, scratch_operands = 3 : i64, tpu.core_type = #tpu.core_type<tc>, window_params = [{transform_indices = @transform_0, window_bounds = array<i64: 1000, 32>}, {transform_indices = @transform_1, window_bounds = array<i64: 1000, 32>}, {transform_indices = @transform_2, window_bounds = array<i64: 1000, 32>}, {transform_indices = @transform_3, window_bounds = array<i64: 1000, 1>}, {transform_indices = @transform_4, window_bounds = array<i64: 1000, 1>}, {pipeline_mode = #tpu.pipeline_mode<synchronous>, transform_indices = @transform_5, window_bounds = array<i64: 30>}, {pipeline_mode = #tpu.pipeline_mode<synchronous>, transform_indices = @transform_6, window_bounds = array<i64: 30, 2>}, {pipeline_mode = #tpu.pipeline_mode<synchronous>, transform_indices = @transform_7, window_bounds = array<i64: 2>}, {transform_indices = @transform_8, window_bounds = array<i64: 1000, 2>}]} {
    %broadcast_in_dim3A = arith.constant 0.000000e+00 : f32
    %broadcast_in_dim3A_0 = vector.broadcast %broadcast_in_dim3A : f32 to vector<32x16xf32>
    %swap3A = arith.constant 0 : index
    %swap3A_1 = arith.constant 0 : index
    %swap3A_2 = vector.load %arg10[%swap3A, %swap3A_1] : memref<32x16xf32, #tpu.memory_space<vmem>>, vector<32x16xf32>
    tpu.vector_store %arg10[%swap3A, %swap3A_1], %broadcast_in_dim3A_0 {strides = array<i32>} : memref<32x16xf32, #tpu.memory_space<vmem>>, vector<32x16xf32>,
    %get3A = arith.constant 0 : index
    %get3A_3 = arith.constant 0 : index
    %get3A_4 = vector.load %arg7[%get3A, %get3A_3] : memref<30x2xf32, #tpu.memory_space<vmem>>, vector<30x2xf32>
    %swap3A_5 = arith.constant 0 : index
    %swap3A_6 = arith.constant 0 : index
    %swap3A_7 = vector.load %arg10[%swap3A_5, %swap3A_6] : memref<32x16xf32, #tpu.memory_space<vmem>>, vector<30x2xf32>
    tpu.vector_store %arg10[%swap3A_5, %swap3A_6], %get3A_4 {strides = array<i32>} : memref<32x16xf32, #tpu.memory_space<vmem>>, vector<30x2xf32>,
    %broadcast_in_dim3A_8 = arith.constant 0.000000e+00 : f32
    %broadcast_in_dim3A_9 = vector.broadcast %broadcast_in_dim3A_8 : f32 to vector<1x32xf32>
    %swap3A_10 = arith.constant 0 : index
    %swap3A_11 = arith.constant 0 : index
    %swap3A_12 = vector.load %arg11[%swap3A_10, %swap3A_11] : memref<1x32xf32, #tpu.memory_space<vmem>>, vector<1x32xf32>
    tpu.vector_store %arg11[%swap3A_10, %swap3A_11], %broadcast_in_dim3A_9 {strides = array<i32>} : memref<1x32xf32, #tpu.memory_space<vmem>>, vector<1x32xf32>,
    %get3A_13 = arith.constant 0 : index
    %get3A_14 = vector.load %arg6[%get3A_13] : memref<30xf32, #tpu.memory_space<vmem>>, vector<30xf32>
    %reshape3A = vector.shape_cast %get3A_14 : vector<30xf32> to vector<1x30xf32>
    %swap3A_15 = arith.constant 0 : index
    %swap3A_16 = arith.constant 0 : index
    %swap3A_17 = vector.load %arg11[%swap3A_15, %swap3A_16] : memref<1x32xf32, #tpu.memory_space<vmem>>, vector<1x30xf32>
    tpu.vector_store %arg11[%swap3A_15, %swap3A_16], %reshape3A {strides = array<i32>} : memref<1x32xf32, #tpu.memory_space<vmem>>, vector<1x30xf32>,
    %broadcast_in_dim3A_18 = arith.constant 0.000000e+00 : f32
    %broadcast_in_dim3A_19 = vector.broadcast %broadcast_in_dim3A_18 : f32 to vector<1x16xf32>
    %swap3A_20 = arith.constant 0 : index
    %swap3A_21 = arith.constant 0 : index
    %swap3A_22 = vector.load %arg12[%swap3A_20, %swap3A_21] : memref<1x16xf32, #tpu.memory_space<vmem>>, vector<1x16xf32>
    tpu.vector_store %arg12[%swap3A_20, %swap3A_21], %broadcast_in_dim3A_19 {strides = array<i32>} : memref<1x16xf32, #tpu.memory_space<vmem>>, vector<1x16xf32>,
    %get3A_23 = arith.constant 0 : index
    %get3A_24 = vector.load %arg8[%get3A_23] : memref<2xf32, #tpu.memory_space<vmem>>, vector<2xf32>
    %reshape3A_25 = vector.shape_cast %get3A_24 : vector<2xf32> to vector<1x2xf32>
    %swap3A_26 = arith.constant 0 : index
    %swap3A_27 = arith.constant 0 : index
    %swap3A_28 = vector.load %arg12[%swap3A_26, %swap3A_27] : memref<1x16xf32, #tpu.memory_space<vmem>>, vector<1x2xf32>
    tpu.vector_store %arg12[%swap3A_26, %swap3A_27], %reshape3A_25 {strides = array<i32>} : memref<1x16xf32, #tpu.memory_space<vmem>>, vector<1x2xf32>,
    %get3A_29 = arith.constant 0 : index
    %get3A_30 = arith.constant 0 : index
    %get3A_31 = vector.load %arg4[%get3A_29, %get3A_30] : memref<1000x1xf32, #tpu.memory_space<vmem>>, vector<1000x1xf32>
    %get3A_32 = arith.constant 0 : index
    %get3A_33 = arith.constant 0 : index
    %get3A_34 = vector.load %arg5[%get3A_32, %get3A_33] : memref<1000x1xf32, #tpu.memory_space<vmem>>, vector<1000x1xf32>
    %add3A = arith.addf %get3A_31, %get3A_34 : vector<1000x1xf32>
    %sub3A = arith.constant 1.000000e+00 : f32
    %sub3A_35 = vector.broadcast %sub3A : f32 to vector<1000x1xf32>
    %sub3A_36 = arith.subf %add3A, %sub3A_35 : vector<1000x1xf32>
    %sqrt3A = math.sqrt %sub3A_36 : vector<1000x1xf32>
    %div3A = arith.constant 1.000000e+00 : f32
    %div3A_37 = vector.broadcast %div3A : f32 to vector<1000x1xf32>
    %div3A_38 = arith.divf %div3A_37, %sqrt3A : vector<1000x1xf32>
    %get3A_39 = arith.constant 0 : index
    %get3A_40 = arith.constant 0 : index
    %get3A_41 = vector.load %arg1[%get3A_39, %get3A_40] : memref<1000x32xf32, #tpu.memory_space<vmem>>, vector<1000x32xf32>
    %get3A_42 = arith.constant 0 : index
    %get3A_43 = arith.constant 0 : index
    %get3A_44 = vector.load %arg2[%get3A_42, %get3A_43] : memref<1000x32xf32, #tpu.memory_space<vmem>>, vector<1000x32xf32>
    %add3A_45 = arith.addf %get3A_41, %get3A_44 : vector<1000x32xf32>
    %get3A_46 = arith.constant 0 : index
    %get3A_47 = arith.constant 0 : index
    %get3A_48 = vector.load %arg3[%get3A_46, %get3A_47] : memref<1000x32xf32, #tpu.memory_space<vmem>>, vector<1000x32xf32>
    %sub3A_49 = arith.subf %add3A_45, %get3A_48 : vector<1000x32xf32>
    %mul3A = vector.broadcast %div3A_38 : vector<1000x1xf32> to vector<1000x32xf32>
    %mul3A_50 = arith.mulf %mul3A, %sub3A_49 : vector<1000x32xf32>
    %get3A_51 = arith.constant 0 : index
    %get3A_52 = arith.constant 0 : index
    %get3A_53 = vector.load %arg11[%get3A_51, %get3A_52] : memref<1x32xf32, #tpu.memory_space<vmem>>, vector<1x32xf32>
    %add3A_54 = vector.broadcast %get3A_53 : vector<1x32xf32> to vector<1000x32xf32>
    %add3A_55 = arith.addf %mul3A_50, %add3A_54 : vector<1000x32xf32>
    %get3A_56 = arith.constant 0 : index
    %get3A_57 = arith.constant 0 : index
    %get3A_58 = vector.load %arg10[%get3A_56, %get3A_57] : memref<32x16xf32, #tpu.memory_space<vmem>>, vector<32x16xf32>
    %convert_element_type3A = arith.truncf %add3A_55 : vector<1000x32xf32> to vector<1000x32xbf16>
    %convert_element_type3A_59 = arith.truncf %get3A_58 : vector<32x16xf32> to vector<32x16xbf16>
    %dot_general3A = arith.constant dense<0.000000e+00> : vector<1000x16xf32>
    %dot_general3A_60 = tpu.matmul %convert_element_type3A, %convert_element_type3A_59, %dot_general3A {dimension_numbers = #tpu.dot_dimension_numbers<[1], [0], [0], [1], [0, 0, 1, 1], [], []>, transpose_lhs_hint = false} : vector<1000x32xbf16>, vector<32x16xbf16>, vector<1000x16xf32> -> vector<1000x16xf32>
    %get3A_61 = arith.constant 0 : index
    %get3A_62 = arith.constant 0 : index
    %get3A_63 = vector.load %arg12[%get3A_61, %get3A_62] : memref<1x16xf32, #tpu.memory_space<vmem>>, vector<1x16xf32>
    %add3A_64 = vector.broadcast %get3A_63 : vector<1x16xf32> to vector<1000x16xf32>
    %add3A_65 = arith.addf %dot_general3A_60, %add3A_64 : vector<1000x16xf32>
    %slice3A = vector.extract_strided_slice %add3A_65 {offsets = [0, 0], sizes = [1000, 2], strides = [1, 1]} : vector<1000x16xf32> to vector<1000x2xf32>
    %swap3A_66 = arith.constant 0 : index
    %swap3A_67 = arith.constant 0 : index
    %swap3A_68 = vector.load %arg9[%swap3A_66, %swap3A_67] : memref<1000x2xf32, #tpu.memory_space<vmem>>, vector<1000x2xf32>
    tpu.vector_store %arg9[%swap3A_66, %swap3A_67], %slice3A {strides = array<i32>} : memref<1000x2xf32, #tpu.memory_space<vmem>>, vector<1000x2xf32>,
    return
  }
  func.func @transform_0(%arg0: i32) -> (i32, i32) {
    %c0_i32 = arith.constant 0 : i32
    %c0_i32_0 = arith.constant 0 : i32
    return %arg0, %c0_i32 : i32, i32
  }
  func.func @transform_1(%arg0: i32) -> (i32, i32) {
    %add3A = arith.constant 10 : i32
    %add3A_0 = arith.addi %arg0, %add3A : i32
    %c0_i32 = arith.constant 0 : i32
    %c0_i32_1 = arith.constant 0 : i32
    return %add3A_0, %c0_i32 : i32, i32
  }
  func.func @transform_2(%arg0: i32) -> (i32, i32) {
    %c0_i32 = arith.constant 0 : i32
    %c0_i32_0 = arith.constant 0 : i32
    return %arg0, %c0_i32 : i32, i32
  }
  func.func @transform_3(%arg0: i32) -> (i32, i32) {
    %c0_i32 = arith.constant 0 : i32
    %c0_i32_0 = arith.constant 0 : i32
    return %arg0, %c0_i32 : i32, i32
  }
  func.func @transform_4(%arg0: i32) -> (i32, i32) {
    %c0_i32 = arith.constant 0 : i32
    %c0_i32_0 = arith.constant 0 : i32
    return %arg0, %c0_i32 : i32, i32
  }
  func.func @transform_5(%arg0: i32) -> i32 {
    %c0_i32 = arith.constant 0 : i32
    %c0_i32_0 = arith.constant 0 : i32
    return %c0_i32 : i32
  }
  func.func @transform_6(%arg0: i32) -> (i32, i32) {
    %c0_i32 = arith.constant 0 : i32
    %c0_i32_0 = arith.constant 0 : i32
    %c0_i32_1 = arith.constant 0 : i32
    return %c0_i32, %c0_i32_0 : i32, i32
  }
  func.func @transform_7(%arg0: i32) -> i32 {
    %c0_i32 = arith.constant 0 : i32
    %c0_i32_0 = arith.constant 0 : i32
    return %c0_i32 : i32
  }
  func.func @transform_8(%arg0: i32) -> (i32, i32) {
    %c0_i32 = arith.constant 0 : i32
    %c0_i32_0 = arith.constant 0 : i32
    return %arg0, %c0_i32 : i32, i32
  }
}

</mosaic_0001>

<sc_bundles>
// kernel: kernel.12.cloned.1.call-start
scs
__scs_entry_jumppad:
0x0: {  	(pc) =	sbr.rel $0x88, $3  }
0x1: {  	(tag) =	ssettag $0x0;
	lr =	simm.s32 $0x1  }
0x2: {  	[smem:$0x3F95] =	sst lr;
	_ =	strace $0xD0000000  }
0x3: {  	_ = 	snop  }
0x4: {  	_ = 	snop  }
0x5: {  	_ = 	snop  }
0x6: {  	_ = 	snop  }
0x7: {  	_ = 	snop  }
__scs_overlays_trampoline_lowered:
0x8: {  	[smem:$0x3FA4] =	sst s0  }
0x9: {  	[smem:$0x3FA5] =	sst s1  }
0xa: {  	[smem:$0x3FA6] =	sst s2  }
0xb: {  	[smem:$0x3FA7] =	sst s3  }
0xc: {  	[smem:$0x3FA8] =	sst s4  }
0xd: {  	[smem:$0x3FA9] =	sst s5  }
0xe: {  	[smem:$0x3FAA] =	sst s6  }
0xf: {  	[smem:$0x3FAB] =	sst s7  }
0x10: {  	[smem:$0x3FAC] =	sst s8  }
0x11: {  	[smem:$0x3FAD] =	sst s9;
	s0 =	simm.s32 @!p0 $0x0  }
0x12: {  	s1 =	sld [smem:$0x3F93];
	s0 =	simm.s32 @p0 $0x1  }
0x13: {  	[smem:$0x3FAE] =	sst s0;
	s0 =	simm.s32 @!p1 $0x0  }
0x14: {  	s2 =	sld [smem:$0x3F92];
	s0 =	simm.s32 @p1 $0x1  }
0x15: {  	[smem:$0x3FAF] =	sst s0;
	s0 =	simm.s32 @!p2 $0x0  }
0x16: {  	s3 =	sld [smem:$0x3FDB];
	s0 =	simm.s32 @p2 $0x1  }
0x17: {  	s4 =	simm.s32 $0x1BF5;
	[smem:$0x3FB1] =	sst s0  }
0x18: {  	s0 =	sld [smem:$0x3F94];
	_ =	swait.ge [sflag:s4], $0x0  }
0x19: {  	s7 =	sld [smem:$0x3F95]  }
0x1a: {  	s8 =	sadd.s32 $0xFFFFE003, lr  }
0x1b: {  	s9 =	sadd.s32 $0xFFFFFEF7, lr;
	s5 =	simm.s32 $0xFFFFFFFF;
	p2 =	slt.u32 s8, $0xFFFFF086  }
0x1c: {  	p1 =	slt.u32 s9, $0xF7A;
	s5 =	simm.s32 @!p2 $0x0  }
0x1d: {  	s5 =	simm.s32 @p1 $0x1;
	p0 =	seq.s32 s7, s2  }
0x1e: {  	s7 =	smul.u32 @!p0 $0xF7A, s2;
	p2 =	seq.s32 @!p0 s5, $0x0  }
0x1f: {  	s9 =	smul.u32 $0xF7A, s1;
	s8 =	simm.s32 @!p0 $0x1BF5;
	p2 =	por !p2, p0  }
0x20: {  	[sflag:s8] =	ssyncset.s32 @!p0 $0xFFFFF086;
	s6 =	sadd.s32 @!p0 s3, s7;
	s7 =	simm.s32 @!p0 $0x108  }
0x21: {  	s3 =	sadd.s32 s3, s9;
	s6 =	sadd.s32 @!p0 $0x88, s6;
	s7 =	simm.s32 @p2 $0x1082  }
0x22: {  	[simem:s7], [sflag:s8] =	dma.local @!p0 [hbm:s6], $0xF7A  }
0x23: {  	s9 =	sor.u32 $0xD0000000, s2;
	s6 =	simm.s32 $0x108;
	_ =	swait.ge @!p0 [sflag:s8], $0x0  }
0x24: {  	s3 =	sadd.s32 $0x88, s3;
	s6 =	simm.s32 @!p1 $0x1082;
	[sflag:s4] =	ssyncset.s32 $0xFFFFF086  }
0x25: {  	[simem:s6], [sflag:s4] =	dma.local [hbm:s3], $0xF7A  }
0x26: {  	[smem:$0x3F95] =	sst s1;
	(tag) =	ssettag s2;
	_ =	strace s9  }
0x27: {  	s1 =	sld [smem:$0x3FA5]  }
0x28: {  	s2 =	sld [smem:$0x3FA6]  }
0x29: {  	s4 =	sld [smem:$0x3FA8]  }
0x2a: {  	p0 =	seq.s32 s5, $0x0;
	s5 =	sld [smem:$0x3FA9]  }
0x2b: {  	s6 =	sld [smem:$0x3FAA]  }
0x2c: {  	s7 =	sld [smem:$0x3FAB]  }
0x2d: {  	s3 =	simm.s32 $0x108;
	s8 =	sld [smem:$0x3FAC]  }
0x2e: {  	s3 =	simm.s32 @!p0 $0x1082;
	s9 =	sld [smem:$0x3FAD]  }
0x2f: {  	lr =	sadd.s32 s0, s3;
	s0 =	sld [smem:$0x3FA4]  }
0x30: {  	s3 =	sld [smem:$0x3FA7]  }
0x31: {  	[smem:$0x3FB0] =	sst s10  }
0x32: {  	s10 =	sld [smem:$0x3FAE];
	_ =	sdelay $0x3  }
0x33: {  	p0 =	seq.s32 s10, $0x1;
	s10 =	sld [smem:$0x3FB0];
	_ =	sdelay $0x3  }
0x34: {  	[smem:$0x3FB0] =	sst s10  }
0x35: {  	s10 =	sld [smem:$0x3FAF];
	_ =	sdelay $0x3  }
0x36: {  	p1 =	seq.s32 s10, $0x1;
	s10 =	sld [smem:$0x3FB0];
	_ =	sdelay $0x3  }
0x37: {  	[smem:$0x3FB0] =	sst s10  }
0x38: {  	s10 =	sld [smem:$0x3FB1]  }
0x39: {  	_ = 	snop;
	(pc) =	sbr.ind lr, $3  }
0x3a: {  	_ = 	snop  }
0x3b: {  	_ = 	snop  }
0x3c: {  	p2 =	seq.s32 s10, $0x1;
	s10 =	sld [smem:$0x3FB0]  }
0x3d: {  	_ =	shalt  }
0x3e: {  	_ =	shalt  }
0x3f: {  	_ =	shalt  }
0x40: {  	_ =	shalt  }
0x41: {  	_ =	shalt  }
0x42: {  	_ =	shalt  }
0x43: {  	_ =	shalt  }
0x44: {  	_ =	shalt  }
0x45: {  	_ =	shalt  }
0x46: {  	_ =	shalt  }
0x47: {  	_ =	shalt  }
0x48: {  	_ =	shalt  }
0x49: {  	_ =	shalt  }
0x4a: {  	_ =	shalt  }
0x4b: {  	_ =	shalt  }
0x4c: {  	_ =	shalt  }
0x4d: {  	_ =	shalt  }
0x4e: {  	_ =	shalt  }
0x4f: {  	_ =	shalt  }
0x50: {  	_ =	shalt  }
0x51: {  	_ =	shalt  }
0x52: {  	_ =	shalt  }
0x53: {  	_ =	shalt  }
0x54: {  	_ =	shalt  }
0x55: {  	_ =	shalt  }
0x56: {  	_ =	shalt  }
0x57: {  	_ =	shalt  }
0x58: {  	_ =	shalt  }
0x59: {  	_ =	shalt  }
0x5a: {  	_ =	shalt  }
0x5b: {  	_ =	shalt  }
0x5c: {  	_ =	shalt  }
0x5d: {  	_ =	shalt  }
0x5e: {  	_ =	shalt  }
0x5f: {  	_ =	shalt  }
0x60: {  	_ =	shalt  }
0x61: {  	_ =	shalt  }
0x62: {  	_ =	shalt  }
0x63: {  	_ =	shalt  }
0x64: {  	_ =	shalt  }
0x65: {  	_ =	shalt  }
0x66: {  	_ =	shalt  }
0x67: {  	_ =	shalt  }
0x68: {  	_ =	shalt  }
0x69: {  	_ =	shalt  }
0x6a: {  	_ =	shalt  }
0x6b: {  	_ =	shalt  }
0x6c: {  	_ =	shalt  }
0x6d: {  	_ =	shalt  }
0x6e: {  	_ =	shalt  }
0x6f: {  	_ =	shalt  }
0x70: {  	_ =	shalt  }
0x71: {  	_ =	shalt  }
0x72: {  	_ =	shalt  }
0x73: {  	_ =	shalt  }
0x74: {  	_ =	shalt  }
0x75: {  	_ =	shalt  }
0x76: {  	_ =	shalt  }
0x77: {  	_ =	shalt  }
0x78: {  	_ =	shalt  }
0x79: {  	_ =	shalt  }
0x7a: {  	_ =	shalt  }
0x7b: {  	_ =	shalt  }
0x7c: {  	_ =	shalt  }
0x7d: {  	_ =	shalt  }
0x7e: {  	_ =	shalt  }
0x7f: {  	_ =	shalt  }
0x80: {  	_ =	shalt  }
0x81: {  	_ =	shalt  }
0x82: {  	_ =	shalt  }
0x83: {  	_ =	shalt  }
0x84: {  	_ =	shalt  }
0x85: {  	_ =	shalt  }
0x86: {  	_ =	shalt  }
0x87: {  	_ =	shalt  }
.Lfunc_end0:
.L_simem_size_0:
called_computation_lowered:
.L_overlay_start_0:
0x88: {  	s2 =	sld [smem:$0x3FD9]  }
0x89: {  	s3 =	sld [smem:$0x3FFE];
	_ =	sdelay $0x1  }
0x8a: {  	s1 =	srdreg.scid  }
0x8b: {  	s0 =	sand.u32 $0x1, s1  }
0x8c: {  	s16 =	sshll.u32 s0, $0xA;
	s2 =	sadd.s32 s3, s2  }
0x8d: {  	s2 =	sadd.s32 s2, s16  }
0x8e: {  	[smem:$0x3FBC] =	sst s2  }
0x8f: {  	_ = 	snop  }
0x90: {  	(tm) =	ssettm $0x1  }
0x91: {  	s17 =	sld [smem:$0x3FFB];
	_ =	sdelay $0x3  }
0x92: {  	_ =	strace s17  }
0x93: {  	s2 =	sld [smem:$0x3FFC];
	_ =	sdelay $0x3  }
0x94: {  	_ =	strace s2  }
0x95: {  	s2 =	sld [smem:$0x3FFD];
	_ =	sdelay $0x3  }
0x96: {  	_ =	strace s2  }
0x97: {  	_ =	strace $0x8FFFFFFF  }
0x98: {  	s18 =	sld [smem:$0x3FDB];
	_ =	sdelay $0x1  }
0x99: {  	s19 =	simm.s32 $_scs_section_size  }
0x9a: {  	s4 =	simm.s32 $_size__tile_overlayer_lowered;
	s5 =	simm.s32 $_tile_overlayer_lowered  }
0x9b: {  	s22 =	simm.s32 $0x1BFF;
	s21 =	sshll.u32 s5, $0x1;
	s2 =	sadd.s32 s19, s18  }
0x9c: {  	s6 =	simm.s32 $0x0;
	s20 =	sshll.u32 s4, $0x1;
	s4 =	sadd.s32 s21, s2  }
0x9d: {  	[timem:s6], [sflag:s22] =	dma.local [hbm:s4], s20  }
0x9e: {  	_ =	swait.ge [sflag:s22], s20  }
0x9f: {  	s3 =	ssub.s32 $0x0, s20;
	[sflag:s22] =	ssyncset.done $0x0  }
0xa0: {  	[sflag:s22] =	ssyncadd.s32 s3;
	_ =	sdelay $0x1  }
0xa1: {  	s23 =	simm.s32 $0x1B8B  }
0xa2: {  	_ =	swait.ge [sflag:s23], $0x1  }
0xa3: {  	[sflag:s23] =	ssyncset.done $0x0  }
0xa4: {  	s25 =	simm.s32 $0x1B8E;
	s24 =	sld [smem:$0x3FFE];
	[sflag:s23] =	ssyncadd.s32 $0xFFFFFFFF  }
0xa5: {  	s26 =	simm.s32 $execute0_lowered;
	[smem:$0x3FD2] =	sst s25  }
0xa6: {  	s4 =	sshll.u32 s26, $0x1;
	_ =	strace $0x80000046;
	[dreg:$0x1] =	wrdreg $0xFFFFFFFF  }
0xa7: {  	s28 =	simm.s32 $_size_execute0_lowered;
	s2 =	sadd.s32 s2, s4;
	[dreg:$0x0] =	wrdreg $0x0  }
0xa8: {  	s4 =	sshll.u32 s28, $0x1;
	[dreg:$0x2] =	wrdreg s2  }
0xa9: {  	[dreg:$0x3] =	wrdreg s4  }
0xaa: {  	[dreg:$0x4] =	wrdreg $0xC0  }
0xab: {  	_ =	task [dreg:s6], $0x5FFFF  }
0xac: {  	[dreg:$0x1] =	wrdreg $0xFFFFFFFF  }
0xad: {  	[dreg:$0x0] =	wrdreg $0x60  }
0xae: {  	[dreg:$0x2] =	wrdreg s24  }
0xaf: {  	[dreg:$0x3] =	wrdreg $0x10000  }
0xb0: {  	[dreg:$0x4] =	wrdreg $0x9  }
0xb1: {  	_ =	task.clear_ibuf [dreg:s6], $0x5FFFF;
	_ =	strace $0x90000046  }
0xb2: {  	s29 =	simm.s32 $0x9;
	_ =	strace $0x80000048  }
0xb3: {  	_ =	swait.ge [sflag:s29], $0x1  }
0xb4: {  	[sflag:s29] =	ssyncadd.s32 $0xFFFFFFFF  }
0xb5: {  	_ =	strace $0x90000048  }
0xb6: {  	_ =	sfence  }
0xb7: {  	s30 =	sld [smem:$0x0];
	_ =	sdelay $0x2  }
0xb8: {  	s31 =	sshll.u32 s1, $0xD;
	s1 =	sshrl.u32 s1, $0x2  }
0xb9: {  	s3 =	sand.u32 $0x4000, s31;
	s1 =	sadd.s32 s1, s30  }
0xba: {  	s0 =	sor.u32 s3, s0;
	s1 =	sshll.u32 s1, $0x11  }
0xbb: {  	s0 =	sor.u32 s1, s0  }
0xbc: {  	s0 =	sadd.s32 $0x8F2B, s0  }
0xbd: {  	[sflag:s0] =	ssyncadd.remote.s32 $0x1  }
0xbe: {  	_ =	sfence.sel $0xFFFF  }
0xbf: {  	[dreg:$0x0] =	wrdreg $0xFFFFFFFF;
	(pc) =	sbr.abs _section_cstart, $3  }
0xc0: {  	[dreg:$0x1] =	wrdreg $0xFFFFFFFF  }
0xc1: {  	_ =	task.clear_ibuf [dreg:s6], $0x2FFFF;
	_ =	strace $0x9FFFFFFF  }
0xc2: {  	(tm) =	ssettm $0x7FFFFFFF  }
0xc3: {  	_ =	shalt  }
tec
execute0_lowered:
.L_overlay_start_1:
0x0: {  	(tag) =	ssettag $0x1  }
0x1: {  	s4 =	rddreg [dreg:$0x0];
	s0 =	srdreg.scid  }
0x2: {  	s2 =	rddreg [dreg:$0x1];
	s1 =	stileid.u32  }
0x3: {  	s3 =	simm.s32 $0x0;
	s13 =	simm.s32 $0x1;
	s14 =	simm.s32 $0x7D0  }
0x4: {  	s17 =	simm.s32 $0x0;
	s5 =	sand.u32 $0x1, s0;
	s0 =	rddreg [dreg:$0x2]  }
0x5: {  	s7 =	smul.u32 $0x280, s1;
	[smem:$0x7FF] =	sst s3;
	s6 =	sshll.u32 s5, $0x4  }
0x6: {  	s15 =	sshll.u32 s1, $0x6;
	s8 =	smul.u32 $0x2800, s5;
	s6 =	sor.u32 s1, s6  }
0x7: {  	_ =	strace $0x80000047;
	s5 =	ssub.s32 $0x2, s5;
	s6 =	smul.u32 $0x2710, s6  }
0x8: {  	s15 =	sor.u32 $0x1C01, s15;
	s9 =	sshrl.u32 s5, $0x1;
	s8 =	sadd.s32 s7, s8  }
0x9: {  	s12 =	ssub.s32 s5, s9;
	s8 =	sshrl.u32 s8, $0x3;
	s6 =	sshrl.u32 s6, $0x3  }
0xa: {  	s11 =	sadd.s32 s8, s4;
	s10 =	sadd.s32 s6, s4;
	s4 =	sadd.s32 s7, s2  }
0xb: {  	s5 =	sadd.s32 $0xC800, s10;
	s6 =	sadd.s32 $0xC8FA, s10;
	s7 =	sadd.s32 $0xC9F4, s10  }
0xc: {  	s8 =	sadd.s32 $0xCAEE, s10;
	s9 =	sadd.s32 $0xCBE8, s10;
	s10 =	sadd.s32 $0x16600, s11  }
0xd: {  	v0 =	vimm.f32 $1.000000000e+00;
	s11 =	smax.u32 s12, $0x1;
	s12 =	simm.s32 $0x800;
	s16 =	sshrl.u32 s4, $0x3  }
.LBB2_1:
0xe: {  	s18 =	simm.s32 $0x40;
	s19 =	simm.s32 $0x0  }
.LBB2_2:
0xf: {  	p0 =	sne.s32 s18, $0x1F00;
	[tilespmem:s19+$0x800] =	vst v0;
	s19 =	smov.u32 s18;
	s18 =	sadd.s32 $0x40, s18  }
.Ltmp0:
0x10: {  	(pc) =	sbr.rel @p0 .LBB2_2-.Ltmp0, $2  }
0x11: {  	_ =	sdelay $0x2  }
0x12: {  	s19 =	sshra.s32 s19, $0x2  }
0x13: {  	[tilespmem:s19+$0x800] =	vst v0  }
0x14: {  	[spmem:s4] =	stream.linear.scatter [tilespmem:s12], [sflag:$0x1], $0x280, $0x38;
	[tilespmem:$0x1280] =	vst v63  }
0x15: {  	_ =	swait.ge [sflag:s13], $0x280  }
0x16: {  	[sflag:s13] =	ssyncset.done $0x0  }
0x17: {  	[sflag:s13] =	ssyncadd.s32 $0xFFFFFD80  }
0x18: {  	[bflag:$0x0] =	sbarrier.arrive $0xFFFF  }
0x19: {  	[tilespmem:s3], [sflag:$0x1] =	stream.linear.gather [hbm4b:s5+s3], $0x7D0, $0x38;
	[tilespmem:$0x1280] =	vst v63  }
0x1a: {  	_ =	swait.ge [sflag:s13], $0x7D0  }
0x1b: {  	[sflag:s13] =	ssyncset.done $0x0  }
0x1c: {  	[sflag:s13] =	ssyncadd.s32 $0xFFFFF830  }
0x1d: {  	[spmem:s2] =	stream.indirect.scatter.add.f32 [tilespmem:s12], [sflag:$0x1], $0x1, s3, s14, $0xb8;
	[tilespmem:$0x1280] =	vst v63  }
0x1e: {  	_ =	swait.ge [sflag:s13], $0x7D0  }
0x1f: {  	[sflag:s13] =	ssyncset.done $0x0  }
0x20: {  	[sflag:s13] =	ssyncadd.s32 $0xFFFFF830  }
0x21: {  	[tilespmem:s3], [sflag:$0x1] =	stream.linear.gather [hbm4b:s6+s3], $0x7D0, $0x38;
	[tilespmem:$0x1280] =	vst v63  }
0x22: {  	_ =	swait.ge [sflag:s13], $0x7D0  }
0x23: {  	[sflag:s13] =	ssyncset.done $0x0  }
0x24: {  	[sflag:s13] =	ssyncadd.s32 $0xFFFFF830  }
0x25: {  	[spmem:s2] =	stream.indirect.scatter.add.f32 [tilespmem:s12], [sflag:$0x1], $0x1, s3, s14, $0xb8;
	[tilespmem:$0x1280] =	vst v63  }
0x26: {  	_ =	swait.ge [sflag:s13], $0x7D0  }
0x27: {  	[sflag:s13] =	ssyncset.done $0x0  }
0x28: {  	[sflag:s13] =	ssyncadd.s32 $0xFFFFF830  }
0x29: {  	[tilespmem:s3], [sflag:$0x1] =	stream.linear.gather [hbm4b:s7+s3], $0x7D0, $0x38;
	[tilespmem:$0x1280] =	vst v63  }
0x2a: {  	_ =	swait.ge [sflag:s13], $0x7D0  }
0x2b: {  	[sflag:s13] =	ssyncset.done $0x0  }
0x2c: {  	[sflag:s13] =	ssyncadd.s32 $0xFFFFF830  }
0x2d: {  	[spmem:s2] =	stream.indirect.scatter.add.f32 [tilespmem:s12], [sflag:$0x1], $0x1, s3, s14, $0xb8;
	[tilespmem:$0x1280] =	vst v63  }
0x2e: {  	_ =	swait.ge [sflag:s13], $0x7D0  }
0x2f: {  	[sflag:s13] =	ssyncset.done $0x0  }
0x30: {  	[sflag:s13] =	ssyncadd.s32 $0xFFFFF830  }
0x31: {  	[tilespmem:s3], [sflag:$0x1] =	stream.linear.gather [hbm4b:s8+s3], $0x7D0, $0x38;
	[tilespmem:$0x1280] =	vst v63  }
0x32: {  	_ =	swait.ge [sflag:s13], $0x7D0  }
0x33: {  	[sflag:s13] =	ssyncset.done $0x0  }
0x34: {  	[sflag:s13] =	ssyncadd.s32 $0xFFFFF830  }
0x35: {  	[spmem:s2] =	stream.indirect.scatter.add.f32 [tilespmem:s12], [sflag:$0x1], $0x1, s3, s14, $0xb8;
	[tilespmem:$0x1280] =	vst v63  }
0x36: {  	_ =	swait.ge [sflag:s13], $0x7D0  }
0x37: {  	[sflag:s13] =	ssyncset.done $0x0  }
0x38: {  	[sflag:s13] =	ssyncadd.s32 $0xFFFFF830  }
0x39: {  	[tilespmem:s3], [sflag:$0x1] =	stream.linear.gather [hbm4b:s9+s3], $0x7D0, $0x38;
	[tilespmem:$0x1280] =	vst v63  }
0x3a: {  	_ =	swait.ge [sflag:s13], $0x7D0  }
0x3b: {  	[sflag:s13] =	ssyncset.done $0x0  }
0x3c: {  	[sflag:s13] =	ssyncadd.s32 $0xFFFFF830  }
0x3d: {  	[spmem:s2] =	stream.indirect.scatter.add.f32 [tilespmem:s12], [sflag:$0x1], $0x1, s3, s14, $0xb8;
	[tilespmem:$0x1280] =	vst v63  }
0x3e: {  	_ =	swait.ge [sflag:s13], $0x7D0  }
0x3f: {  	s17 =	sadd.s32 $0x1, s17;
	[sflag:s13] =	ssyncset.done $0x0  }
0x40: {  	p0 =	sne.s32 s17, s11;
	[sflag:s13] =	ssyncadd.s32 $0xFFFFF830  }
.Ltmp1:
0x41: {  	[bflag:$0x0] =	sbarrier.arrive $0xFFFF;
	(pc) =	sbr.rel @p0 .LBB2_1-.Ltmp1, $4  }
0x42: {  	[hbm:s10], [sflag:s15] =	dma.local [spmem:s16], $0x50  }
0x43: {  	_ =	swait.ge [sflag:s13], $0x50  }
0x44: {  	[sflag:s13] =	ssyncset.done $0x0  }
0x45: {  	[sflag:s13] =	ssyncadd.s32 $0xFFFFFFB0  }
0x46: {  	_ =	sfence.sel $0x180000  }
0x47: {  	[bflag:$0x0] =	sbarrier.arrive $0xFFFF  }
0x48: {  	p0 =	sne.s32 s1, $0x0;
	_ =	strace $0x90000047  }
0x49: {  	s0 =	sadd.s32 @!p0 $0x100000, s0;
	[bflag:$0x2] =	sbarrier.arrive $0xFFFF  }
0x4a: {  	[sflag:s0] =	ssyncadd.tile.s32 @!p0 $0x1;
	_ =	shalt  }
.Lfunc_end2:
_tile_overlayer_lowered:
.L_overlay_start_2:
0x4b: {  	(tag) =	ssettag $0x2  }
0x4c: {  	s0 =	rddreg [dreg:$0x0];
	s2 =	stileid.u32  }
0x4d: {  	s1 =	rddreg [dreg:$0x1];
	p0 =	sne.s32 s2, $0x0  }
0x4e: {  	s3 =	rddreg [dreg:$0x2];
	[bflag:$0x3] =	sbarrier.arrive $0xFFFF;
	s2 =	simm.s32 @!p0 $0x1C01  }
0x4f: {  	[timem:s3], [sflag:s2] =	dma.local @!p0 [hbm:s0], s1  }
0x50: {  	s0 =	simm.s32 @!p0 $0x1  }
0x51: {  	_ =	swait.ge @!p0 [sflag:s0], s1  }
0x52: {  	s1 =	ssub.s32 @!p0 $0x0, s1;
	[sflag:s0] =	ssyncset.done @!p0 $0x0  }
0x53: {  	[sflag:s0] =	ssyncadd.s32 @!p0 s1  }
0x54: {  	[bflag:$0x3] =	sbarrier.arrive $0xFFFF  }
0x55: {  	_ =	shalt  }

// kernel: kernel.15.cloned.1.call-start
scs
__scs_entry_jumppad:
0x0: {  	(pc) =	sbr.rel $0x88, $3  }
0x1: {  	(tag) =	ssettag $0x0;
	lr =	simm.s32 $0x1  }
0x2: {  	[smem:$0x3F95] =	sst lr;
	_ =	strace $0xD0000000  }
0x3: {  	_ = 	snop  }
0x4: {  	_ = 	snop  }
0x5: {  	_ = 	snop  }
0x6: {  	_ = 	snop  }
0x7: {  	_ = 	snop  }
__scs_overlays_trampoline_lowered:
0x8: {  	[smem:$0x3FA4] =	sst s0  }
0x9: {  	[smem:$0x3FA5] =	sst s1  }
0xa: {  	[smem:$0x3FA6] =	sst s2  }
0xb: {  	[smem:$0x3FA7] =	sst s3  }
0xc: {  	[smem:$0x3FA8] =	sst s4  }
0xd: {  	[smem:$0x3FA9] =	sst s5  }
0xe: {  	[smem:$0x3FAA] =	sst s6  }
0xf: {  	[smem:$0x3FAB] =	sst s7  }
0x10: {  	[smem:$0x3FAC] =	sst s8  }
0x11: {  	[smem:$0x3FAD] =	sst s9;
	s0 =	simm.s32 @!p0 $0x0  }
0x12: {  	s1 =	sld [smem:$0x3F93];
	s0 =	simm.s32 @p0 $0x1  }
0x13: {  	[smem:$0x3FAE] =	sst s0;
	s0 =	simm.s32 @!p1 $0x0  }
0x14: {  	s2 =	sld [smem:$0x3F92];
	s0 =	simm.s32 @p1 $0x1  }
0x15: {  	[smem:$0x3FAF] =	sst s0;
	s0 =	simm.s32 @!p2 $0x0  }
0x16: {  	s3 =	sld [smem:$0x3FDB];
	s0 =	simm.s32 @p2 $0x1  }
0x17: {  	s4 =	simm.s32 $0x1BF5;
	[smem:$0x3FB1] =	sst s0  }
0x18: {  	s0 =	sld [smem:$0x3F94];
	_ =	swait.ge [sflag:s4], $0x0  }
0x19: {  	s7 =	sld [smem:$0x3F95]  }
0x1a: {  	s8 =	sadd.s32 $0xFFFFE003, lr  }
0x1b: {  	s9 =	sadd.s32 $0xFFFFFEF7, lr;
	s5 =	simm.s32 $0xFFFFFFFF;
	p2 =	slt.u32 s8, $0xFFFFF086  }
0x1c: {  	p1 =	slt.u32 s9, $0xF7A;
	s5 =	simm.s32 @!p2 $0x0  }
0x1d: {  	s5 =	simm.s32 @p1 $0x1;
	p0 =	seq.s32 s7, s2  }
0x1e: {  	s7 =	smul.u32 @!p0 $0xF7A, s2;
	p2 =	seq.s32 @!p0 s5, $0x0  }
0x1f: {  	s9 =	smul.u32 $0xF7A, s1;
	s8 =	simm.s32 @!p0 $0x1BF5;
	p2 =	por !p2, p0  }
0x20: {  	[sflag:s8] =	ssyncset.s32 @!p0 $0xFFFFF086;
	s6 =	sadd.s32 @!p0 s3, s7;
	s7 =	simm.s32 @!p0 $0x108  }
0x21: {  	s3 =	sadd.s32 s3, s9;
	s6 =	sadd.s32 @!p0 $0x88, s6;
	s7 =	simm.s32 @p2 $0x1082  }
0x22: {  	[simem:s7], [sflag:s8] =	dma.local @!p0 [hbm:s6], $0xF7A  }
0x23: {  	s9 =	sor.u32 $0xD0000000, s2;
	s6 =	simm.s32 $0x108;
	_ =	swait.ge @!p0 [sflag:s8], $0x0  }
0x24: {  	s3 =	sadd.s32 $0x88, s3;
	s6 =	simm.s32 @!p1 $0x1082;
	[sflag:s4] =	ssyncset.s32 $0xFFFFF086  }
0x25: {  	[simem:s6], [sflag:s4] =	dma.local [hbm:s3], $0xF7A  }
0x26: {  	[smem:$0x3F95] =	sst s1;
	(tag) =	ssettag s2;
	_ =	strace s9  }
0x27: {  	s1 =	sld [smem:$0x3FA5]  }
0x28: {  	s2 =	sld [smem:$0x3FA6]  }
0x29: {  	s4 =	sld [smem:$0x3FA8]  }
0x2a: {  	p0 =	seq.s32 s5, $0x0;
	s5 =	sld [smem:$0x3FA9]  }
0x2b: {  	s6 =	sld [smem:$0x3FAA]  }
0x2c: {  	s7 =	sld [smem:$0x3FAB]  }
0x2d: {  	s3 =	simm.s32 $0x108;
	s8 =	sld [smem:$0x3FAC]  }
0x2e: {  	s3 =	simm.s32 @!p0 $0x1082;
	s9 =	sld [smem:$0x3FAD]  }
0x2f: {  	lr =	sadd.s32 s0, s3;
	s0 =	sld [smem:$0x3FA4]  }
0x30: {  	s3 =	sld [smem:$0x3FA7]  }
0x31: {  	[smem:$0x3FB0] =	sst s10  }
0x32: {  	s10 =	sld [smem:$0x3FAE];
	_ =	sdelay $0x3  }
0x33: {  	p0 =	seq.s32 s10, $0x1;
	s10 =	sld [smem:$0x3FB0];
	_ =	sdelay $0x3  }
0x34: {  	[smem:$0x3FB0] =	sst s10  }
0x35: {  	s10 =	sld [smem:$0x3FAF];
	_ =	sdelay $0x3  }
0x36: {  	p1 =	seq.s32 s10, $0x1;
	s10 =	sld [smem:$0x3FB0];
	_ =	sdelay $0x3  }
0x37: {  	[smem:$0x3FB0] =	sst s10  }
0x38: {  	s10 =	sld [smem:$0x3FB1]  }
0x39: {  	_ = 	snop;
	(pc) =	sbr.ind lr, $3  }
0x3a: {  	_ = 	snop  }
0x3b: {  	_ = 	snop  }
0x3c: {  	p2 =	seq.s32 s10, $0x1;
	s10 =	sld [smem:$0x3FB0]  }
0x3d: {  	_ =	shalt  }
0x3e: {  	_ =	shalt  }
0x3f: {  	_ =	shalt  }
0x40: {  	_ =	shalt  }
0x41: {  	_ =	shalt  }
0x42: {  	_ =	shalt  }
0x43: {  	_ =	shalt  }
0x44: {  	_ =	shalt  }
0x45: {  	_ =	shalt  }
0x46: {  	_ =	shalt  }
0x47: {  	_ =	shalt  }
0x48: {  	_ =	shalt  }
0x49: {  	_ =	shalt  }
0x4a: {  	_ =	shalt  }
0x4b: {  	_ =	shalt  }
0x4c: {  	_ =	shalt  }
0x4d: {  	_ =	shalt  }
0x4e: {  	_ =	shalt  }
0x4f: {  	_ =	shalt  }
0x50: {  	_ =	shalt  }
0x51: {  	_ =	shalt  }
0x52: {  	_ =	shalt  }
0x53: {  	_ =	shalt  }
0x54: {  	_ =	shalt  }
0x55: {  	_ =	shalt  }
0x56: {  	_ =	shalt  }
0x57: {  	_ =	shalt  }
0x58: {  	_ =	shalt  }
0x59: {  	_ =	shalt  }
0x5a: {  	_ =	shalt  }
0x5b: {  	_ =	shalt  }
0x5c: {  	_ =	shalt  }
0x5d: {  	_ =	shalt  }
0x5e: {  	_ =	shalt  }
0x5f: {  	_ =	shalt  }
0x60: {  	_ =	shalt  }
0x61: {  	_ =	shalt  }
0x62: {  	_ =	shalt  }
0x63: {  	_ =	shalt  }
0x64: {  	_ =	shalt  }
0x65: {  	_ =	shalt  }
0x66: {  	_ =	shalt  }
0x67: {  	_ =	shalt  }
0x68: {  	_ =	shalt  }
0x69: {  	_ =	shalt  }
0x6a: {  	_ =	shalt  }
0x6b: {  	_ =	shalt  }
0x6c: {  	_ =	shalt  }
0x6d: {  	_ =	shalt  }
0x6e: {  	_ =	shalt  }
0x6f: {  	_ =	shalt  }
0x70: {  	_ =	shalt  }
0x71: {  	_ =	shalt  }
0x72: {  	_ =	shalt  }
0x73: {  	_ =	shalt  }
0x74: {  	_ =	shalt  }
0x75: {  	_ =	shalt  }
0x76: {  	_ =	shalt  }
0x77: {  	_ =	shalt  }
0x78: {  	_ =	shalt  }
0x79: {  	_ =	shalt  }
0x7a: {  	_ =	shalt  }
0x7b: {  	_ =	shalt  }
0x7c: {  	_ =	shalt  }
0x7d: {  	_ =	shalt  }
0x7e: {  	_ =	shalt  }
0x7f: {  	_ =	shalt  }
0x80: {  	_ =	shalt  }
0x81: {  	_ =	shalt  }
0x82: {  	_ =	shalt  }
0x83: {  	_ =	shalt  }
0x84: {  	_ =	shalt  }
0x85: {  	_ =	shalt  }
0x86: {  	_ =	shalt  }
0x87: {  	_ =	shalt  }
.Lfunc_end0:
.L_simem_size_0:
called_computation.1_lowered:
.L_overlay_start_0:
0x88: {  	s2 =	sld [smem:$0x3FD9]  }
0x89: {  	s3 =	sld [smem:$0x3FFE];
	_ =	sdelay $0x1  }
0x8a: {  	s1 =	srdreg.scid  }
0x8b: {  	s0 =	sand.u32 $0x1, s1  }
0x8c: {  	s16 =	sshll.u32 s0, $0xA;
	s2 =	sadd.s32 s3, s2  }
0x8d: {  	s2 =	sadd.s32 s2, s16  }
0x8e: {  	[smem:$0x3FBC] =	sst s2  }
0x8f: {  	_ = 	snop  }
0x90: {  	(tm) =	ssettm $0x1  }
0x91: {  	s17 =	sld [smem:$0x3FFB];
	_ =	sdelay $0x3  }
0x92: {  	_ =	strace s17  }
0x93: {  	s2 =	sld [smem:$0x3FFC];
	_ =	sdelay $0x3  }
0x94: {  	_ =	strace s2  }
0x95: {  	s2 =	sld [smem:$0x3FFD];
	_ =	sdelay $0x3  }
0x96: {  	_ =	strace s2  }
0x97: {  	_ =	strace $0x8FFFFFFF  }
0x98: {  	s18 =	sld [smem:$0x3FDB];
	_ =	sdelay $0x1  }
0x99: {  	s19 =	simm.s32 $_scs_section_size  }
0x9a: {  	s4 =	simm.s32 $_size__tile_overlayer_lowered;
	s5 =	simm.s32 $_tile_overlayer_lowered  }
0x9b: {  	s22 =	simm.s32 $0x1BFF;
	s21 =	sshll.u32 s5, $0x1;
	s2 =	sadd.s32 s19, s18  }
0x9c: {  	s6 =	simm.s32 $0x0;
	s20 =	sshll.u32 s4, $0x1;
	s4 =	sadd.s32 s21, s2  }
0x9d: {  	[timem:s6], [sflag:s22] =	dma.local [hbm:s4], s20  }
0x9e: {  	_ =	swait.ge [sflag:s22], s20  }
0x9f: {  	s3 =	ssub.s32 $0x0, s20;
	[sflag:s22] =	ssyncset.done $0x0  }
0xa0: {  	[sflag:s22] =	ssyncadd.s32 s3;
	_ =	sdelay $0x1  }
0xa1: {  	s23 =	simm.s32 $0x1B8B  }
0xa2: {  	_ =	swait.ge [sflag:s23], $0x1  }
0xa3: {  	[sflag:s23] =	ssyncset.done $0x0  }
0xa4: {  	s25 =	simm.s32 $0x1B8E;
	s24 =	sld [smem:$0x3FFE];
	[sflag:s23] =	ssyncadd.s32 $0xFFFFFFFF  }
0xa5: {  	s26 =	simm.s32 $execute0_lowered;
	[smem:$0x3FD2] =	sst s25  }
0xa6: {  	s4 =	sshll.u32 s26, $0x1;
	_ =	strace $0x80000049;
	[dreg:$0x1] =	wrdreg $0xFFFFFFFF  }
0xa7: {  	s28 =	simm.s32 $_size_execute0_lowered;
	s2 =	sadd.s32 s2, s4;
	[dreg:$0x0] =	wrdreg $0x0  }
0xa8: {  	s4 =	sshll.u32 s28, $0x1;
	[dreg:$0x2] =	wrdreg s2  }
0xa9: {  	[dreg:$0x3] =	wrdreg s4  }
0xaa: {  	[dreg:$0x4] =	wrdreg $0xC0  }
0xab: {  	_ =	task [dreg:s6], $0x5FFFF  }
0xac: {  	[dreg:$0x1] =	wrdreg $0xFFFFFFFF  }
0xad: {  	[dreg:$0x0] =	wrdreg $0x60  }
0xae: {  	[dreg:$0x2] =	wrdreg s24  }
0xaf: {  	[dreg:$0x3] =	wrdreg $0x128E00  }
0xb0: {  	[dreg:$0x4] =	wrdreg $0x9  }
0xb1: {  	_ =	task.clear_ibuf [dreg:s6], $0x5FFFF;
	_ =	strace $0x90000049  }
0xb2: {  	s29 =	simm.s32 $0x9;
	_ =	strace $0x8000004B  }
0xb3: {  	_ =	swait.ge [sflag:s29], $0x1  }
0xb4: {  	[sflag:s29] =	ssyncadd.s32 $0xFFFFFFFF  }
0xb5: {  	_ =	strace $0x9000004B  }
0xb6: {  	_ =	sfence  }
0xb7: {  	s30 =	sld [smem:$0x0];
	_ =	sdelay $0x2  }
0xb8: {  	s31 =	sshll.u32 s1, $0xD;
	s1 =	sshrl.u32 s1, $0x2  }
0xb9: {  	s3 =	sand.u32 $0x4000, s31;
	s1 =	sadd.s32 s1, s30  }
0xba: {  	s0 =	sor.u32 s3, s0;
	s1 =	sshll.u32 s1, $0x11  }
0xbb: {  	s0 =	sor.u32 s1, s0  }
0xbc: {  	s0 =	sadd.s32 $0x8F2B, s0  }
0xbd: {  	[sflag:s0] =	ssyncadd.remote.s32 $0x1  }
0xbe: {  	_ =	sfence.sel $0xFFFF  }
0xbf: {  	[dreg:$0x0] =	wrdreg $0xFFFFFFFF;
	(pc) =	sbr.abs _section_cstart, $3  }
0xc0: {  	[dreg:$0x1] =	wrdreg $0xFFFFFFFF  }
0xc1: {  	_ =	task.clear_ibuf [dreg:s6], $0x2FFFF;
	_ =	strace $0x9FFFFFFF  }
0xc2: {  	(tm) =	ssettm $0x7FFFFFFF  }
0xc3: {  	_ =	shalt  }
tec
execute0_lowered:
.L_overlay_start_1:
0x0: {  	(tag) =	ssettag $0x1  }
0x1: {  	s26 =	rddreg [dreg:$0x0]  }
0x2: {  	s0 =	srdreg.scid;
	s2 =	rddreg [dreg:$0x1];
	s3 =	simm.s32 $0x0  }
0x3: {  	s28 =	sand.u32 $0x1, s0;
	s0 =	stileid.u32;
	[smem:$0x7FF] =	sst s3  }
0x4: {  	s4 =	sadd.s32 $0x16600, s26;
	s14 =	sadd.s32 $0x4E000, s2;
	s1 =	sshll.u32 s28, $0x4  }
0x5: {  	s16 =	sadd.s32 $0x20200, s26;
	s7 =	smul.u32 $0x4E00, s0;
	s1 =	sor.u32 s0, s1  }
0x6: {  	_ =	strace $0x8000004A;
	[dreg:$0x6] =	wrdreg s14;
	s24 =	smul.u32 $0x2710, s1  }
0x7: {  	s25 =	sadd.s32 $0xC800, s26;
	[dreg:$0x7] =	wrdreg s16;
	s12 =	sadd.s32 s7, s2  }
0x8: {  	s7 =	sshrl.u32 s7, $0x3;
	[dreg:$0x4] =	wrdreg s12;
	s5 =	sshrl.u32 s24, $0x3  }
0x9: {  	s13 =	sadd.s32 s4, s7;
	s15 =	sadd.s32 $0x3E8, s24;
	s6 =	sadd.s32 s5, s26  }
0xa: {  	[dreg:$0x5] =	wrdreg s13;
	s7 =	sshrl.u32 s15, $0x3;
	s6 =	sadd.s32 $0x2A00, s6  }
0xb: {  	s5 =	sadd.s32 s25, s5;
	s17 =	sadd.s32 s25, s7;
	[dreg:$0x3] =	wrdreg s6  }
0xc: {  	s19 =	sadd.s32 $0xFA, s5;
	[dreg:$0x8] =	wrdreg s17  }
0xd: {  	s18 =	sadd.s32 $0xBB8, s24;
	s22 =	sadd.s32 $0x1F4, s5;
	[dreg:$0x9] =	wrdreg s19  }
0xe: {  	s7 =	sshrl.u32 s18, $0x3;
	s31 =	sadd.s32 $0x2EE, s5;
	[dreg:$0xb] =	wrdreg s22  }
0xf: {  	s21 =	sadd.s32 $0x1388, s24;
	s20 =	sadd.s32 s25, s7;
	[dreg:$0xd] =	wrdreg s31  }
0x10: {  	s30 =	sadd.s32 $0x1B58, s24;
	s7 =	sshrl.u32 s21, $0x3;
	[dreg:$0xa] =	wrdreg s20  }
0x11: {  	s6 =	sshrl.u32 s30, $0x3;
	s23 =	sadd.s32 s25, s7;
	s8 =	rddreg [dreg:$0x3]  }
0x12: {  	s6 =	sadd.s32 s25, s6;
	[dreg:$0xc] =	wrdreg s23  }
0x13: {  	[dreg:$0xe] =	wrdreg s6;
	s6 =	simm.s32 $0x3  }
0x14: {  	[tilespmem:s3], [sflag:$0x3] =	stream.linear.gather [hbm4b:s8+s3], $0x2710, $0x38;
	[tilespmem:$0x17700] =	vst v63  }
0x15: {  	_ =	swait.ge [sflag:s6], $0x2710  }
0x16: {  	[sflag:s6] =	ssyncset.done $0x0  }
0x17: {  	s10 =	sshll.u32 s0, $0x6;
	s7 =	simm.s32 $0x2710;
	[sflag:s6] =	ssyncadd.s32 $0xFFFFD8F0  }
0x18: {  	[tilespmem:s7], [sflag:$0x3] =	stream.linear.gather [hbm4b:s5+s3], $0x3E8, $0x38;
	[tilespmem:$0x17700] =	vst v63  }
0x19: {  	s9 =	simm.s32 $0x2EE0;
	s10 =	sor.u32 $0x1C03, s10;
	_ =	swait.ge [sflag:s6], $0x3E8  }
0x1a: {  	s8 =	simm.s32 $0x3E8;
	[sflag:s6] =	ssyncset.done $0x0;
	s11 =	rddreg [dreg:$0x4]  }
0x1b: {  	s12 =	rddreg [dreg:$0x5];
	[sflag:s6] =	ssyncadd.s32 $0xFFFFFC18;
	s30 =	sshrl.u32 s11, $0x3  }
0x1c: {  	[tilespmem:s9], [sflag:$0x1] =	stream.indirect.gather [hbm4b:s4+s8], $0x20, s3, s8, $0xb8;
	[tilespmem:$0x17700] =	vst v63  }
0x1d: {  	[spmem:s30], [sflag:s10] =	dma.local [hbm:s12], $0x9C0  }
0x1e: {  	_ =	swait.ge [sflag:s6], $0x9C0  }
0x1f: {  	s11 =	rddreg [dreg:$0x6]  }
0x20: {  	p0 =	sne.s32 s0, $0xF;
	s12 =	rddreg [dreg:$0x7];
	[sflag:s6] =	ssyncset.done $0x0  }
0x21: {  	[sflag:s6] =	ssyncadd.s32 $0xFFFFF640;
	s29 =	sshrl.u32 @!p0 s11, $0x3;
	s11 =	simm.s32 @!p0 $0x3  }
0x22: {  	[spmem:s29], [sflag:s10] =	dma.local @!p0 [hbm:s12], $0x40  }
0x23: {  	_ =	swait.ge @!p0 [sflag:s11], $0x40  }
0x24: {  	[sflag:s11] =	ssyncset.done @!p0 $0x0  }
0x25: {  	[sflag:s11] =	ssyncadd.s32 @!p0 $0xFFFFFFC0  }
0x26: {  	[bflag:$0x0] =	sbarrier.arrive $0xFFFF  }
0x27: {  	s12 =	simm.s32 $0x2AF8;
	s13 =	rddreg [dreg:$0x8]  }
0x28: {  	[tilespmem:s12], [sflag:$0x3] =	stream.linear.gather [hbm4b:s13+s3], $0x3E8, $0x38;
	[tilespmem:$0x17700] =	vst v63  }
0x29: {  	_ =	swait.ge [sflag:s6], $0x3E8  }
0x2a: {  	[sflag:s6] =	ssyncset.done $0x0  }
0x2b: {  	s14 =	simm.s32 $0x1;
	s13 =	simm.s32 $0xABE0;
	[sflag:s6] =	ssyncadd.s32 $0xFFFFFC18  }
0x2c: {  	[tilespmem:s13], [sflag:$0x2] =	stream.indirect.gather [hbm4b:s4+s8], $0x20, s8, s8, $0xb8;
	[tilespmem:$0x17700] =	vst v63  }
0x2d: {  	_ =	swait.ge [sflag:s14], $0x7D00  }
0x2e: {  	[sflag:s14] =	ssyncset.done $0x0  }
0x2f: {  	[sflag:s14] =	ssyncadd.s32 $0xFFFF8300  }
0x30: {  	[spmem:s2] =	stream.indirect.scatter.add.f32 [tilespmem:s9], [sflag:$0x3], $0x20, s7, s8, $0xb8;
	[tilespmem:$0x17700] =	vst v63  }
0x31: {  	_ =	swait.ge [sflag:s6], $0x7D00  }
0x32: {  	[sflag:s6] =	ssyncset.done $0x0  }
0x33: {  	s15 =	rddreg [dreg:$0x9];
	[sflag:s6] =	ssyncadd.s32 $0xFFFF8300  }
0x34: {  	[tilespmem:s7], [sflag:$0x3] =	stream.linear.gather [hbm4b:s15+s3], $0x3E8, $0x38;
	[tilespmem:$0x17700] =	vst v63  }
0x35: {  	_ =	swait.ge [sflag:s6], $0x3E8  }
0x36: {  	[sflag:s6] =	ssyncset.done $0x0  }
0x37: {  	s16 =	simm.s32 $0x2;
	s15 =	simm.s32 $0x7D0;
	[sflag:s6] =	ssyncadd.s32 $0xFFFFFC18  }
0x38: {  	[tilespmem:s9], [sflag:$0x1] =	stream.indirect.gather [hbm4b:s4+s8], $0x20, s15, s8, $0xb8;
	[tilespmem:$0x17700] =	vst v63  }
0x39: {  	_ =	swait.ge [sflag:s16], $0x7D00  }
0x3a: {  	[sflag:s16] =	ssyncset.done $0x0  }
0x3b: {  	[sflag:s16] =	ssyncadd.s32 $0xFFFF8300  }
0x3c: {  	[spmem:s2] =	stream.indirect.scatter.add.f32 [tilespmem:s13], [sflag:$0x3], $0x20, s12, s8, $0xb8;
	[tilespmem:$0x17700] =	vst v63  }
0x3d: {  	_ =	swait.ge [sflag:s6], $0x7D00  }
0x3e: {  	[sflag:s6] =	ssyncset.done $0x0  }
0x3f: {  	s17 =	rddreg [dreg:$0xa];
	[sflag:s6] =	ssyncadd.s32 $0xFFFF8300  }
0x40: {  	[tilespmem:s12], [sflag:$0x3] =	stream.linear.gather [hbm4b:s17+s3], $0x3E8, $0x38;
	[tilespmem:$0x17700] =	vst v63  }
0x41: {  	_ =	swait.ge [sflag:s6], $0x3E8  }
0x42: {  	[sflag:s6] =	ssyncset.done $0x0  }
0x43: {  	s17 =	simm.s32 $0xBB8;
	[sflag:s6] =	ssyncadd.s32 $0xFFFFFC18  }
0x44: {  	[tilespmem:s13], [sflag:$0x2] =	stream.indirect.gather [hbm4b:s4+s8], $0x20, s17, s8, $0xb8;
	[tilespmem:$0x17700] =	vst v63  }
0x45: {  	_ =	swait.ge [sflag:s14], $0x7D00  }
0x46: {  	[sflag:s14] =	ssyncset.done $0x0  }
0x47: {  	[sflag:s14] =	ssyncadd.s32 $0xFFFF8300  }
0x48: {  	[spmem:s2] =	stream.indirect.scatter.add.f32 [tilespmem:s9], [sflag:$0x3], $0x20, s7, s8, $0xb8;
	[tilespmem:$0x17700] =	vst v63  }
0x49: {  	_ =	swait.ge [sflag:s6], $0x7D00  }
0x4a: {  	[sflag:s6] =	ssyncset.done $0x0  }
0x4b: {  	s18 =	rddreg [dreg:$0xb];
	[sflag:s6] =	ssyncadd.s32 $0xFFFF8300  }
0x4c: {  	[tilespmem:s7], [sflag:$0x3] =	stream.linear.gather [hbm4b:s18+s3], $0x3E8, $0x38;
	[tilespmem:$0x17700] =	vst v63  }
0x4d: {  	_ =	swait.ge [sflag:s6], $0x3E8  }
0x4e: {  	[sflag:s6] =	ssyncset.done $0x0  }
0x4f: {  	s18 =	simm.s32 $0xFA0;
	[sflag:s6] =	ssyncadd.s32 $0xFFFFFC18  }
0x50: {  	[tilespmem:s9], [sflag:$0x1] =	stream.indirect.gather [hbm4b:s4+s8], $0x20, s18, s8, $0xb8;
	[tilespmem:$0x17700] =	vst v63  }
0x51: {  	_ =	swait.ge [sflag:s16], $0x7D00  }
0x52: {  	[sflag:s16] =	ssyncset.done $0x0  }
0x53: {  	[sflag:s16] =	ssyncadd.s32 $0xFFFF8300  }
0x54: {  	[spmem:s2] =	stream.indirect.scatter.add.f32 [tilespmem:s13], [sflag:$0x3], $0x20, s12, s8, $0xb8;
	[tilespmem:$0x17700] =	vst v63  }
0x55: {  	_ =	swait.ge [sflag:s6], $0x7D00  }
0x56: {  	[sflag:s6] =	ssyncset.done $0x0  }
0x57: {  	s19 =	rddreg [dreg:$0xc];
	[sflag:s6] =	ssyncadd.s32 $0xFFFF8300  }
0x58: {  	[tilespmem:s12], [sflag:$0x3] =	stream.linear.gather [hbm4b:s19+s3], $0x3E8, $0x38;
	[tilespmem:$0x17700] =	vst v63  }
0x59: {  	_ =	swait.ge [sflag:s6], $0x3E8  }
0x5a: {  	[sflag:s6] =	ssyncset.done $0x0  }
0x5b: {  	s19 =	simm.s32 $0x1388;
	[sflag:s6] =	ssyncadd.s32 $0xFFFFFC18  }
0x5c: {  	[tilespmem:s13], [sflag:$0x2] =	stream.indirect.gather [hbm4b:s4+s8], $0x20, s19, s8, $0xb8;
	[tilespmem:$0x17700] =	vst v63  }
0x5d: {  	_ =	swait.ge [sflag:s14], $0x7D00  }
0x5e: {  	[sflag:s14] =	ssyncset.done $0x0  }
0x5f: {  	[sflag:s14] =	ssyncadd.s32 $0xFFFF8300  }
0x60: {  	[spmem:s2] =	stream.indirect.scatter.add.f32 [tilespmem:s9], [sflag:$0x3], $0x20, s7, s8, $0xb8;
	[tilespmem:$0x17700] =	vst v63  }
0x61: {  	_ =	swait.ge [sflag:s6], $0x7D00  }
0x62: {  	[sflag:s6] =	ssyncset.done $0x0  }
0x63: {  	s20 =	rddreg [dreg:$0xd];
	[sflag:s6] =	ssyncadd.s32 $0xFFFF8300  }
0x64: {  	[tilespmem:s7], [sflag:$0x3] =	stream.linear.gather [hbm4b:s20+s3], $0x3E8, $0x38;
	[tilespmem:$0x17700] =	vst v63  }
0x65: {  	_ =	swait.ge [sflag:s6], $0x3E8  }
0x66: {  	[sflag:s6] =	ssyncset.done $0x0  }
0x67: {  	s20 =	simm.s32 $0x1770;
	[sflag:s6] =	ssyncadd.s32 $0xFFFFFC18  }
0x68: {  	[tilespmem:s9], [sflag:$0x1] =	stream.indirect.gather [hbm4b:s4+s8], $0x20, s20, s8, $0xb8;
	[tilespmem:$0x17700] =	vst v63  }
0x69: {  	_ =	swait.ge [sflag:s16], $0x7D00  }
0x6a: {  	[sflag:s16] =	ssyncset.done $0x0  }
0x6b: {  	[sflag:s16] =	ssyncadd.s32 $0xFFFF8300  }
0x6c: {  	[spmem:s2] =	stream.indirect.scatter.add.f32 [tilespmem:s13], [sflag:$0x3], $0x20, s12, s8, $0xb8;
	[tilespmem:$0x17700] =	vst v63  }
0x6d: {  	_ =	swait.ge [sflag:s6], $0x7D00  }
0x6e: {  	[sflag:s6] =	ssyncset.done $0x0  }
0x6f: {  	s21 =	rddreg [dreg:$0xe];
	[sflag:s6] =	ssyncadd.s32 $0xFFFF8300  }
0x70: {  	[tilespmem:s12], [sflag:$0x3] =	stream.linear.gather [hbm4b:s21+s3], $0x3E8, $0x38;
	[tilespmem:$0x17700] =	vst v63  }
0x71: {  	_ =	swait.ge [sflag:s6], $0x3E8  }
0x72: {  	[sflag:s6] =	ssyncset.done $0x0  }
0x73: {  	s21 =	simm.s32 $0x1B58;
	[sflag:s6] =	ssyncadd.s32 $0xFFFFFC18  }
0x74: {  	[tilespmem:s13], [sflag:$0x2] =	stream.indirect.gather [hbm4b:s4+s8], $0x20, s21, s8, $0xb8;
	[tilespmem:$0x17700] =	vst v63  }
0x75: {  	_ =	swait.ge [sflag:s14], $0x7D00  }
0x76: {  	[sflag:s14] =	ssyncset.done $0x0  }
0x77: {  	[sflag:s14] =	ssyncadd.s32 $0xFFFF8300  }
0x78: {  	[spmem:s2] =	stream.indirect.scatter.add.f32 [tilespmem:s9], [sflag:$0x3], $0x20, s7, s8, $0xb8;
	[tilespmem:$0x17700] =	vst v63  }
0x79: {  	_ =	swait.ge [sflag:s6], $0x7D00  }
0x7a: {  	[sflag:s6] =	ssyncset.done $0x0  }
0x7b: {  	s22 =	sadd.s32 $0x3E8, s5;
	[sflag:s6] =	ssyncadd.s32 $0xFFFF8300  }
0x7c: {  	[tilespmem:s7], [sflag:$0x3] =	stream.linear.gather [hbm4b:s22+s3], $0x3E8, $0x38;
	[tilespmem:$0x17700] =	vst v63  }
0x7d: {  	_ =	swait.ge [sflag:s6], $0x3E8  }
0x7e: {  	[sflag:s6] =	ssyncset.done $0x0  }
0x7f: {  	s23 =	simm.s32 $0x1F40;
	[sflag:s6] =	ssyncadd.s32 $0xFFFFFC18  }
0x80: {  	[tilespmem:s9], [sflag:$0x1] =	stream.indirect.gather [hbm4b:s4+s8], $0x20, s23, s8, $0xb8;
	[tilespmem:$0x17700] =	vst v63  }
0x81: {  	_ =	swait.ge [sflag:s16], $0x7D00  }
0x82: {  	[sflag:s16] =	ssyncset.done $0x0  }
0x83: {  	[sflag:s16] =	ssyncadd.s32 $0xFFFF8300  }
0x84: {  	[spmem:s2] =	stream.indirect.scatter.add.f32 [tilespmem:s13], [sflag:$0x3], $0x20, s12, s8, $0xb8;
	[tilespmem:$0x17700] =	vst v63  }
0x85: {  	s24 =	sadd.s32 $0x2328, s24;
	_ =	swait.ge [sflag:s6], $0x7D00  }
0x86: {  	s24 =	sshrl.u32 s24, $0x3;
	[sflag:s6] =	ssyncset.done $0x0  }
0x87: {  	s24 =	sadd.s32 s25, s24;
	[sflag:s6] =	ssyncadd.s32 $0xFFFF8300  }
0x88: {  	[tilespmem:s12], [sflag:$0x3] =	stream.linear.gather [hbm4b:s24+s3], $0x3E8, $0x38;
	[tilespmem:$0x17700] =	vst v63  }
0x89: {  	_ =	swait.ge [sflag:s6], $0x3E8  }
0x8a: {  	[sflag:s6] =	ssyncset.done $0x0  }
0x8b: {  	s25 =	simm.s32 $0x2328;
	[sflag:s6] =	ssyncadd.s32 $0xFFFFFC18  }
0x8c: {  	[tilespmem:s13], [sflag:$0x2] =	stream.indirect.gather [hbm4b:s4+s8], $0x20, s25, s8, $0xb8;
	[tilespmem:$0x17700] =	vst v63  }
0x8d: {  	_ =	swait.ge [sflag:s14], $0x7D00  }
0x8e: {  	[sflag:s14] =	ssyncset.done $0x0  }
0x8f: {  	[sflag:s14] =	ssyncadd.s32 $0xFFFF8300  }
0x90: {  	[spmem:s2] =	stream.indirect.scatter.add.f32 [tilespmem:s9], [sflag:$0x3], $0x20, s7, s8, $0xb8;
	[tilespmem:$0x17700] =	vst v63  }
0x91: {  	_ =	swait.ge [sflag:s6], $0x7D00  }
0x92: {  	[sflag:s6] =	ssyncset.done $0x0  }
0x93: {  	[sflag:s6] =	ssyncadd.s32 $0xFFFF8300  }
0x94: {  	_ =	swait.ge [sflag:s16], $0x7D00  }
0x95: {  	s31 =	smul.u32 $0x9C0, s0;
	[sflag:s16] =	ssyncset.done $0x0  }
0x96: {  	s0 =	smul.u32 $0x9C40, s28;
	[sflag:s16] =	ssyncadd.s32 $0xFFFF8300  }
0x97: {  	[spmem:s2] =	stream.indirect.scatter.add.f32 [tilespmem:s13], [sflag:$0x3], $0x20, s12, s8, $0xb8;
	[tilespmem:$0x17700] =	vst v63  }
0x98: {  	_ =	swait.ge [sflag:s6], $0x7D00  }
0x99: {  	s1 =	sadd.s32 s31, s0;
	[sflag:s6] =	ssyncset.done $0x0  }
0x9a: {  	s31 =	sadd.s32 $0x20400, s26;
	s0 =	smul.u32 $0x4E200, s28;
	[sflag:s6] =	ssyncadd.s32 $0xFFFF8300  }
0x9b: {  	s28 =	ssub.s32 $0x2, s28;
	s26 =	sadd.s32 s31, s1;
	[bflag:$0x0] =	sbarrier.arrive $0xFFFF  }
0x9c: {  	[hbm:s26], [sflag:s10] =	dma.local [spmem:s30], $0x9C0  }
0x9d: {  	s1 =	sshrl.u32 s0, $0x3;
	s0 =	sshrl.u32 s28, $0x1;
	_ =	swait.ge [sflag:s6], $0x9C0  }
0x9e: {  	s1 =	sadd.s32 s31, s1;
	s30 =	ssub.s32 s28, s0;
	[sflag:s6] =	ssyncset.done $0x0  }
0x9f: {  	s28 =	sadd.s32 $0x9C00, s1;
	s31 =	smax.u32 s30, $0x1;
	[sflag:s6] =	ssyncadd.s32 $0xFFFFF640  }
0xa0: {  	[hbm:s28], [sflag:s10] =	dma.local @!p0 [spmem:s29], $0x40  }
0xa1: {  	s29 =	sadd.s32 $0xFFFFFFFF, s31  }
0xa2: {  	p1 =	sne.s32 s29, $0x0  }
.Ltmp0:
0xa3: {  	_ = 	snop;
	(pc) =	sbr.rel @!p1 .LBB2_2-.Ltmp0, $2  }
0xa4: {  	_ =	sdelay $0x2  }
0xa5: {  	_ =	swait.ge @!p0 [sflag:s11], $0x40  }
.LBB2_1:
0xa6: {  	[sflag:s11] =	ssyncset.done @!p0 $0x0  }
0xa7: {  	s1 =	rddreg [dreg:$0x3];
	[sflag:s11] =	ssyncadd.s32 @!p0 $0xFFFFFFC0  }
0xa8: {  	[tilespmem:s3], [sflag:$0x3] =	stream.linear.gather [hbm4b:s1+s3], $0x2710, $0x38;
	[tilespmem:$0x17700] =	vst v63  }
0xa9: {  	_ =	swait.ge [sflag:s6], $0x2710  }
0xaa: {  	[sflag:s6] =	ssyncset.done $0x0  }
0xab: {  	[sflag:s6] =	ssyncadd.s32 $0xFFFFD8F0  }
0xac: {  	[tilespmem:s7], [sflag:$0x3] =	stream.linear.gather [hbm4b:s5+s3], $0x3E8, $0x38;
	[tilespmem:$0x17700] =	vst v63  }
0xad: {  	_ =	swait.ge [sflag:s6], $0x3E8  }
0xae: {  	[sflag:s6] =	ssyncset.done $0x0;
	s0 =	rddreg [dreg:$0x4]  }
0xaf: {  	s31 =	rddreg [dreg:$0x5];
	[sflag:s6] =	ssyncadd.s32 $0xFFFFFC18;
	s30 =	sshrl.u32 s0, $0x3  }
0xb0: {  	[tilespmem:s9], [sflag:$0x1] =	stream.indirect.gather [hbm4b:s4+s8], $0x20, s3, s8, $0xb8;
	[tilespmem:$0x17700] =	vst v63  }
0xb1: {  	[spmem:s30], [sflag:s10] =	dma.local [hbm:s31], $0x9C0  }
0xb2: {  	_ =	swait.ge [sflag:s6], $0x9C0  }
0xb3: {  	[sflag:s6] =	ssyncset.done $0x0;
	s1 =	rddreg [dreg:$0x6]  }
0xb4: {  	s0 =	rddreg [dreg:$0x7];
	[sflag:s6] =	ssyncadd.s32 $0xFFFFF640;
	s31 =	sshrl.u32 @!p0 s1, $0x3  }
0xb5: {  	[spmem:s31], [sflag:s10] =	dma.local @!p0 [hbm:s0], $0x40  }
0xb6: {  	_ =	swait.ge @!p0 [sflag:s11], $0x40  }
0xb7: {  	[sflag:s11] =	ssyncset.done @!p0 $0x0  }
0xb8: {  	[sflag:s11] =	ssyncadd.s32 @!p0 $0xFFFFFFC0  }
0xb9: {  	[bflag:$0x0] =	sbarrier.arrive $0xFFFF  }
0xba: {  	s1 =	rddreg [dreg:$0x8]  }
0xbb: {  	[tilespmem:s12], [sflag:$0x3] =	stream.linear.gather [hbm4b:s1+s3], $0x3E8, $0x38;
	[tilespmem:$0x17700] =	vst v63  }
0xbc: {  	_ =	swait.ge [sflag:s6], $0x3E8  }
0xbd: {  	[sflag:s6] =	ssyncset.done $0x0  }
0xbe: {  	[sflag:s6] =	ssyncadd.s32 $0xFFFFFC18  }
0xbf: {  	[tilespmem:s13], [sflag:$0x2] =	stream.indirect.gather [hbm4b:s4+s8], $0x20, s8, s8, $0xb8;
	[tilespmem:$0x17700] =	vst v63  }
0xc0: {  	_ =	swait.ge [sflag:s14], $0x7D00  }
0xc1: {  	[sflag:s14] =	ssyncset.done $0x0  }
0xc2: {  	[sflag:s14] =	ssyncadd.s32 $0xFFFF8300  }
0xc3: {  	[spmem:s2] =	stream.indirect.scatter.add.f32 [tilespmem:s9], [sflag:$0x3], $0x20, s7, s8, $0xb8;
	[tilespmem:$0x17700] =	vst v63  }
0xc4: {  	_ =	swait.ge [sflag:s6], $0x7D00  }
0xc5: {  	[sflag:s6] =	ssyncset.done $0x0  }
0xc6: {  	s1 =	rddreg [dreg:$0x9];
	[sflag:s6] =	ssyncadd.s32 $0xFFFF8300  }
0xc7: {  	[tilespmem:s7], [sflag:$0x3] =	stream.linear.gather [hbm4b:s1+s3], $0x3E8, $0x38;
	[tilespmem:$0x17700] =	vst v63  }
0xc8: {  	_ =	swait.ge [sflag:s6], $0x3E8  }
0xc9: {  	[sflag:s6] =	ssyncset.done $0x0  }
0xca: {  	[sflag:s6] =	ssyncadd.s32 $0xFFFFFC18  }
0xcb: {  	[tilespmem:s9], [sflag:$0x1] =	stream.indirect.gather [hbm4b:s4+s8], $0x20, s15, s8, $0xb8;
	[tilespmem:$0x17700] =	vst v63  }
0xcc: {  	_ =	swait.ge [sflag:s16], $0x7D00  }
0xcd: {  	[sflag:s16] =	ssyncset.done $0x0  }
0xce: {  	[sflag:s16] =	ssyncadd.s32 $0xFFFF8300  }
0xcf: {  	[spmem:s2] =	stream.indirect.scatter.add.f32 [tilespmem:s13], [sflag:$0x3], $0x20, s12, s8, $0xb8;
	[tilespmem:$0x17700] =	vst v63  }
0xd0: {  	_ =	swait.ge [sflag:s6], $0x7D00  }
0xd1: {  	[sflag:s6] =	ssyncset.done $0x0  }
0xd2: {  	s1 =	rddreg [dreg:$0xa];
	[sflag:s6] =	ssyncadd.s32 $0xFFFF8300  }
0xd3: {  	[tilespmem:s12], [sflag:$0x3] =	stream.linear.gather [hbm4b:s1+s3], $0x3E8, $0x38;
	[tilespmem:$0x17700] =	vst v63  }
0xd4: {  	_ =	swait.ge [sflag:s6], $0x3E8  }
0xd5: {  	[sflag:s6] =	ssyncset.done $0x0  }
0xd6: {  	[sflag:s6] =	ssyncadd.s32 $0xFFFFFC18  }
0xd7: {  	[tilespmem:s13], [sflag:$0x2] =	stream.indirect.gather [hbm4b:s4+s8], $0x20, s17, s8, $0xb8;
	[tilespmem:$0x17700] =	vst v63  }
0xd8: {  	_ =	swait.ge [sflag:s14], $0x7D00  }
0xd9: {  	[sflag:s14] =	ssyncset.done $0x0  }
0xda: {  	[sflag:s14] =	ssyncadd.s32 $0xFFFF8300  }
0xdb: {  	[spmem:s2] =	stream.indirect.scatter.add.f32 [tilespmem:s9], [sflag:$0x3], $0x20, s7, s8, $0xb8;
	[tilespmem:$0x17700] =	vst v63  }
0xdc: {  	_ =	swait.ge [sflag:s6], $0x7D00  }
0xdd: {  	[sflag:s6] =	ssyncset.done $0x0  }
0xde: {  	s1 =	rddreg [dreg:$0xb];
	[sflag:s6] =	ssyncadd.s32 $0xFFFF8300  }
0xdf: {  	[tilespmem:s7], [sflag:$0x3] =	stream.linear.gather [hbm4b:s1+s3], $0x3E8, $0x38;
	[tilespmem:$0x17700] =	vst v63  }
0xe0: {  	_ =	swait.ge [sflag:s6], $0x3E8  }
0xe1: {  	[sflag:s6] =	ssyncset.done $0x0  }
0xe2: {  	[sflag:s6] =	ssyncadd.s32 $0xFFFFFC18  }
0xe3: {  	[tilespmem:s9], [sflag:$0x1] =	stream.indirect.gather [hbm4b:s4+s8], $0x20, s18, s8, $0xb8;
	[tilespmem:$0x17700] =	vst v63  }
0xe4: {  	_ =	swait.ge [sflag:s16], $0x7D00  }
0xe5: {  	[sflag:s16] =	ssyncset.done $0x0  }
0xe6: {  	[sflag:s16] =	ssyncadd.s32 $0xFFFF8300  }
0xe7: {  	[spmem:s2] =	stream.indirect.scatter.add.f32 [tilespmem:s13], [sflag:$0x3], $0x20, s12, s8, $0xb8;
	[tilespmem:$0x17700] =	vst v63  }
0xe8: {  	_ =	swait.ge [sflag:s6], $0x7D00  }
0xe9: {  	[sflag:s6] =	ssyncset.done $0x0  }
0xea: {  	s1 =	rddreg [dreg:$0xc];
	[sflag:s6] =	ssyncadd.s32 $0xFFFF8300  }
0xeb: {  	[tilespmem:s12], [sflag:$0x3] =	stream.linear.gather [hbm4b:s1+s3], $0x3E8, $0x38;
	[tilespmem:$0x17700] =	vst v63  }
0xec: {  	_ =	swait.ge [sflag:s6], $0x3E8  }
0xed: {  	[sflag:s6] =	ssyncset.done $0x0  }
0xee: {  	[sflag:s6] =	ssyncadd.s32 $0xFFFFFC18  }
0xef: {  	[tilespmem:s13], [sflag:$0x2] =	stream.indirect.gather [hbm4b:s4+s8], $0x20, s19, s8, $0xb8;
	[tilespmem:$0x17700] =	vst v63  }
0xf0: {  	_ =	swait.ge [sflag:s14], $0x7D00  }
0xf1: {  	[sflag:s14] =	ssyncset.done $0x0  }
0xf2: {  	[sflag:s14] =	ssyncadd.s32 $0xFFFF8300  }
0xf3: {  	[spmem:s2] =	stream.indirect.scatter.add.f32 [tilespmem:s9], [sflag:$0x3], $0x20, s7, s8, $0xb8;
	[tilespmem:$0x17700] =	vst v63  }
0xf4: {  	_ =	swait.ge [sflag:s6], $0x7D00  }
0xf5: {  	[sflag:s6] =	ssyncset.done $0x0  }
0xf6: {  	s1 =	rddreg [dreg:$0xd];
	[sflag:s6] =	ssyncadd.s32 $0xFFFF8300  }
0xf7: {  	[tilespmem:s7], [sflag:$0x3] =	stream.linear.gather [hbm4b:s1+s3], $0x3E8, $0x38;
	[tilespmem:$0x17700] =	vst v63  }
0xf8: {  	_ =	swait.ge [sflag:s6], $0x3E8  }
0xf9: {  	[sflag:s6] =	ssyncset.done $0x0  }
0xfa: {  	[sflag:s6] =	ssyncadd.s32 $0xFFFFFC18  }
0xfb: {  	[tilespmem:s9], [sflag:$0x1] =	stream.indirect.gather [hbm4b:s4+s8], $0x20, s20, s8, $0xb8;
	[tilespmem:$0x17700] =	vst v63  }
0xfc: {  	_ =	swait.ge [sflag:s16], $0x7D00  }
0xfd: {  	[sflag:s16] =	ssyncset.done $0x0  }
0xfe: {  	[sflag:s16] =	ssyncadd.s32 $0xFFFF8300  }
0xff: {  	[spmem:s2] =	stream.indirect.scatter.add.f32 [tilespmem:s13], [sflag:$0x3], $0x20, s12, s8, $0xb8;
	[tilespmem:$0x17700] =	vst v63  }
0x100: {  	_ =	swait.ge [sflag:s6], $0x7D00  }
0x101: {  	[sflag:s6] =	ssyncset.done $0x0  }
0x102: {  	s1 =	rddreg [dreg:$0xe];
	[sflag:s6] =	ssyncadd.s32 $0xFFFF8300  }
0x103: {  	[tilespmem:s12], [sflag:$0x3] =	stream.linear.gather [hbm4b:s1+s3], $0x3E8, $0x38;
	[tilespmem:$0x17700] =	vst v63  }
0x104: {  	_ =	swait.ge [sflag:s6], $0x3E8  }
0x105: {  	[sflag:s6] =	ssyncset.done $0x0  }
0x106: {  	[sflag:s6] =	ssyncadd.s32 $0xFFFFFC18  }
0x107: {  	[tilespmem:s13], [sflag:$0x2] =	stream.indirect.gather [hbm4b:s4+s8], $0x20, s21, s8, $0xb8;
	[tilespmem:$0x17700] =	vst v63  }
0x108: {  	_ =	swait.ge [sflag:s14], $0x7D00  }
0x109: {  	[sflag:s14] =	ssyncset.done $0x0  }
0x10a: {  	[sflag:s14] =	ssyncadd.s32 $0xFFFF8300  }
0x10b: {  	[spmem:s2] =	stream.indirect.scatter.add.f32 [tilespmem:s9], [sflag:$0x3], $0x20, s7, s8, $0xb8;
	[tilespmem:$0x17700] =	vst v63  }
0x10c: {  	_ =	swait.ge [sflag:s6], $0x7D00  }
0x10d: {  	[sflag:s6] =	ssyncset.done $0x0  }
0x10e: {  	[sflag:s6] =	ssyncadd.s32 $0xFFFF8300  }
0x10f: {  	[tilespmem:s7], [sflag:$0x3] =	stream.linear.gather [hbm4b:s22+s3], $0x3E8, $0x38;
	[tilespmem:$0x17700] =	vst v63  }
0x110: {  	_ =	swait.ge [sflag:s6], $0x3E8  }
0x111: {  	[sflag:s6] =	ssyncset.done $0x0  }
0x112: {  	[sflag:s6] =	ssyncadd.s32 $0xFFFFFC18  }
0x113: {  	[tilespmem:s9], [sflag:$0x1] =	stream.indirect.gather [hbm4b:s4+s8], $0x20, s23, s8, $0xb8;
	[tilespmem:$0x17700] =	vst v63  }
0x114: {  	_ =	swait.ge [sflag:s16], $0x7D00  }
0x115: {  	[sflag:s16] =	ssyncset.done $0x0  }
0x116: {  	[sflag:s16] =	ssyncadd.s32 $0xFFFF8300  }
0x117: {  	[spmem:s2] =	stream.indirect.scatter.add.f32 [tilespmem:s13], [sflag:$0x3], $0x20, s12, s8, $0xb8;
	[tilespmem:$0x17700] =	vst v63  }
0x118: {  	_ =	swait.ge [sflag:s6], $0x7D00  }
0x119: {  	[sflag:s6] =	ssyncset.done $0x0  }
0x11a: {  	[sflag:s6] =	ssyncadd.s32 $0xFFFF8300  }
0x11b: {  	[tilespmem:s12], [sflag:$0x3] =	stream.linear.gather [hbm4b:s24+s3], $0x3E8, $0x38;
	[tilespmem:$0x17700] =	vst v63  }
0x11c: {  	_ =	swait.ge [sflag:s6], $0x3E8  }
0x11d: {  	[sflag:s6] =	ssyncset.done $0x0  }
0x11e: {  	[sflag:s6] =	ssyncadd.s32 $0xFFFFFC18  }
0x11f: {  	[tilespmem:s13], [sflag:$0x2] =	stream.indirect.gather [hbm4b:s4+s8], $0x20, s25, s8, $0xb8;
	[tilespmem:$0x17700] =	vst v63  }
0x120: {  	_ =	swait.ge [sflag:s14], $0x7D00  }
0x121: {  	[sflag:s14] =	ssyncset.done $0x0  }
0x122: {  	[sflag:s14] =	ssyncadd.s32 $0xFFFF8300  }
0x123: {  	[spmem:s2] =	stream.indirect.scatter.add.f32 [tilespmem:s9], [sflag:$0x3], $0x20, s7, s8, $0xb8;
	[tilespmem:$0x17700] =	vst v63  }
0x124: {  	_ =	swait.ge [sflag:s6], $0x7D00  }
0x125: {  	[sflag:s6] =	ssyncset.done $0x0  }
0x126: {  	[sflag:s6] =	ssyncadd.s32 $0xFFFF8300  }
0x127: {  	_ =	swait.ge [sflag:s16], $0x7D00  }
0x128: {  	[sflag:s16] =	ssyncset.done $0x0  }
0x129: {  	[sflag:s16] =	ssyncadd.s32 $0xFFFF8300  }
0x12a: {  	[spmem:s2] =	stream.indirect.scatter.add.f32 [tilespmem:s13], [sflag:$0x3], $0x20, s12, s8, $0xb8;
	[tilespmem:$0x17700] =	vst v63  }
0x12b: {  	_ =	swait.ge [sflag:s6], $0x7D00  }
0x12c: {  	[sflag:s6] =	ssyncset.done $0x0  }
0x12d: {  	s29 =	sadd.s32 $0xFFFFFFFF, s29;
	[sflag:s6] =	ssyncadd.s32 $0xFFFF8300  }
0x12e: {  	p1 =	sne.s32 s29, $0x0;
	[bflag:$0x0] =	sbarrier.arrive $0xFFFF  }
0x12f: {  	[hbm:s26], [sflag:s10] =	dma.local [spmem:s30], $0x9C0  }
.Ltmp1:
0x130: {  	_ =	swait.ge [sflag:s6], $0x9C0;
	(pc) =	sbr.rel @p1 .LBB2_1-.Ltmp1, $4  }
0x131: {  	[sflag:s6] =	ssyncset.done $0x0  }
0x132: {  	[sflag:s6] =	ssyncadd.s32 $0xFFFFF640  }
0x133: {  	[hbm:s28], [sflag:s10] =	dma.local @!p0 [spmem:s31], $0x40  }
0x134: {  	_ =	swait.ge @!p0 [sflag:s11], $0x40  }
.LBB2_2:
0x135: {  	[sflag:s11] =	ssyncset.done @!p0 $0x0  }
0x136: {  	[sflag:s11] =	ssyncadd.s32 @!p0 $0xFFFFFFC0  }
0x137: {  	_ =	sfence.sel $0x180000  }
0x138: {  	[bflag:$0x0] =	sbarrier.arrive $0xFFFF  }
0x139: {  	_ =	strace $0x9000004A  }
0x13a: {  	s0 =	stileid.u32;
	[bflag:$0x2] =	sbarrier.arrive $0xFFFF  }
0x13b: {  	p0 =	sne.s32 s0, $0x0;
	s0 =	rddreg [dreg:$0x2]  }
0x13c: {  	s0 =	sadd.s32 @!p0 $0x100000, s0  }
0x13d: {  	[sflag:s0] =	ssyncadd.tile.s32 @!p0 $0x1;
	_ =	shalt  }
.Lfunc_end2:
_tile_overlayer_lowered:
.L_overlay_start_2:
0x13e: {  	(tag) =	ssettag $0x2  }
0x13f: {  	s0 =	rddreg [dreg:$0x0];
	s2 =	stileid.u32  }
0x140: {  	s1 =	rddreg [dreg:$0x1];
	p0 =	sne.s32 s2, $0x0  }
0x141: {  	s3 =	rddreg [dreg:$0x2];
	[bflag:$0x3] =	sbarrier.arrive $0xFFFF;
	s2 =	simm.s32 @!p0 $0x1C03  }
0x142: {  	[timem:s3], [sflag:s2] =	dma.local @!p0 [hbm:s0], s1  }
0x143: {  	s0 =	simm.s32 @!p0 $0x3  }
0x144: {  	_ =	swait.ge @!p0 [sflag:s0], s1  }
0x145: {  	s1 =	ssub.s32 @!p0 $0x0, s1;
	[sflag:s0] =	ssyncset.done @!p0 $0x0  }
0x146: {  	[sflag:s0] =	ssyncadd.s32 @!p0 s1  }
0x147: {  	[bflag:$0x3] =	sbarrier.arrive $0xFFFF  }
0x148: {  	_ =	shalt  }

// kernel: kernel.18.cloned.1.call-start
scs
__scs_entry_jumppad:
0x0: {  	(pc) =	sbr.rel $0x88, $3  }
0x1: {  	(tag) =	ssettag $0x0;
	lr =	simm.s32 $0x1  }
0x2: {  	[smem:$0x3F95] =	sst lr;
	_ =	strace $0xD0000000  }
0x3: {  	_ = 	snop  }
0x4: {  	_ = 	snop  }
0x5: {  	_ = 	snop  }
0x6: {  	_ = 	snop  }
0x7: {  	_ = 	snop  }
__scs_overlays_trampoline_lowered:
0x8: {  	[smem:$0x3FA4] =	sst s0  }
0x9: {  	[smem:$0x3FA5] =	sst s1  }
0xa: {  	[smem:$0x3FA6] =	sst s2  }
0xb: {  	[smem:$0x3FA7] =	sst s3  }
0xc: {  	[smem:$0x3FA8] =	sst s4  }
0xd: {  	[smem:$0x3FA9] =	sst s5  }
0xe: {  	[smem:$0x3FAA] =	sst s6  }
0xf: {  	[smem:$0x3FAB] =	sst s7  }
0x10: {  	[smem:$0x3FAC] =	sst s8  }
0x11: {  	[smem:$0x3FAD] =	sst s9;
	s0 =	simm.s32 @!p0 $0x0  }
0x12: {  	s1 =	sld [smem:$0x3F93];
	s0 =	simm.s32 @p0 $0x1  }
0x13: {  	[smem:$0x3FAE] =	sst s0;
	s0 =	simm.s32 @!p1 $0x0  }
0x14: {  	s2 =	sld [smem:$0x3F92];
	s0 =	simm.s32 @p1 $0x1  }
0x15: {  	[smem:$0x3FAF] =	sst s0;
	s0 =	simm.s32 @!p2 $0x0  }
0x16: {  	s3 =	sld [smem:$0x3FDB];
	s0 =	simm.s32 @p2 $0x1  }
0x17: {  	s4 =	simm.s32 $0x1BF5;
	[smem:$0x3FB1] =	sst s0  }
0x18: {  	s0 =	sld [smem:$0x3F94];
	_ =	swait.ge [sflag:s4], $0x0  }
0x19: {  	s7 =	sld [smem:$0x3F95]  }
0x1a: {  	s8 =	sadd.s32 $0xFFFFE003, lr  }
0x1b: {  	s9 =	sadd.s32 $0xFFFFFEF7, lr;
	s5 =	simm.s32 $0xFFFFFFFF;
	p2 =	slt.u32 s8, $0xFFFFF086  }
0x1c: {  	p1 =	slt.u32 s9, $0xF7A;
	s5 =	simm.s32 @!p2 $0x0  }
0x1d: {  	s5 =	simm.s32 @p1 $0x1;
	p0 =	seq.s32 s7, s2  }
0x1e: {  	s7 =	smul.u32 @!p0 $0xF7A, s2;
	p2 =	seq.s32 @!p0 s5, $0x0  }
0x1f: {  	s9 =	smul.u32 $0xF7A, s1;
	s8 =	simm.s32 @!p0 $0x1BF5;
	p2 =	por !p2, p0  }
0x20: {  	[sflag:s8] =	ssyncset.s32 @!p0 $0xFFFFF086;
	s6 =	sadd.s32 @!p0 s3, s7;
	s7 =	simm.s32 @!p0 $0x108  }
0x21: {  	s3 =	sadd.s32 s3, s9;
	s6 =	sadd.s32 @!p0 $0x88, s6;
	s7 =	simm.s32 @p2 $0x1082  }
0x22: {  	[simem:s7], [sflag:s8] =	dma.local @!p0 [hbm:s6], $0xF7A  }
0x23: {  	s9 =	sor.u32 $0xD0000000, s2;
	s6 =	simm.s32 $0x108;
	_ =	swait.ge @!p0 [sflag:s8], $0x0  }
0x24: {  	s3 =	sadd.s32 $0x88, s3;
	s6 =	simm.s32 @!p1 $0x1082;
	[sflag:s4] =	ssyncset.s32 $0xFFFFF086  }
0x25: {  	[simem:s6], [sflag:s4] =	dma.local [hbm:s3], $0xF7A  }
0x26: {  	[smem:$0x3F95] =	sst s1;
	(tag) =	ssettag s2;
	_ =	strace s9  }
0x27: {  	s1 =	sld [smem:$0x3FA5]  }
0x28: {  	s2 =	sld [smem:$0x3FA6]  }
0x29: {  	s4 =	sld [smem:$0x3FA8]  }
0x2a: {  	p0 =	seq.s32 s5, $0x0;
	s5 =	sld [smem:$0x3FA9]  }
0x2b: {  	s6 =	sld [smem:$0x3FAA]  }
0x2c: {  	s7 =	sld [smem:$0x3FAB]  }
0x2d: {  	s3 =	simm.s32 $0x108;
	s8 =	sld [smem:$0x3FAC]  }
0x2e: {  	s3 =	simm.s32 @!p0 $0x1082;
	s9 =	sld [smem:$0x3FAD]  }
0x2f: {  	lr =	sadd.s32 s0, s3;
	s0 =	sld [smem:$0x3FA4]  }
0x30: {  	s3 =	sld [smem:$0x3FA7]  }
0x31: {  	[smem:$0x3FB0] =	sst s10  }
0x32: {  	s10 =	sld [smem:$0x3FAE];
	_ =	sdelay $0x3  }
0x33: {  	p0 =	seq.s32 s10, $0x1;
	s10 =	sld [smem:$0x3FB0];
	_ =	sdelay $0x3  }
0x34: {  	[smem:$0x3FB0] =	sst s10  }
0x35: {  	s10 =	sld [smem:$0x3FAF];
	_ =	sdelay $0x3  }
0x36: {  	p1 =	seq.s32 s10, $0x1;
	s10 =	sld [smem:$0x3FB0];
	_ =	sdelay $0x3  }
0x37: {  	[smem:$0x3FB0] =	sst s10  }
0x38: {  	s10 =	sld [smem:$0x3FB1]  }
0x39: {  	_ = 	snop;
	(pc) =	sbr.ind lr, $3  }
0x3a: {  	_ = 	snop  }
0x3b: {  	_ = 	snop  }
0x3c: {  	p2 =	seq.s32 s10, $0x1;
	s10 =	sld [smem:$0x3FB0]  }
0x3d: {  	_ =	shalt  }
0x3e: {  	_ =	shalt  }
0x3f: {  	_ =	shalt  }
0x40: {  	_ =	shalt  }
0x41: {  	_ =	shalt  }
0x42: {  	_ =	shalt  }
0x43: {  	_ =	shalt  }
0x44: {  	_ =	shalt  }
0x45: {  	_ =	shalt  }
0x46: {  	_ =	shalt  }
0x47: {  	_ =	shalt  }
0x48: {  	_ =	shalt  }
0x49: {  	_ =	shalt  }
0x4a: {  	_ =	shalt  }
0x4b: {  	_ =	shalt  }
0x4c: {  	_ =	shalt  }
0x4d: {  	_ =	shalt  }
0x4e: {  	_ =	shalt  }
0x4f: {  	_ =	shalt  }
0x50: {  	_ =	shalt  }
0x51: {  	_ =	shalt  }
0x52: {  	_ =	shalt  }
0x53: {  	_ =	shalt  }
0x54: {  	_ =	shalt  }
0x55: {  	_ =	shalt  }
0x56: {  	_ =	shalt  }
0x57: {  	_ =	shalt  }
0x58: {  	_ =	shalt  }
0x59: {  	_ =	shalt  }
0x5a: {  	_ =	shalt  }
0x5b: {  	_ =	shalt  }
0x5c: {  	_ =	shalt  }
0x5d: {  	_ =	shalt  }
0x5e: {  	_ =	shalt  }
0x5f: {  	_ =	shalt  }
0x60: {  	_ =	shalt  }
0x61: {  	_ =	shalt  }
0x62: {  	_ =	shalt  }
0x63: {  	_ =	shalt  }
0x64: {  	_ =	shalt  }
0x65: {  	_ =	shalt  }
0x66: {  	_ =	shalt  }
0x67: {  	_ =	shalt  }
0x68: {  	_ =	shalt  }
0x69: {  	_ =	shalt  }
0x6a: {  	_ =	shalt  }
0x6b: {  	_ =	shalt  }
0x6c: {  	_ =	shalt  }
0x6d: {  	_ =	shalt  }
0x6e: {  	_ =	shalt  }
0x6f: {  	_ =	shalt  }
0x70: {  	_ =	shalt  }
0x71: {  	_ =	shalt  }
0x72: {  	_ =	shalt  }
0x73: {  	_ =	shalt  }
0x74: {  	_ =	shalt  }
0x75: {  	_ =	shalt  }
0x76: {  	_ =	shalt  }
0x77: {  	_ =	shalt  }
0x78: {  	_ =	shalt  }
0x79: {  	_ =	shalt  }
0x7a: {  	_ =	shalt  }
0x7b: {  	_ =	shalt  }
0x7c: {  	_ =	shalt  }
0x7d: {  	_ =	shalt  }
0x7e: {  	_ =	shalt  }
0x7f: {  	_ =	shalt  }
0x80: {  	_ =	shalt  }
0x81: {  	_ =	shalt  }
0x82: {  	_ =	shalt  }
0x83: {  	_ =	shalt  }
0x84: {  	_ =	shalt  }
0x85: {  	_ =	shalt  }
0x86: {  	_ =	shalt  }
0x87: {  	_ =	shalt  }
.Lfunc_end0:
.L_simem_size_0:
called_computation.2_lowered:
.L_overlay_start_0:
0x88: {  	s2 =	sld [smem:$0x3FD9]  }
0x89: {  	s3 =	sld [smem:$0x3FFE];
	_ =	sdelay $0x1  }
0x8a: {  	s1 =	srdreg.scid  }
0x8b: {  	s0 =	sand.u32 $0x1, s1  }
0x8c: {  	s16 =	sshll.u32 s0, $0xA;
	s2 =	sadd.s32 s3, s2  }
0x8d: {  	s2 =	sadd.s32 s2, s16  }
0x8e: {  	[smem:$0x3FBC] =	sst s2  }
0x8f: {  	_ = 	snop  }
0x90: {  	(tm) =	ssettm $0x1  }
0x91: {  	s17 =	sld [smem:$0x3FFB];
	_ =	sdelay $0x3  }
0x92: {  	_ =	strace s17  }
0x93: {  	s2 =	sld [smem:$0x3FFC];
	_ =	sdelay $0x3  }
0x94: {  	_ =	strace s2  }
0x95: {  	s2 =	sld [smem:$0x3FFD];
	_ =	sdelay $0x3  }
0x96: {  	_ =	strace s2  }
0x97: {  	_ =	strace $0x8FFFFFFF  }
0x98: {  	s18 =	sld [smem:$0x3FDB];
	_ =	sdelay $0x1  }
0x99: {  	s19 =	simm.s32 $_scs_section_size  }
0x9a: {  	s4 =	simm.s32 $_size__tile_overlayer_lowered;
	s5 =	simm.s32 $_tile_overlayer_lowered  }
0x9b: {  	s22 =	simm.s32 $0x1BFF;
	s21 =	sshll.u32 s5, $0x1;
	s2 =	sadd.s32 s19, s18  }
0x9c: {  	s6 =	simm.s32 $0x0;
	s20 =	sshll.u32 s4, $0x1;
	s4 =	sadd.s32 s21, s2  }
0x9d: {  	[timem:s6], [sflag:s22] =	dma.local [hbm:s4], s20  }
0x9e: {  	_ =	swait.ge [sflag:s22], s20  }
0x9f: {  	s3 =	ssub.s32 $0x0, s20;
	[sflag:s22] =	ssyncset.done $0x0  }
0xa0: {  	[sflag:s22] =	ssyncadd.s32 s3;
	_ =	sdelay $0x1  }
0xa1: {  	s23 =	simm.s32 $0x1B8B  }
0xa2: {  	_ =	swait.ge [sflag:s23], $0x1  }
0xa3: {  	[sflag:s23] =	ssyncset.done $0x0  }
0xa4: {  	s25 =	simm.s32 $0x1B8E;
	s24 =	sld [smem:$0x3FFE];
	[sflag:s23] =	ssyncadd.s32 $0xFFFFFFFF  }
0xa5: {  	s26 =	simm.s32 $execute0_lowered;
	[smem:$0x3FD2] =	sst s25  }
0xa6: {  	s4 =	sshll.u32 s26, $0x1;
	_ =	strace $0x8000004C;
	[dreg:$0x1] =	wrdreg $0xFFFFFFFF  }
0xa7: {  	s28 =	simm.s32 $_size_execute0_lowered;
	s2 =	sadd.s32 s2, s4;
	[dreg:$0x0] =	wrdreg $0x0  }
0xa8: {  	s4 =	sshll.u32 s28, $0x1;
	[dreg:$0x2] =	wrdreg s2  }
0xa9: {  	[dreg:$0x3] =	wrdreg s4  }
0xaa: {  	[dreg:$0x4] =	wrdreg $0xC0  }
0xab: {  	_ =	task [dreg:s6], $0x5FFFF  }
0xac: {  	[dreg:$0x1] =	wrdreg $0xFFFFFFFF  }
0xad: {  	[dreg:$0x0] =	wrdreg $0x60  }
0xae: {  	[dreg:$0x2] =	wrdreg s24  }
0xaf: {  	[dreg:$0x3] =	wrdreg $0x128E00  }
0xb0: {  	[dreg:$0x4] =	wrdreg $0x9  }
0xb1: {  	_ =	task.clear_ibuf [dreg:s6], $0x5FFFF;
	_ =	strace $0x9000004C  }
0xb2: {  	s29 =	simm.s32 $0x9;
	_ =	strace $0x8000004E  }
0xb3: {  	_ =	swait.ge [sflag:s29], $0x1  }
0xb4: {  	[sflag:s29] =	ssyncadd.s32 $0xFFFFFFFF  }
0xb5: {  	_ =	strace $0x9000004E  }
0xb6: {  	_ =	sfence  }
0xb7: {  	s30 =	sld [smem:$0x0];
	_ =	sdelay $0x2  }
0xb8: {  	s31 =	sshll.u32 s1, $0xD;
	s1 =	sshrl.u32 s1, $0x2  }
0xb9: {  	s3 =	sand.u32 $0x4000, s31;
	s1 =	sadd.s32 s1, s30  }
0xba: {  	s0 =	sor.u32 s3, s0;
	s1 =	sshll.u32 s1, $0x11  }
0xbb: {  	s0 =	sor.u32 s1, s0  }
0xbc: {  	s0 =	sadd.s32 $0x8F2B, s0  }
0xbd: {  	[sflag:s0] =	ssyncadd.remote.s32 $0x1  }
0xbe: {  	_ =	sfence.sel $0xFFFF  }
0xbf: {  	[dreg:$0x0] =	wrdreg $0xFFFFFFFF;
	(pc) =	sbr.abs _section_cstart, $3  }
0xc0: {  	[dreg:$0x1] =	wrdreg $0xFFFFFFFF  }
0xc1: {  	_ =	task.clear_ibuf [dreg:s6], $0x2FFFF;
	_ =	strace $0x9FFFFFFF  }
0xc2: {  	(tm) =	ssettm $0x7FFFFFFF  }
0xc3: {  	_ =	shalt  }
tec
execute0_lowered:
.L_overlay_start_1:
0x0: {  	(tag) =	ssettag $0x1  }
0x1: {  	s26 =	rddreg [dreg:$0x0]  }
0x2: {  	s0 =	srdreg.scid;
	s2 =	rddreg [dreg:$0x1];
	s3 =	simm.s32 $0x0  }
0x3: {  	s28 =	sand.u32 $0x1, s0;
	s0 =	stileid.u32;
	[smem:$0x7FF] =	sst s3  }
0x4: {  	s4 =	sadd.s32 $0x16600, s26;
	s14 =	sadd.s32 $0x4E000, s2;
	s1 =	sshll.u32 s28, $0x4  }
0x5: {  	s16 =	sadd.s32 $0x20200, s26;
	s7 =	smul.u32 $0x4E00, s0;
	s1 =	sor.u32 s0, s1  }
0x6: {  	_ =	strace $0x8000004D;
	[dreg:$0x6] =	wrdreg s14;
	s24 =	smul.u32 $0x2710, s1  }
0x7: {  	s25 =	sadd.s32 $0xC800, s26;
	[dreg:$0x7] =	wrdreg s16;
	s12 =	sadd.s32 s7, s2  }
0x8: {  	s7 =	sshrl.u32 s7, $0x3;
	[dreg:$0x4] =	wrdreg s12;
	s5 =	sshrl.u32 s24, $0x3  }
0x9: {  	s13 =	sadd.s32 s4, s7;
	s15 =	sadd.s32 $0x3E8, s24;
	s6 =	sadd.s32 s5, s26  }
0xa: {  	[dreg:$0x5] =	wrdreg s13;
	s7 =	sshrl.u32 s15, $0x3;
	s6 =	sadd.s32 $0x2A00, s6  }
0xb: {  	s5 =	sadd.s32 s25, s5;
	s17 =	sadd.s32 s25, s7;
	[dreg:$0x3] =	wrdreg s6  }
0xc: {  	s19 =	sadd.s32 $0xFA, s5;
	[dreg:$0x8] =	wrdreg s17  }
0xd: {  	s18 =	sadd.s32 $0xBB8, s24;
	s22 =	sadd.s32 $0x1F4, s5;
	[dreg:$0x9] =	wrdreg s19  }
0xe: {  	s7 =	sshrl.u32 s18, $0x3;
	s31 =	sadd.s32 $0x2EE, s5;
	[dreg:$0xb] =	wrdreg s22  }
0xf: {  	s21 =	sadd.s32 $0x1388, s24;
	s20 =	sadd.s32 s25, s7;
	[dreg:$0xd] =	wrdreg s31  }
0x10: {  	s30 =	sadd.s32 $0x1B58, s24;
	s7 =	sshrl.u32 s21, $0x3;
	[dreg:$0xa] =	wrdreg s20  }
0x11: {  	s6 =	sshrl.u32 s30, $0x3;
	s23 =	sadd.s32 s25, s7;
	s8 =	rddreg [dreg:$0x3]  }
0x12: {  	s6 =	sadd.s32 s25, s6;
	[dreg:$0xc] =	wrdreg s23  }
0x13: {  	[dreg:$0xe] =	wrdreg s6;
	s6 =	simm.s32 $0x3  }
0x14: {  	[tilespmem:s3], [sflag:$0x3] =	stream.linear.gather [hbm4b:s8+s3], $0x2710, $0x38;
	[tilespmem:$0x17700] =	vst v63  }
0x15: {  	_ =	swait.ge [sflag:s6], $0x2710  }
0x16: {  	[sflag:s6] =	ssyncset.done $0x0  }
0x17: {  	s10 =	sshll.u32 s0, $0x6;
	s7 =	simm.s32 $0x2710;
	[sflag:s6] =	ssyncadd.s32 $0xFFFFD8F0  }
0x18: {  	[tilespmem:s7], [sflag:$0x3] =	stream.linear.gather [hbm4b:s5+s3], $0x3E8, $0x38;
	[tilespmem:$0x17700] =	vst v63  }
0x19: {  	s9 =	simm.s32 $0x2EE0;
	s10 =	sor.u32 $0x1C03, s10;
	_ =	swait.ge [sflag:s6], $0x3E8  }
0x1a: {  	s8 =	simm.s32 $0x3E8;
	[sflag:s6] =	ssyncset.done $0x0;
	s11 =	rddreg [dreg:$0x4]  }
0x1b: {  	s12 =	rddreg [dreg:$0x5];
	[sflag:s6] =	ssyncadd.s32 $0xFFFFFC18;
	s30 =	sshrl.u32 s11, $0x3  }
0x1c: {  	[tilespmem:s9], [sflag:$0x1] =	stream.indirect.gather [hbm4b:s4+s8], $0x20, s3, s8, $0xb8;
	[tilespmem:$0x17700] =	vst v63  }
0x1d: {  	[spmem:s30], [sflag:s10] =	dma.local [hbm:s12], $0x9C0  }
0x1e: {  	_ =	swait.ge [sflag:s6], $0x9C0  }
0x1f: {  	s11 =	rddreg [dreg:$0x6]  }
0x20: {  	p0 =	sne.s32 s0, $0xF;
	s12 =	rddreg [dreg:$0x7];
	[sflag:s6] =	ssyncset.done $0x0  }
0x21: {  	[sflag:s6] =	ssyncadd.s32 $0xFFFFF640;
	s29 =	sshrl.u32 @!p0 s11, $0x3;
	s11 =	simm.s32 @!p0 $0x3  }
0x22: {  	[spmem:s29], [sflag:s10] =	dma.local @!p0 [hbm:s12], $0x40  }
0x23: {  	_ =	swait.ge @!p0 [sflag:s11], $0x40  }
0x24: {  	[sflag:s11] =	ssyncset.done @!p0 $0x0  }
0x25: {  	[sflag:s11] =	ssyncadd.s32 @!p0 $0xFFFFFFC0  }
0x26: {  	[bflag:$0x0] =	sbarrier.arrive $0xFFFF  }
0x27: {  	s12 =	simm.s32 $0x2AF8;
	s13 =	rddreg [dreg:$0x8]  }
0x28: {  	[tilespmem:s12], [sflag:$0x3] =	stream.linear.gather [hbm4b:s13+s3], $0x3E8, $0x38;
	[tilespmem:$0x17700] =	vst v63  }
0x29: {  	_ =	swait.ge [sflag:s6], $0x3E8  }
0x2a: {  	[sflag:s6] =	ssyncset.done $0x0  }
0x2b: {  	s14 =	simm.s32 $0x1;
	s13 =	simm.s32 $0xABE0;
	[sflag:s6] =	ssyncadd.s32 $0xFFFFFC18  }
0x2c: {  	[tilespmem:s13], [sflag:$0x2] =	stream.indirect.gather [hbm4b:s4+s8], $0x20, s8, s8, $0xb8;
	[tilespmem:$0x17700] =	vst v63  }
0x2d: {  	_ =	swait.ge [sflag:s14], $0x7D00  }
0x2e: {  	[sflag:s14] =	ssyncset.done $0x0  }
0x2f: {  	[sflag:s14] =	ssyncadd.s32 $0xFFFF8300  }
0x30: {  	[spmem:s2] =	stream.indirect.scatter.add.f32 [tilespmem:s9], [sflag:$0x3], $0x20, s7, s8, $0xb8;
	[tilespmem:$0x17700] =	vst v63  }
0x31: {  	_ =	swait.ge [sflag:s6], $0x7D00  }
0x32: {  	[sflag:s6] =	ssyncset.done $0x0  }
0x33: {  	s15 =	rddreg [dreg:$0x9];
	[sflag:s6] =	ssyncadd.s32 $0xFFFF8300  }
0x34: {  	[tilespmem:s7], [sflag:$0x3] =	stream.linear.gather [hbm4b:s15+s3], $0x3E8, $0x38;
	[tilespmem:$0x17700] =	vst v63  }
0x35: {  	_ =	swait.ge [sflag:s6], $0x3E8  }
0x36: {  	[sflag:s6] =	ssyncset.done $0x0  }
0x37: {  	s16 =	simm.s32 $0x2;
	s15 =	simm.s32 $0x7D0;
	[sflag:s6] =	ssyncadd.s32 $0xFFFFFC18  }
0x38: {  	[tilespmem:s9], [sflag:$0x1] =	stream.indirect.gather [hbm4b:s4+s8], $0x20, s15, s8, $0xb8;
	[tilespmem:$0x17700] =	vst v63  }
0x39: {  	_ =	swait.ge [sflag:s16], $0x7D00  }
0x3a: {  	[sflag:s16] =	ssyncset.done $0x0  }
0x3b: {  	[sflag:s16] =	ssyncadd.s32 $0xFFFF8300  }
0x3c: {  	[spmem:s2] =	stream.indirect.scatter.add.f32 [tilespmem:s13], [sflag:$0x3], $0x20, s12, s8, $0xb8;
	[tilespmem:$0x17700] =	vst v63  }
0x3d: {  	_ =	swait.ge [sflag:s6], $0x7D00  }
0x3e: {  	[sflag:s6] =	ssyncset.done $0x0  }
0x3f: {  	s17 =	rddreg [dreg:$0xa];
	[sflag:s6] =	ssyncadd.s32 $0xFFFF8300  }
0x40: {  	[tilespmem:s12], [sflag:$0x3] =	stream.linear.gather [hbm4b:s17+s3], $0x3E8, $0x38;
	[tilespmem:$0x17700] =	vst v63  }
0x41: {  	_ =	swait.ge [sflag:s6], $0x3E8  }
0x42: {  	[sflag:s6] =	ssyncset.done $0x0  }
0x43: {  	s17 =	simm.s32 $0xBB8;
	[sflag:s6] =	ssyncadd.s32 $0xFFFFFC18  }
0x44: {  	[tilespmem:s13], [sflag:$0x2] =	stream.indirect.gather [hbm4b:s4+s8], $0x20, s17, s8, $0xb8;
	[tilespmem:$0x17700] =	vst v63  }
0x45: {  	_ =	swait.ge [sflag:s14], $0x7D00  }
0x46: {  	[sflag:s14] =	ssyncset.done $0x0  }
0x47: {  	[sflag:s14] =	ssyncadd.s32 $0xFFFF8300  }
0x48: {  	[spmem:s2] =	stream.indirect.scatter.add.f32 [tilespmem:s9], [sflag:$0x3], $0x20, s7, s8, $0xb8;
	[tilespmem:$0x17700] =	vst v63  }
0x49: {  	_ =	swait.ge [sflag:s6], $0x7D00  }
0x4a: {  	[sflag:s6] =	ssyncset.done $0x0  }
0x4b: {  	s18 =	rddreg [dreg:$0xb];
	[sflag:s6] =	ssyncadd.s32 $0xFFFF8300  }
0x4c: {  	[tilespmem:s7], [sflag:$0x3] =	stream.linear.gather [hbm4b:s18+s3], $0x3E8, $0x38;
	[tilespmem:$0x17700] =	vst v63  }
0x4d: {  	_ =	swait.ge [sflag:s6], $0x3E8  }
0x4e: {  	[sflag:s6] =	ssyncset.done $0x0  }
0x4f: {  	s18 =	simm.s32 $0xFA0;
	[sflag:s6] =	ssyncadd.s32 $0xFFFFFC18  }
0x50: {  	[tilespmem:s9], [sflag:$0x1] =	stream.indirect.gather [hbm4b:s4+s8], $0x20, s18, s8, $0xb8;
	[tilespmem:$0x17700] =	vst v63  }
0x51: {  	_ =	swait.ge [sflag:s16], $0x7D00  }
0x52: {  	[sflag:s16] =	ssyncset.done $0x0  }
0x53: {  	[sflag:s16] =	ssyncadd.s32 $0xFFFF8300  }
0x54: {  	[spmem:s2] =	stream.indirect.scatter.add.f32 [tilespmem:s13], [sflag:$0x3], $0x20, s12, s8, $0xb8;
	[tilespmem:$0x17700] =	vst v63  }
0x55: {  	_ =	swait.ge [sflag:s6], $0x7D00  }
0x56: {  	[sflag:s6] =	ssyncset.done $0x0  }
0x57: {  	s19 =	rddreg [dreg:$0xc];
	[sflag:s6] =	ssyncadd.s32 $0xFFFF8300  }
0x58: {  	[tilespmem:s12], [sflag:$0x3] =	stream.linear.gather [hbm4b:s19+s3], $0x3E8, $0x38;
	[tilespmem:$0x17700] =	vst v63  }
0x59: {  	_ =	swait.ge [sflag:s6], $0x3E8  }
0x5a: {  	[sflag:s6] =	ssyncset.done $0x0  }
0x5b: {  	s19 =	simm.s32 $0x1388;
	[sflag:s6] =	ssyncadd.s32 $0xFFFFFC18  }
0x5c: {  	[tilespmem:s13], [sflag:$0x2] =	stream.indirect.gather [hbm4b:s4+s8], $0x20, s19, s8, $0xb8;
	[tilespmem:$0x17700] =	vst v63  }
0x5d: {  	_ =	swait.ge [sflag:s14], $0x7D00  }
0x5e: {  	[sflag:s14] =	ssyncset.done $0x0  }
0x5f: {  	[sflag:s14] =	ssyncadd.s32 $0xFFFF8300  }
0x60: {  	[spmem:s2] =	stream.indirect.scatter.add.f32 [tilespmem:s9], [sflag:$0x3], $0x20, s7, s8, $0xb8;
	[tilespmem:$0x17700] =	vst v63  }
0x61: {  	_ =	swait.ge [sflag:s6], $0x7D00  }
0x62: {  	[sflag:s6] =	ssyncset.done $0x0  }
0x63: {  	s20 =	rddreg [dreg:$0xd];
	[sflag:s6] =	ssyncadd.s32 $0xFFFF8300  }
0x64: {  	[tilespmem:s7], [sflag:$0x3] =	stream.linear.gather [hbm4b:s20+s3], $0x3E8, $0x38;
	[tilespmem:$0x17700] =	vst v63  }
0x65: {  	_ =	swait.ge [sflag:s6], $0x3E8  }
0x66: {  	[sflag:s6] =	ssyncset.done $0x0  }
0x67: {  	s20 =	simm.s32 $0x1770;
	[sflag:s6] =	ssyncadd.s32 $0xFFFFFC18  }
0x68: {  	[tilespmem:s9], [sflag:$0x1] =	stream.indirect.gather [hbm4b:s4+s8], $0x20, s20, s8, $0xb8;
	[tilespmem:$0x17700] =	vst v63  }
0x69: {  	_ =	swait.ge [sflag:s16], $0x7D00  }
0x6a: {  	[sflag:s16] =	ssyncset.done $0x0  }
0x6b: {  	[sflag:s16] =	ssyncadd.s32 $0xFFFF8300  }
0x6c: {  	[spmem:s2] =	stream.indirect.scatter.add.f32 [tilespmem:s13], [sflag:$0x3], $0x20, s12, s8, $0xb8;
	[tilespmem:$0x17700] =	vst v63  }
0x6d: {  	_ =	swait.ge [sflag:s6], $0x7D00  }
0x6e: {  	[sflag:s6] =	ssyncset.done $0x0  }
0x6f: {  	s21 =	rddreg [dreg:$0xe];
	[sflag:s6] =	ssyncadd.s32 $0xFFFF8300  }
0x70: {  	[tilespmem:s12], [sflag:$0x3] =	stream.linear.gather [hbm4b:s21+s3], $0x3E8, $0x38;
	[tilespmem:$0x17700] =	vst v63  }
0x71: {  	_ =	swait.ge [sflag:s6], $0x3E8  }
0x72: {  	[sflag:s6] =	ssyncset.done $0x0  }
0x73: {  	s21 =	simm.s32 $0x1B58;
	[sflag:s6] =	ssyncadd.s32 $0xFFFFFC18  }
0x74: {  	[tilespmem:s13], [sflag:$0x2] =	stream.indirect.gather [hbm4b:s4+s8], $0x20, s21, s8, $0xb8;
	[tilespmem:$0x17700] =	vst v63  }
0x75: {  	_ =	swait.ge [sflag:s14], $0x7D00  }
0x76: {  	[sflag:s14] =	ssyncset.done $0x0  }
0x77: {  	[sflag:s14] =	ssyncadd.s32 $0xFFFF8300  }
0x78: {  	[spmem:s2] =	stream.indirect.scatter.add.f32 [tilespmem:s9], [sflag:$0x3], $0x20, s7, s8, $0xb8;
	[tilespmem:$0x17700] =	vst v63  }
0x79: {  	_ =	swait.ge [sflag:s6], $0x7D00  }
0x7a: {  	[sflag:s6] =	ssyncset.done $0x0  }
0x7b: {  	s22 =	sadd.s32 $0x3E8, s5;
	[sflag:s6] =	ssyncadd.s32 $0xFFFF8300  }
0x7c: {  	[tilespmem:s7], [sflag:$0x3] =	stream.linear.gather [hbm4b:s22+s3], $0x3E8, $0x38;
	[tilespmem:$0x17700] =	vst v63  }
0x7d: {  	_ =	swait.ge [sflag:s6], $0x3E8  }
0x7e: {  	[sflag:s6] =	ssyncset.done $0x0  }
0x7f: {  	s23 =	simm.s32 $0x1F40;
	[sflag:s6] =	ssyncadd.s32 $0xFFFFFC18  }
0x80: {  	[tilespmem:s9], [sflag:$0x1] =	stream.indirect.gather [hbm4b:s4+s8], $0x20, s23, s8, $0xb8;
	[tilespmem:$0x17700] =	vst v63  }
0x81: {  	_ =	swait.ge [sflag:s16], $0x7D00  }
0x82: {  	[sflag:s16] =	ssyncset.done $0x0  }
0x83: {  	[sflag:s16] =	ssyncadd.s32 $0xFFFF8300  }
0x84: {  	[spmem:s2] =	stream.indirect.scatter.add.f32 [tilespmem:s13], [sflag:$0x3], $0x20, s12, s8, $0xb8;
	[tilespmem:$0x17700] =	vst v63  }
0x85: {  	s24 =	sadd.s32 $0x2328, s24;
	_ =	swait.ge [sflag:s6], $0x7D00  }
0x86: {  	s24 =	sshrl.u32 s24, $0x3;
	[sflag:s6] =	ssyncset.done $0x0  }
0x87: {  	s24 =	sadd.s32 s25, s24;
	[sflag:s6] =	ssyncadd.s32 $0xFFFF8300  }
0x88: {  	[tilespmem:s12], [sflag:$0x3] =	stream.linear.gather [hbm4b:s24+s3], $0x3E8, $0x38;
	[tilespmem:$0x17700] =	vst v63  }
0x89: {  	_ =	swait.ge [sflag:s6], $0x3E8  }
0x8a: {  	[sflag:s6] =	ssyncset.done $0x0  }
0x8b: {  	s25 =	simm.s32 $0x2328;
	[sflag:s6] =	ssyncadd.s32 $0xFFFFFC18  }
0x8c: {  	[tilespmem:s13], [sflag:$0x2] =	stream.indirect.gather [hbm4b:s4+s8], $0x20, s25, s8, $0xb8;
	[tilespmem:$0x17700] =	vst v63  }
0x8d: {  	_ =	swait.ge [sflag:s14], $0x7D00  }
0x8e: {  	[sflag:s14] =	ssyncset.done $0x0  }
0x8f: {  	[sflag:s14] =	ssyncadd.s32 $0xFFFF8300  }
0x90: {  	[spmem:s2] =	stream.indirect.scatter.add.f32 [tilespmem:s9], [sflag:$0x3], $0x20, s7, s8, $0xb8;
	[tilespmem:$0x17700] =	vst v63  }
0x91: {  	_ =	swait.ge [sflag:s6], $0x7D00  }
0x92: {  	[sflag:s6] =	ssyncset.done $0x0  }
0x93: {  	[sflag:s6] =	ssyncadd.s32 $0xFFFF8300  }
0x94: {  	_ =	swait.ge [sflag:s16], $0x7D00  }
0x95: {  	s31 =	smul.u32 $0x9C0, s0;
	[sflag:s16] =	ssyncset.done $0x0  }
0x96: {  	s0 =	smul.u32 $0x9C40, s28;
	[sflag:s16] =	ssyncadd.s32 $0xFFFF8300  }
0x97: {  	[spmem:s2] =	stream.indirect.scatter.add.f32 [tilespmem:s13], [sflag:$0x3], $0x20, s12, s8, $0xb8;
	[tilespmem:$0x17700] =	vst v63  }
0x98: {  	_ =	swait.ge [sflag:s6], $0x7D00  }
0x99: {  	s1 =	sadd.s32 s31, s0;
	[sflag:s6] =	ssyncset.done $0x0  }
0x9a: {  	s31 =	sadd.s32 $0x20400, s26;
	s0 =	smul.u32 $0x4E200, s28;
	[sflag:s6] =	ssyncadd.s32 $0xFFFF8300  }
0x9b: {  	s28 =	ssub.s32 $0x2, s28;
	s26 =	sadd.s32 s31, s1;
	[bflag:$0x0] =	sbarrier.arrive $0xFFFF  }
0x9c: {  	[hbm:s26], [sflag:s10] =	dma.local [spmem:s30], $0x9C0  }
0x9d: {  	s1 =	sshrl.u32 s0, $0x3;
	s0 =	sshrl.u32 s28, $0x1;
	_ =	swait.ge [sflag:s6], $0x9C0  }
0x9e: {  	s1 =	sadd.s32 s31, s1;
	s30 =	ssub.s32 s28, s0;
	[sflag:s6] =	ssyncset.done $0x0  }
0x9f: {  	s28 =	sadd.s32 $0x9C00, s1;
	s31 =	smax.u32 s30, $0x1;
	[sflag:s6] =	ssyncadd.s32 $0xFFFFF640  }
0xa0: {  	[hbm:s28], [sflag:s10] =	dma.local @!p0 [spmem:s29], $0x40  }
0xa1: {  	s29 =	sadd.s32 $0xFFFFFFFF, s31  }
0xa2: {  	p1 =	sne.s32 s29, $0x0  }
.Ltmp0:
0xa3: {  	_ = 	snop;
	(pc) =	sbr.rel @!p1 .LBB2_2-.Ltmp0, $2  }
0xa4: {  	_ =	sdelay $0x2  }
0xa5: {  	_ =	swait.ge @!p0 [sflag:s11], $0x40  }
.LBB2_1:
0xa6: {  	[sflag:s11] =	ssyncset.done @!p0 $0x0  }
0xa7: {  	s1 =	rddreg [dreg:$0x3];
	[sflag:s11] =	ssyncadd.s32 @!p0 $0xFFFFFFC0  }
0xa8: {  	[tilespmem:s3], [sflag:$0x3] =	stream.linear.gather [hbm4b:s1+s3], $0x2710, $0x38;
	[tilespmem:$0x17700] =	vst v63  }
0xa9: {  	_ =	swait.ge [sflag:s6], $0x2710  }
0xaa: {  	[sflag:s6] =	ssyncset.done $0x0  }
0xab: {  	[sflag:s6] =	ssyncadd.s32 $0xFFFFD8F0  }
0xac: {  	[tilespmem:s7], [sflag:$0x3] =	stream.linear.gather [hbm4b:s5+s3], $0x3E8, $0x38;
	[tilespmem:$0x17700] =	vst v63  }
0xad: {  	_ =	swait.ge [sflag:s6], $0x3E8  }
0xae: {  	[sflag:s6] =	ssyncset.done $0x0;
	s0 =	rddreg [dreg:$0x4]  }
0xaf: {  	s31 =	rddreg [dreg:$0x5];
	[sflag:s6] =	ssyncadd.s32 $0xFFFFFC18;
	s30 =	sshrl.u32 s0, $0x3  }
0xb0: {  	[tilespmem:s9], [sflag:$0x1] =	stream.indirect.gather [hbm4b:s4+s8], $0x20, s3, s8, $0xb8;
	[tilespmem:$0x17700] =	vst v63  }
0xb1: {  	[spmem:s30], [sflag:s10] =	dma.local [hbm:s31], $0x9C0  }
0xb2: {  	_ =	swait.ge [sflag:s6], $0x9C0  }
0xb3: {  	[sflag:s6] =	ssyncset.done $0x0;
	s1 =	rddreg [dreg:$0x6]  }
0xb4: {  	s0 =	rddreg [dreg:$0x7];
	[sflag:s6] =	ssyncadd.s32 $0xFFFFF640;
	s31 =	sshrl.u32 @!p0 s1, $0x3  }
0xb5: {  	[spmem:s31], [sflag:s10] =	dma.local @!p0 [hbm:s0], $0x40  }
0xb6: {  	_ =	swait.ge @!p0 [sflag:s11], $0x40  }
0xb7: {  	[sflag:s11] =	ssyncset.done @!p0 $0x0  }
0xb8: {  	[sflag:s11] =	ssyncadd.s32 @!p0 $0xFFFFFFC0  }
0xb9: {  	[bflag:$0x0] =	sbarrier.arrive $0xFFFF  }
0xba: {  	s1 =	rddreg [dreg:$0x8]  }
0xbb: {  	[tilespmem:s12], [sflag:$0x3] =	stream.linear.gather [hbm4b:s1+s3], $0x3E8, $0x38;
	[tilespmem:$0x17700] =	vst v63  }
0xbc: {  	_ =	swait.ge [sflag:s6], $0x3E8  }
0xbd: {  	[sflag:s6] =	ssyncset.done $0x0  }
0xbe: {  	[sflag:s6] =	ssyncadd.s32 $0xFFFFFC18  }
0xbf: {  	[tilespmem:s13], [sflag:$0x2] =	stream.indirect.gather [hbm4b:s4+s8], $0x20, s8, s8, $0xb8;
	[tilespmem:$0x17700] =	vst v63  }
0xc0: {  	_ =	swait.ge [sflag:s14], $0x7D00  }
0xc1: {  	[sflag:s14] =	ssyncset.done $0x0  }
0xc2: {  	[sflag:s14] =	ssyncadd.s32 $0xFFFF8300  }
0xc3: {  	[spmem:s2] =	stream.indirect.scatter.add.f32 [tilespmem:s9], [sflag:$0x3], $0x20, s7, s8, $0xb8;
	[tilespmem:$0x17700] =	vst v63  }
0xc4: {  	_ =	swait.ge [sflag:s6], $0x7D00  }
0xc5: {  	[sflag:s6] =	ssyncset.done $0x0  }
0xc6: {  	s1 =	rddreg [dreg:$0x9];
	[sflag:s6] =	ssyncadd.s32 $0xFFFF8300  }
0xc7: {  	[tilespmem:s7], [sflag:$0x3] =	stream.linear.gather [hbm4b:s1+s3], $0x3E8, $0x38;
	[tilespmem:$0x17700] =	vst v63  }
0xc8: {  	_ =	swait.ge [sflag:s6], $0x3E8  }
0xc9: {  	[sflag:s6] =	ssyncset.done $0x0  }
0xca: {  	[sflag:s6] =	ssyncadd.s32 $0xFFFFFC18  }
0xcb: {  	[tilespmem:s9], [sflag:$0x1] =	stream.indirect.gather [hbm4b:s4+s8], $0x20, s15, s8, $0xb8;
	[tilespmem:$0x17700] =	vst v63  }
0xcc: {  	_ =	swait.ge [sflag:s16], $0x7D00  }
0xcd: {  	[sflag:s16] =	ssyncset.done $0x0  }
0xce: {  	[sflag:s16] =	ssyncadd.s32 $0xFFFF8300  }
0xcf: {  	[spmem:s2] =	stream.indirect.scatter.add.f32 [tilespmem:s13], [sflag:$0x3], $0x20, s12, s8, $0xb8;
	[tilespmem:$0x17700] =	vst v63  }
0xd0: {  	_ =	swait.ge [sflag:s6], $0x7D00  }
0xd1: {  	[sflag:s6] =	ssyncset.done $0x0  }
0xd2: {  	s1 =	rddreg [dreg:$0xa];
	[sflag:s6] =	ssyncadd.s32 $0xFFFF8300  }
0xd3: {  	[tilespmem:s12], [sflag:$0x3] =	stream.linear.gather [hbm4b:s1+s3], $0x3E8, $0x38;
	[tilespmem:$0x17700] =	vst v63  }
0xd4: {  	_ =	swait.ge [sflag:s6], $0x3E8  }
0xd5: {  	[sflag:s6] =	ssyncset.done $0x0  }
0xd6: {  	[sflag:s6] =	ssyncadd.s32 $0xFFFFFC18  }
0xd7: {  	[tilespmem:s13], [sflag:$0x2] =	stream.indirect.gather [hbm4b:s4+s8], $0x20, s17, s8, $0xb8;
	[tilespmem:$0x17700] =	vst v63  }
0xd8: {  	_ =	swait.ge [sflag:s14], $0x7D00  }
0xd9: {  	[sflag:s14] =	ssyncset.done $0x0  }
0xda: {  	[sflag:s14] =	ssyncadd.s32 $0xFFFF8300  }
0xdb: {  	[spmem:s2] =	stream.indirect.scatter.add.f32 [tilespmem:s9], [sflag:$0x3], $0x20, s7, s8, $0xb8;
	[tilespmem:$0x17700] =	vst v63  }
0xdc: {  	_ =	swait.ge [sflag:s6], $0x7D00  }
0xdd: {  	[sflag:s6] =	ssyncset.done $0x0  }
0xde: {  	s1 =	rddreg [dreg:$0xb];
	[sflag:s6] =	ssyncadd.s32 $0xFFFF8300  }
0xdf: {  	[tilespmem:s7], [sflag:$0x3] =	stream.linear.gather [hbm4b:s1+s3], $0x3E8, $0x38;
	[tilespmem:$0x17700] =	vst v63  }
0xe0: {  	_ =	swait.ge [sflag:s6], $0x3E8  }
0xe1: {  	[sflag:s6] =	ssyncset.done $0x0  }
0xe2: {  	[sflag:s6] =	ssyncadd.s32 $0xFFFFFC18  }
0xe3: {  	[tilespmem:s9], [sflag:$0x1] =	stream.indirect.gather [hbm4b:s4+s8], $0x20, s18, s8, $0xb8;
	[tilespmem:$0x17700] =	vst v63  }
0xe4: {  	_ =	swait.ge [sflag:s16], $0x7D00  }
0xe5: {  	[sflag:s16] =	ssyncset.done $0x0  }
0xe6: {  	[sflag:s16] =	ssyncadd.s32 $0xFFFF8300  }
0xe7: {  	[spmem:s2] =	stream.indirect.scatter.add.f32 [tilespmem:s13], [sflag:$0x3], $0x20, s12, s8, $0xb8;
	[tilespmem:$0x17700] =	vst v63  }
0xe8: {  	_ =	swait.ge [sflag:s6], $0x7D00  }
0xe9: {  	[sflag:s6] =	ssyncset.done $0x0  }
0xea: {  	s1 =	rddreg [dreg:$0xc];
	[sflag:s6] =	ssyncadd.s32 $0xFFFF8300  }
0xeb: {  	[tilespmem:s12], [sflag:$0x3] =	stream.linear.gather [hbm4b:s1+s3], $0x3E8, $0x38;
	[tilespmem:$0x17700] =	vst v63  }
0xec: {  	_ =	swait.ge [sflag:s6], $0x3E8  }
0xed: {  	[sflag:s6] =	ssyncset.done $0x0  }
0xee: {  	[sflag:s6] =	ssyncadd.s32 $0xFFFFFC18  }
0xef: {  	[tilespmem:s13], [sflag:$0x2] =	stream.indirect.gather [hbm4b:s4+s8], $0x20, s19, s8, $0xb8;
	[tilespmem:$0x17700] =	vst v63  }
0xf0: {  	_ =	swait.ge [sflag:s14], $0x7D00  }
0xf1: {  	[sflag:s14] =	ssyncset.done $0x0  }
0xf2: {  	[sflag:s14] =	ssyncadd.s32 $0xFFFF8300  }
0xf3: {  	[spmem:s2] =	stream.indirect.scatter.add.f32 [tilespmem:s9], [sflag:$0x3], $0x20, s7, s8, $0xb8;
	[tilespmem:$0x17700] =	vst v63  }
0xf4: {  	_ =	swait.ge [sflag:s6], $0x7D00  }
0xf5: {  	[sflag:s6] =	ssyncset.done $0x0  }
0xf6: {  	s1 =	rddreg [dreg:$0xd];
	[sflag:s6] =	ssyncadd.s32 $0xFFFF8300  }
0xf7: {  	[tilespmem:s7], [sflag:$0x3] =	stream.linear.gather [hbm4b:s1+s3], $0x3E8, $0x38;
	[tilespmem:$0x17700] =	vst v63  }
0xf8: {  	_ =	swait.ge [sflag:s6], $0x3E8  }
0xf9: {  	[sflag:s6] =	ssyncset.done $0x0  }
0xfa: {  	[sflag:s6] =	ssyncadd.s32 $0xFFFFFC18  }
0xfb: {  	[tilespmem:s9], [sflag:$0x1] =	stream.indirect.gather [hbm4b:s4+s8], $0x20, s20, s8, $0xb8;
	[tilespmem:$0x17700] =	vst v63  }
0xfc: {  	_ =	swait.ge [sflag:s16], $0x7D00  }
0xfd: {  	[sflag:s16] =	ssyncset.done $0x0  }
0xfe: {  	[sflag:s16] =	ssyncadd.s32 $0xFFFF8300  }
0xff: {  	[spmem:s2] =	stream.indirect.scatter.add.f32 [tilespmem:s13], [sflag:$0x3], $0x20, s12, s8, $0xb8;
	[tilespmem:$0x17700] =	vst v63  }
0x100: {  	_ =	swait.ge [sflag:s6], $0x7D00  }
0x101: {  	[sflag:s6] =	ssyncset.done $0x0  }
0x102: {  	s1 =	rddreg [dreg:$0xe];
	[sflag:s6] =	ssyncadd.s32 $0xFFFF8300  }
0x103: {  	[tilespmem:s12], [sflag:$0x3] =	stream.linear.gather [hbm4b:s1+s3], $0x3E8, $0x38;
	[tilespmem:$0x17700] =	vst v63  }
0x104: {  	_ =	swait.ge [sflag:s6], $0x3E8  }
0x105: {  	[sflag:s6] =	ssyncset.done $0x0  }
0x106: {  	[sflag:s6] =	ssyncadd.s32 $0xFFFFFC18  }
0x107: {  	[tilespmem:s13], [sflag:$0x2] =	stream.indirect.gather [hbm4b:s4+s8], $0x20, s21, s8, $0xb8;
	[tilespmem:$0x17700] =	vst v63  }
0x108: {  	_ =	swait.ge [sflag:s14], $0x7D00  }
0x109: {  	[sflag:s14] =	ssyncset.done $0x0  }
0x10a: {  	[sflag:s14] =	ssyncadd.s32 $0xFFFF8300  }
0x10b: {  	[spmem:s2] =	stream.indirect.scatter.add.f32 [tilespmem:s9], [sflag:$0x3], $0x20, s7, s8, $0xb8;
	[tilespmem:$0x17700] =	vst v63  }
0x10c: {  	_ =	swait.ge [sflag:s6], $0x7D00  }
0x10d: {  	[sflag:s6] =	ssyncset.done $0x0  }
0x10e: {  	[sflag:s6] =	ssyncadd.s32 $0xFFFF8300  }
0x10f: {  	[tilespmem:s7], [sflag:$0x3] =	stream.linear.gather [hbm4b:s22+s3], $0x3E8, $0x38;
	[tilespmem:$0x17700] =	vst v63  }
0x110: {  	_ =	swait.ge [sflag:s6], $0x3E8  }
0x111: {  	[sflag:s6] =	ssyncset.done $0x0  }
0x112: {  	[sflag:s6] =	ssyncadd.s32 $0xFFFFFC18  }
0x113: {  	[tilespmem:s9], [sflag:$0x1] =	stream.indirect.gather [hbm4b:s4+s8], $0x20, s23, s8, $0xb8;
	[tilespmem:$0x17700] =	vst v63  }
0x114: {  	_ =	swait.ge [sflag:s16], $0x7D00  }
0x115: {  	[sflag:s16] =	ssyncset.done $0x0  }
0x116: {  	[sflag:s16] =	ssyncadd.s32 $0xFFFF8300  }
0x117: {  	[spmem:s2] =	stream.indirect.scatter.add.f32 [tilespmem:s13], [sflag:$0x3], $0x20, s12, s8, $0xb8;
	[tilespmem:$0x17700] =	vst v63  }
0x118: {  	_ =	swait.ge [sflag:s6], $0x7D00  }
0x119: {  	[sflag:s6] =	ssyncset.done $0x0  }
0x11a: {  	[sflag:s6] =	ssyncadd.s32 $0xFFFF8300  }
0x11b: {  	[tilespmem:s12], [sflag:$0x3] =	stream.linear.gather [hbm4b:s24+s3], $0x3E8, $0x38;
	[tilespmem:$0x17700] =	vst v63  }
0x11c: {  	_ =	swait.ge [sflag:s6], $0x3E8  }
0x11d: {  	[sflag:s6] =	ssyncset.done $0x0  }
0x11e: {  	[sflag:s6] =	ssyncadd.s32 $0xFFFFFC18  }
0x11f: {  	[tilespmem:s13], [sflag:$0x2] =	stream.indirect.gather [hbm4b:s4+s8], $0x20, s25, s8, $0xb8;
	[tilespmem:$0x17700] =	vst v63  }
0x120: {  	_ =	swait.ge [sflag:s14], $0x7D00  }
0x121: {  	[sflag:s14] =	ssyncset.done $0x0  }
0x122: {  	[sflag:s14] =	ssyncadd.s32 $0xFFFF8300  }
0x123: {  	[spmem:s2] =	stream.indirect.scatter.add.f32 [tilespmem:s9], [sflag:$0x3], $0x20, s7, s8, $0xb8;
	[tilespmem:$0x17700] =	vst v63  }
0x124: {  	_ =	swait.ge [sflag:s6], $0x7D00  }
0x125: {  	[sflag:s6] =	ssyncset.done $0x0  }
0x126: {  	[sflag:s6] =	ssyncadd.s32 $0xFFFF8300  }
0x127: {  	_ =	swait.ge [sflag:s16], $0x7D00  }
0x128: {  	[sflag:s16] =	ssyncset.done $0x0  }
0x129: {  	[sflag:s16] =	ssyncadd.s32 $0xFFFF8300  }
0x12a: {  	[spmem:s2] =	stream.indirect.scatter.add.f32 [tilespmem:s13], [sflag:$0x3], $0x20, s12, s8, $0xb8;
	[tilespmem:$0x17700] =	vst v63  }
0x12b: {  	_ =	swait.ge [sflag:s6], $0x7D00  }
0x12c: {  	[sflag:s6] =	ssyncset.done $0x0  }
0x12d: {  	s29 =	sadd.s32 $0xFFFFFFFF, s29;
	[sflag:s6] =	ssyncadd.s32 $0xFFFF8300  }
0x12e: {  	p1 =	sne.s32 s29, $0x0;
	[bflag:$0x0] =	sbarrier.arrive $0xFFFF  }
0x12f: {  	[hbm:s26], [sflag:s10] =	dma.local [spmem:s30], $0x9C0  }
.Ltmp1:
0x130: {  	_ =	swait.ge [sflag:s6], $0x9C0;
	(pc) =	sbr.rel @p1 .LBB2_1-.Ltmp1, $4  }
0x131: {  	[sflag:s6] =	ssyncset.done $0x0  }
0x132: {  	[sflag:s6] =	ssyncadd.s32 $0xFFFFF640  }
0x133: {  	[hbm:s28], [sflag:s10] =	dma.local @!p0 [spmem:s31], $0x40  }
0x134: {  	_ =	swait.ge @!p0 [sflag:s11], $0x40  }
.LBB2_2:
0x135: {  	[sflag:s11] =	ssyncset.done @!p0 $0x0  }
0x136: {  	[sflag:s11] =	ssyncadd.s32 @!p0 $0xFFFFFFC0  }
0x137: {  	_ =	sfence.sel $0x180000  }
0x138: {  	[bflag:$0x0] =	sbarrier.arrive $0xFFFF  }
0x139: {  	_ =	strace $0x9000004D  }
0x13a: {  	s0 =	stileid.u32;
	[bflag:$0x2] =	sbarrier.arrive $0xFFFF  }
0x13b: {  	p0 =	sne.s32 s0, $0x0;
	s0 =	rddreg [dreg:$0x2]  }
0x13c: {  	s0 =	sadd.s32 @!p0 $0x100000, s0  }
0x13d: {  	[sflag:s0] =	ssyncadd.tile.s32 @!p0 $0x1;
	_ =	shalt  }
.Lfunc_end2:
_tile_overlayer_lowered:
.L_overlay_start_2:
0x13e: {  	(tag) =	ssettag $0x2  }
0x13f: {  	s0 =	rddreg [dreg:$0x0];
	s2 =	stileid.u32  }
0x140: {  	s1 =	rddreg [dreg:$0x1];
	p0 =	sne.s32 s2, $0x0  }
0x141: {  	s3 =	rddreg [dreg:$0x2];
	[bflag:$0x3] =	sbarrier.arrive $0xFFFF;
	s2 =	simm.s32 @!p0 $0x1C03  }
0x142: {  	[timem:s3], [sflag:s2] =	dma.local @!p0 [hbm:s0], s1  }
0x143: {  	s0 =	simm.s32 @!p0 $0x3  }
0x144: {  	_ =	swait.ge @!p0 [sflag:s0], s1  }
0x145: {  	s1 =	ssub.s32 @!p0 $0x0, s1;
	[sflag:s0] =	ssyncset.done @!p0 $0x0  }
0x146: {  	[sflag:s0] =	ssyncadd.s32 @!p0 s1  }
0x147: {  	[bflag:$0x3] =	sbarrier.arrive $0xFFFF  }
0x148: {  	_ =	shalt  }

// kernel: kernel.21.cloned.1.call-start
scs
__scs_entry_jumppad:
0x0: {  	(pc) =	sbr.rel $0x88, $3  }
0x1: {  	(tag) =	ssettag $0x0;
	lr =	simm.s32 $0x1  }
0x2: {  	[smem:$0x3F95] =	sst lr;
	_ =	strace $0xD0000000  }
0x3: {  	_ = 	snop  }
0x4: {  	_ = 	snop  }
0x5: {  	_ = 	snop  }
0x6: {  	_ = 	snop  }
0x7: {  	_ = 	snop  }
__scs_overlays_trampoline_lowered:
0x8: {  	[smem:$0x3FA4] =	sst s0  }
0x9: {  	[smem:$0x3FA5] =	sst s1  }
0xa: {  	[smem:$0x3FA6] =	sst s2  }
0xb: {  	[smem:$0x3FA7] =	sst s3  }
0xc: {  	[smem:$0x3FA8] =	sst s4  }
0xd: {  	[smem:$0x3FA9] =	sst s5  }
0xe: {  	[smem:$0x3FAA] =	sst s6  }
0xf: {  	[smem:$0x3FAB] =	sst s7  }
0x10: {  	[smem:$0x3FAC] =	sst s8  }
0x11: {  	[smem:$0x3FAD] =	sst s9;
	s0 =	simm.s32 @!p0 $0x0  }
0x12: {  	s1 =	sld [smem:$0x3F93];
	s0 =	simm.s32 @p0 $0x1  }
0x13: {  	[smem:$0x3FAE] =	sst s0;
	s0 =	simm.s32 @!p1 $0x0  }
0x14: {  	s2 =	sld [smem:$0x3F92];
	s0 =	simm.s32 @p1 $0x1  }
0x15: {  	[smem:$0x3FAF] =	sst s0;
	s0 =	simm.s32 @!p2 $0x0  }
0x16: {  	s3 =	sld [smem:$0x3FDB];
	s0 =	simm.s32 @p2 $0x1  }
0x17: {  	s4 =	simm.s32 $0x1BF5;
	[smem:$0x3FB1] =	sst s0  }
0x18: {  	s0 =	sld [smem:$0x3F94];
	_ =	swait.ge [sflag:s4], $0x0  }
0x19: {  	s7 =	sld [smem:$0x3F95]  }
0x1a: {  	s8 =	sadd.s32 $0xFFFFE003, lr  }
0x1b: {  	s9 =	sadd.s32 $0xFFFFFEF7, lr;
	s5 =	simm.s32 $0xFFFFFFFF;
	p2 =	slt.u32 s8, $0xFFFFF086  }
0x1c: {  	p1 =	slt.u32 s9, $0xF7A;
	s5 =	simm.s32 @!p2 $0x0  }
0x1d: {  	s5 =	simm.s32 @p1 $0x1;
	p0 =	seq.s32 s7, s2  }
0x1e: {  	s7 =	smul.u32 @!p0 $0xF7A, s2;
	p2 =	seq.s32 @!p0 s5, $0x0  }
0x1f: {  	s9 =	smul.u32 $0xF7A, s1;
	s8 =	simm.s32 @!p0 $0x1BF5;
	p2 =	por !p2, p0  }
0x20: {  	[sflag:s8] =	ssyncset.s32 @!p0 $0xFFFFF086;
	s6 =	sadd.s32 @!p0 s3, s7;
	s7 =	simm.s32 @!p0 $0x108  }
0x21: {  	s3 =	sadd.s32 s3, s9;
	s6 =	sadd.s32 @!p0 $0x88, s6;
	s7 =	simm.s32 @p2 $0x1082  }
0x22: {  	[simem:s7], [sflag:s8] =	dma.local @!p0 [hbm:s6], $0xF7A  }
0x23: {  	s9 =	sor.u32 $0xD0000000, s2;
	s6 =	simm.s32 $0x108;
	_ =	swait.ge @!p0 [sflag:s8], $0x0  }
0x24: {  	s3 =	sadd.s32 $0x88, s3;
	s6 =	simm.s32 @!p1 $0x1082;
	[sflag:s4] =	ssyncset.s32 $0xFFFFF086  }
0x25: {  	[simem:s6], [sflag:s4] =	dma.local [hbm:s3], $0xF7A  }
0x26: {  	[smem:$0x3F95] =	sst s1;
	(tag) =	ssettag s2;
	_ =	strace s9  }
0x27: {  	s1 =	sld [smem:$0x3FA5]  }
0x28: {  	s2 =	sld [smem:$0x3FA6]  }
0x29: {  	s4 =	sld [smem:$0x3FA8]  }
0x2a: {  	p0 =	seq.s32 s5, $0x0;
	s5 =	sld [smem:$0x3FA9]  }
0x2b: {  	s6 =	sld [smem:$0x3FAA]  }
0x2c: {  	s7 =	sld [smem:$0x3FAB]  }
0x2d: {  	s3 =	simm.s32 $0x108;
	s8 =	sld [smem:$0x3FAC]  }
0x2e: {  	s3 =	simm.s32 @!p0 $0x1082;
	s9 =	sld [smem:$0x3FAD]  }
0x2f: {  	lr =	sadd.s32 s0, s3;
	s0 =	sld [smem:$0x3FA4]  }
0x30: {  	s3 =	sld [smem:$0x3FA7]  }
0x31: {  	[smem:$0x3FB0] =	sst s10  }
0x32: {  	s10 =	sld [smem:$0x3FAE];
	_ =	sdelay $0x3  }
0x33: {  	p0 =	seq.s32 s10, $0x1;
	s10 =	sld [smem:$0x3FB0];
	_ =	sdelay $0x3  }
0x34: {  	[smem:$0x3FB0] =	sst s10  }
0x35: {  	s10 =	sld [smem:$0x3FAF];
	_ =	sdelay $0x3  }
0x36: {  	p1 =	seq.s32 s10, $0x1;
	s10 =	sld [smem:$0x3FB0];
	_ =	sdelay $0x3  }
0x37: {  	[smem:$0x3FB0] =	sst s10  }
0x38: {  	s10 =	sld [smem:$0x3FB1]  }
0x39: {  	_ = 	snop;
	(pc) =	sbr.ind lr, $3  }
0x3a: {  	_ = 	snop  }
0x3b: {  	_ = 	snop  }
0x3c: {  	p2 =	seq.s32 s10, $0x1;
	s10 =	sld [smem:$0x3FB0]  }
0x3d: {  	_ =	shalt  }
0x3e: {  	_ =	shalt  }
0x3f: {  	_ =	shalt  }
0x40: {  	_ =	shalt  }
0x41: {  	_ =	shalt  }
0x42: {  	_ =	shalt  }
0x43: {  	_ =	shalt  }
0x44: {  	_ =	shalt  }
0x45: {  	_ =	shalt  }
0x46: {  	_ =	shalt  }
0x47: {  	_ =	shalt  }
0x48: {  	_ =	shalt  }
0x49: {  	_ =	shalt  }
0x4a: {  	_ =	shalt  }
0x4b: {  	_ =	shalt  }
0x4c: {  	_ =	shalt  }
0x4d: {  	_ =	shalt  }
0x4e: {  	_ =	shalt  }
0x4f: {  	_ =	shalt  }
0x50: {  	_ =	shalt  }
0x51: {  	_ =	shalt  }
0x52: {  	_ =	shalt  }
0x53: {  	_ =	shalt  }
0x54: {  	_ =	shalt  }
0x55: {  	_ =	shalt  }
0x56: {  	_ =	shalt  }
0x57: {  	_ =	shalt  }
0x58: {  	_ =	shalt  }
0x59: {  	_ =	shalt  }
0x5a: {  	_ =	shalt  }
0x5b: {  	_ =	shalt  }
0x5c: {  	_ =	shalt  }
0x5d: {  	_ =	shalt  }
0x5e: {  	_ =	shalt  }
0x5f: {  	_ =	shalt  }
0x60: {  	_ =	shalt  }
0x61: {  	_ =	shalt  }
0x62: {  	_ =	shalt  }
0x63: {  	_ =	shalt  }
0x64: {  	_ =	shalt  }
0x65: {  	_ =	shalt  }
0x66: {  	_ =	shalt  }
0x67: {  	_ =	shalt  }
0x68: {  	_ =	shalt  }
0x69: {  	_ =	shalt  }
0x6a: {  	_ =	shalt  }
0x6b: {  	_ =	shalt  }
0x6c: {  	_ =	shalt  }
0x6d: {  	_ =	shalt  }
0x6e: {  	_ =	shalt  }
0x6f: {  	_ =	shalt  }
0x70: {  	_ =	shalt  }
0x71: {  	_ =	shalt  }
0x72: {  	_ =	shalt  }
0x73: {  	_ =	shalt  }
0x74: {  	_ =	shalt  }
0x75: {  	_ =	shalt  }
0x76: {  	_ =	shalt  }
0x77: {  	_ =	shalt  }
0x78: {  	_ =	shalt  }
0x79: {  	_ =	shalt  }
0x7a: {  	_ =	shalt  }
0x7b: {  	_ =	shalt  }
0x7c: {  	_ =	shalt  }
0x7d: {  	_ =	shalt  }
0x7e: {  	_ =	shalt  }
0x7f: {  	_ =	shalt  }
0x80: {  	_ =	shalt  }
0x81: {  	_ =	shalt  }
0x82: {  	_ =	shalt  }
0x83: {  	_ =	shalt  }
0x84: {  	_ =	shalt  }
0x85: {  	_ =	shalt  }
0x86: {  	_ =	shalt  }
0x87: {  	_ =	shalt  }
.Lfunc_end0:
.L_simem_size_0:
called_computation.3_lowered:
.L_overlay_start_0:
0x88: {  	s2 =	sld [smem:$0x3FD9]  }
0x89: {  	s3 =	sld [smem:$0x3FFE];
	_ =	sdelay $0x1  }
0x8a: {  	s1 =	srdreg.scid  }
0x8b: {  	s0 =	sand.u32 $0x1, s1  }
0x8c: {  	s16 =	sshll.u32 s0, $0xA;
	s2 =	sadd.s32 s3, s2  }
0x8d: {  	s2 =	sadd.s32 s2, s16  }
0x8e: {  	[smem:$0x3FBC] =	sst s2  }
0x8f: {  	_ = 	snop  }
0x90: {  	(tm) =	ssettm $0x1  }
0x91: {  	s17 =	sld [smem:$0x3FFB];
	_ =	sdelay $0x3  }
0x92: {  	_ =	strace s17  }
0x93: {  	s2 =	sld [smem:$0x3FFC];
	_ =	sdelay $0x3  }
0x94: {  	_ =	strace s2  }
0x95: {  	s2 =	sld [smem:$0x3FFD];
	_ =	sdelay $0x3  }
0x96: {  	_ =	strace s2  }
0x97: {  	_ =	strace $0x8FFFFFFF  }
0x98: {  	s18 =	sld [smem:$0x3FDB];
	_ =	sdelay $0x1  }
0x99: {  	s19 =	simm.s32 $_scs_section_size  }
0x9a: {  	s4 =	simm.s32 $_size__tile_overlayer_lowered;
	s5 =	simm.s32 $_tile_overlayer_lowered  }
0x9b: {  	s22 =	simm.s32 $0x1BFF;
	s21 =	sshll.u32 s5, $0x1;
	s2 =	sadd.s32 s19, s18  }
0x9c: {  	s6 =	simm.s32 $0x0;
	s20 =	sshll.u32 s4, $0x1;
	s4 =	sadd.s32 s21, s2  }
0x9d: {  	[timem:s6], [sflag:s22] =	dma.local [hbm:s4], s20  }
0x9e: {  	_ =	swait.ge [sflag:s22], s20  }
0x9f: {  	s3 =	ssub.s32 $0x0, s20;
	[sflag:s22] =	ssyncset.done $0x0  }
0xa0: {  	[sflag:s22] =	ssyncadd.s32 s3;
	_ =	sdelay $0x1  }
0xa1: {  	s23 =	simm.s32 $0x1B8B  }
0xa2: {  	_ =	swait.ge [sflag:s23], $0x1  }
0xa3: {  	[sflag:s23] =	ssyncset.done $0x0  }
0xa4: {  	s25 =	simm.s32 $0x1B8E;
	s24 =	sld [smem:$0x3FFE];
	[sflag:s23] =	ssyncadd.s32 $0xFFFFFFFF  }
0xa5: {  	s26 =	simm.s32 $execute0_lowered;
	[smem:$0x3FD2] =	sst s25  }
0xa6: {  	s4 =	sshll.u32 s26, $0x1;
	_ =	strace $0x8000004F;
	[dreg:$0x1] =	wrdreg $0xFFFFFFFF  }
0xa7: {  	s28 =	simm.s32 $_size_execute0_lowered;
	s2 =	sadd.s32 s2, s4;
	[dreg:$0x0] =	wrdreg $0x0  }
0xa8: {  	s4 =	sshll.u32 s28, $0x1;
	[dreg:$0x2] =	wrdreg s2  }
0xa9: {  	[dreg:$0x3] =	wrdreg s4  }
0xaa: {  	[dreg:$0x4] =	wrdreg $0xC0  }
0xab: {  	_ =	task [dreg:s6], $0x5FFFF  }
0xac: {  	[dreg:$0x1] =	wrdreg $0xFFFFFFFF  }
0xad: {  	[dreg:$0x0] =	wrdreg $0x60  }
0xae: {  	[dreg:$0x2] =	wrdreg s24  }
0xaf: {  	[dreg:$0x3] =	wrdreg $0x128E00  }
0xb0: {  	[dreg:$0x4] =	wrdreg $0x9  }
0xb1: {  	_ =	task.clear_ibuf [dreg:s6], $0x5FFFF;
	_ =	strace $0x9000004F  }
0xb2: {  	s29 =	simm.s32 $0x9;
	_ =	strace $0x80000051  }
0xb3: {  	_ =	swait.ge [sflag:s29], $0x1  }
0xb4: {  	[sflag:s29] =	ssyncadd.s32 $0xFFFFFFFF  }
0xb5: {  	_ =	strace $0x90000051  }
0xb6: {  	_ =	sfence  }
0xb7: {  	s30 =	sld [smem:$0x0];
	_ =	sdelay $0x2  }
0xb8: {  	s31 =	sshll.u32 s1, $0xD;
	s1 =	sshrl.u32 s1, $0x2  }
0xb9: {  	s3 =	sand.u32 $0x4000, s31;
	s1 =	sadd.s32 s1, s30  }
0xba: {  	s0 =	sor.u32 s3, s0;
	s1 =	sshll.u32 s1, $0x11  }
0xbb: {  	s0 =	sor.u32 s1, s0  }
0xbc: {  	s0 =	sadd.s32 $0x8F2B, s0  }
0xbd: {  	[sflag:s0] =	ssyncadd.remote.s32 $0x1  }
0xbe: {  	_ =	sfence.sel $0xFFFF  }
0xbf: {  	[dreg:$0x0] =	wrdreg $0xFFFFFFFF;
	(pc) =	sbr.abs _section_cstart, $3  }
0xc0: {  	[dreg:$0x1] =	wrdreg $0xFFFFFFFF  }
0xc1: {  	_ =	task.clear_ibuf [dreg:s6], $0x2FFFF;
	_ =	strace $0x9FFFFFFF  }
0xc2: {  	(tm) =	ssettm $0x7FFFFFFF  }
0xc3: {  	_ =	shalt  }
tec
execute0_lowered:
.L_overlay_start_1:
0x0: {  	(tag) =	ssettag $0x1  }
0x1: {  	s26 =	rddreg [dreg:$0x0]  }
0x2: {  	s0 =	srdreg.scid;
	s2 =	rddreg [dreg:$0x1];
	s3 =	simm.s32 $0x0  }
0x3: {  	s28 =	sand.u32 $0x1, s0;
	s0 =	stileid.u32;
	[smem:$0x7FF] =	sst s3  }
0x4: {  	s4 =	sadd.s32 $0x16600, s26;
	s14 =	sadd.s32 $0x4E000, s2;
	s1 =	sshll.u32 s28, $0x4  }
0x5: {  	s16 =	sadd.s32 $0x20200, s26;
	s7 =	smul.u32 $0x4E00, s0;
	s1 =	sor.u32 s0, s1  }
0x6: {  	_ =	strace $0x80000050;
	[dreg:$0x6] =	wrdreg s14;
	s24 =	smul.u32 $0x2710, s1  }
0x7: {  	s25 =	sadd.s32 $0xC800, s26;
	[dreg:$0x7] =	wrdreg s16;
	s12 =	sadd.s32 s7, s2  }
0x8: {  	s7 =	sshrl.u32 s7, $0x3;
	[dreg:$0x4] =	wrdreg s12;
	s5 =	sshrl.u32 s24, $0x3  }
0x9: {  	s13 =	sadd.s32 s4, s7;
	s15 =	sadd.s32 $0x3E8, s24;
	s6 =	sadd.s32 s5, s26  }
0xa: {  	[dreg:$0x5] =	wrdreg s13;
	s7 =	sshrl.u32 s15, $0x3;
	s6 =	sadd.s32 $0x2A00, s6  }
0xb: {  	s5 =	sadd.s32 s25, s5;
	s17 =	sadd.s32 s25, s7;
	[dreg:$0x3] =	wrdreg s6  }
0xc: {  	s19 =	sadd.s32 $0xFA, s5;
	[dreg:$0x8] =	wrdreg s17  }
0xd: {  	s18 =	sadd.s32 $0xBB8, s24;
	s22 =	sadd.s32 $0x1F4, s5;
	[dreg:$0x9] =	wrdreg s19  }
0xe: {  	s7 =	sshrl.u32 s18, $0x3;
	s31 =	sadd.s32 $0x2EE, s5;
	[dreg:$0xb] =	wrdreg s22  }
0xf: {  	s21 =	sadd.s32 $0x1388, s24;
	s20 =	sadd.s32 s25, s7;
	[dreg:$0xd] =	wrdreg s31  }
0x10: {  	s30 =	sadd.s32 $0x1B58, s24;
	s7 =	sshrl.u32 s21, $0x3;
	[dreg:$0xa] =	wrdreg s20  }
0x11: {  	s6 =	sshrl.u32 s30, $0x3;
	s23 =	sadd.s32 s25, s7;
	s8 =	rddreg [dreg:$0x3]  }
0x12: {  	s6 =	sadd.s32 s25, s6;
	[dreg:$0xc] =	wrdreg s23  }
0x13: {  	[dreg:$0xe] =	wrdreg s6;
	s6 =	simm.s32 $0x3  }
0x14: {  	[tilespmem:s3], [sflag:$0x3] =	stream.linear.gather [hbm4b:s8+s3], $0x2710, $0x38;
	[tilespmem:$0x17700] =	vst v63  }
0x15: {  	_ =	swait.ge [sflag:s6], $0x2710  }
0x16: {  	[sflag:s6] =	ssyncset.done $0x0  }
0x17: {  	s10 =	sshll.u32 s0, $0x6;
	s7 =	simm.s32 $0x2710;
	[sflag:s6] =	ssyncadd.s32 $0xFFFFD8F0  }
0x18: {  	[tilespmem:s7], [sflag:$0x3] =	stream.linear.gather [hbm4b:s5+s3], $0x3E8, $0x38;
	[tilespmem:$0x17700] =	vst v63  }
0x19: {  	s9 =	simm.s32 $0x2EE0;
	s10 =	sor.u32 $0x1C03, s10;
	_ =	swait.ge [sflag:s6], $0x3E8  }
0x1a: {  	s8 =	simm.s32 $0x3E8;
	[sflag:s6] =	ssyncset.done $0x0;
	s11 =	rddreg [dreg:$0x4]  }
0x1b: {  	s12 =	rddreg [dreg:$0x5];
	[sflag:s6] =	ssyncadd.s32 $0xFFFFFC18;
	s30 =	sshrl.u32 s11, $0x3  }
0x1c: {  	[tilespmem:s9], [sflag:$0x1] =	stream.indirect.gather [hbm4b:s4+s8], $0x20, s3, s8, $0xb8;
	[tilespmem:$0x17700] =	vst v63  }
0x1d: {  	[spmem:s30], [sflag:s10] =	dma.local [hbm:s12], $0x9C0  }
0x1e: {  	_ =	swait.ge [sflag:s6], $0x9C0  }
0x1f: {  	s11 =	rddreg [dreg:$0x6]  }
0x20: {  	p0 =	sne.s32 s0, $0xF;
	s12 =	rddreg [dreg:$0x7];
	[sflag:s6] =	ssyncset.done $0x0  }
0x21: {  	[sflag:s6] =	ssyncadd.s32 $0xFFFFF640;
	s29 =	sshrl.u32 @!p0 s11, $0x3;
	s11 =	simm.s32 @!p0 $0x3  }
0x22: {  	[spmem:s29], [sflag:s10] =	dma.local @!p0 [hbm:s12], $0x40  }
0x23: {  	_ =	swait.ge @!p0 [sflag:s11], $0x40  }
0x24: {  	[sflag:s11] =	ssyncset.done @!p0 $0x0  }
0x25: {  	[sflag:s11] =	ssyncadd.s32 @!p0 $0xFFFFFFC0  }
0x26: {  	[bflag:$0x0] =	sbarrier.arrive $0xFFFF  }
0x27: {  	s12 =	simm.s32 $0x2AF8;
	s13 =	rddreg [dreg:$0x8]  }
0x28: {  	[tilespmem:s12], [sflag:$0x3] =	stream.linear.gather [hbm4b:s13+s3], $0x3E8, $0x38;
	[tilespmem:$0x17700] =	vst v63  }
0x29: {  	_ =	swait.ge [sflag:s6], $0x3E8  }
0x2a: {  	[sflag:s6] =	ssyncset.done $0x0  }
0x2b: {  	s14 =	simm.s32 $0x1;
	s13 =	simm.s32 $0xABE0;
	[sflag:s6] =	ssyncadd.s32 $0xFFFFFC18  }
0x2c: {  	[tilespmem:s13], [sflag:$0x2] =	stream.indirect.gather [hbm4b:s4+s8], $0x20, s8, s8, $0xb8;
	[tilespmem:$0x17700] =	vst v63  }
0x2d: {  	_ =	swait.ge [sflag:s14], $0x7D00  }
0x2e: {  	[sflag:s14] =	ssyncset.done $0x0  }
0x2f: {  	[sflag:s14] =	ssyncadd.s32 $0xFFFF8300  }
0x30: {  	[spmem:s2] =	stream.indirect.scatter.add.f32 [tilespmem:s9], [sflag:$0x3], $0x20, s7, s8, $0xb8;
	[tilespmem:$0x17700] =	vst v63  }
0x31: {  	_ =	swait.ge [sflag:s6], $0x7D00  }
0x32: {  	[sflag:s6] =	ssyncset.done $0x0  }
0x33: {  	s15 =	rddreg [dreg:$0x9];
	[sflag:s6] =	ssyncadd.s32 $0xFFFF8300  }
0x34: {  	[tilespmem:s7], [sflag:$0x3] =	stream.linear.gather [hbm4b:s15+s3], $0x3E8, $0x38;
	[tilespmem:$0x17700] =	vst v63  }
0x35: {  	_ =	swait.ge [sflag:s6], $0x3E8  }
0x36: {  	[sflag:s6] =	ssyncset.done $0x0  }
0x37: {  	s16 =	simm.s32 $0x2;
	s15 =	simm.s32 $0x7D0;
	[sflag:s6] =	ssyncadd.s32 $0xFFFFFC18  }
0x38: {  	[tilespmem:s9], [sflag:$0x1] =	stream.indirect.gather [hbm4b:s4+s8], $0x20, s15, s8, $0xb8;
	[tilespmem:$0x17700] =	vst v63  }
0x39: {  	_ =	swait.ge [sflag:s16], $0x7D00  }
0x3a: {  	[sflag:s16] =	ssyncset.done $0x0  }
0x3b: {  	[sflag:s16] =	ssyncadd.s32 $0xFFFF8300  }
0x3c: {  	[spmem:s2] =	stream.indirect.scatter.add.f32 [tilespmem:s13], [sflag:$0x3], $0x20, s12, s8, $0xb8;
	[tilespmem:$0x17700] =	vst v63  }
0x3d: {  	_ =	swait.ge [sflag:s6], $0x7D00  }
0x3e: {  	[sflag:s6] =	ssyncset.done $0x0  }
0x3f: {  	s17 =	rddreg [dreg:$0xa];
	[sflag:s6] =	ssyncadd.s32 $0xFFFF8300  }
0x40: {  	[tilespmem:s12], [sflag:$0x3] =	stream.linear.gather [hbm4b:s17+s3], $0x3E8, $0x38;
	[tilespmem:$0x17700] =	vst v63  }
0x41: {  	_ =	swait.ge [sflag:s6], $0x3E8  }
0x42: {  	[sflag:s6] =	ssyncset.done $0x0  }
0x43: {  	s17 =	simm.s32 $0xBB8;
	[sflag:s6] =	ssyncadd.s32 $0xFFFFFC18  }
0x44: {  	[tilespmem:s13], [sflag:$0x2] =	stream.indirect.gather [hbm4b:s4+s8], $0x20, s17, s8, $0xb8;
	[tilespmem:$0x17700] =	vst v63  }
0x45: {  	_ =	swait.ge [sflag:s14], $0x7D00  }
0x46: {  	[sflag:s14] =	ssyncset.done $0x0  }
0x47: {  	[sflag:s14] =	ssyncadd.s32 $0xFFFF8300  }
0x48: {  	[spmem:s2] =	stream.indirect.scatter.add.f32 [tilespmem:s9], [sflag:$0x3], $0x20, s7, s8, $0xb8;
	[tilespmem:$0x17700] =	vst v63  }
0x49: {  	_ =	swait.ge [sflag:s6], $0x7D00  }
0x4a: {  	[sflag:s6] =	ssyncset.done $0x0  }
0x4b: {  	s18 =	rddreg [dreg:$0xb];
	[sflag:s6] =	ssyncadd.s32 $0xFFFF8300  }
0x4c: {  	[tilespmem:s7], [sflag:$0x3] =	stream.linear.gather [hbm4b:s18+s3], $0x3E8, $0x38;
	[tilespmem:$0x17700] =	vst v63  }
0x4d: {  	_ =	swait.ge [sflag:s6], $0x3E8  }
0x4e: {  	[sflag:s6] =	ssyncset.done $0x0  }
0x4f: {  	s18 =	simm.s32 $0xFA0;
	[sflag:s6] =	ssyncadd.s32 $0xFFFFFC18  }
0x50: {  	[tilespmem:s9], [sflag:$0x1] =	stream.indirect.gather [hbm4b:s4+s8], $0x20, s18, s8, $0xb8;
	[tilespmem:$0x17700] =	vst v63  }
0x51: {  	_ =	swait.ge [sflag:s16], $0x7D00  }
0x52: {  	[sflag:s16] =	ssyncset.done $0x0  }
0x53: {  	[sflag:s16] =	ssyncadd.s32 $0xFFFF8300  }
0x54: {  	[spmem:s2] =	stream.indirect.scatter.add.f32 [tilespmem:s13], [sflag:$0x3], $0x20, s12, s8, $0xb8;
	[tilespmem:$0x17700] =	vst v63  }
0x55: {  	_ =	swait.ge [sflag:s6], $0x7D00  }
0x56: {  	[sflag:s6] =	ssyncset.done $0x0  }
0x57: {  	s19 =	rddreg [dreg:$0xc];
	[sflag:s6] =	ssyncadd.s32 $0xFFFF8300  }
0x58: {  	[tilespmem:s12], [sflag:$0x3] =	stream.linear.gather [hbm4b:s19+s3], $0x3E8, $0x38;
	[tilespmem:$0x17700] =	vst v63  }
0x59: {  	_ =	swait.ge [sflag:s6], $0x3E8  }
0x5a: {  	[sflag:s6] =	ssyncset.done $0x0  }
0x5b: {  	s19 =	simm.s32 $0x1388;
	[sflag:s6] =	ssyncadd.s32 $0xFFFFFC18  }
0x5c: {  	[tilespmem:s13], [sflag:$0x2] =	stream.indirect.gather [hbm4b:s4+s8], $0x20, s19, s8, $0xb8;
	[tilespmem:$0x17700] =	vst v63  }
0x5d: {  	_ =	swait.ge [sflag:s14], $0x7D00  }
0x5e: {  	[sflag:s14] =	ssyncset.done $0x0  }
0x5f: {  	[sflag:s14] =	ssyncadd.s32 $0xFFFF8300  }
0x60: {  	[spmem:s2] =	stream.indirect.scatter.add.f32 [tilespmem:s9], [sflag:$0x3], $0x20, s7, s8, $0xb8;
	[tilespmem:$0x17700] =	vst v63  }
0x61: {  	_ =	swait.ge [sflag:s6], $0x7D00  }
0x62: {  	[sflag:s6] =	ssyncset.done $0x0  }
0x63: {  	s20 =	rddreg [dreg:$0xd];
	[sflag:s6] =	ssyncadd.s32 $0xFFFF8300  }
0x64: {  	[tilespmem:s7], [sflag:$0x3] =	stream.linear.gather [hbm4b:s20+s3], $0x3E8, $0x38;
	[tilespmem:$0x17700] =	vst v63  }
0x65: {  	_ =	swait.ge [sflag:s6], $0x3E8  }
0x66: {  	[sflag:s6] =	ssyncset.done $0x0  }
0x67: {  	s20 =	simm.s32 $0x1770;
	[sflag:s6] =	ssyncadd.s32 $0xFFFFFC18  }
0x68: {  	[tilespmem:s9], [sflag:$0x1] =	stream.indirect.gather [hbm4b:s4+s8], $0x20, s20, s8, $0xb8;
	[tilespmem:$0x17700] =	vst v63  }
0x69: {  	_ =	swait.ge [sflag:s16], $0x7D00  }
0x6a: {  	[sflag:s16] =	ssyncset.done $0x0  }
0x6b: {  	[sflag:s16] =	ssyncadd.s32 $0xFFFF8300  }
0x6c: {  	[spmem:s2] =	stream.indirect.scatter.add.f32 [tilespmem:s13], [sflag:$0x3], $0x20, s12, s8, $0xb8;
	[tilespmem:$0x17700] =	vst v63  }
0x6d: {  	_ =	swait.ge [sflag:s6], $0x7D00  }
0x6e: {  	[sflag:s6] =	ssyncset.done $0x0  }
0x6f: {  	s21 =	rddreg [dreg:$0xe];
	[sflag:s6] =	ssyncadd.s32 $0xFFFF8300  }
0x70: {  	[tilespmem:s12], [sflag:$0x3] =	stream.linear.gather [hbm4b:s21+s3], $0x3E8, $0x38;
	[tilespmem:$0x17700] =	vst v63  }
0x71: {  	_ =	swait.ge [sflag:s6], $0x3E8  }
0x72: {  	[sflag:s6] =	ssyncset.done $0x0  }
0x73: {  	s21 =	simm.s32 $0x1B58;
	[sflag:s6] =	ssyncadd.s32 $0xFFFFFC18  }
0x74: {  	[tilespmem:s13], [sflag:$0x2] =	stream.indirect.gather [hbm4b:s4+s8], $0x20, s21, s8, $0xb8;
	[tilespmem:$0x17700] =	vst v63  }
0x75: {  	_ =	swait.ge [sflag:s14], $0x7D00  }
0x76: {  	[sflag:s14] =	ssyncset.done $0x0  }
0x77: {  	[sflag:s14] =	ssyncadd.s32 $0xFFFF8300  }
0x78: {  	[spmem:s2] =	stream.indirect.scatter.add.f32 [tilespmem:s9], [sflag:$0x3], $0x20, s7, s8, $0xb8;
	[tilespmem:$0x17700] =	vst v63  }
0x79: {  	_ =	swait.ge [sflag:s6], $0x7D00  }
0x7a: {  	[sflag:s6] =	ssyncset.done $0x0  }
0x7b: {  	s22 =	sadd.s32 $0x3E8, s5;
	[sflag:s6] =	ssyncadd.s32 $0xFFFF8300  }
0x7c: {  	[tilespmem:s7], [sflag:$0x3] =	stream.linear.gather [hbm4b:s22+s3], $0x3E8, $0x38;
	[tilespmem:$0x17700] =	vst v63  }
0x7d: {  	_ =	swait.ge [sflag:s6], $0x3E8  }
0x7e: {  	[sflag:s6] =	ssyncset.done $0x0  }
0x7f: {  	s23 =	simm.s32 $0x1F40;
	[sflag:s6] =	ssyncadd.s32 $0xFFFFFC18  }
0x80: {  	[tilespmem:s9], [sflag:$0x1] =	stream.indirect.gather [hbm4b:s4+s8], $0x20, s23, s8, $0xb8;
	[tilespmem:$0x17700] =	vst v63  }
0x81: {  	_ =	swait.ge [sflag:s16], $0x7D00  }
0x82: {  	[sflag:s16] =	ssyncset.done $0x0  }
0x83: {  	[sflag:s16] =	ssyncadd.s32 $0xFFFF8300  }
0x84: {  	[spmem:s2] =	stream.indirect.scatter.add.f32 [tilespmem:s13], [sflag:$0x3], $0x20, s12, s8, $0xb8;
	[tilespmem:$0x17700] =	vst v63  }
0x85: {  	s24 =	sadd.s32 $0x2328, s24;
	_ =	swait.ge [sflag:s6], $0x7D00  }
0x86: {  	s24 =	sshrl.u32 s24, $0x3;
	[sflag:s6] =	ssyncset.done $0x0  }
0x87: {  	s24 =	sadd.s32 s25, s24;
	[sflag:s6] =	ssyncadd.s32 $0xFFFF8300  }
0x88: {  	[tilespmem:s12], [sflag:$0x3] =	stream.linear.gather [hbm4b:s24+s3], $0x3E8, $0x38;
	[tilespmem:$0x17700] =	vst v63  }
0x89: {  	_ =	swait.ge [sflag:s6], $0x3E8  }
0x8a: {  	[sflag:s6] =	ssyncset.done $0x0  }
0x8b: {  	s25 =	simm.s32 $0x2328;
	[sflag:s6] =	ssyncadd.s32 $0xFFFFFC18  }
0x8c: {  	[tilespmem:s13], [sflag:$0x2] =	stream.indirect.gather [hbm4b:s4+s8], $0x20, s25, s8, $0xb8;
	[tilespmem:$0x17700] =	vst v63  }
0x8d: {  	_ =	swait.ge [sflag:s14], $0x7D00  }
0x8e: {  	[sflag:s14] =	ssyncset.done $0x0  }
0x8f: {  	[sflag:s14] =	ssyncadd.s32 $0xFFFF8300  }
0x90: {  	[spmem:s2] =	stream.indirect.scatter.add.f32 [tilespmem:s9], [sflag:$0x3], $0x20, s7, s8, $0xb8;
	[tilespmem:$0x17700] =	vst v63  }
0x91: {  	_ =	swait.ge [sflag:s6], $0x7D00  }
0x92: {  	[sflag:s6] =	ssyncset.done $0x0  }
0x93: {  	[sflag:s6] =	ssyncadd.s32 $0xFFFF8300  }
0x94: {  	_ =	swait.ge [sflag:s16], $0x7D00  }
0x95: {  	s31 =	smul.u32 $0x9C0, s0;
	[sflag:s16] =	ssyncset.done $0x0  }
0x96: {  	s0 =	smul.u32 $0x9C40, s28;
	[sflag:s16] =	ssyncadd.s32 $0xFFFF8300  }
0x97: {  	[spmem:s2] =	stream.indirect.scatter.add.f32 [tilespmem:s13], [sflag:$0x3], $0x20, s12, s8, $0xb8;
	[tilespmem:$0x17700] =	vst v63  }
0x98: {  	_ =	swait.ge [sflag:s6], $0x7D00  }
0x99: {  	s1 =	sadd.s32 s31, s0;
	[sflag:s6] =	ssyncset.done $0x0  }
0x9a: {  	s31 =	sadd.s32 $0x20400, s26;
	s0 =	smul.u32 $0x4E200, s28;
	[sflag:s6] =	ssyncadd.s32 $0xFFFF8300  }
0x9b: {  	s28 =	ssub.s32 $0x2, s28;
	s26 =	sadd.s32 s31, s1;
	[bflag:$0x0] =	sbarrier.arrive $0xFFFF  }
0x9c: {  	[hbm:s26], [sflag:s10] =	dma.local [spmem:s30], $0x9C0  }
0x9d: {  	s1 =	sshrl.u32 s0, $0x3;
	s0 =	sshrl.u32 s28, $0x1;
	_ =	swait.ge [sflag:s6], $0x9C0  }
0x9e: {  	s1 =	sadd.s32 s31, s1;
	s30 =	ssub.s32 s28, s0;
	[sflag:s6] =	ssyncset.done $0x0  }
0x9f: {  	s28 =	sadd.s32 $0x9C00, s1;
	s31 =	smax.u32 s30, $0x1;
	[sflag:s6] =	ssyncadd.s32 $0xFFFFF640  }
0xa0: {  	[hbm:s28], [sflag:s10] =	dma.local @!p0 [spmem:s29], $0x40  }
0xa1: {  	s29 =	sadd.s32 $0xFFFFFFFF, s31  }
0xa2: {  	p1 =	sne.s32 s29, $0x0  }
.Ltmp0:
0xa3: {  	_ = 	snop;
	(pc) =	sbr.rel @!p1 .LBB2_2-.Ltmp0, $2  }
0xa4: {  	_ =	sdelay $0x2  }
0xa5: {  	_ =	swait.ge @!p0 [sflag:s11], $0x40  }
.LBB2_1:
0xa6: {  	[sflag:s11] =	ssyncset.done @!p0 $0x0  }
0xa7: {  	s1 =	rddreg [dreg:$0x3];
	[sflag:s11] =	ssyncadd.s32 @!p0 $0xFFFFFFC0  }
0xa8: {  	[tilespmem:s3], [sflag:$0x3] =	stream.linear.gather [hbm4b:s1+s3], $0x2710, $0x38;
	[tilespmem:$0x17700] =	vst v63  }
0xa9: {  	_ =	swait.ge [sflag:s6], $0x2710  }
0xaa: {  	[sflag:s6] =	ssyncset.done $0x0  }
0xab: {  	[sflag:s6] =	ssyncadd.s32 $0xFFFFD8F0  }
0xac: {  	[tilespmem:s7], [sflag:$0x3] =	stream.linear.gather [hbm4b:s5+s3], $0x3E8, $0x38;
	[tilespmem:$0x17700] =	vst v63  }
0xad: {  	_ =	swait.ge [sflag:s6], $0x3E8  }
0xae: {  	[sflag:s6] =	ssyncset.done $0x0;
	s0 =	rddreg [dreg:$0x4]  }
0xaf: {  	s31 =	rddreg [dreg:$0x5];
	[sflag:s6] =	ssyncadd.s32 $0xFFFFFC18;
	s30 =	sshrl.u32 s0, $0x3  }
0xb0: {  	[tilespmem:s9], [sflag:$0x1] =	stream.indirect.gather [hbm4b:s4+s8], $0x20, s3, s8, $0xb8;
	[tilespmem:$0x17700] =	vst v63  }
0xb1: {  	[spmem:s30], [sflag:s10] =	dma.local [hbm:s31], $0x9C0  }
0xb2: {  	_ =	swait.ge [sflag:s6], $0x9C0  }
0xb3: {  	[sflag:s6] =	ssyncset.done $0x0;
	s1 =	rddreg [dreg:$0x6]  }
0xb4: {  	s0 =	rddreg [dreg:$0x7];
	[sflag:s6] =	ssyncadd.s32 $0xFFFFF640;
	s31 =	sshrl.u32 @!p0 s1, $0x3  }
0xb5: {  	[spmem:s31], [sflag:s10] =	dma.local @!p0 [hbm:s0], $0x40  }
0xb6: {  	_ =	swait.ge @!p0 [sflag:s11], $0x40  }
0xb7: {  	[sflag:s11] =	ssyncset.done @!p0 $0x0  }
0xb8: {  	[sflag:s11] =	ssyncadd.s32 @!p0 $0xFFFFFFC0  }
0xb9: {  	[bflag:$0x0] =	sbarrier.arrive $0xFFFF  }
0xba: {  	s1 =	rddreg [dreg:$0x8]  }
0xbb: {  	[tilespmem:s12], [sflag:$0x3] =	stream.linear.gather [hbm4b:s1+s3], $0x3E8, $0x38;
	[tilespmem:$0x17700] =	vst v63  }
0xbc: {  	_ =	swait.ge [sflag:s6], $0x3E8  }
0xbd: {  	[sflag:s6] =	ssyncset.done $0x0  }
0xbe: {  	[sflag:s6] =	ssyncadd.s32 $0xFFFFFC18  }
0xbf: {  	[tilespmem:s13], [sflag:$0x2] =	stream.indirect.gather [hbm4b:s4+s8], $0x20, s8, s8, $0xb8;
	[tilespmem:$0x17700] =	vst v63  }
0xc0: {  	_ =	swait.ge [sflag:s14], $0x7D00  }
0xc1: {  	[sflag:s14] =	ssyncset.done $0x0  }
0xc2: {  	[sflag:s14] =	ssyncadd.s32 $0xFFFF8300  }
0xc3: {  	[spmem:s2] =	stream.indirect.scatter.add.f32 [tilespmem:s9], [sflag:$0x3], $0x20, s7, s8, $0xb8;
	[tilespmem:$0x17700] =	vst v63  }
0xc4: {  	_ =	swait.ge [sflag:s6], $0x7D00  }
0xc5: {  	[sflag:s6] =	ssyncset.done $0x0  }
0xc6: {  	s1 =	rddreg [dreg:$0x9];
	[sflag:s6] =	ssyncadd.s32 $0xFFFF8300  }
0xc7: {  	[tilespmem:s7], [sflag:$0x3] =	stream.linear.gather [hbm4b:s1+s3], $0x3E8, $0x38;
	[tilespmem:$0x17700] =	vst v63  }
0xc8: {  	_ =	swait.ge [sflag:s6], $0x3E8  }
0xc9: {  	[sflag:s6] =	ssyncset.done $0x0  }
0xca: {  	[sflag:s6] =	ssyncadd.s32 $0xFFFFFC18  }
0xcb: {  	[tilespmem:s9], [sflag:$0x1] =	stream.indirect.gather [hbm4b:s4+s8], $0x20, s15, s8, $0xb8;
	[tilespmem:$0x17700] =	vst v63  }
0xcc: {  	_ =	swait.ge [sflag:s16], $0x7D00  }
0xcd: {  	[sflag:s16] =	ssyncset.done $0x0  }
0xce: {  	[sflag:s16] =	ssyncadd.s32 $0xFFFF8300  }
0xcf: {  	[spmem:s2] =	stream.indirect.scatter.add.f32 [tilespmem:s13], [sflag:$0x3], $0x20, s12, s8, $0xb8;
	[tilespmem:$0x17700] =	vst v63  }
0xd0: {  	_ =	swait.ge [sflag:s6], $0x7D00  }
0xd1: {  	[sflag:s6] =	ssyncset.done $0x0  }
0xd2: {  	s1 =	rddreg [dreg:$0xa];
	[sflag:s6] =	ssyncadd.s32 $0xFFFF8300  }
0xd3: {  	[tilespmem:s12], [sflag:$0x3] =	stream.linear.gather [hbm4b:s1+s3], $0x3E8, $0x38;
	[tilespmem:$0x17700] =	vst v63  }
0xd4: {  	_ =	swait.ge [sflag:s6], $0x3E8  }
0xd5: {  	[sflag:s6] =	ssyncset.done $0x0  }
0xd6: {  	[sflag:s6] =	ssyncadd.s32 $0xFFFFFC18  }
0xd7: {  	[tilespmem:s13], [sflag:$0x2] =	stream.indirect.gather [hbm4b:s4+s8], $0x20, s17, s8, $0xb8;
	[tilespmem:$0x17700] =	vst v63  }
0xd8: {  	_ =	swait.ge [sflag:s14], $0x7D00  }
0xd9: {  	[sflag:s14] =	ssyncset.done $0x0  }
0xda: {  	[sflag:s14] =	ssyncadd.s32 $0xFFFF8300  }
0xdb: {  	[spmem:s2] =	stream.indirect.scatter.add.f32 [tilespmem:s9], [sflag:$0x3], $0x20, s7, s8, $0xb8;
	[tilespmem:$0x17700] =	vst v63  }
0xdc: {  	_ =	swait.ge [sflag:s6], $0x7D00  }
0xdd: {  	[sflag:s6] =	ssyncset.done $0x0  }
0xde: {  	s1 =	rddreg [dreg:$0xb];
	[sflag:s6] =	ssyncadd.s32 $0xFFFF8300  }
0xdf: {  	[tilespmem:s7], [sflag:$0x3] =	stream.linear.gather [hbm4b:s1+s3], $0x3E8, $0x38;
	[tilespmem:$0x17700] =	vst v63  }
0xe0: {  	_ =	swait.ge [sflag:s6], $0x3E8  }
0xe1: {  	[sflag:s6] =	ssyncset.done $0x0  }
0xe2: {  	[sflag:s6] =	ssyncadd.s32 $0xFFFFFC18  }
0xe3: {  	[tilespmem:s9], [sflag:$0x1] =	stream.indirect.gather [hbm4b:s4+s8], $0x20, s18, s8, $0xb8;
	[tilespmem:$0x17700] =	vst v63  }
0xe4: {  	_ =	swait.ge [sflag:s16], $0x7D00  }
0xe5: {  	[sflag:s16] =	ssyncset.done $0x0  }
0xe6: {  	[sflag:s16] =	ssyncadd.s32 $0xFFFF8300  }
0xe7: {  	[spmem:s2] =	stream.indirect.scatter.add.f32 [tilespmem:s13], [sflag:$0x3], $0x20, s12, s8, $0xb8;
	[tilespmem:$0x17700] =	vst v63  }
0xe8: {  	_ =	swait.ge [sflag:s6], $0x7D00  }
0xe9: {  	[sflag:s6] =	ssyncset.done $0x0  }
0xea: {  	s1 =	rddreg [dreg:$0xc];
	[sflag:s6] =	ssyncadd.s32 $0xFFFF8300  }
0xeb: {  	[tilespmem:s12], [sflag:$0x3] =	stream.linear.gather [hbm4b:s1+s3], $0x3E8, $0x38;
	[tilespmem:$0x17700] =	vst v63  }
0xec: {  	_ =	swait.ge [sflag:s6], $0x3E8  }
0xed: {  	[sflag:s6] =	ssyncset.done $0x0  }
0xee: {  	[sflag:s6] =	ssyncadd.s32 $0xFFFFFC18  }
0xef: {  	[tilespmem:s13], [sflag:$0x2] =	stream.indirect.gather [hbm4b:s4+s8], $0x20, s19, s8, $0xb8;
	[tilespmem:$0x17700] =	vst v63  }
0xf0: {  	_ =	swait.ge [sflag:s14], $0x7D00  }
0xf1: {  	[sflag:s14] =	ssyncset.done $0x0  }
0xf2: {  	[sflag:s14] =	ssyncadd.s32 $0xFFFF8300  }
0xf3: {  	[spmem:s2] =	stream.indirect.scatter.add.f32 [tilespmem:s9], [sflag:$0x3], $0x20, s7, s8, $0xb8;
	[tilespmem:$0x17700] =	vst v63  }
0xf4: {  	_ =	swait.ge [sflag:s6], $0x7D00  }
0xf5: {  	[sflag:s6] =	ssyncset.done $0x0  }
0xf6: {  	s1 =	rddreg [dreg:$0xd];
	[sflag:s6] =	ssyncadd.s32 $0xFFFF8300  }
0xf7: {  	[tilespmem:s7], [sflag:$0x3] =	stream.linear.gather [hbm4b:s1+s3], $0x3E8, $0x38;
	[tilespmem:$0x17700] =	vst v63  }
0xf8: {  	_ =	swait.ge [sflag:s6], $0x3E8  }
0xf9: {  	[sflag:s6] =	ssyncset.done $0x0  }
0xfa: {  	[sflag:s6] =	ssyncadd.s32 $0xFFFFFC18  }
0xfb: {  	[tilespmem:s9], [sflag:$0x1] =	stream.indirect.gather [hbm4b:s4+s8], $0x20, s20, s8, $0xb8;
	[tilespmem:$0x17700] =	vst v63  }
0xfc: {  	_ =	swait.ge [sflag:s16], $0x7D00  }
0xfd: {  	[sflag:s16] =	ssyncset.done $0x0  }
0xfe: {  	[sflag:s16] =	ssyncadd.s32 $0xFFFF8300  }
0xff: {  	[spmem:s2] =	stream.indirect.scatter.add.f32 [tilespmem:s13], [sflag:$0x3], $0x20, s12, s8, $0xb8;
	[tilespmem:$0x17700] =	vst v63  }
0x100: {  	_ =	swait.ge [sflag:s6], $0x7D00  }
0x101: {  	[sflag:s6] =	ssyncset.done $0x0  }
0x102: {  	s1 =	rddreg [dreg:$0xe];
	[sflag:s6] =	ssyncadd.s32 $0xFFFF8300  }
0x103: {  	[tilespmem:s12], [sflag:$0x3] =	stream.linear.gather [hbm4b:s1+s3], $0x3E8, $0x38;
	[tilespmem:$0x17700] =	vst v63  }
0x104: {  	_ =	swait.ge [sflag:s6], $0x3E8  }
0x105: {  	[sflag:s6] =	ssyncset.done $0x0  }
0x106: {  	[sflag:s6] =	ssyncadd.s32 $0xFFFFFC18  }
0x107: {  	[tilespmem:s13], [sflag:$0x2] =	stream.indirect.gather [hbm4b:s4+s8], $0x20, s21, s8, $0xb8;
	[tilespmem:$0x17700] =	vst v63  }
0x108: {  	_ =	swait.ge [sflag:s14], $0x7D00  }
0x109: {  	[sflag:s14] =	ssyncset.done $0x0  }
0x10a: {  	[sflag:s14] =	ssyncadd.s32 $0xFFFF8300  }
0x10b: {  	[spmem:s2] =	stream.indirect.scatter.add.f32 [tilespmem:s9], [sflag:$0x3], $0x20, s7, s8, $0xb8;
	[tilespmem:$0x17700] =	vst v63  }
0x10c: {  	_ =	swait.ge [sflag:s6], $0x7D00  }
0x10d: {  	[sflag:s6] =	ssyncset.done $0x0  }
0x10e: {  	[sflag:s6] =	ssyncadd.s32 $0xFFFF8300  }
0x10f: {  	[tilespmem:s7], [sflag:$0x3] =	stream.linear.gather [hbm4b:s22+s3], $0x3E8, $0x38;
	[tilespmem:$0x17700] =	vst v63  }
0x110: {  	_ =	swait.ge [sflag:s6], $0x3E8  }
0x111: {  	[sflag:s6] =	ssyncset.done $0x0  }
0x112: {  	[sflag:s6] =	ssyncadd.s32 $0xFFFFFC18  }
0x113: {  	[tilespmem:s9], [sflag:$0x1] =	stream.indirect.gather [hbm4b:s4+s8], $0x20, s23, s8, $0xb8;
	[tilespmem:$0x17700] =	vst v63  }
0x114: {  	_ =	swait.ge [sflag:s16], $0x7D00  }
0x115: {  	[sflag:s16] =	ssyncset.done $0x0  }
0x116: {  	[sflag:s16] =	ssyncadd.s32 $0xFFFF8300  }
0x117: {  	[spmem:s2] =	stream.indirect.scatter.add.f32 [tilespmem:s13], [sflag:$0x3], $0x20, s12, s8, $0xb8;
	[tilespmem:$0x17700] =	vst v63  }
0x118: {  	_ =	swait.ge [sflag:s6], $0x7D00  }
0x119: {  	[sflag:s6] =	ssyncset.done $0x0  }
0x11a: {  	[sflag:s6] =	ssyncadd.s32 $0xFFFF8300  }
0x11b: {  	[tilespmem:s12], [sflag:$0x3] =	stream.linear.gather [hbm4b:s24+s3], $0x3E8, $0x38;
	[tilespmem:$0x17700] =	vst v63  }
0x11c: {  	_ =	swait.ge [sflag:s6], $0x3E8  }
0x11d: {  	[sflag:s6] =	ssyncset.done $0x0  }
0x11e: {  	[sflag:s6] =	ssyncadd.s32 $0xFFFFFC18  }
0x11f: {  	[tilespmem:s13], [sflag:$0x2] =	stream.indirect.gather [hbm4b:s4+s8], $0x20, s25, s8, $0xb8;
	[tilespmem:$0x17700] =	vst v63  }
0x120: {  	_ =	swait.ge [sflag:s14], $0x7D00  }
0x121: {  	[sflag:s14] =	ssyncset.done $0x0  }
0x122: {  	[sflag:s14] =	ssyncadd.s32 $0xFFFF8300  }
0x123: {  	[spmem:s2] =	stream.indirect.scatter.add.f32 [tilespmem:s9], [sflag:$0x3], $0x20, s7, s8, $0xb8;
	[tilespmem:$0x17700] =	vst v63  }
0x124: {  	_ =	swait.ge [sflag:s6], $0x7D00  }
0x125: {  	[sflag:s6] =	ssyncset.done $0x0  }
0x126: {  	[sflag:s6] =	ssyncadd.s32 $0xFFFF8300  }
0x127: {  	_ =	swait.ge [sflag:s16], $0x7D00  }
0x128: {  	[sflag:s16] =	ssyncset.done $0x0  }
0x129: {  	[sflag:s16] =	ssyncadd.s32 $0xFFFF8300  }
0x12a: {  	[spmem:s2] =	stream.indirect.scatter.add.f32 [tilespmem:s13], [sflag:$0x3], $0x20, s12, s8, $0xb8;
	[tilespmem:$0x17700] =	vst v63  }
0x12b: {  	_ =	swait.ge [sflag:s6], $0x7D00  }
0x12c: {  	[sflag:s6] =	ssyncset.done $0x0  }
0x12d: {  	s29 =	sadd.s32 $0xFFFFFFFF, s29;
	[sflag:s6] =	ssyncadd.s32 $0xFFFF8300  }
0x12e: {  	p1 =	sne.s32 s29, $0x0;
	[bflag:$0x0] =	sbarrier.arrive $0xFFFF  }
0x12f: {  	[hbm:s26], [sflag:s10] =	dma.local [spmem:s30], $0x9C0  }
.Ltmp1:
0x130: {  	_ =	swait.ge [sflag:s6], $0x9C0;
	(pc) =	sbr.rel @p1 .LBB2_1-.Ltmp1, $4  }
0x131: {  	[sflag:s6] =	ssyncset.done $0x0  }
0x132: {  	[sflag:s6] =	ssyncadd.s32 $0xFFFFF640  }
0x133: {  	[hbm:s28], [sflag:s10] =	dma.local @!p0 [spmem:s31], $0x40  }
0x134: {  	_ =	swait.ge @!p0 [sflag:s11], $0x40  }
.LBB2_2:
0x135: {  	[sflag:s11] =	ssyncset.done @!p0 $0x0  }
0x136: {  	[sflag:s11] =	ssyncadd.s32 @!p0 $0xFFFFFFC0  }
0x137: {  	_ =	sfence.sel $0x180000  }
0x138: {  	[bflag:$0x0] =	sbarrier.arrive $0xFFFF  }
0x139: {  	_ =	strace $0x90000050  }
0x13a: {  	s0 =	stileid.u32;
	[bflag:$0x2] =	sbarrier.arrive $0xFFFF  }
0x13b: {  	p0 =	sne.s32 s0, $0x0;
	s0 =	rddreg [dreg:$0x2]  }
0x13c: {  	s0 =	sadd.s32 @!p0 $0x100000, s0  }
0x13d: {  	[sflag:s0] =	ssyncadd.tile.s32 @!p0 $0x1;
	_ =	shalt  }
.Lfunc_end2:
_tile_overlayer_lowered:
.L_overlay_start_2:
0x13e: {  	(tag) =	ssettag $0x2  }
0x13f: {  	s0 =	rddreg [dreg:$0x0];
	s2 =	stileid.u32  }
0x140: {  	s1 =	rddreg [dreg:$0x1];
	p0 =	sne.s32 s2, $0x0  }
0x141: {  	s3 =	rddreg [dreg:$0x2];
	[bflag:$0x3] =	sbarrier.arrive $0xFFFF;
	s2 =	simm.s32 @!p0 $0x1C03  }
0x142: {  	[timem:s3], [sflag:s2] =	dma.local @!p0 [hbm:s0], s1  }
0x143: {  	s0 =	simm.s32 @!p0 $0x3  }
0x144: {  	_ =	swait.ge @!p0 [sflag:s0], s1  }
0x145: {  	s1 =	ssub.s32 @!p0 $0x0, s1;
	[sflag:s0] =	ssyncset.done @!p0 $0x0  }
0x146: {  	[sflag:s0] =	ssyncadd.s32 @!p0 s1  }
0x147: {  	[bflag:$0x3] =	sbarrier.arrive $0xFFFF  }
0x148: {  	_ =	shalt  }

// kernel: kernel.24.cloned.1.call-start
scs
__scs_entry_jumppad:
0x0: {  	(pc) =	sbr.rel $0x88, $3  }
0x1: {  	(tag) =	ssettag $0x0;
	lr =	simm.s32 $0x1  }
0x2: {  	[smem:$0x3F95] =	sst lr;
	_ =	strace $0xD0000000  }
0x3: {  	_ = 	snop  }
0x4: {  	_ = 	snop  }
0x5: {  	_ = 	snop  }
0x6: {  	_ = 	snop  }
0x7: {  	_ = 	snop  }
__scs_overlays_trampoline_lowered:
0x8: {  	[smem:$0x3FA4] =	sst s0  }
0x9: {  	[smem:$0x3FA5] =	sst s1  }
0xa: {  	[smem:$0x3FA6] =	sst s2  }
0xb: {  	[smem:$0x3FA7] =	sst s3  }
0xc: {  	[smem:$0x3FA8] =	sst s4  }
0xd: {  	[smem:$0x3FA9] =	sst s5  }
0xe: {  	[smem:$0x3FAA] =	sst s6  }
0xf: {  	[smem:$0x3FAB] =	sst s7  }
0x10: {  	[smem:$0x3FAC] =	sst s8  }
0x11: {  	[smem:$0x3FAD] =	sst s9;
	s0 =	simm.s32 @!p0 $0x0  }
0x12: {  	s1 =	sld [smem:$0x3F93];
	s0 =	simm.s32 @p0 $0x1  }
0x13: {  	[smem:$0x3FAE] =	sst s0;
	s0 =	simm.s32 @!p1 $0x0  }
0x14: {  	s2 =	sld [smem:$0x3F92];
	s0 =	simm.s32 @p1 $0x1  }
0x15: {  	[smem:$0x3FAF] =	sst s0;
	s0 =	simm.s32 @!p2 $0x0  }
0x16: {  	s3 =	sld [smem:$0x3FDB];
	s0 =	simm.s32 @p2 $0x1  }
0x17: {  	s4 =	simm.s32 $0x1BF5;
	[smem:$0x3FB1] =	sst s0  }
0x18: {  	s0 =	sld [smem:$0x3F94];
	_ =	swait.ge [sflag:s4], $0x0  }
0x19: {  	s7 =	sld [smem:$0x3F95]  }
0x1a: {  	s8 =	sadd.s32 $0xFFFFE003, lr  }
0x1b: {  	s9 =	sadd.s32 $0xFFFFFEF7, lr;
	s5 =	simm.s32 $0xFFFFFFFF;
	p2 =	slt.u32 s8, $0xFFFFF086  }
0x1c: {  	p1 =	slt.u32 s9, $0xF7A;
	s5 =	simm.s32 @!p2 $0x0  }
0x1d: {  	s5 =	simm.s32 @p1 $0x1;
	p0 =	seq.s32 s7, s2  }
0x1e: {  	s7 =	smul.u32 @!p0 $0xF7A, s2;
	p2 =	seq.s32 @!p0 s5, $0x0  }
0x1f: {  	s9 =	smul.u32 $0xF7A, s1;
	s8 =	simm.s32 @!p0 $0x1BF5;
	p2 =	por !p2, p0  }
0x20: {  	[sflag:s8] =	ssyncset.s32 @!p0 $0xFFFFF086;
	s6 =	sadd.s32 @!p0 s3, s7;
	s7 =	simm.s32 @!p0 $0x108  }
0x21: {  	s3 =	sadd.s32 s3, s9;
	s6 =	sadd.s32 @!p0 $0x88, s6;
	s7 =	simm.s32 @p2 $0x1082  }
0x22: {  	[simem:s7], [sflag:s8] =	dma.local @!p0 [hbm:s6], $0xF7A  }
0x23: {  	s9 =	sor.u32 $0xD0000000, s2;
	s6 =	simm.s32 $0x108;
	_ =	swait.ge @!p0 [sflag:s8], $0x0  }
0x24: {  	s3 =	sadd.s32 $0x88, s3;
	s6 =	simm.s32 @!p1 $0x1082;
	[sflag:s4] =	ssyncset.s32 $0xFFFFF086  }
0x25: {  	[simem:s6], [sflag:s4] =	dma.local [hbm:s3], $0xF7A  }
0x26: {  	[smem:$0x3F95] =	sst s1;
	(tag) =	ssettag s2;
	_ =	strace s9  }
0x27: {  	s1 =	sld [smem:$0x3FA5]  }
0x28: {  	s2 =	sld [smem:$0x3FA6]  }
0x29: {  	s4 =	sld [smem:$0x3FA8]  }
0x2a: {  	p0 =	seq.s32 s5, $0x0;
	s5 =	sld [smem:$0x3FA9]  }
0x2b: {  	s6 =	sld [smem:$0x3FAA]  }
0x2c: {  	s7 =	sld [smem:$0x3FAB]  }
0x2d: {  	s3 =	simm.s32 $0x108;
	s8 =	sld [smem:$0x3FAC]  }
0x2e: {  	s3 =	simm.s32 @!p0 $0x1082;
	s9 =	sld [smem:$0x3FAD]  }
0x2f: {  	lr =	sadd.s32 s0, s3;
	s0 =	sld [smem:$0x3FA4]  }
0x30: {  	s3 =	sld [smem:$0x3FA7]  }
0x31: {  	[smem:$0x3FB0] =	sst s10  }
0x32: {  	s10 =	sld [smem:$0x3FAE];
	_ =	sdelay $0x3  }
0x33: {  	p0 =	seq.s32 s10, $0x1;
	s10 =	sld [smem:$0x3FB0];
	_ =	sdelay $0x3  }
0x34: {  	[smem:$0x3FB0] =	sst s10  }
0x35: {  	s10 =	sld [smem:$0x3FAF];
	_ =	sdelay $0x3  }
0x36: {  	p1 =	seq.s32 s10, $0x1;
	s10 =	sld [smem:$0x3FB0];
	_ =	sdelay $0x3  }
0x37: {  	[smem:$0x3FB0] =	sst s10  }
0x38: {  	s10 =	sld [smem:$0x3FB1]  }
0x39: {  	_ = 	snop;
	(pc) =	sbr.ind lr, $3  }
0x3a: {  	_ = 	snop  }
0x3b: {  	_ = 	snop  }
0x3c: {  	p2 =	seq.s32 s10, $0x1;
	s10 =	sld [smem:$0x3FB0]  }
0x3d: {  	_ =	shalt  }
0x3e: {  	_ =	shalt  }
0x3f: {  	_ =	shalt  }
0x40: {  	_ =	shalt  }
0x41: {  	_ =	shalt  }
0x42: {  	_ =	shalt  }
0x43: {  	_ =	shalt  }
0x44: {  	_ =	shalt  }
0x45: {  	_ =	shalt  }
0x46: {  	_ =	shalt  }
0x47: {  	_ =	shalt  }
0x48: {  	_ =	shalt  }
0x49: {  	_ =	shalt  }
0x4a: {  	_ =	shalt  }
0x4b: {  	_ =	shalt  }
0x4c: {  	_ =	shalt  }
0x4d: {  	_ =	shalt  }
0x4e: {  	_ =	shalt  }
0x4f: {  	_ =	shalt  }
0x50: {  	_ =	shalt  }
0x51: {  	_ =	shalt  }
0x52: {  	_ =	shalt  }
0x53: {  	_ =	shalt  }
0x54: {  	_ =	shalt  }
0x55: {  	_ =	shalt  }
0x56: {  	_ =	shalt  }
0x57: {  	_ =	shalt  }
0x58: {  	_ =	shalt  }
0x59: {  	_ =	shalt  }
0x5a: {  	_ =	shalt  }
0x5b: {  	_ =	shalt  }
0x5c: {  	_ =	shalt  }
0x5d: {  	_ =	shalt  }
0x5e: {  	_ =	shalt  }
0x5f: {  	_ =	shalt  }
0x60: {  	_ =	shalt  }
0x61: {  	_ =	shalt  }
0x62: {  	_ =	shalt  }
0x63: {  	_ =	shalt  }
0x64: {  	_ =	shalt  }
0x65: {  	_ =	shalt  }
0x66: {  	_ =	shalt  }
0x67: {  	_ =	shalt  }
0x68: {  	_ =	shalt  }
0x69: {  	_ =	shalt  }
0x6a: {  	_ =	shalt  }
0x6b: {  	_ =	shalt  }
0x6c: {  	_ =	shalt  }
0x6d: {  	_ =	shalt  }
0x6e: {  	_ =	shalt  }
0x6f: {  	_ =	shalt  }
0x70: {  	_ =	shalt  }
0x71: {  	_ =	shalt  }
0x72: {  	_ =	shalt  }
0x73: {  	_ =	shalt  }
0x74: {  	_ =	shalt  }
0x75: {  	_ =	shalt  }
0x76: {  	_ =	shalt  }
0x77: {  	_ =	shalt  }
0x78: {  	_ =	shalt  }
0x79: {  	_ =	shalt  }
0x7a: {  	_ =	shalt  }
0x7b: {  	_ =	shalt  }
0x7c: {  	_ =	shalt  }
0x7d: {  	_ =	shalt  }
0x7e: {  	_ =	shalt  }
0x7f: {  	_ =	shalt  }
0x80: {  	_ =	shalt  }
0x81: {  	_ =	shalt  }
0x82: {  	_ =	shalt  }
0x83: {  	_ =	shalt  }
0x84: {  	_ =	shalt  }
0x85: {  	_ =	shalt  }
0x86: {  	_ =	shalt  }
0x87: {  	_ =	shalt  }
.Lfunc_end0:
.L_simem_size_0:
called_computation.4_lowered:
.L_overlay_start_0:
0x88: {  	s2 =	sld [smem:$0x3FD9]  }
0x89: {  	s3 =	sld [smem:$0x3FFE];
	_ =	sdelay $0x1  }
0x8a: {  	s1 =	srdreg.scid  }
0x8b: {  	s0 =	sand.u32 $0x1, s1  }
0x8c: {  	s16 =	sshll.u32 s0, $0xA;
	s2 =	sadd.s32 s3, s2  }
0x8d: {  	s2 =	sadd.s32 s2, s16  }
0x8e: {  	[smem:$0x3FBC] =	sst s2  }
0x8f: {  	_ = 	snop  }
0x90: {  	(tm) =	ssettm $0x1  }
0x91: {  	s17 =	sld [smem:$0x3FFB];
	_ =	sdelay $0x3  }
0x92: {  	_ =	strace s17  }
0x93: {  	s2 =	sld [smem:$0x3FFC];
	_ =	sdelay $0x3  }
0x94: {  	_ =	strace s2  }
0x95: {  	s2 =	sld [smem:$0x3FFD];
	_ =	sdelay $0x3  }
0x96: {  	_ =	strace s2  }
0x97: {  	_ =	strace $0x8FFFFFFF  }
0x98: {  	s18 =	sld [smem:$0x3FDB];
	_ =	sdelay $0x1  }
0x99: {  	s19 =	simm.s32 $_scs_section_size  }
0x9a: {  	s4 =	simm.s32 $_size__tile_overlayer_lowered;
	s5 =	simm.s32 $_tile_overlayer_lowered  }
0x9b: {  	s22 =	simm.s32 $0x1BFF;
	s21 =	sshll.u32 s5, $0x1;
	s2 =	sadd.s32 s19, s18  }
0x9c: {  	s6 =	simm.s32 $0x0;
	s20 =	sshll.u32 s4, $0x1;
	s4 =	sadd.s32 s21, s2  }
0x9d: {  	[timem:s6], [sflag:s22] =	dma.local [hbm:s4], s20  }
0x9e: {  	_ =	swait.ge [sflag:s22], s20  }
0x9f: {  	s3 =	ssub.s32 $0x0, s20;
	[sflag:s22] =	ssyncset.done $0x0  }
0xa0: {  	[sflag:s22] =	ssyncadd.s32 s3;
	_ =	sdelay $0x1  }
0xa1: {  	s23 =	simm.s32 $0x1B8B  }
0xa2: {  	_ =	swait.ge [sflag:s23], $0x1  }
0xa3: {  	[sflag:s23] =	ssyncset.done $0x0  }
0xa4: {  	s25 =	simm.s32 $0x1B8E;
	s24 =	sld [smem:$0x3FFE];
	[sflag:s23] =	ssyncadd.s32 $0xFFFFFFFF  }
0xa5: {  	s26 =	simm.s32 $execute0_lowered;
	[smem:$0x3FD2] =	sst s25  }
0xa6: {  	s4 =	sshll.u32 s26, $0x1;
	_ =	strace $0x80000052;
	[dreg:$0x1] =	wrdreg $0xFFFFFFFF  }
0xa7: {  	s28 =	simm.s32 $_size_execute0_lowered;
	s2 =	sadd.s32 s2, s4;
	[dreg:$0x0] =	wrdreg $0x0  }
0xa8: {  	s4 =	sshll.u32 s28, $0x1;
	[dreg:$0x2] =	wrdreg s2  }
0xa9: {  	[dreg:$0x3] =	wrdreg s4  }
0xaa: {  	[dreg:$0x4] =	wrdreg $0xC0  }
0xab: {  	_ =	task [dreg:s6], $0x5FFFF  }
0xac: {  	[dreg:$0x1] =	wrdreg $0xFFFFFFFF  }
0xad: {  	[dreg:$0x0] =	wrdreg $0x60  }
0xae: {  	[dreg:$0x2] =	wrdreg s24  }
0xaf: {  	[dreg:$0x3] =	wrdreg $0x128E00  }
0xb0: {  	[dreg:$0x4] =	wrdreg $0x9  }
0xb1: {  	_ =	task.clear_ibuf [dreg:s6], $0x5FFFF;
	_ =	strace $0x90000052  }
0xb2: {  	s29 =	simm.s32 $0x9;
	_ =	strace $0x80000054  }
0xb3: {  	_ =	swait.ge [sflag:s29], $0x1  }
0xb4: {  	[sflag:s29] =	ssyncadd.s32 $0xFFFFFFFF  }
0xb5: {  	_ =	strace $0x90000054  }
0xb6: {  	_ =	sfence  }
0xb7: {  	s30 =	sld [smem:$0x0];
	_ =	sdelay $0x2  }
0xb8: {  	s31 =	sshll.u32 s1, $0xD;
	s1 =	sshrl.u32 s1, $0x2  }
0xb9: {  	s3 =	sand.u32 $0x4000, s31;
	s1 =	sadd.s32 s1, s30  }
0xba: {  	s0 =	sor.u32 s3, s0;
	s1 =	sshll.u32 s1, $0x11  }
0xbb: {  	s0 =	sor.u32 s1, s0  }
0xbc: {  	s0 =	sadd.s32 $0x8F2B, s0  }
0xbd: {  	[sflag:s0] =	ssyncadd.remote.s32 $0x1  }
0xbe: {  	_ =	sfence.sel $0xFFFF  }
0xbf: {  	[dreg:$0x0] =	wrdreg $0xFFFFFFFF;
	(pc) =	sbr.abs _section_cstart, $3  }
0xc0: {  	[dreg:$0x1] =	wrdreg $0xFFFFFFFF  }
0xc1: {  	_ =	task.clear_ibuf [dreg:s6], $0x2FFFF;
	_ =	strace $0x9FFFFFFF  }
0xc2: {  	(tm) =	ssettm $0x7FFFFFFF  }
0xc3: {  	_ =	shalt  }
tec
execute0_lowered:
.L_overlay_start_1:
0x0: {  	(tag) =	ssettag $0x1  }
0x1: {  	s26 =	rddreg [dreg:$0x0]  }
0x2: {  	s0 =	srdreg.scid;
	s2 =	rddreg [dreg:$0x1];
	s3 =	simm.s32 $0x0  }
0x3: {  	s28 =	sand.u32 $0x1, s0;
	s0 =	stileid.u32;
	[smem:$0x7FF] =	sst s3  }
0x4: {  	s4 =	sadd.s32 $0x16600, s26;
	s14 =	sadd.s32 $0x4E000, s2;
	s1 =	sshll.u32 s28, $0x4  }
0x5: {  	s16 =	sadd.s32 $0x20200, s26;
	s7 =	smul.u32 $0x4E00, s0;
	s1 =	sor.u32 s0, s1  }
0x6: {  	_ =	strace $0x80000053;
	[dreg:$0x6] =	wrdreg s14;
	s24 =	smul.u32 $0x2710, s1  }
0x7: {  	s25 =	sadd.s32 $0xC800, s26;
	[dreg:$0x7] =	wrdreg s16;
	s12 =	sadd.s32 s7, s2  }
0x8: {  	s7 =	sshrl.u32 s7, $0x3;
	[dreg:$0x4] =	wrdreg s12;
	s5 =	sshrl.u32 s24, $0x3  }
0x9: {  	s13 =	sadd.s32 s4, s7;
	s15 =	sadd.s32 $0x3E8, s24;
	s6 =	sadd.s32 s5, s26  }
0xa: {  	[dreg:$0x5] =	wrdreg s13;
	s7 =	sshrl.u32 s15, $0x3;
	s6 =	sadd.s32 $0x2A00, s6  }
0xb: {  	s5 =	sadd.s32 s25, s5;
	s17 =	sadd.s32 s25, s7;
	[dreg:$0x3] =	wrdreg s6  }
0xc: {  	s19 =	sadd.s32 $0xFA, s5;
	[dreg:$0x8] =	wrdreg s17  }
0xd: {  	s18 =	sadd.s32 $0xBB8, s24;
	s22 =	sadd.s32 $0x1F4, s5;
	[dreg:$0x9] =	wrdreg s19  }
0xe: {  	s7 =	sshrl.u32 s18, $0x3;
	s31 =	sadd.s32 $0x2EE, s5;
	[dreg:$0xb] =	wrdreg s22  }
0xf: {  	s21 =	sadd.s32 $0x1388, s24;
	s20 =	sadd.s32 s25, s7;
	[dreg:$0xd] =	wrdreg s31  }
0x10: {  	s30 =	sadd.s32 $0x1B58, s24;
	s7 =	sshrl.u32 s21, $0x3;
	[dreg:$0xa] =	wrdreg s20  }
0x11: {  	s6 =	sshrl.u32 s30, $0x3;
	s23 =	sadd.s32 s25, s7;
	s8 =	rddreg [dreg:$0x3]  }
0x12: {  	s6 =	sadd.s32 s25, s6;
	[dreg:$0xc] =	wrdreg s23  }
0x13: {  	[dreg:$0xe] =	wrdreg s6;
	s6 =	simm.s32 $0x3  }
0x14: {  	[tilespmem:s3], [sflag:$0x3] =	stream.linear.gather [hbm4b:s8+s3], $0x2710, $0x38;
	[tilespmem:$0x17700] =	vst v63  }
0x15: {  	_ =	swait.ge [sflag:s6], $0x2710  }
0x16: {  	[sflag:s6] =	ssyncset.done $0x0  }
0x17: {  	s10 =	sshll.u32 s0, $0x6;
	s7 =	simm.s32 $0x2710;
	[sflag:s6] =	ssyncadd.s32 $0xFFFFD8F0  }
0x18: {  	[tilespmem:s7], [sflag:$0x3] =	stream.linear.gather [hbm4b:s5+s3], $0x3E8, $0x38;
	[tilespmem:$0x17700] =	vst v63  }
0x19: {  	s9 =	simm.s32 $0x2EE0;
	s10 =	sor.u32 $0x1C03, s10;
	_ =	swait.ge [sflag:s6], $0x3E8  }
0x1a: {  	s8 =	simm.s32 $0x3E8;
	[sflag:s6] =	ssyncset.done $0x0;
	s11 =	rddreg [dreg:$0x4]  }
0x1b: {  	s12 =	rddreg [dreg:$0x5];
	[sflag:s6] =	ssyncadd.s32 $0xFFFFFC18;
	s30 =	sshrl.u32 s11, $0x3  }
0x1c: {  	[tilespmem:s9], [sflag:$0x1] =	stream.indirect.gather [hbm4b:s4+s8], $0x20, s3, s8, $0xb8;
	[tilespmem:$0x17700] =	vst v63  }
0x1d: {  	[spmem:s30], [sflag:s10] =	dma.local [hbm:s12], $0x9C0  }
0x1e: {  	_ =	swait.ge [sflag:s6], $0x9C0  }
0x1f: {  	s11 =	rddreg [dreg:$0x6]  }
0x20: {  	p0 =	sne.s32 s0, $0xF;
	s12 =	rddreg [dreg:$0x7];
	[sflag:s6] =	ssyncset.done $0x0  }
0x21: {  	[sflag:s6] =	ssyncadd.s32 $0xFFFFF640;
	s29 =	sshrl.u32 @!p0 s11, $0x3;
	s11 =	simm.s32 @!p0 $0x3  }
0x22: {  	[spmem:s29], [sflag:s10] =	dma.local @!p0 [hbm:s12], $0x40  }
0x23: {  	_ =	swait.ge @!p0 [sflag:s11], $0x40  }
0x24: {  	[sflag:s11] =	ssyncset.done @!p0 $0x0  }
0x25: {  	[sflag:s11] =	ssyncadd.s32 @!p0 $0xFFFFFFC0  }
0x26: {  	[bflag:$0x0] =	sbarrier.arrive $0xFFFF  }
0x27: {  	s12 =	simm.s32 $0x2AF8;
	s13 =	rddreg [dreg:$0x8]  }
0x28: {  	[tilespmem:s12], [sflag:$0x3] =	stream.linear.gather [hbm4b:s13+s3], $0x3E8, $0x38;
	[tilespmem:$0x17700] =	vst v63  }
0x29: {  	_ =	swait.ge [sflag:s6], $0x3E8  }
0x2a: {  	[sflag:s6] =	ssyncset.done $0x0  }
0x2b: {  	s14 =	simm.s32 $0x1;
	s13 =	simm.s32 $0xABE0;
	[sflag:s6] =	ssyncadd.s32 $0xFFFFFC18  }
0x2c: {  	[tilespmem:s13], [sflag:$0x2] =	stream.indirect.gather [hbm4b:s4+s8], $0x20, s8, s8, $0xb8;
	[tilespmem:$0x17700] =	vst v63  }
0x2d: {  	_ =	swait.ge [sflag:s14], $0x7D00  }
0x2e: {  	[sflag:s14] =	ssyncset.done $0x0  }
0x2f: {  	[sflag:s14] =	ssyncadd.s32 $0xFFFF8300  }
0x30: {  	[spmem:s2] =	stream.indirect.scatter.add.f32 [tilespmem:s9], [sflag:$0x3], $0x20, s7, s8, $0xb8;
	[tilespmem:$0x17700] =	vst v63  }
0x31: {  	_ =	swait.ge [sflag:s6], $0x7D00  }
0x32: {  	[sflag:s6] =	ssyncset.done $0x0  }
0x33: {  	s15 =	rddreg [dreg:$0x9];
	[sflag:s6] =	ssyncadd.s32 $0xFFFF8300  }
0x34: {  	[tilespmem:s7], [sflag:$0x3] =	stream.linear.gather [hbm4b:s15+s3], $0x3E8, $0x38;
	[tilespmem:$0x17700] =	vst v63  }
0x35: {  	_ =	swait.ge [sflag:s6], $0x3E8  }
0x36: {  	[sflag:s6] =	ssyncset.done $0x0  }
0x37: {  	s16 =	simm.s32 $0x2;
	s15 =	simm.s32 $0x7D0;
	[sflag:s6] =	ssyncadd.s32 $0xFFFFFC18  }
0x38: {  	[tilespmem:s9], [sflag:$0x1] =	stream.indirect.gather [hbm4b:s4+s8], $0x20, s15, s8, $0xb8;
	[tilespmem:$0x17700] =	vst v63  }
0x39: {  	_ =	swait.ge [sflag:s16], $0x7D00  }
0x3a: {  	[sflag:s16] =	ssyncset.done $0x0  }
0x3b: {  	[sflag:s16] =	ssyncadd.s32 $0xFFFF8300  }
0x3c: {  	[spmem:s2] =	stream.indirect.scatter.add.f32 [tilespmem:s13], [sflag:$0x3], $0x20, s12, s8, $0xb8;
	[tilespmem:$0x17700] =	vst v63  }
0x3d: {  	_ =	swait.ge [sflag:s6], $0x7D00  }
0x3e: {  	[sflag:s6] =	ssyncset.done $0x0  }
0x3f: {  	s17 =	rddreg [dreg:$0xa];
	[sflag:s6] =	ssyncadd.s32 $0xFFFF8300  }
0x40: {  	[tilespmem:s12], [sflag:$0x3] =	stream.linear.gather [hbm4b:s17+s3], $0x3E8, $0x38;
	[tilespmem:$0x17700] =	vst v63  }
0x41: {  	_ =	swait.ge [sflag:s6], $0x3E8  }
0x42: {  	[sflag:s6] =	ssyncset.done $0x0  }
0x43: {  	s17 =	simm.s32 $0xBB8;
	[sflag:s6] =	ssyncadd.s32 $0xFFFFFC18  }
0x44: {  	[tilespmem:s13], [sflag:$0x2] =	stream.indirect.gather [hbm4b:s4+s8], $0x20, s17, s8, $0xb8;
	[tilespmem:$0x17700] =	vst v63  }
0x45: {  	_ =	swait.ge [sflag:s14], $0x7D00  }
0x46: {  	[sflag:s14] =	ssyncset.done $0x0  }
0x47: {  	[sflag:s14] =	ssyncadd.s32 $0xFFFF8300  }
0x48: {  	[spmem:s2] =	stream.indirect.scatter.add.f32 [tilespmem:s9], [sflag:$0x3], $0x20, s7, s8, $0xb8;
	[tilespmem:$0x17700] =	vst v63  }
0x49: {  	_ =	swait.ge [sflag:s6], $0x7D00  }
0x4a: {  	[sflag:s6] =	ssyncset.done $0x0  }
0x4b: {  	s18 =	rddreg [dreg:$0xb];
	[sflag:s6] =	ssyncadd.s32 $0xFFFF8300  }
0x4c: {  	[tilespmem:s7], [sflag:$0x3] =	stream.linear.gather [hbm4b:s18+s3], $0x3E8, $0x38;
	[tilespmem:$0x17700] =	vst v63  }
0x4d: {  	_ =	swait.ge [sflag:s6], $0x3E8  }
0x4e: {  	[sflag:s6] =	ssyncset.done $0x0  }
0x4f: {  	s18 =	simm.s32 $0xFA0;
	[sflag:s6] =	ssyncadd.s32 $0xFFFFFC18  }
0x50: {  	[tilespmem:s9], [sflag:$0x1] =	stream.indirect.gather [hbm4b:s4+s8], $0x20, s18, s8, $0xb8;
	[tilespmem:$0x17700] =	vst v63  }
0x51: {  	_ =	swait.ge [sflag:s16], $0x7D00  }
0x52: {  	[sflag:s16] =	ssyncset.done $0x0  }
0x53: {  	[sflag:s16] =	ssyncadd.s32 $0xFFFF8300  }
0x54: {  	[spmem:s2] =	stream.indirect.scatter.add.f32 [tilespmem:s13], [sflag:$0x3], $0x20, s12, s8, $0xb8;
	[tilespmem:$0x17700] =	vst v63  }
0x55: {  	_ =	swait.ge [sflag:s6], $0x7D00  }
0x56: {  	[sflag:s6] =	ssyncset.done $0x0  }
0x57: {  	s19 =	rddreg [dreg:$0xc];
	[sflag:s6] =	ssyncadd.s32 $0xFFFF8300  }
0x58: {  	[tilespmem:s12], [sflag:$0x3] =	stream.linear.gather [hbm4b:s19+s3], $0x3E8, $0x38;
	[tilespmem:$0x17700] =	vst v63  }
0x59: {  	_ =	swait.ge [sflag:s6], $0x3E8  }
0x5a: {  	[sflag:s6] =	ssyncset.done $0x0  }
0x5b: {  	s19 =	simm.s32 $0x1388;
	[sflag:s6] =	ssyncadd.s32 $0xFFFFFC18  }
0x5c: {  	[tilespmem:s13], [sflag:$0x2] =	stream.indirect.gather [hbm4b:s4+s8], $0x20, s19, s8, $0xb8;
	[tilespmem:$0x17700] =	vst v63  }
0x5d: {  	_ =	swait.ge [sflag:s14], $0x7D00  }
0x5e: {  	[sflag:s14] =	ssyncset.done $0x0  }
0x5f: {  	[sflag:s14] =	ssyncadd.s32 $0xFFFF8300  }
0x60: {  	[spmem:s2] =	stream.indirect.scatter.add.f32 [tilespmem:s9], [sflag:$0x3], $0x20, s7, s8, $0xb8;
	[tilespmem:$0x17700] =	vst v63  }
0x61: {  	_ =	swait.ge [sflag:s6], $0x7D00  }
0x62: {  	[sflag:s6] =	ssyncset.done $0x0  }
0x63: {  	s20 =	rddreg [dreg:$0xd];
	[sflag:s6] =	ssyncadd.s32 $0xFFFF8300  }
0x64: {  	[tilespmem:s7], [sflag:$0x3] =	stream.linear.gather [hbm4b:s20+s3], $0x3E8, $0x38;
	[tilespmem:$0x17700] =	vst v63  }
0x65: {  	_ =	swait.ge [sflag:s6], $0x3E8  }
0x66: {  	[sflag:s6] =	ssyncset.done $0x0  }
0x67: {  	s20 =	simm.s32 $0x1770;
	[sflag:s6] =	ssyncadd.s32 $0xFFFFFC18  }
0x68: {  	[tilespmem:s9], [sflag:$0x1] =	stream.indirect.gather [hbm4b:s4+s8], $0x20, s20, s8, $0xb8;
	[tilespmem:$0x17700] =	vst v63  }
0x69: {  	_ =	swait.ge [sflag:s16], $0x7D00  }
0x6a: {  	[sflag:s16] =	ssyncset.done $0x0  }
0x6b: {  	[sflag:s16] =	ssyncadd.s32 $0xFFFF8300  }
0x6c: {  	[spmem:s2] =	stream.indirect.scatter.add.f32 [tilespmem:s13], [sflag:$0x3], $0x20, s12, s8, $0xb8;
	[tilespmem:$0x17700] =	vst v63  }
0x6d: {  	_ =	swait.ge [sflag:s6], $0x7D00  }
0x6e: {  	[sflag:s6] =	ssyncset.done $0x0  }
0x6f: {  	s21 =	rddreg [dreg:$0xe];
	[sflag:s6] =	ssyncadd.s32 $0xFFFF8300  }
0x70: {  	[tilespmem:s12], [sflag:$0x3] =	stream.linear.gather [hbm4b:s21+s3], $0x3E8, $0x38;
	[tilespmem:$0x17700] =	vst v63  }
0x71: {  	_ =	swait.ge [sflag:s6], $0x3E8  }
0x72: {  	[sflag:s6] =	ssyncset.done $0x0  }
0x73: {  	s21 =	simm.s32 $0x1B58;
	[sflag:s6] =	ssyncadd.s32 $0xFFFFFC18  }
0x74: {  	[tilespmem:s13], [sflag:$0x2] =	stream.indirect.gather [hbm4b:s4+s8], $0x20, s21, s8, $0xb8;
	[tilespmem:$0x17700] =	vst v63  }
0x75: {  	_ =	swait.ge [sflag:s14], $0x7D00  }
0x76: {  	[sflag:s14] =	ssyncset.done $0x0  }
0x77: {  	[sflag:s14] =	ssyncadd.s32 $0xFFFF8300  }
0x78: {  	[spmem:s2] =	stream.indirect.scatter.add.f32 [tilespmem:s9], [sflag:$0x3], $0x20, s7, s8, $0xb8;
	[tilespmem:$0x17700] =	vst v63  }
0x79: {  	_ =	swait.ge [sflag:s6], $0x7D00  }
0x7a: {  	[sflag:s6] =	ssyncset.done $0x0  }
0x7b: {  	s22 =	sadd.s32 $0x3E8, s5;
	[sflag:s6] =	ssyncadd.s32 $0xFFFF8300  }
0x7c: {  	[tilespmem:s7], [sflag:$0x3] =	stream.linear.gather [hbm4b:s22+s3], $0x3E8, $0x38;
	[tilespmem:$0x17700] =	vst v63  }
0x7d: {  	_ =	swait.ge [sflag:s6], $0x3E8  }
0x7e: {  	[sflag:s6] =	ssyncset.done $0x0  }
0x7f: {  	s23 =	simm.s32 $0x1F40;
	[sflag:s6] =	ssyncadd.s32 $0xFFFFFC18  }
0x80: {  	[tilespmem:s9], [sflag:$0x1] =	stream.indirect.gather [hbm4b:s4+s8], $0x20, s23, s8, $0xb8;
	[tilespmem:$0x17700] =	vst v63  }
0x81: {  	_ =	swait.ge [sflag:s16], $0x7D00  }
0x82: {  	[sflag:s16] =	ssyncset.done $0x0  }
0x83: {  	[sflag:s16] =	ssyncadd.s32 $0xFFFF8300  }
0x84: {  	[spmem:s2] =	stream.indirect.scatter.add.f32 [tilespmem:s13], [sflag:$0x3], $0x20, s12, s8, $0xb8;
	[tilespmem:$0x17700] =	vst v63  }
0x85: {  	s24 =	sadd.s32 $0x2328, s24;
	_ =	swait.ge [sflag:s6], $0x7D00  }
0x86: {  	s24 =	sshrl.u32 s24, $0x3;
	[sflag:s6] =	ssyncset.done $0x0  }
0x87: {  	s24 =	sadd.s32 s25, s24;
	[sflag:s6] =	ssyncadd.s32 $0xFFFF8300  }
0x88: {  	[tilespmem:s12], [sflag:$0x3] =	stream.linear.gather [hbm4b:s24+s3], $0x3E8, $0x38;
	[tilespmem:$0x17700] =	vst v63  }
0x89: {  	_ =	swait.ge [sflag:s6], $0x3E8  }
0x8a: {  	[sflag:s6] =	ssyncset.done $0x0  }
0x8b: {  	s25 =	simm.s32 $0x2328;
	[sflag:s6] =	ssyncadd.s32 $0xFFFFFC18  }
0x8c: {  	[tilespmem:s13], [sflag:$0x2] =	stream.indirect.gather [hbm4b:s4+s8], $0x20, s25, s8, $0xb8;
	[tilespmem:$0x17700] =	vst v63  }
0x8d: {  	_ =	swait.ge [sflag:s14], $0x7D00  }
0x8e: {  	[sflag:s14] =	ssyncset.done $0x0  }
0x8f: {  	[sflag:s14] =	ssyncadd.s32 $0xFFFF8300  }
0x90: {  	[spmem:s2] =	stream.indirect.scatter.add.f32 [tilespmem:s9], [sflag:$0x3], $0x20, s7, s8, $0xb8;
	[tilespmem:$0x17700] =	vst v63  }
0x91: {  	_ =	swait.ge [sflag:s6], $0x7D00  }
0x92: {  	[sflag:s6] =	ssyncset.done $0x0  }
0x93: {  	[sflag:s6] =	ssyncadd.s32 $0xFFFF8300  }
0x94: {  	_ =	swait.ge [sflag:s16], $0x7D00  }
0x95: {  	s31 =	smul.u32 $0x9C0, s0;
	[sflag:s16] =	ssyncset.done $0x0  }
0x96: {  	s0 =	smul.u32 $0x9C40, s28;
	[sflag:s16] =	ssyncadd.s32 $0xFFFF8300  }
0x97: {  	[spmem:s2] =	stream.indirect.scatter.add.f32 [tilespmem:s13], [sflag:$0x3], $0x20, s12, s8, $0xb8;
	[tilespmem:$0x17700] =	vst v63  }
0x98: {  	_ =	swait.ge [sflag:s6], $0x7D00  }
0x99: {  	s1 =	sadd.s32 s31, s0;
	[sflag:s6] =	ssyncset.done $0x0  }
0x9a: {  	s31 =	sadd.s32 $0x20400, s26;
	s0 =	smul.u32 $0x4E200, s28;
	[sflag:s6] =	ssyncadd.s32 $0xFFFF8300  }
0x9b: {  	s28 =	ssub.s32 $0x2, s28;
	s26 =	sadd.s32 s31, s1;
	[bflag:$0x0] =	sbarrier.arrive $0xFFFF  }
0x9c: {  	[hbm:s26], [sflag:s10] =	dma.local [spmem:s30], $0x9C0  }
0x9d: {  	s1 =	sshrl.u32 s0, $0x3;
	s0 =	sshrl.u32 s28, $0x1;
	_ =	swait.ge [sflag:s6], $0x9C0  }
0x9e: {  	s1 =	sadd.s32 s31, s1;
	s30 =	ssub.s32 s28, s0;
	[sflag:s6] =	ssyncset.done $0x0  }
0x9f: {  	s28 =	sadd.s32 $0x9C00, s1;
	s31 =	smax.u32 s30, $0x1;
	[sflag:s6] =	ssyncadd.s32 $0xFFFFF640  }
0xa0: {  	[hbm:s28], [sflag:s10] =	dma.local @!p0 [spmem:s29], $0x40  }
0xa1: {  	s29 =	sadd.s32 $0xFFFFFFFF, s31  }
0xa2: {  	p1 =	sne.s32 s29, $0x0  }
.Ltmp0:
0xa3: {  	_ = 	snop;
	(pc) =	sbr.rel @!p1 .LBB2_2-.Ltmp0, $2  }
0xa4: {  	_ =	sdelay $0x2  }
0xa5: {  	_ =	swait.ge @!p0 [sflag:s11], $0x40  }
.LBB2_1:
0xa6: {  	[sflag:s11] =	ssyncset.done @!p0 $0x0  }
0xa7: {  	s1 =	rddreg [dreg:$0x3];
	[sflag:s11] =	ssyncadd.s32 @!p0 $0xFFFFFFC0  }
0xa8: {  	[tilespmem:s3], [sflag:$0x3] =	stream.linear.gather [hbm4b:s1+s3], $0x2710, $0x38;
	[tilespmem:$0x17700] =	vst v63  }
0xa9: {  	_ =	swait.ge [sflag:s6], $0x2710  }
0xaa: {  	[sflag:s6] =	ssyncset.done $0x0  }
0xab: {  	[sflag:s6] =	ssyncadd.s32 $0xFFFFD8F0  }
0xac: {  	[tilespmem:s7], [sflag:$0x3] =	stream.linear.gather [hbm4b:s5+s3], $0x3E8, $0x38;
	[tilespmem:$0x17700] =	vst v63  }
0xad: {  	_ =	swait.ge [sflag:s6], $0x3E8  }
0xae: {  	[sflag:s6] =	ssyncset.done $0x0;
	s0 =	rddreg [dreg:$0x4]  }
0xaf: {  	s31 =	rddreg [dreg:$0x5];
	[sflag:s6] =	ssyncadd.s32 $0xFFFFFC18;
	s30 =	sshrl.u32 s0, $0x3  }
0xb0: {  	[tilespmem:s9], [sflag:$0x1] =	stream.indirect.gather [hbm4b:s4+s8], $0x20, s3, s8, $0xb8;
	[tilespmem:$0x17700] =	vst v63  }
0xb1: {  	[spmem:s30], [sflag:s10] =	dma.local [hbm:s31], $0x9C0  }
0xb2: {  	_ =	swait.ge [sflag:s6], $0x9C0  }
0xb3: {  	[sflag:s6] =	ssyncset.done $0x0;
	s1 =	rddreg [dreg:$0x6]  }
0xb4: {  	s0 =	rddreg [dreg:$0x7];
	[sflag:s6] =	ssyncadd.s32 $0xFFFFF640;
	s31 =	sshrl.u32 @!p0 s1, $0x3  }
0xb5: {  	[spmem:s31], [sflag:s10] =	dma.local @!p0 [hbm:s0], $0x40  }
0xb6: {  	_ =	swait.ge @!p0 [sflag:s11], $0x40  }
0xb7: {  	[sflag:s11] =	ssyncset.done @!p0 $0x0  }
0xb8: {  	[sflag:s11] =	ssyncadd.s32 @!p0 $0xFFFFFFC0  }
0xb9: {  	[bflag:$0x0] =	sbarrier.arrive $0xFFFF  }
0xba: {  	s1 =	rddreg [dreg:$0x8]  }
0xbb: {  	[tilespmem:s12], [sflag:$0x3] =	stream.linear.gather [hbm4b:s1+s3], $0x3E8, $0x38;
	[tilespmem:$0x17700] =	vst v63  }
0xbc: {  	_ =	swait.ge [sflag:s6], $0x3E8  }
0xbd: {  	[sflag:s6] =	ssyncset.done $0x0  }
0xbe: {  	[sflag:s6] =	ssyncadd.s32 $0xFFFFFC18  }
0xbf: {  	[tilespmem:s13], [sflag:$0x2] =	stream.indirect.gather [hbm4b:s4+s8], $0x20, s8, s8, $0xb8;
	[tilespmem:$0x17700] =	vst v63  }
0xc0: {  	_ =	swait.ge [sflag:s14], $0x7D00  }
0xc1: {  	[sflag:s14] =	ssyncset.done $0x0  }
0xc2: {  	[sflag:s14] =	ssyncadd.s32 $0xFFFF8300  }
0xc3: {  	[spmem:s2] =	stream.indirect.scatter.add.f32 [tilespmem:s9], [sflag:$0x3], $0x20, s7, s8, $0xb8;
	[tilespmem:$0x17700] =	vst v63  }
0xc4: {  	_ =	swait.ge [sflag:s6], $0x7D00  }
0xc5: {  	[sflag:s6] =	ssyncset.done $0x0  }
0xc6: {  	s1 =	rddreg [dreg:$0x9];
	[sflag:s6] =	ssyncadd.s32 $0xFFFF8300  }
0xc7: {  	[tilespmem:s7], [sflag:$0x3] =	stream.linear.gather [hbm4b:s1+s3], $0x3E8, $0x38;
	[tilespmem:$0x17700] =	vst v63  }
0xc8: {  	_ =	swait.ge [sflag:s6], $0x3E8  }
0xc9: {  	[sflag:s6] =	ssyncset.done $0x0  }
0xca: {  	[sflag:s6] =	ssyncadd.s32 $0xFFFFFC18  }
0xcb: {  	[tilespmem:s9], [sflag:$0x1] =	stream.indirect.gather [hbm4b:s4+s8], $0x20, s15, s8, $0xb8;
	[tilespmem:$0x17700] =	vst v63  }
0xcc: {  	_ =	swait.ge [sflag:s16], $0x7D00  }
0xcd: {  	[sflag:s16] =	ssyncset.done $0x0  }
0xce: {  	[sflag:s16] =	ssyncadd.s32 $0xFFFF8300  }
0xcf: {  	[spmem:s2] =	stream.indirect.scatter.add.f32 [tilespmem:s13], [sflag:$0x3], $0x20, s12, s8, $0xb8;
	[tilespmem:$0x17700] =	vst v63  }
0xd0: {  	_ =	swait.ge [sflag:s6], $0x7D00  }
0xd1: {  	[sflag:s6] =	ssyncset.done $0x0  }
0xd2: {  	s1 =	rddreg [dreg:$0xa];
	[sflag:s6] =	ssyncadd.s32 $0xFFFF8300  }
0xd3: {  	[tilespmem:s12], [sflag:$0x3] =	stream.linear.gather [hbm4b:s1+s3], $0x3E8, $0x38;
	[tilespmem:$0x17700] =	vst v63  }
0xd4: {  	_ =	swait.ge [sflag:s6], $0x3E8  }
0xd5: {  	[sflag:s6] =	ssyncset.done $0x0  }
0xd6: {  	[sflag:s6] =	ssyncadd.s32 $0xFFFFFC18  }
0xd7: {  	[tilespmem:s13], [sflag:$0x2] =	stream.indirect.gather [hbm4b:s4+s8], $0x20, s17, s8, $0xb8;
	[tilespmem:$0x17700] =	vst v63  }
0xd8: {  	_ =	swait.ge [sflag:s14], $0x7D00  }
0xd9: {  	[sflag:s14] =	ssyncset.done $0x0  }
0xda: {  	[sflag:s14] =	ssyncadd.s32 $0xFFFF8300  }
0xdb: {  	[spmem:s2] =	stream.indirect.scatter.add.f32 [tilespmem:s9], [sflag:$0x3], $0x20, s7, s8, $0xb8;
	[tilespmem:$0x17700] =	vst v63  }
0xdc: {  	_ =	swait.ge [sflag:s6], $0x7D00  }
0xdd: {  	[sflag:s6] =	ssyncset.done $0x0  }
0xde: {  	s1 =	rddreg [dreg:$0xb];
	[sflag:s6] =	ssyncadd.s32 $0xFFFF8300  }
0xdf: {  	[tilespmem:s7], [sflag:$0x3] =	stream.linear.gather [hbm4b:s1+s3], $0x3E8, $0x38;
	[tilespmem:$0x17700] =	vst v63  }
0xe0: {  	_ =	swait.ge [sflag:s6], $0x3E8  }
0xe1: {  	[sflag:s6] =	ssyncset.done $0x0  }
0xe2: {  	[sflag:s6] =	ssyncadd.s32 $0xFFFFFC18  }
0xe3: {  	[tilespmem:s9], [sflag:$0x1] =	stream.indirect.gather [hbm4b:s4+s8], $0x20, s18, s8, $0xb8;
	[tilespmem:$0x17700] =	vst v63  }
0xe4: {  	_ =	swait.ge [sflag:s16], $0x7D00  }
0xe5: {  	[sflag:s16] =	ssyncset.done $0x0  }
0xe6: {  	[sflag:s16] =	ssyncadd.s32 $0xFFFF8300  }
0xe7: {  	[spmem:s2] =	stream.indirect.scatter.add.f32 [tilespmem:s13], [sflag:$0x3], $0x20, s12, s8, $0xb8;
	[tilespmem:$0x17700] =	vst v63  }
0xe8: {  	_ =	swait.ge [sflag:s6], $0x7D00  }
0xe9: {  	[sflag:s6] =	ssyncset.done $0x0  }
0xea: {  	s1 =	rddreg [dreg:$0xc];
	[sflag:s6] =	ssyncadd.s32 $0xFFFF8300  }
0xeb: {  	[tilespmem:s12], [sflag:$0x3] =	stream.linear.gather [hbm4b:s1+s3], $0x3E8, $0x38;
	[tilespmem:$0x17700] =	vst v63  }
0xec: {  	_ =	swait.ge [sflag:s6], $0x3E8  }
0xed: {  	[sflag:s6] =	ssyncset.done $0x0  }
0xee: {  	[sflag:s6] =	ssyncadd.s32 $0xFFFFFC18  }
0xef: {  	[tilespmem:s13], [sflag:$0x2] =	stream.indirect.gather [hbm4b:s4+s8], $0x20, s19, s8, $0xb8;
	[tilespmem:$0x17700] =	vst v63  }
0xf0: {  	_ =	swait.ge [sflag:s14], $0x7D00  }
0xf1: {  	[sflag:s14] =	ssyncset.done $0x0  }
0xf2: {  	[sflag:s14] =	ssyncadd.s32 $0xFFFF8300  }
0xf3: {  	[spmem:s2] =	stream.indirect.scatter.add.f32 [tilespmem:s9], [sflag:$0x3], $0x20, s7, s8, $0xb8;
	[tilespmem:$0x17700] =	vst v63  }
0xf4: {  	_ =	swait.ge [sflag:s6], $0x7D00  }
0xf5: {  	[sflag:s6] =	ssyncset.done $0x0  }
0xf6: {  	s1 =	rddreg [dreg:$0xd];
	[sflag:s6] =	ssyncadd.s32 $0xFFFF8300  }
0xf7: {  	[tilespmem:s7], [sflag:$0x3] =	stream.linear.gather [hbm4b:s1+s3], $0x3E8, $0x38;
	[tilespmem:$0x17700] =	vst v63  }
0xf8: {  	_ =	swait.ge [sflag:s6], $0x3E8  }
0xf9: {  	[sflag:s6] =	ssyncset.done $0x0  }
0xfa: {  	[sflag:s6] =	ssyncadd.s32 $0xFFFFFC18  }
0xfb: {  	[tilespmem:s9], [sflag:$0x1] =	stream.indirect.gather [hbm4b:s4+s8], $0x20, s20, s8, $0xb8;
	[tilespmem:$0x17700] =	vst v63  }
0xfc: {  	_ =	swait.ge [sflag:s16], $0x7D00  }
0xfd: {  	[sflag:s16] =	ssyncset.done $0x0  }
0xfe: {  	[sflag:s16] =	ssyncadd.s32 $0xFFFF8300  }
0xff: {  	[spmem:s2] =	stream.indirect.scatter.add.f32 [tilespmem:s13], [sflag:$0x3], $0x20, s12, s8, $0xb8;
	[tilespmem:$0x17700] =	vst v63  }
0x100: {  	_ =	swait.ge [sflag:s6], $0x7D00  }
0x101: {  	[sflag:s6] =	ssyncset.done $0x0  }
0x102: {  	s1 =	rddreg [dreg:$0xe];
	[sflag:s6] =	ssyncadd.s32 $0xFFFF8300  }
0x103: {  	[tilespmem:s12], [sflag:$0x3] =	stream.linear.gather [hbm4b:s1+s3], $0x3E8, $0x38;
	[tilespmem:$0x17700] =	vst v63  }
0x104: {  	_ =	swait.ge [sflag:s6], $0x3E8  }
0x105: {  	[sflag:s6] =	ssyncset.done $0x0  }
0x106: {  	[sflag:s6] =	ssyncadd.s32 $0xFFFFFC18  }
0x107: {  	[tilespmem:s13], [sflag:$0x2] =	stream.indirect.gather [hbm4b:s4+s8], $0x20, s21, s8, $0xb8;
	[tilespmem:$0x17700] =	vst v63  }
0x108: {  	_ =	swait.ge [sflag:s14], $0x7D00  }
0x109: {  	[sflag:s14] =	ssyncset.done $0x0  }
0x10a: {  	[sflag:s14] =	ssyncadd.s32 $0xFFFF8300  }
0x10b: {  	[spmem:s2] =	stream.indirect.scatter.add.f32 [tilespmem:s9], [sflag:$0x3], $0x20, s7, s8, $0xb8;
	[tilespmem:$0x17700] =	vst v63  }
0x10c: {  	_ =	swait.ge [sflag:s6], $0x7D00  }
0x10d: {  	[sflag:s6] =	ssyncset.done $0x0  }
0x10e: {  	[sflag:s6] =	ssyncadd.s32 $0xFFFF8300  }
0x10f: {  	[tilespmem:s7], [sflag:$0x3] =	stream.linear.gather [hbm4b:s22+s3], $0x3E8, $0x38;
	[tilespmem:$0x17700] =	vst v63  }
0x110: {  	_ =	swait.ge [sflag:s6], $0x3E8  }
0x111: {  	[sflag:s6] =	ssyncset.done $0x0  }
0x112: {  	[sflag:s6] =	ssyncadd.s32 $0xFFFFFC18  }
0x113: {  	[tilespmem:s9], [sflag:$0x1] =	stream.indirect.gather [hbm4b:s4+s8], $0x20, s23, s8, $0xb8;
	[tilespmem:$0x17700] =	vst v63  }
0x114: {  	_ =	swait.ge [sflag:s16], $0x7D00  }
0x115: {  	[sflag:s16] =	ssyncset.done $0x0  }
0x116: {  	[sflag:s16] =	ssyncadd.s32 $0xFFFF8300  }
0x117: {  	[spmem:s2] =	stream.indirect.scatter.add.f32 [tilespmem:s13], [sflag:$0x3], $0x20, s12, s8, $0xb8;
	[tilespmem:$0x17700] =	vst v63  }
0x118: {  	_ =	swait.ge [sflag:s6], $0x7D00  }
0x119: {  	[sflag:s6] =	ssyncset.done $0x0  }
0x11a: {  	[sflag:s6] =	ssyncadd.s32 $0xFFFF8300  }
0x11b: {  	[tilespmem:s12], [sflag:$0x3] =	stream.linear.gather [hbm4b:s24+s3], $0x3E8, $0x38;
	[tilespmem:$0x17700] =	vst v63  }
0x11c: {  	_ =	swait.ge [sflag:s6], $0x3E8  }
0x11d: {  	[sflag:s6] =	ssyncset.done $0x0  }
0x11e: {  	[sflag:s6] =	ssyncadd.s32 $0xFFFFFC18  }
0x11f: {  	[tilespmem:s13], [sflag:$0x2] =	stream.indirect.gather [hbm4b:s4+s8], $0x20, s25, s8, $0xb8;
	[tilespmem:$0x17700] =	vst v63  }
0x120: {  	_ =	swait.ge [sflag:s14], $0x7D00  }
0x121: {  	[sflag:s14] =	ssyncset.done $0x0  }
0x122: {  	[sflag:s14] =	ssyncadd.s32 $0xFFFF8300  }
0x123: {  	[spmem:s2] =	stream.indirect.scatter.add.f32 [tilespmem:s9], [sflag:$0x3], $0x20, s7, s8, $0xb8;
	[tilespmem:$0x17700] =	vst v63  }
0x124: {  	_ =	swait.ge [sflag:s6], $0x7D00  }
0x125: {  	[sflag:s6] =	ssyncset.done $0x0  }
0x126: {  	[sflag:s6] =	ssyncadd.s32 $0xFFFF8300  }
0x127: {  	_ =	swait.ge [sflag:s16], $0x7D00  }
0x128: {  	[sflag:s16] =	ssyncset.done $0x0  }
0x129: {  	[sflag:s16] =	ssyncadd.s32 $0xFFFF8300  }
0x12a: {  	[spmem:s2] =	stream.indirect.scatter.add.f32 [tilespmem:s13], [sflag:$0x3], $0x20, s12, s8, $0xb8;
	[tilespmem:$0x17700] =	vst v63  }
0x12b: {  	_ =	swait.ge [sflag:s6], $0x7D00  }
0x12c: {  	[sflag:s6] =	ssyncset.done $0x0  }
0x12d: {  	s29 =	sadd.s32 $0xFFFFFFFF, s29;
	[sflag:s6] =	ssyncadd.s32 $0xFFFF8300  }
0x12e: {  	p1 =	sne.s32 s29, $0x0;
	[bflag:$0x0] =	sbarrier.arrive $0xFFFF  }
0x12f: {  	[hbm:s26], [sflag:s10] =	dma.local [spmem:s30], $0x9C0  }
.Ltmp1:
0x130: {  	_ =	swait.ge [sflag:s6], $0x9C0;
	(pc) =	sbr.rel @p1 .LBB2_1-.Ltmp1, $4  }
0x131: {  	[sflag:s6] =	ssyncset.done $0x0  }
0x132: {  	[sflag:s6] =	ssyncadd.s32 $0xFFFFF640  }
0x133: {  	[hbm:s28], [sflag:s10] =	dma.local @!p0 [spmem:s31], $0x40  }
0x134: {  	_ =	swait.ge @!p0 [sflag:s11], $0x40  }
.LBB2_2:
0x135: {  	[sflag:s11] =	ssyncset.done @!p0 $0x0  }
0x136: {  	[sflag:s11] =	ssyncadd.s32 @!p0 $0xFFFFFFC0  }
0x137: {  	_ =	sfence.sel $0x180000  }
0x138: {  	[bflag:$0x0] =	sbarrier.arrive $0xFFFF  }
0x139: {  	_ =	strace $0x90000053  }
0x13a: {  	s0 =	stileid.u32;
	[bflag:$0x2] =	sbarrier.arrive $0xFFFF  }
0x13b: {  	p0 =	sne.s32 s0, $0x0;
	s0 =	rddreg [dreg:$0x2]  }
0x13c: {  	s0 =	sadd.s32 @!p0 $0x100000, s0  }
0x13d: {  	[sflag:s0] =	ssyncadd.tile.s32 @!p0 $0x1;
	_ =	shalt  }
.Lfunc_end2:
_tile_overlayer_lowered:
.L_overlay_start_2:
0x13e: {  	(tag) =	ssettag $0x2  }
0x13f: {  	s0 =	rddreg [dreg:$0x0];
	s2 =	stileid.u32  }
0x140: {  	s1 =	rddreg [dreg:$0x1];
	p0 =	sne.s32 s2, $0x0  }
0x141: {  	s3 =	rddreg [dreg:$0x2];
	[bflag:$0x3] =	sbarrier.arrive $0xFFFF;
	s2 =	simm.s32 @!p0 $0x1C03  }
0x142: {  	[timem:s3], [sflag:s2] =	dma.local @!p0 [hbm:s0], s1  }
0x143: {  	s0 =	simm.s32 @!p0 $0x3  }
0x144: {  	_ =	swait.ge @!p0 [sflag:s0], s1  }
0x145: {  	s1 =	ssub.s32 @!p0 $0x0, s1;
	[sflag:s0] =	ssyncset.done @!p0 $0x0  }
0x146: {  	[sflag:s0] =	ssyncadd.s32 @!p0 s1  }
0x147: {  	[bflag:$0x3] =	sbarrier.arrive $0xFFFF  }
0x148: {  	_ =	shalt  }

</sc_bundles>
